<compile_context>
chip_gen: v7x
topology: tpu7x:2x2x1
jax: 0.10.2.dev20260603
libtpu: 0.0.44.dev20260713+nightly
codegen_flags: <defaults>
</compile_context>

<pallas_src>
import jax
import jax.numpy as jnp
import numpy as np
from jax import lax
from jax.experimental import pallas as pl
from jax.experimental.pallas import tpu as pltpu
from jax.experimental.pallas import tpu_sc as plsc

B = 4096
T = 256
ROW = 778 * 3
NC = 2
NS = 16
NW = NC * NS
RPW = B // NW
C = 8
NCH = RPW // C
L = 16
NG = T // L

_MAGIC = np.int32(0x5F3759DF)


def _sqrt_nr(x):
    i = lax.bitcast_convert_type(x, jnp.int32)
    i = _MAGIC - lax.shift_right_logical(i, 1)
    r = lax.bitcast_convert_type(i, jnp.float32)
    hx = x * np.float32(0.5)
    r = r * (np.float32(1.5) - hx * r * r)
    return x * r


def _edge(x0, x1, x2, y0, y1, y2):
    d0 = x0 - y0
    d1 = x1 - y1
    d2 = x2 - y2
    s = d0 * d0 + d1 * d1 + d2 * d2
    return _sqrt_nr(jnp.maximum(s, np.float32(1e-8)))


def _tri_loss(pbuf, gbuf, rs, ca, cb, cc):

    def lens(buf):
        a = [plsc.load_gather(buf, [rs, ca[k]]) for k in range(3)]
        b = [plsc.load_gather(buf, [rs, cb[k]]) for k in range(3)]
        c = [plsc.load_gather(buf, [rs, cc[k]]) for k in range(3)]
        e1 = _edge(a[0], a[1], a[2], b[0], b[1], b[2])
        e2 = _edge(a[0], a[1], a[2], c[0], c[1], c[2])
        e3 = _edge(b[0], b[1], b[2], c[0], c[1], c[2])
        return e1, e2, e3

    p1, p2, p3 = lens(pbuf)
    g1, g2, g3 = lens(gbuf)
    return jnp.abs(p1 - g1) + jnp.abs(p2 - g2) + jnp.abs(p3 - g3)


def _sc_loss_sums(pred2d, gt2d, fidx):
    mesh = plsc.VectorSubcoreMesh(core_axis_name="c", subcore_axis_name="s")

    @pl.kernel(
        out_type=jax.ShapeDtypeStruct((NW, L), jnp.float32),
        mesh=mesh,
        compiler_params=pltpu.CompilerParams(
            use_tc_tiling_on_sc=False, needs_layout_passes=False),
        scratch_types=[
            pltpu.VMEM((C, ROW), jnp.float32),
            pltpu.VMEM((C, ROW), jnp.float32),
            pltpu.VMEM((C, ROW), jnp.float32),
            pltpu.VMEM((C, ROW), jnp.float32),
            pltpu.VMEM((9, T), jnp.int32),
            pltpu.VMEM((L,), jnp.float32),
            pltpu.SemaphoreType.DMA,
            pltpu.SemaphoreType.DMA,
        ],
    )
    def k(pred_hbm, gt_hbm, fidx_hbm, out_hbm,
          pb0, gb0, pb1, gb1, fidx_v, acc_v, sem0, sem1):
        wid = lax.axis_index("s") * NC + lax.axis_index("c")
        pltpu.sync_copy(fidx_hbm, fidx_v)

        zero16 = jnp.zeros((L,), jnp.int32)
        row0 = wid * RPW
        bufsets = ((pb0, gb0, sem0), (pb1, gb1, sem1))

        def issue(ch, pb, gb, sem):
            base = row0 + ch * C
            pltpu.async_copy(pred_hbm.at[pl.ds(base, C)], pb, sem)
            pltpu.async_copy(gt_hbm.at[pl.ds(base, C)], gb, sem)

        def drain(ch, pb, gb, sem):
            base = row0 + ch * C
            pltpu.make_async_copy(pred_hbm.at[pl.ds(base, C)], pb, sem).wait()
            pltpu.make_async_copy(gt_hbm.at[pl.ds(base, C)], gb, sem).wait()

        issue(0, *bufsets[0])
        issue(1, *bufsets[1])

        def compute(pbuf, gbuf, acc):
            def g_body(g, acc):
                o = g * L
                ca = [fidx_v[k, pl.ds(o, L)] for k in range(3)]
                cb = [fidx_v[3 + k, pl.ds(o, L)] for k in range(3)]
                cc = [fidx_v[6 + k, pl.ds(o, L)] for k in range(3)]

                parts = [_tri_loss(pbuf, gbuf, zero16 + r, ca, cb, cc)
                         for r in range(C)]
                while len(parts) > 1:
                    parts = [a + b for a, b in zip(parts[::2], parts[1::2])]
                return acc + parts[0]

            return lax.fori_loop(0, NG, g_body, acc)

        def pair_body(i, acc):
            for bsel in range(2):
                ch = 2 * i + bsel
                pb, gb, sem = bufsets[bsel]
                drain(ch, pb, gb, sem)
                acc = compute(pb, gb, acc)

                @pl.when(i < NCH // 2 - 1)
                def _():
                    issue(ch + 2, pb, gb, sem)
            return acc

        acc = lax.fori_loop(0, NCH // 2, pair_body,
                            jnp.zeros((L,), jnp.float32))
        acc_v[...] = acc
        pltpu.sync_copy(acc_v, out_hbm.at[wid])

    return k(pred2d, gt2d, fidx)


def kernel(pred_v, gt_v, face):
    pred2d = pred_v.reshape(B, ROW)
    gt2d = gt_v.reshape(B, ROW)
    cols = face.astype(jnp.int32) * 3
    cols9 = cols[:, :, None] + jnp.arange(3, dtype=jnp.int32)[None, None, :]
    fidx = cols9.transpose(1, 2, 0).reshape(9, T)
    sums = _sc_loss_sums(pred2d, gt2d, fidx)
    return jnp.sum(sums) / jnp.float32(3 * T * B)

# --- scband reference (transcript-rebuilt; emitter-appended) ---
"""Pipeline reference for scband-edge-length-gtloss-40467181862997 (READ-ONLY COPY).

The authoritative reference and input builder live on the scoring server;
editing this copy changes nothing except your own understanding.
"""

import jax, jax.numpy as jnp
import numpy as np


def _make_face():
    i = np.arange(256, dtype=np.int64)
    return jnp.asarray(np.stack([3 * i, 3 * i + 1, 3 * i + 2], axis=1))


def setup_inputs(seed: int = 0) -> dict:
    key = jax.random.key(seed)
    k1, k2 = jax.random.split(key)
    pred_v = jax.random.normal(k1, (4096, 778, 3), dtype=jnp.float32)
    gt_v = jax.random.normal(k2, (4096, 778, 3), dtype=jnp.float32)
    return {"pred_v": pred_v, "gt_v": gt_v, "face": _make_face()}


def reference(pred_v, gt_v, face):
    def _edges(v):
        a = jnp.take(v, face[:, 0], axis=1)
        b = jnp.take(v, face[:, 1], axis=1)
        c = jnp.take(v, face[:, 2], axis=1)
        d1 = jnp.sqrt(jnp.maximum(jnp.sum((a - b) ** 2, axis=-1), 1e-8))
        d2 = jnp.sqrt(jnp.maximum(jnp.sum((a - c) ** 2, axis=-1), 1e-8))
        d3 = jnp.sqrt(jnp.maximum(jnp.sum((b - c) ** 2, axis=-1), 1e-8))
        return (d1, d2, d3)

    po = _edges(pred_v)
    go = _edges(gt_v)
    loss = (jnp.mean(jnp.abs(po[0] - go[0]))
            + jnp.mean(jnp.abs(po[1] - go[1]))
            + jnp.mean(jnp.abs(po[2] - go[2]))) / 3.0
    return loss

if __name__ == "__main__":
    import jax
    _d = setup_inputs()
    print(jax.jit(kernel)(*tuple(_d.values())))

</pallas_src>

<mosaic_0001>
#map = affine_map<(d0, d1) -> (0, 0)>
module attributes {stable_mosaic.version = 14 : i64} {
  func.func @k(%arg0: i32, %arg1: i32, %arg2: memref<4096x2334xf32, #tpu.memory_space<hbm>>, %arg3: memref<4096x2334xf32, #tpu.memory_space<hbm>>, %arg4: memref<9x256xi32, #tpu.memory_space<hbm>>, %arg5: memref<32x16xf32, #tpu.memory_space<hbm>>, %arg6: memref<8x2334xf32, #tpu.memory_space<vmem>>, %arg7: memref<8x2334xf32, #tpu.memory_space<vmem>>, %arg8: memref<8x2334xf32, #tpu.memory_space<vmem>>, %arg9: memref<8x2334xf32, #tpu.memory_space<vmem>>, %arg10: memref<9x256xi32, #tpu.memory_space<vmem>>, %arg11: memref<16xf32, #tpu.memory_space<vmem>>, %arg12: memref<!tpu.dma_semaphore, #tpu.memory_space<semaphore_mem>>, %arg13: memref<!tpu.dma_semaphore, #tpu.memory_space<semaphore_mem>>) attributes {dimension_semantics = [#tpu.dimension_semantics<core_parallel>, #tpu.dimension_semantics<subcore_parallel>], iteration_bounds = array<i64: 2, 16>, scalar_prefetch = 0 : i64, scratch_operands = 8 : i64, tpu.core_type = #tpu.core_type<sc_vector_subcore>, window_params = [{transform_indices = #map}, {transform_indices = #map}, {transform_indices = #map}, {transform_indices = #map}]} {
    %mul3A = arith.constant 2 : i32
    %mul3A_0 = arith.muli %arg1, %mul3A : i32
    %add3A = arith.addi %mul3A_0, %arg0 : i32
    "tpu.region"() ({
      %run_scoped3A = tpu.sem_alloc : memref<!tpu.dma_semaphore, #tpu.memory_space<semaphore_mem>>
      tpu.enqueue_dma source(%arg4 : memref<9x256xi32, #tpu.memory_space<hbm>>) target(%arg10 : memref<9x256xi32, #tpu.memory_space<vmem>>) target_semaphore(%run_scoped3A : memref<!tpu.dma_semaphore, #tpu.memory_space<semaphore_mem>>)
      tpu.wait_dma2 semaphore(%run_scoped3A : memref<!tpu.dma_semaphore, #tpu.memory_space<semaphore_mem>>) src(%arg4 : memref<9x256xi32, #tpu.memory_space<hbm>>) dst(%arg10 : memref<9x256xi32, #tpu.memory_space<vmem>>)
      tpu.yield
    }) : () -> ()
    %broadcast_in_dim3A = arith.constant 0 : i32
    %broadcast_in_dim3A_1 = vector.broadcast %broadcast_in_dim3A : i32 to vector<16xi32>
    %mul3A_2 = arith.constant 128 : i32
    %mul3A_3 = arith.muli %add3A, %mul3A_2 : i32
    %add3A_4 = arith.constant 0 : i32
    %add3A_5 = arith.addi %mul3A_3, %add3A_4 : i32
    %dma_start3A = arith.constant 0 : i32
    %dma_start3A_6 = tpu.memref_slice %arg2[%add3A_5, %dma_start3A] : memref<4096x2334xf32, #tpu.memory_space<hbm>> -> memref<8x2334xf32, #tpu.memory_space<hbm>>
    %dma_start3A_7 = arith.constant 0 : i32
    %dma_start3A_8 = tpu.memref_slice %arg2[%add3A_5, %dma_start3A_7] : memref<4096x2334xf32, #tpu.memory_space<hbm>> -> memref<8x2334xf32, #tpu.memory_space<hbm>>
    tpu.enqueue_dma source(%dma_start3A_8 : memref<8x2334xf32, #tpu.memory_space<hbm>>) target(%arg6 : memref<8x2334xf32, #tpu.memory_space<vmem>>) target_semaphore(%arg12 : memref<!tpu.dma_semaphore, #tpu.memory_space<semaphore_mem>>)
    %dma_start3A_9 = arith.constant 0 : i32
    %dma_start3A_10 = tpu.memref_slice %arg3[%add3A_5, %dma_start3A_9] : memref<4096x2334xf32, #tpu.memory_space<hbm>> -> memref<8x2334xf32, #tpu.memory_space<hbm>>
    %dma_start3A_11 = arith.constant 0 : i32
    %dma_start3A_12 = tpu.memref_slice %arg3[%add3A_5, %dma_start3A_11] : memref<4096x2334xf32, #tpu.memory_space<hbm>> -> memref<8x2334xf32, #tpu.memory_space<hbm>>
    tpu.enqueue_dma source(%dma_start3A_12 : memref<8x2334xf32, #tpu.memory_space<hbm>>) target(%arg7 : memref<8x2334xf32, #tpu.memory_space<vmem>>) target_semaphore(%arg12 : memref<!tpu.dma_semaphore, #tpu.memory_space<semaphore_mem>>)
    %add3A_13 = arith.constant 8 : i32
    %add3A_14 = arith.addi %mul3A_3, %add3A_13 : i32
    %dma_start3A_15 = arith.constant 0 : i32
    %dma_start3A_16 = tpu.memref_slice %arg2[%add3A_14, %dma_start3A_15] : memref<4096x2334xf32, #tpu.memory_space<hbm>> -> memref<8x2334xf32, #tpu.memory_space<hbm>>
    %dma_start3A_17 = arith.constant 0 : i32
    %dma_start3A_18 = tpu.memref_slice %arg2[%add3A_14, %dma_start3A_17] : memref<4096x2334xf32, #tpu.memory_space<hbm>> -> memref<8x2334xf32, #tpu.memory_space<hbm>>
    tpu.enqueue_dma source(%dma_start3A_18 : memref<8x2334xf32, #tpu.memory_space<hbm>>) target(%arg8 : memref<8x2334xf32, #tpu.memory_space<vmem>>) target_semaphore(%arg13 : memref<!tpu.dma_semaphore, #tpu.memory_space<semaphore_mem>>)
    %dma_start3A_19 = arith.constant 0 : i32
    %dma_start3A_20 = tpu.memref_slice %arg3[%add3A_14, %dma_start3A_19] : memref<4096x2334xf32, #tpu.memory_space<hbm>> -> memref<8x2334xf32, #tpu.memory_space<hbm>>
    %dma_start3A_21 = arith.constant 0 : i32
    %dma_start3A_22 = tpu.memref_slice %arg3[%add3A_14, %dma_start3A_21] : memref<4096x2334xf32, #tpu.memory_space<hbm>> -> memref<8x2334xf32, #tpu.memory_space<hbm>>
    tpu.enqueue_dma source(%dma_start3A_22 : memref<8x2334xf32, #tpu.memory_space<hbm>>) target(%arg9 : memref<8x2334xf32, #tpu.memory_space<vmem>>) target_semaphore(%arg13 : memref<!tpu.dma_semaphore, #tpu.memory_space<semaphore_mem>>)
    %broadcast_in_dim3A_23 = arith.constant 0.000000e+00 : f32
    %broadcast_in_dim3A_24 = vector.broadcast %broadcast_in_dim3A_23 : f32 to vector<16xf32>
    %scan3A = arith.constant 0 : i32
    %scan3A_25 = arith.constant 8 : i32
    %scan3A_26 = arith.addi %scan3A, %scan3A_25 : i32
    %scan3A_27 = arith.constant 1 : i32
    %scan3A_28 = scf.for %scan3A_31 = %scan3A to %scan3A_26 step %scan3A_27 iter_args(%scan3A_32 = %broadcast_in_dim3A_24) -> (vector<16xf32>)  : i32 {
      %mul3A_33 = arith.constant 2 : i32
      %mul3A_34 = arith.muli %mul3A_33, %scan3A_31 : i32
      %add3A_35 = arith.constant 0 : i32
      %add3A_36 = arith.addi %mul3A_34, %add3A_35 : i32
      %mul3A_37 = arith.constant 8 : i32
      %mul3A_38 = arith.muli %add3A_36, %mul3A_37 : i32
      %add3A_39 = arith.addi %mul3A_3, %mul3A_38 : i32
      %dma_wait3A = arith.constant 0 : i32
      %dma_wait3A_40 = tpu.memref_slice %arg2[%add3A_39, %dma_wait3A] : memref<4096x2334xf32, #tpu.memory_space<hbm>> -> memref<8x2334xf32, #tpu.memory_space<hbm>>
      %dma_wait3A_41 = arith.constant 0 : i32
      %dma_wait3A_42 = tpu.memref_slice %arg2[%add3A_39, %dma_wait3A_41] : memref<4096x2334xf32, #tpu.memory_space<hbm>> -> memref<8x2334xf32, #tpu.memory_space<hbm>>
      tpu.wait_dma2 semaphore(%arg12 : memref<!tpu.dma_semaphore, #tpu.memory_space<semaphore_mem>>) src(%dma_wait3A_42 : memref<8x2334xf32, #tpu.memory_space<hbm>>) dst(%arg6 : memref<8x2334xf32, #tpu.memory_space<vmem>>)
      %dma_wait3A_43 = arith.constant 0 : i32
      %dma_wait3A_44 = tpu.memref_slice %arg3[%add3A_39, %dma_wait3A_43] : memref<4096x2334xf32, #tpu.memory_space<hbm>> -> memref<8x2334xf32, #tpu.memory_space<hbm>>
      %dma_wait3A_45 = arith.constant 0 : i32
      %dma_wait3A_46 = tpu.memref_slice %arg3[%add3A_39, %dma_wait3A_45] : memref<4096x2334xf32, #tpu.memory_space<hbm>> -> memref<8x2334xf32, #tpu.memory_space<hbm>>
      tpu.wait_dma2 semaphore(%arg12 : memref<!tpu.dma_semaphore, #tpu.memory_space<semaphore_mem>>) src(%dma_wait3A_46 : memref<8x2334xf32, #tpu.memory_space<hbm>>) dst(%arg7 : memref<8x2334xf32, #tpu.memory_space<vmem>>)
      %scan3A_47 = arith.constant 0 : i32
      %scan3A_48 = arith.constant 16 : i32
      %scan3A_49 = arith.addi %scan3A_47, %scan3A_48 : i32
      %scan3A_50 = arith.constant 1 : i32
      %scan3A_51 = scf.for %scan3A_81 = %scan3A_47 to %scan3A_49 step %scan3A_50 iter_args(%scan3A_82 = %scan3A_32) -> (vector<16xf32>)  : i32 {
        %mul3A_83 = arith.constant 16 : i32
        %mul3A_84 = arith.muli %scan3A_81, %mul3A_83 : i32
        %get3A = arith.constant 0 : i32
        %get3A_85 = arith.index_cast %get3A : i32 to index
        %get3A_86 = arith.index_cast %mul3A_84 : i32 to index
        %get3A_87 = tpu.vector_load %arg10[%get3A_85, %get3A_86] {strides = array<i32>} : memref<9x256xi32, #tpu.memory_space<vmem>>, vector<16xi32>,
        %get3A_88 = arith.constant 1 : i32
        %get3A_89 = arith.index_cast %get3A_88 : i32 to index
        %get3A_90 = arith.index_cast %mul3A_84 : i32 to index
        %get3A_91 = tpu.vector_load %arg10[%get3A_89, %get3A_90] {strides = array<i32>} : memref<9x256xi32, #tpu.memory_space<vmem>>, vector<16xi32>,
        %get3A_92 = arith.constant 2 : i32
        %get3A_93 = arith.index_cast %get3A_92 : i32 to index
        %get3A_94 = arith.index_cast %mul3A_84 : i32 to index
        %get3A_95 = tpu.vector_load %arg10[%get3A_93, %get3A_94] {strides = array<i32>} : memref<9x256xi32, #tpu.memory_space<vmem>>, vector<16xi32>,
        %get3A_96 = arith.constant 3 : i32
        %get3A_97 = arith.index_cast %get3A_96 : i32 to index
        %get3A_98 = arith.index_cast %mul3A_84 : i32 to index
        %get3A_99 = tpu.vector_load %arg10[%get3A_97, %get3A_98] {strides = array<i32>} : memref<9x256xi32, #tpu.memory_space<vmem>>, vector<16xi32>,
        %get3A_100 = arith.constant 4 : i32
        %get3A_101 = arith.index_cast %get3A_100 : i32 to index
        %get3A_102 = arith.index_cast %mul3A_84 : i32 to index
        %get3A_103 = tpu.vector_load %arg10[%get3A_101, %get3A_102] {strides = array<i32>} : memref<9x256xi32, #tpu.memory_space<vmem>>, vector<16xi32>,
        %get3A_104 = arith.constant 5 : i32
        %get3A_105 = arith.index_cast %get3A_104 : i32 to index
        %get3A_106 = arith.index_cast %mul3A_84 : i32 to index
        %get3A_107 = tpu.vector_load %arg10[%get3A_105, %get3A_106] {strides = array<i32>} : memref<9x256xi32, #tpu.memory_space<vmem>>, vector<16xi32>,
        %get3A_108 = arith.constant 6 : i32
        %get3A_109 = arith.index_cast %get3A_108 : i32 to index
        %get3A_110 = arith.index_cast %mul3A_84 : i32 to index
        %get3A_111 = tpu.vector_load %arg10[%get3A_109, %get3A_110] {strides = array<i32>} : memref<9x256xi32, #tpu.memory_space<vmem>>, vector<16xi32>,
        %get3A_112 = arith.constant 7 : i32
        %get3A_113 = arith.index_cast %get3A_112 : i32 to index
        %get3A_114 = arith.index_cast %mul3A_84 : i32 to index
        %get3A_115 = tpu.vector_load %arg10[%get3A_113, %get3A_114] {strides = array<i32>} : memref<9x256xi32, #tpu.memory_space<vmem>>, vector<16xi32>,
        %get3A_116 = arith.constant 8 : i32
        %get3A_117 = arith.index_cast %get3A_116 : i32 to index
        %get3A_118 = arith.index_cast %mul3A_84 : i32 to index
        %get3A_119 = tpu.vector_load %arg10[%get3A_117, %get3A_118] {strides = array<i32>} : memref<9x256xi32, #tpu.memory_space<vmem>>, vector<16xi32>,
        %add3A_120 = arith.constant 0 : i32
        %add3A_121 = vector.broadcast %add3A_120 : i32 to vector<16xi32>
        %add3A_122 = arith.addi %broadcast_in_dim3A_1, %add3A_121 : vector<16xi32>
        %gather3A = tpu.vector_load_idx %arg6[%add3A_122, %get3A_87] : memref<8x2334xf32, #tpu.memory_space<vmem>>[vector<16xi32>, vector<16xi32>], vector<16xf32>,
        %gather3A_123 = tpu.vector_load_idx %arg6[%add3A_122, %get3A_91] : memref<8x2334xf32, #tpu.memory_space<vmem>>[vector<16xi32>, vector<16xi32>], vector<16xf32>,
        %gather3A_124 = tpu.vector_load_idx %arg6[%add3A_122, %get3A_95] : memref<8x2334xf32, #tpu.memory_space<vmem>>[vector<16xi32>, vector<16xi32>], vector<16xf32>,
        %gather3A_125 = tpu.vector_load_idx %arg6[%add3A_122, %get3A_99] : memref<8x2334xf32, #tpu.memory_space<vmem>>[vector<16xi32>, vector<16xi32>], vector<16xf32>,
        %gather3A_126 = tpu.vector_load_idx %arg6[%add3A_122, %get3A_103] : memref<8x2334xf32, #tpu.memory_space<vmem>>[vector<16xi32>, vector<16xi32>], vector<16xf32>,
        %gather3A_127 = tpu.vector_load_idx %arg6[%add3A_122, %get3A_107] : memref<8x2334xf32, #tpu.memory_space<vmem>>[vector<16xi32>, vector<16xi32>], vector<16xf32>,
        %gather3A_128 = tpu.vector_load_idx %arg6[%add3A_122, %get3A_111] : memref<8x2334xf32, #tpu.memory_space<vmem>>[vector<16xi32>, vector<16xi32>], vector<16xf32>,
        %gather3A_129 = tpu.vector_load_idx %arg6[%add3A_122, %get3A_115] : memref<8x2334xf32, #tpu.memory_space<vmem>>[vector<16xi32>, vector<16xi32>], vector<16xf32>,
        %gather3A_130 = tpu.vector_load_idx %arg6[%add3A_122, %get3A_119] : memref<8x2334xf32, #tpu.memory_space<vmem>>[vector<16xi32>, vector<16xi32>], vector<16xf32>,
        %sub3A = arith.subf %gather3A, %gather3A_125 : vector<16xf32>
        %sub3A_131 = arith.subf %gather3A_123, %gather3A_126 : vector<16xf32>
        %sub3A_132 = arith.subf %gather3A_124, %gather3A_127 : vector<16xf32>
        %mul3A_133 = arith.mulf %sub3A, %sub3A : vector<16xf32>
        %mul3A_134 = arith.mulf %sub3A_131, %sub3A_131 : vector<16xf32>
        %add3A_135 = arith.addf %mul3A_133, %mul3A_134 : vector<16xf32>
        %mul3A_136 = arith.mulf %sub3A_132, %sub3A_132 : vector<16xf32>
        %add3A_137 = arith.addf %add3A_135, %mul3A_136 : vector<16xf32>
        %max3A = arith.constant 9.99999993E-9 : f32
        %max3A_138 = vector.broadcast %max3A : f32 to vector<16xf32>
        %max3A_139 = arith.maximumf %add3A_137, %max3A_138 : vector<16xf32>
        %bitcast_convert_type3A = tpu.bitcast %max3A_139 : vector<16xf32> -> vector<16xi32>
        %shift_right_logical3A = arith.constant 1 : i32
        %shift_right_logical3A_140 = vector.broadcast %shift_right_logical3A : i32 to vector<16xi32>
        %shift_right_logical3A_141 = arith.shrui %bitcast_convert_type3A, %shift_right_logical3A_140 : vector<16xi32>
        %sub3A_142 = arith.constant 1597463007 : i32
        %sub3A_143 = vector.broadcast %sub3A_142 : i32 to vector<16xi32>
        %sub3A_144 = arith.subi %sub3A_143, %shift_right_logical3A_141 : vector<16xi32>
        %bitcast_convert_type3A_145 = tpu.bitcast %sub3A_144 : vector<16xi32> -> vector<16xf32>
        %mul3A_146 = arith.constant 5.000000e-01 : f32
        %mul3A_147 = vector.broadcast %mul3A_146 : f32 to vector<16xf32>
        %mul3A_148 = arith.mulf %max3A_139, %mul3A_147 : vector<16xf32>
        %mul3A_149 = arith.mulf %mul3A_148, %bitcast_convert_type3A_145 : vector<16xf32>
        %mul3A_150 = arith.mulf %mul3A_149, %bitcast_convert_type3A_145 : vector<16xf32>
        %sub3A_151 = arith.constant 1.500000e+00 : f32
        %sub3A_152 = vector.broadcast %sub3A_151 : f32 to vector<16xf32>
        %sub3A_153 = arith.subf %sub3A_152, %mul3A_150 : vector<16xf32>
        %mul3A_154 = arith.mulf %bitcast_convert_type3A_145, %sub3A_153 : vector<16xf32>
        %mul3A_155 = arith.mulf %max3A_139, %mul3A_154 : vector<16xf32>
        %sub3A_156 = arith.subf %gather3A, %gather3A_128 : vector<16xf32>
        %sub3A_157 = arith.subf %gather3A_123, %gather3A_129 : vector<16xf32>
        %sub3A_158 = arith.subf %gather3A_124, %gather3A_130 : vector<16xf32>
        %mul3A_159 = arith.mulf %sub3A_156, %sub3A_156 : vector<16xf32>
        %mul3A_160 = arith.mulf %sub3A_157, %sub3A_157 : vector<16xf32>
        %add3A_161 = arith.addf %mul3A_159, %mul3A_160 : vector<16xf32>
        %mul3A_162 = arith.mulf %sub3A_158, %sub3A_158 : vector<16xf32>
        %add3A_163 = arith.addf %add3A_161, %mul3A_162 : vector<16xf32>
        %max3A_164 = arith.constant 9.99999993E-9 : f32
        %max3A_165 = vector.broadcast %max3A_164 : f32 to vector<16xf32>
        %max3A_166 = arith.maximumf %add3A_163, %max3A_165 : vector<16xf32>
        %bitcast_convert_type3A_167 = tpu.bitcast %max3A_166 : vector<16xf32> -> vector<16xi32>
        %shift_right_logical3A_168 = arith.constant 1 : i32
        %shift_right_logical3A_169 = vector.broadcast %shift_right_logical3A_168 : i32 to vector<16xi32>
        %shift_right_logical3A_170 = arith.shrui %bitcast_convert_type3A_167, %shift_right_logical3A_169 : vector<16xi32>
        %sub3A_171 = arith.constant 1597463007 : i32
        %sub3A_172 = vector.broadcast %sub3A_171 : i32 to vector<16xi32>
        %sub3A_173 = arith.subi %sub3A_172, %shift_right_logical3A_170 : vector<16xi32>
        %bitcast_convert_type3A_174 = tpu.bitcast %sub3A_173 : vector<16xi32> -> vector<16xf32>
        %mul3A_175 = arith.constant 5.000000e-01 : f32
        %mul3A_176 = vector.broadcast %mul3A_175 : f32 to vector<16xf32>
        %mul3A_177 = arith.mulf %max3A_166, %mul3A_176 : vector<16xf32>
        %mul3A_178 = arith.mulf %mul3A_177, %bitcast_convert_type3A_174 : vector<16xf32>
        %mul3A_179 = arith.mulf %mul3A_178, %bitcast_convert_type3A_174 : vector<16xf32>
        %sub3A_180 = arith.constant 1.500000e+00 : f32
        %sub3A_181 = vector.broadcast %sub3A_180 : f32 to vector<16xf32>
        %sub3A_182 = arith.subf %sub3A_181, %mul3A_179 : vector<16xf32>
        %mul3A_183 = arith.mulf %bitcast_convert_type3A_174, %sub3A_182 : vector<16xf32>
        %mul3A_184 = arith.mulf %max3A_166, %mul3A_183 : vector<16xf32>
        %sub3A_185 = arith.subf %gather3A_125, %gather3A_128 : vector<16xf32>
        %sub3A_186 = arith.subf %gather3A_126, %gather3A_129 : vector<16xf32>
        %sub3A_187 = arith.subf %gather3A_127, %gather3A_130 : vector<16xf32>
        %mul3A_188 = arith.mulf %sub3A_185, %sub3A_185 : vector<16xf32>
        %mul3A_189 = arith.mulf %sub3A_186, %sub3A_186 : vector<16xf32>
        %add3A_190 = arith.addf %mul3A_188, %mul3A_189 : vector<16xf32>
        %mul3A_191 = arith.mulf %sub3A_187, %sub3A_187 : vector<16xf32>
        %add3A_192 = arith.addf %add3A_190, %mul3A_191 : vector<16xf32>
        %max3A_193 = arith.constant 9.99999993E-9 : f32
        %max3A_194 = vector.broadcast %max3A_193 : f32 to vector<16xf32>
        %max3A_195 = arith.maximumf %add3A_192, %max3A_194 : vector<16xf32>
        %bitcast_convert_type3A_196 = tpu.bitcast %max3A_195 : vector<16xf32> -> vector<16xi32>
        %shift_right_logical3A_197 = arith.constant 1 : i32
        %shift_right_logical3A_198 = vector.broadcast %shift_right_logical3A_197 : i32 to vector<16xi32>
        %shift_right_logical3A_199 = arith.shrui %bitcast_convert_type3A_196, %shift_right_logical3A_198 : vector<16xi32>
        %sub3A_200 = arith.constant 1597463007 : i32
        %sub3A_201 = vector.broadcast %sub3A_200 : i32 to vector<16xi32>
        %sub3A_202 = arith.subi %sub3A_201, %shift_right_logical3A_199 : vector<16xi32>
        %bitcast_convert_type3A_203 = tpu.bitcast %sub3A_202 : vector<16xi32> -> vector<16xf32>
        %mul3A_204 = arith.constant 5.000000e-01 : f32
        %mul3A_205 = vector.broadcast %mul3A_204 : f32 to vector<16xf32>
        %mul3A_206 = arith.mulf %max3A_195, %mul3A_205 : vector<16xf32>
        %mul3A_207 = arith.mulf %mul3A_206, %bitcast_convert_type3A_203 : vector<16xf32>
        %mul3A_208 = arith.mulf %mul3A_207, %bitcast_convert_type3A_203 : vector<16xf32>
        %sub3A_209 = arith.constant 1.500000e+00 : f32
        %sub3A_210 = vector.broadcast %sub3A_209 : f32 to vector<16xf32>
        %sub3A_211 = arith.subf %sub3A_210, %mul3A_208 : vector<16xf32>
        %mul3A_212 = arith.mulf %bitcast_convert_type3A_203, %sub3A_211 : vector<16xf32>
        %mul3A_213 = arith.mulf %max3A_195, %mul3A_212 : vector<16xf32>
        %gather3A_214 = tpu.vector_load_idx %arg7[%add3A_122, %get3A_87] : memref<8x2334xf32, #tpu.memory_space<vmem>>[vector<16xi32>, vector<16xi32>], vector<16xf32>,
        %gather3A_215 = tpu.vector_load_idx %arg7[%add3A_122, %get3A_91] : memref<8x2334xf32, #tpu.memory_space<vmem>>[vector<16xi32>, vector<16xi32>], vector<16xf32>,
        %gather3A_216 = tpu.vector_load_idx %arg7[%add3A_122, %get3A_95] : memref<8x2334xf32, #tpu.memory_space<vmem>>[vector<16xi32>, vector<16xi32>], vector<16xf32>,
        %gather3A_217 = tpu.vector_load_idx %arg7[%add3A_122, %get3A_99] : memref<8x2334xf32, #tpu.memory_space<vmem>>[vector<16xi32>, vector<16xi32>], vector<16xf32>,
        %gather3A_218 = tpu.vector_load_idx %arg7[%add3A_122, %get3A_103] : memref<8x2334xf32, #tpu.memory_space<vmem>>[vector<16xi32>, vector<16xi32>], vector<16xf32>,
        %gather3A_219 = tpu.vector_load_idx %arg7[%add3A_122, %get3A_107] : memref<8x2334xf32, #tpu.memory_space<vmem>>[vector<16xi32>, vector<16xi32>], vector<16xf32>,
        %gather3A_220 = tpu.vector_load_idx %arg7[%add3A_122, %get3A_111] : memref<8x2334xf32, #tpu.memory_space<vmem>>[vector<16xi32>, vector<16xi32>], vector<16xf32>,
        %gather3A_221 = tpu.vector_load_idx %arg7[%add3A_122, %get3A_115] : memref<8x2334xf32, #tpu.memory_space<vmem>>[vector<16xi32>, vector<16xi32>], vector<16xf32>,
        %gather3A_222 = tpu.vector_load_idx %arg7[%add3A_122, %get3A_119] : memref<8x2334xf32, #tpu.memory_space<vmem>>[vector<16xi32>, vector<16xi32>], vector<16xf32>,
        %sub3A_223 = arith.subf %gather3A_214, %gather3A_217 : vector<16xf32>
        %sub3A_224 = arith.subf %gather3A_215, %gather3A_218 : vector<16xf32>
        %sub3A_225 = arith.subf %gather3A_216, %gather3A_219 : vector<16xf32>
        %mul3A_226 = arith.mulf %sub3A_223, %sub3A_223 : vector<16xf32>
        %mul3A_227 = arith.mulf %sub3A_224, %sub3A_224 : vector<16xf32>
        %add3A_228 = arith.addf %mul3A_226, %mul3A_227 : vector<16xf32>
        %mul3A_229 = arith.mulf %sub3A_225, %sub3A_225 : vector<16xf32>
        %add3A_230 = arith.addf %add3A_228, %mul3A_229 : vector<16xf32>
        %max3A_231 = arith.constant 9.99999993E-9 : f32
        %max3A_232 = vector.broadcast %max3A_231 : f32 to vector<16xf32>
        %max3A_233 = arith.maximumf %add3A_230, %max3A_232 : vector<16xf32>
        %bitcast_convert_type3A_234 = tpu.bitcast %max3A_233 : vector<16xf32> -> vector<16xi32>
        %shift_right_logical3A_235 = arith.constant 1 : i32
        %shift_right_logical3A_236 = vector.broadcast %shift_right_logical3A_235 : i32 to vector<16xi32>
        %shift_right_logical3A_237 = arith.shrui %bitcast_convert_type3A_234, %shift_right_logical3A_236 : vector<16xi32>
        %sub3A_238 = arith.constant 1597463007 : i32
        %sub3A_239 = vector.broadcast %sub3A_238 : i32 to vector<16xi32>
        %sub3A_240 = arith.subi %sub3A_239, %shift_right_logical3A_237 : vector<16xi32>
        %bitcast_convert_type3A_241 = tpu.bitcast %sub3A_240 : vector<16xi32> -> vector<16xf32>
        %mul3A_242 = arith.constant 5.000000e-01 : f32
        %mul3A_243 = vector.broadcast %mul3A_242 : f32 to vector<16xf32>
        %mul3A_244 = arith.mulf %max3A_233, %mul3A_243 : vector<16xf32>
        %mul3A_245 = arith.mulf %mul3A_244, %bitcast_convert_type3A_241 : vector<16xf32>
        %mul3A_246 = arith.mulf %mul3A_245, %bitcast_convert_type3A_241 : vector<16xf32>
        %sub3A_247 = arith.constant 1.500000e+00 : f32
        %sub3A_248 = vector.broadcast %sub3A_247 : f32 to vector<16xf32>
        %sub3A_249 = arith.subf %sub3A_248, %mul3A_246 : vector<16xf32>
        %mul3A_250 = arith.mulf %bitcast_convert_type3A_241, %sub3A_249 : vector<16xf32>
        %mul3A_251 = arith.mulf %max3A_233, %mul3A_250 : vector<16xf32>
        %sub3A_252 = arith.subf %gather3A_214, %gather3A_220 : vector<16xf32>
        %sub3A_253 = arith.subf %gather3A_215, %gather3A_221 : vector<16xf32>
        %sub3A_254 = arith.subf %gather3A_216, %gather3A_222 : vector<16xf32>
        %mul3A_255 = arith.mulf %sub3A_252, %sub3A_252 : vector<16xf32>
        %mul3A_256 = arith.mulf %sub3A_253, %sub3A_253 : vector<16xf32>
        %add3A_257 = arith.addf %mul3A_255, %mul3A_256 : vector<16xf32>
        %mul3A_258 = arith.mulf %sub3A_254, %sub3A_254 : vector<16xf32>
        %add3A_259 = arith.addf %add3A_257, %mul3A_258 : vector<16xf32>
        %max3A_260 = arith.constant 9.99999993E-9 : f32
        %max3A_261 = vector.broadcast %max3A_260 : f32 to vector<16xf32>
        %max3A_262 = arith.maximumf %add3A_259, %max3A_261 : vector<16xf32>
        %bitcast_convert_type3A_263 = tpu.bitcast %max3A_262 : vector<16xf32> -> vector<16xi32>
        %shift_right_logical3A_264 = arith.constant 1 : i32
        %shift_right_logical3A_265 = vector.broadcast %shift_right_logical3A_264 : i32 to vector<16xi32>
        %shift_right_logical3A_266 = arith.shrui %bitcast_convert_type3A_263, %shift_right_logical3A_265 : vector<16xi32>
        %sub3A_267 = arith.constant 1597463007 : i32
        %sub3A_268 = vector.broadcast %sub3A_267 : i32 to vector<16xi32>
        %sub3A_269 = arith.subi %sub3A_268, %shift_right_logical3A_266 : vector<16xi32>
        %bitcast_convert_type3A_270 = tpu.bitcast %sub3A_269 : vector<16xi32> -> vector<16xf32>
        %mul3A_271 = arith.constant 5.000000e-01 : f32
        %mul3A_272 = vector.broadcast %mul3A_271 : f32 to vector<16xf32>
        %mul3A_273 = arith.mulf %max3A_262, %mul3A_272 : vector<16xf32>
        %mul3A_274 = arith.mulf %mul3A_273, %bitcast_convert_type3A_270 : vector<16xf32>
        %mul3A_275 = arith.mulf %mul3A_274, %bitcast_convert_type3A_270 : vector<16xf32>
        %sub3A_276 = arith.constant 1.500000e+00 : f32
        %sub3A_277 = vector.broadcast %sub3A_276 : f32 to vector<16xf32>
        %sub3A_278 = arith.subf %sub3A_277, %mul3A_275 : vector<16xf32>
        %mul3A_279 = arith.mulf %bitcast_convert_type3A_270, %sub3A_278 : vector<16xf32>
        %mul3A_280 = arith.mulf %max3A_262, %mul3A_279 : vector<16xf32>
        %sub3A_281 = arith.subf %gather3A_217, %gather3A_220 : vector<16xf32>
        %sub3A_282 = arith.subf %gather3A_218, %gather3A_221 : vector<16xf32>
        %sub3A_283 = arith.subf %gather3A_219, %gather3A_222 : vector<16xf32>
        %mul3A_284 = arith.mulf %sub3A_281, %sub3A_281 : vector<16xf32>
        %mul3A_285 = arith.mulf %sub3A_282, %sub3A_282 : vector<16xf32>
        %add3A_286 = arith.addf %mul3A_284, %mul3A_285 : vector<16xf32>
        %mul3A_287 = arith.mulf %sub3A_283, %sub3A_283 : vector<16xf32>
        %add3A_288 = arith.addf %add3A_286, %mul3A_287 : vector<16xf32>
        %max3A_289 = arith.constant 9.99999993E-9 : f32
        %max3A_290 = vector.broadcast %max3A_289 : f32 to vector<16xf32>
        %max3A_291 = arith.maximumf %add3A_288, %max3A_290 : vector<16xf32>
        %bitcast_convert_type3A_292 = tpu.bitcast %max3A_291 : vector<16xf32> -> vector<16xi32>
        %shift_right_logical3A_293 = arith.constant 1 : i32
        %shift_right_logical3A_294 = vector.broadcast %shift_right_logical3A_293 : i32 to vector<16xi32>
        %shift_right_logical3A_295 = arith.shrui %bitcast_convert_type3A_292, %shift_right_logical3A_294 : vector<16xi32>
        %sub3A_296 = arith.constant 1597463007 : i32
        %sub3A_297 = vector.broadcast %sub3A_296 : i32 to vector<16xi32>
        %sub3A_298 = arith.subi %sub3A_297, %shift_right_logical3A_295 : vector<16xi32>
        %bitcast_convert_type3A_299 = tpu.bitcast %sub3A_298 : vector<16xi32> -> vector<16xf32>
        %mul3A_300 = arith.constant 5.000000e-01 : f32
        %mul3A_301 = vector.broadcast %mul3A_300 : f32 to vector<16xf32>
        %mul3A_302 = arith.mulf %max3A_291, %mul3A_301 : vector<16xf32>
        %mul3A_303 = arith.mulf %mul3A_302, %bitcast_convert_type3A_299 : vector<16xf32>
        %mul3A_304 = arith.mulf %mul3A_303, %bitcast_convert_type3A_299 : vector<16xf32>
        %sub3A_305 = arith.constant 1.500000e+00 : f32
        %sub3A_306 = vector.broadcast %sub3A_305 : f32 to vector<16xf32>
        %sub3A_307 = arith.subf %sub3A_306, %mul3A_304 : vector<16xf32>
        %mul3A_308 = arith.mulf %bitcast_convert_type3A_299, %sub3A_307 : vector<16xf32>
        %mul3A_309 = arith.mulf %max3A_291, %mul3A_308 : vector<16xf32>
        %sub3A_310 = arith.subf %mul3A_155, %mul3A_251 : vector<16xf32>
        %abs3A = math.absf %sub3A_310 : vector<16xf32>
        %sub3A_311 = arith.subf %mul3A_184, %mul3A_280 : vector<16xf32>
        %abs3A_312 = math.absf %sub3A_311 : vector<16xf32>
        %add3A_313 = arith.addf %abs3A, %abs3A_312 : vector<16xf32>
        %sub3A_314 = arith.subf %mul3A_213, %mul3A_309 : vector<16xf32>
        %abs3A_315 = math.absf %sub3A_314 : vector<16xf32>
        %add3A_316 = arith.addf %add3A_313, %abs3A_315 : vector<16xf32>
        %add3A_317 = arith.constant 1 : i32
        %add3A_318 = vector.broadcast %add3A_317 : i32 to vector<16xi32>
        %add3A_319 = arith.addi %broadcast_in_dim3A_1, %add3A_318 : vector<16xi32>
        %gather3A_320 = tpu.vector_load_idx %arg6[%add3A_319, %get3A_87] : memref<8x2334xf32, #tpu.memory_space<vmem>>[vector<16xi32>, vector<16xi32>], vector<16xf32>,
        %gather3A_321 = tpu.vector_load_idx %arg6[%add3A_319, %get3A_91] : memref<8x2334xf32, #tpu.memory_space<vmem>>[vector<16xi32>, vector<16xi32>], vector<16xf32>,
        %gather3A_322 = tpu.vector_load_idx %arg6[%add3A_319, %get3A_95] : memref<8x2334xf32, #tpu.memory_space<vmem>>[vector<16xi32>, vector<16xi32>], vector<16xf32>,
        %gather3A_323 = tpu.vector_load_idx %arg6[%add3A_319, %get3A_99] : memref<8x2334xf32, #tpu.memory_space<vmem>>[vector<16xi32>, vector<16xi32>], vector<16xf32>,
        %gather3A_324 = tpu.vector_load_idx %arg6[%add3A_319, %get3A_103] : memref<8x2334xf32, #tpu.memory_space<vmem>>[vector<16xi32>, vector<16xi32>], vector<16xf32>,
        %gather3A_325 = tpu.vector_load_idx %arg6[%add3A_319, %get3A_107] : memref<8x2334xf32, #tpu.memory_space<vmem>>[vector<16xi32>, vector<16xi32>], vector<16xf32>,
        %gather3A_326 = tpu.vector_load_idx %arg6[%add3A_319, %get3A_111] : memref<8x2334xf32, #tpu.memory_space<vmem>>[vector<16xi32>, vector<16xi32>], vector<16xf32>,
        %gather3A_327 = tpu.vector_load_idx %arg6[%add3A_319, %get3A_115] : memref<8x2334xf32, #tpu.memory_space<vmem>>[vector<16xi32>, vector<16xi32>], vector<16xf32>,
        %gather3A_328 = tpu.vector_load_idx %arg6[%add3A_319, %get3A_119] : memref<8x2334xf32, #tpu.memory_space<vmem>>[vector<16xi32>, vector<16xi32>], vector<16xf32>,
        %sub3A_329 = arith.subf %gather3A_320, %gather3A_323 : vector<16xf32>
        %sub3A_330 = arith.subf %gather3A_321, %gather3A_324 : vector<16xf32>
        %sub3A_331 = arith.subf %gather3A_322, %gather3A_325 : vector<16xf32>
        %mul3A_332 = arith.mulf %sub3A_329, %sub3A_329 : vector<16xf32>
        %mul3A_333 = arith.mulf %sub3A_330, %sub3A_330 : vector<16xf32>
        %add3A_334 = arith.addf %mul3A_332, %mul3A_333 : vector<16xf32>
        %mul3A_335 = arith.mulf %sub3A_331, %sub3A_331 : vector<16xf32>
        %add3A_336 = arith.addf %add3A_334, %mul3A_335 : vector<16xf32>
        %max3A_337 = arith.constant 9.99999993E-9 : f32
        %max3A_338 = vector.broadcast %max3A_337 : f32 to vector<16xf32>
        %max3A_339 = arith.maximumf %add3A_336, %max3A_338 : vector<16xf32>
        %bitcast_convert_type3A_340 = tpu.bitcast %max3A_339 : vector<16xf32> -> vector<16xi32>
        %shift_right_logical3A_341 = arith.constant 1 : i32
        %shift_right_logical3A_342 = vector.broadcast %shift_right_logical3A_341 : i32 to vector<16xi32>
        %shift_right_logical3A_343 = arith.shrui %bitcast_convert_type3A_340, %shift_right_logical3A_342 : vector<16xi32>
        %sub3A_344 = arith.constant 1597463007 : i32
        %sub3A_345 = vector.broadcast %sub3A_344 : i32 to vector<16xi32>
        %sub3A_346 = arith.subi %sub3A_345, %shift_right_logical3A_343 : vector<16xi32>
        %bitcast_convert_type3A_347 = tpu.bitcast %sub3A_346 : vector<16xi32> -> vector<16xf32>
        %mul3A_348 = arith.constant 5.000000e-01 : f32
        %mul3A_349 = vector.broadcast %mul3A_348 : f32 to vector<16xf32>
        %mul3A_350 = arith.mulf %max3A_339, %mul3A_349 : vector<16xf32>
        %mul3A_351 = arith.mulf %mul3A_350, %bitcast_convert_type3A_347 : vector<16xf32>
        %mul3A_352 = arith.mulf %mul3A_351, %bitcast_convert_type3A_347 : vector<16xf32>
        %sub3A_353 = arith.constant 1.500000e+00 : f32
        %sub3A_354 = vector.broadcast %sub3A_353 : f32 to vector<16xf32>
        %sub3A_355 = arith.subf %sub3A_354, %mul3A_352 : vector<16xf32>
        %mul3A_356 = arith.mulf %bitcast_convert_type3A_347, %sub3A_355 : vector<16xf32>
        %mul3A_357 = arith.mulf %max3A_339, %mul3A_356 : vector<16xf32>
        %sub3A_358 = arith.subf %gather3A_320, %gather3A_326 : vector<16xf32>
        %sub3A_359 = arith.subf %gather3A_321, %gather3A_327 : vector<16xf32>
        %sub3A_360 = arith.subf %gather3A_322, %gather3A_328 : vector<16xf32>
        %mul3A_361 = arith.mulf %sub3A_358, %sub3A_358 : vector<16xf32>
        %mul3A_362 = arith.mulf %sub3A_359, %sub3A_359 : vector<16xf32>
        %add3A_363 = arith.addf %mul3A_361, %mul3A_362 : vector<16xf32>
        %mul3A_364 = arith.mulf %sub3A_360, %sub3A_360 : vector<16xf32>
        %add3A_365 = arith.addf %add3A_363, %mul3A_364 : vector<16xf32>
        %max3A_366 = arith.constant 9.99999993E-9 : f32
        %max3A_367 = vector.broadcast %max3A_366 : f32 to vector<16xf32>
        %max3A_368 = arith.maximumf %add3A_365, %max3A_367 : vector<16xf32>
        %bitcast_convert_type3A_369 = tpu.bitcast %max3A_368 : vector<16xf32> -> vector<16xi32>
        %shift_right_logical3A_370 = arith.constant 1 : i32
        %shift_right_logical3A_371 = vector.broadcast %shift_right_logical3A_370 : i32 to vector<16xi32>
        %shift_right_logical3A_372 = arith.shrui %bitcast_convert_type3A_369, %shift_right_logical3A_371 : vector<16xi32>
        %sub3A_373 = arith.constant 1597463007 : i32
        %sub3A_374 = vector.broadcast %sub3A_373 : i32 to vector<16xi32>
        %sub3A_375 = arith.subi %sub3A_374, %shift_right_logical3A_372 : vector<16xi32>
        %bitcast_convert_type3A_376 = tpu.bitcast %sub3A_375 : vector<16xi32> -> vector<16xf32>
        %mul3A_377 = arith.constant 5.000000e-01 : f32
        %mul3A_378 = vector.broadcast %mul3A_377 : f32 to vector<16xf32>
        %mul3A_379 = arith.mulf %max3A_368, %mul3A_378 : vector<16xf32>
        %mul3A_380 = arith.mulf %mul3A_379, %bitcast_convert_type3A_376 : vector<16xf32>
        %mul3A_381 = arith.mulf %mul3A_380, %bitcast_convert_type3A_376 : vector<16xf32>
        %sub3A_382 = arith.constant 1.500000e+00 : f32
        %sub3A_383 = vector.broadcast %sub3A_382 : f32 to vector<16xf32>
        %sub3A_384 = arith.subf %sub3A_383, %mul3A_381 : vector<16xf32>
        %mul3A_385 = arith.mulf %bitcast_convert_type3A_376, %sub3A_384 : vector<16xf32>
        %mul3A_386 = arith.mulf %max3A_368, %mul3A_385 : vector<16xf32>
        %sub3A_387 = arith.subf %gather3A_323, %gather3A_326 : vector<16xf32>
        %sub3A_388 = arith.subf %gather3A_324, %gather3A_327 : vector<16xf32>
        %sub3A_389 = arith.subf %gather3A_325, %gather3A_328 : vector<16xf32>
        %mul3A_390 = arith.mulf %sub3A_387, %sub3A_387 : vector<16xf32>
        %mul3A_391 = arith.mulf %sub3A_388, %sub3A_388 : vector<16xf32>
        %add3A_392 = arith.addf %mul3A_390, %mul3A_391 : vector<16xf32>
        %mul3A_393 = arith.mulf %sub3A_389, %sub3A_389 : vector<16xf32>
        %add3A_394 = arith.addf %add3A_392, %mul3A_393 : vector<16xf32>
        %max3A_395 = arith.constant 9.99999993E-9 : f32
        %max3A_396 = vector.broadcast %max3A_395 : f32 to vector<16xf32>
        %max3A_397 = arith.maximumf %add3A_394, %max3A_396 : vector<16xf32>
        %bitcast_convert_type3A_398 = tpu.bitcast %max3A_397 : vector<16xf32> -> vector<16xi32>
        %shift_right_logical3A_399 = arith.constant 1 : i32
        %shift_right_logical3A_400 = vector.broadcast %shift_right_logical3A_399 : i32 to vector<16xi32>
        %shift_right_logical3A_401 = arith.shrui %bitcast_convert_type3A_398, %shift_right_logical3A_400 : vector<16xi32>
        %sub3A_402 = arith.constant 1597463007 : i32
        %sub3A_403 = vector.broadcast %sub3A_402 : i32 to vector<16xi32>
        %sub3A_404 = arith.subi %sub3A_403, %shift_right_logical3A_401 : vector<16xi32>
        %bitcast_convert_type3A_405 = tpu.bitcast %sub3A_404 : vector<16xi32> -> vector<16xf32>
        %mul3A_406 = arith.constant 5.000000e-01 : f32
        %mul3A_407 = vector.broadcast %mul3A_406 : f32 to vector<16xf32>
        %mul3A_408 = arith.mulf %max3A_397, %mul3A_407 : vector<16xf32>
        %mul3A_409 = arith.mulf %mul3A_408, %bitcast_convert_type3A_405 : vector<16xf32>
        %mul3A_410 = arith.mulf %mul3A_409, %bitcast_convert_type3A_405 : vector<16xf32>
        %sub3A_411 = arith.constant 1.500000e+00 : f32
        %sub3A_412 = vector.broadcast %sub3A_411 : f32 to vector<16xf32>
        %sub3A_413 = arith.subf %sub3A_412, %mul3A_410 : vector<16xf32>
        %mul3A_414 = arith.mulf %bitcast_convert_type3A_405, %sub3A_413 : vector<16xf32>
        %mul3A_415 = arith.mulf %max3A_397, %mul3A_414 : vector<16xf32>
        %gather3A_416 = tpu.vector_load_idx %arg7[%add3A_319, %get3A_87] : memref<8x2334xf32, #tpu.memory_space<vmem>>[vector<16xi32>, vector<16xi32>], vector<16xf32>,
        %gather3A_417 = tpu.vector_load_idx %arg7[%add3A_319, %get3A_91] : memref<8x2334xf32, #tpu.memory_space<vmem>>[vector<16xi32>, vector<16xi32>], vector<16xf32>,
        %gather3A_418 = tpu.vector_load_idx %arg7[%add3A_319, %get3A_95] : memref<8x2334xf32, #tpu.memory_space<vmem>>[vector<16xi32>, vector<16xi32>], vector<16xf32>,
        %gather3A_419 = tpu.vector_load_idx %arg7[%add3A_319, %get3A_99] : memref<8x2334xf32, #tpu.memory_space<vmem>>[vector<16xi32>, vector<16xi32>], vector<16xf32>,
        %gather3A_420 = tpu.vector_load_idx %arg7[%add3A_319, %get3A_103] : memref<8x2334xf32, #tpu.memory_space<vmem>>[vector<16xi32>, vector<16xi32>], vector<16xf32>,
        %gather3A_421 = tpu.vector_load_idx %arg7[%add3A_319, %get3A_107] : memref<8x2334xf32, #tpu.memory_space<vmem>>[vector<16xi32>, vector<16xi32>], vector<16xf32>,
        %gather3A_422 = tpu.vector_load_idx %arg7[%add3A_319, %get3A_111] : memref<8x2334xf32, #tpu.memory_space<vmem>>[vector<16xi32>, vector<16xi32>], vector<16xf32>,
        %gather3A_423 = tpu.vector_load_idx %arg7[%add3A_319, %get3A_115] : memref<8x2334xf32, #tpu.memory_space<vmem>>[vector<16xi32>, vector<16xi32>], vector<16xf32>,
        %gather3A_424 = tpu.vector_load_idx %arg7[%add3A_319, %get3A_119] : memref<8x2334xf32, #tpu.memory_space<vmem>>[vector<16xi32>, vector<16xi32>], vector<16xf32>,
        %sub3A_425 = arith.subf %gather3A_416, %gather3A_419 : vector<16xf32>
        %sub3A_426 = arith.subf %gather3A_417, %gather3A_420 : vector<16xf32>
        %sub3A_427 = arith.subf %gather3A_418, %gather3A_421 : vector<16xf32>
        %mul3A_428 = arith.mulf %sub3A_425, %sub3A_425 : vector<16xf32>
        %mul3A_429 = arith.mulf %sub3A_426, %sub3A_426 : vector<16xf32>
        %add3A_430 = arith.addf %mul3A_428, %mul3A_429 : vector<16xf32>
        %mul3A_431 = arith.mulf %sub3A_427, %sub3A_427 : vector<16xf32>
        %add3A_432 = arith.addf %add3A_430, %mul3A_431 : vector<16xf32>
        %max3A_433 = arith.constant 9.99999993E-9 : f32
        %max3A_434 = vector.broadcast %max3A_433 : f32 to vector<16xf32>
        %max3A_435 = arith.maximumf %add3A_432, %max3A_434 : vector<16xf32>
        %bitcast_convert_type3A_436 = tpu.bitcast %max3A_435 : vector<16xf32> -> vector<16xi32>
        %shift_right_logical3A_437 = arith.constant 1 : i32
        %shift_right_logical3A_438 = vector.broadcast %shift_right_logical3A_437 : i32 to vector<16xi32>
        %shift_right_logical3A_439 = arith.shrui %bitcast_convert_type3A_436, %shift_right_logical3A_438 : vector<16xi32>
        %sub3A_440 = arith.constant 1597463007 : i32
        %sub3A_441 = vector.broadcast %sub3A_440 : i32 to vector<16xi32>
        %sub3A_442 = arith.subi %sub3A_441, %shift_right_logical3A_439 : vector<16xi32>
        %bitcast_convert_type3A_443 = tpu.bitcast %sub3A_442 : vector<16xi32> -> vector<16xf32>
        %mul3A_444 = arith.constant 5.000000e-01 : f32
        %mul3A_445 = vector.broadcast %mul3A_444 : f32 to vector<16xf32>
        %mul3A_446 = arith.mulf %max3A_435, %mul3A_445 : vector<16xf32>
        %mul3A_447 = arith.mulf %mul3A_446, %bitcast_convert_type3A_443 : vector<16xf32>
        %mul3A_448 = arith.mulf %mul3A_447, %bitcast_convert_type3A_443 : vector<16xf32>
        %sub3A_449 = arith.constant 1.500000e+00 : f32
        %sub3A_450 = vector.broadcast %sub3A_449 : f32 to vector<16xf32>
        %sub3A_451 = arith.subf %sub3A_450, %mul3A_448 : vector<16xf32>
        %mul3A_452 = arith.mulf %bitcast_convert_type3A_443, %sub3A_451 : vector<16xf32>
        %mul3A_453 = arith.mulf %max3A_435, %mul3A_452 : vector<16xf32>
        %sub3A_454 = arith.subf %gather3A_416, %gather3A_422 : vector<16xf32>
        %sub3A_455 = arith.subf %gather3A_417, %gather3A_423 : vector<16xf32>
        %sub3A_456 = arith.subf %gather3A_418, %gather3A_424 : vector<16xf32>
        %mul3A_457 = arith.mulf %sub3A_454, %sub3A_454 : vector<16xf32>
        %mul3A_458 = arith.mulf %sub3A_455, %sub3A_455 : vector<16xf32>
        %add3A_459 = arith.addf %mul3A_457, %mul3A_458 : vector<16xf32>
        %mul3A_460 = arith.mulf %sub3A_456, %sub3A_456 : vector<16xf32>
        %add3A_461 = arith.addf %add3A_459, %mul3A_460 : vector<16xf32>
        %max3A_462 = arith.constant 9.99999993E-9 : f32
        %max3A_463 = vector.broadcast %max3A_462 : f32 to vector<16xf32>
        %max3A_464 = arith.maximumf %add3A_461, %max3A_463 : vector<16xf32>
        %bitcast_convert_type3A_465 = tpu.bitcast %max3A_464 : vector<16xf32> -> vector<16xi32>
        %shift_right_logical3A_466 = arith.constant 1 : i32
        %shift_right_logical3A_467 = vector.broadcast %shift_right_logical3A_466 : i32 to vector<16xi32>
        %shift_right_logical3A_468 = arith.shrui %bitcast_convert_type3A_465, %shift_right_logical3A_467 : vector<16xi32>
        %sub3A_469 = arith.constant 1597463007 : i32
        %sub3A_470 = vector.broadcast %sub3A_469 : i32 to vector<16xi32>
        %sub3A_471 = arith.subi %sub3A_470, %shift_right_logical3A_468 : vector<16xi32>
        %bitcast_convert_type3A_472 = tpu.bitcast %sub3A_471 : vector<16xi32> -> vector<16xf32>
        %mul3A_473 = arith.constant 5.000000e-01 : f32
        %mul3A_474 = vector.broadcast %mul3A_473 : f32 to vector<16xf32>
        %mul3A_475 = arith.mulf %max3A_464, %mul3A_474 : vector<16xf32>
        %mul3A_476 = arith.mulf %mul3A_475, %bitcast_convert_type3A_472 : vector<16xf32>
        %mul3A_477 = arith.mulf %mul3A_476, %bitcast_convert_type3A_472 : vector<16xf32>
        %sub3A_478 = arith.constant 1.500000e+00 : f32
        %sub3A_479 = vector.broadcast %sub3A_478 : f32 to vector<16xf32>
        %sub3A_480 = arith.subf %sub3A_479, %mul3A_477 : vector<16xf32>
        %mul3A_481 = arith.mulf %bitcast_convert_type3A_472, %sub3A_480 : vector<16xf32>
        %mul3A_482 = arith.mulf %max3A_464, %mul3A_481 : vector<16xf32>
        %sub3A_483 = arith.subf %gather3A_419, %gather3A_422 : vector<16xf32>
        %sub3A_484 = arith.subf %gather3A_420, %gather3A_423 : vector<16xf32>
        %sub3A_485 = arith.subf %gather3A_421, %gather3A_424 : vector<16xf32>
        %mul3A_486 = arith.mulf %sub3A_483, %sub3A_483 : vector<16xf32>
        %mul3A_487 = arith.mulf %sub3A_484, %sub3A_484 : vector<16xf32>
        %add3A_488 = arith.addf %mul3A_486, %mul3A_487 : vector<16xf32>
        %mul3A_489 = arith.mulf %sub3A_485, %sub3A_485 : vector<16xf32>
        %add3A_490 = arith.addf %add3A_488, %mul3A_489 : vector<16xf32>
        %max3A_491 = arith.constant 9.99999993E-9 : f32
        %max3A_492 = vector.broadcast %max3A_491 : f32 to vector<16xf32>
        %max3A_493 = arith.maximumf %add3A_490, %max3A_492 : vector<16xf32>
        %bitcast_convert_type3A_494 = tpu.bitcast %max3A_493 : vector<16xf32> -> vector<16xi32>
        %shift_right_logical3A_495 = arith.constant 1 : i32
        %shift_right_logical3A_496 = vector.broadcast %shift_right_logical3A_495 : i32 to vector<16xi32>
        %shift_right_logical3A_497 = arith.shrui %bitcast_convert_type3A_494, %shift_right_logical3A_496 : vector<16xi32>
        %sub3A_498 = arith.constant 1597463007 : i32
        %sub3A_499 = vector.broadcast %sub3A_498 : i32 to vector<16xi32>
        %sub3A_500 = arith.subi %sub3A_499, %shift_right_logical3A_497 : vector<16xi32>
        %bitcast_convert_type3A_501 = tpu.bitcast %sub3A_500 : vector<16xi32> -> vector<16xf32>
        %mul3A_502 = arith.constant 5.000000e-01 : f32
        %mul3A_503 = vector.broadcast %mul3A_502 : f32 to vector<16xf32>
        %mul3A_504 = arith.mulf %max3A_493, %mul3A_503 : vector<16xf32>
        %mul3A_505 = arith.mulf %mul3A_504, %bitcast_convert_type3A_501 : vector<16xf32>
        %mul3A_506 = arith.mulf %mul3A_505, %bitcast_convert_type3A_501 : vector<16xf32>
        %sub3A_507 = arith.constant 1.500000e+00 : f32
        %sub3A_508 = vector.broadcast %sub3A_507 : f32 to vector<16xf32>
        %sub3A_509 = arith.subf %sub3A_508, %mul3A_506 : vector<16xf32>
        %mul3A_510 = arith.mulf %bitcast_convert_type3A_501, %sub3A_509 : vector<16xf32>
        %mul3A_511 = arith.mulf %max3A_493, %mul3A_510 : vector<16xf32>
        %sub3A_512 = arith.subf %mul3A_357, %mul3A_453 : vector<16xf32>
        %abs3A_513 = math.absf %sub3A_512 : vector<16xf32>
        %sub3A_514 = arith.subf %mul3A_386, %mul3A_482 : vector<16xf32>
        %abs3A_515 = math.absf %sub3A_514 : vector<16xf32>
        %add3A_516 = arith.addf %abs3A_513, %abs3A_515 : vector<16xf32>
        %sub3A_517 = arith.subf %mul3A_415, %mul3A_511 : vector<16xf32>
        %abs3A_518 = math.absf %sub3A_517 : vector<16xf32>
        %add3A_519 = arith.addf %add3A_516, %abs3A_518 : vector<16xf32>
        %add3A_520 = arith.constant 2 : i32
        %add3A_521 = vector.broadcast %add3A_520 : i32 to vector<16xi32>
        %add3A_522 = arith.addi %broadcast_in_dim3A_1, %add3A_521 : vector<16xi32>
        %gather3A_523 = tpu.vector_load_idx %arg6[%add3A_522, %get3A_87] : memref<8x2334xf32, #tpu.memory_space<vmem>>[vector<16xi32>, vector<16xi32>], vector<16xf32>,
        %gather3A_524 = tpu.vector_load_idx %arg6[%add3A_522, %get3A_91] : memref<8x2334xf32, #tpu.memory_space<vmem>>[vector<16xi32>, vector<16xi32>], vector<16xf32>,
        %gather3A_525 = tpu.vector_load_idx %arg6[%add3A_522, %get3A_95] : memref<8x2334xf32, #tpu.memory_space<vmem>>[vector<16xi32>, vector<16xi32>], vector<16xf32>,
        %gather3A_526 = tpu.vector_load_idx %arg6[%add3A_522, %get3A_99] : memref<8x2334xf32, #tpu.memory_space<vmem>>[vector<16xi32>, vector<16xi32>], vector<16xf32>,
        %gather3A_527 = tpu.vector_load_idx %arg6[%add3A_522, %get3A_103] : memref<8x2334xf32, #tpu.memory_space<vmem>>[vector<16xi32>, vector<16xi32>], vector<16xf32>,
        %gather3A_528 = tpu.vector_load_idx %arg6[%add3A_522, %get3A_107] : memref<8x2334xf32, #tpu.memory_space<vmem>>[vector<16xi32>, vector<16xi32>], vector<16xf32>,
        %gather3A_529 = tpu.vector_load_idx %arg6[%add3A_522, %get3A_111] : memref<8x2334xf32, #tpu.memory_space<vmem>>[vector<16xi32>, vector<16xi32>], vector<16xf32>,
        %gather3A_530 = tpu.vector_load_idx %arg6[%add3A_522, %get3A_115] : memref<8x2334xf32, #tpu.memory_space<vmem>>[vector<16xi32>, vector<16xi32>], vector<16xf32>,
        %gather3A_531 = tpu.vector_load_idx %arg6[%add3A_522, %get3A_119] : memref<8x2334xf32, #tpu.memory_space<vmem>>[vector<16xi32>, vector<16xi32>], vector<16xf32>,
        %sub3A_532 = arith.subf %gather3A_523, %gather3A_526 : vector<16xf32>
        %sub3A_533 = arith.subf %gather3A_524, %gather3A_527 : vector<16xf32>
        %sub3A_534 = arith.subf %gather3A_525, %gather3A_528 : vector<16xf32>
        %mul3A_535 = arith.mulf %sub3A_532, %sub3A_532 : vector<16xf32>
        %mul3A_536 = arith.mulf %sub3A_533, %sub3A_533 : vector<16xf32>
        %add3A_537 = arith.addf %mul3A_535, %mul3A_536 : vector<16xf32>
        %mul3A_538 = arith.mulf %sub3A_534, %sub3A_534 : vector<16xf32>
        %add3A_539 = arith.addf %add3A_537, %mul3A_538 : vector<16xf32>
        %max3A_540 = arith.constant 9.99999993E-9 : f32
        %max3A_541 = vector.broadcast %max3A_540 : f32 to vector<16xf32>
        %max3A_542 = arith.maximumf %add3A_539, %max3A_541 : vector<16xf32>
        %bitcast_convert_type3A_543 = tpu.bitcast %max3A_542 : vector<16xf32> -> vector<16xi32>
        %shift_right_logical3A_544 = arith.constant 1 : i32
        %shift_right_logical3A_545 = vector.broadcast %shift_right_logical3A_544 : i32 to vector<16xi32>
        %shift_right_logical3A_546 = arith.shrui %bitcast_convert_type3A_543, %shift_right_logical3A_545 : vector<16xi32>
        %sub3A_547 = arith.constant 1597463007 : i32
        %sub3A_548 = vector.broadcast %sub3A_547 : i32 to vector<16xi32>
        %sub3A_549 = arith.subi %sub3A_548, %shift_right_logical3A_546 : vector<16xi32>
        %bitcast_convert_type3A_550 = tpu.bitcast %sub3A_549 : vector<16xi32> -> vector<16xf32>
        %mul3A_551 = arith.constant 5.000000e-01 : f32
        %mul3A_552 = vector.broadcast %mul3A_551 : f32 to vector<16xf32>
        %mul3A_553 = arith.mulf %max3A_542, %mul3A_552 : vector<16xf32>
        %mul3A_554 = arith.mulf %mul3A_553, %bitcast_convert_type3A_550 : vector<16xf32>
        %mul3A_555 = arith.mulf %mul3A_554, %bitcast_convert_type3A_550 : vector<16xf32>
        %sub3A_556 = arith.constant 1.500000e+00 : f32
        %sub3A_557 = vector.broadcast %sub3A_556 : f32 to vector<16xf32>
        %sub3A_558 = arith.subf %sub3A_557, %mul3A_555 : vector<16xf32>
        %mul3A_559 = arith.mulf %bitcast_convert_type3A_550, %sub3A_558 : vector<16xf32>
        %mul3A_560 = arith.mulf %max3A_542, %mul3A_559 : vector<16xf32>
        %sub3A_561 = arith.subf %gather3A_523, %gather3A_529 : vector<16xf32>
        %sub3A_562 = arith.subf %gather3A_524, %gather3A_530 : vector<16xf32>
        %sub3A_563 = arith.subf %gather3A_525, %gather3A_531 : vector<16xf32>
        %mul3A_564 = arith.mulf %sub3A_561, %sub3A_561 : vector<16xf32>
        %mul3A_565 = arith.mulf %sub3A_562, %sub3A_562 : vector<16xf32>
        %add3A_566 = arith.addf %mul3A_564, %mul3A_565 : vector<16xf32>
        %mul3A_567 = arith.mulf %sub3A_563, %sub3A_563 : vector<16xf32>
        %add3A_568 = arith.addf %add3A_566, %mul3A_567 : vector<16xf32>
        %max3A_569 = arith.constant 9.99999993E-9 : f32
        %max3A_570 = vector.broadcast %max3A_569 : f32 to vector<16xf32>
        %max3A_571 = arith.maximumf %add3A_568, %max3A_570 : vector<16xf32>
        %bitcast_convert_type3A_572 = tpu.bitcast %max3A_571 : vector<16xf32> -> vector<16xi32>
        %shift_right_logical3A_573 = arith.constant 1 : i32
        %shift_right_logical3A_574 = vector.broadcast %shift_right_logical3A_573 : i32 to vector<16xi32>
        %shift_right_logical3A_575 = arith.shrui %bitcast_convert_type3A_572, %shift_right_logical3A_574 : vector<16xi32>
        %sub3A_576 = arith.constant 1597463007 : i32
        %sub3A_577 = vector.broadcast %sub3A_576 : i32 to vector<16xi32>
        %sub3A_578 = arith.subi %sub3A_577, %shift_right_logical3A_575 : vector<16xi32>
        %bitcast_convert_type3A_579 = tpu.bitcast %sub3A_578 : vector<16xi32> -> vector<16xf32>
        %mul3A_580 = arith.constant 5.000000e-01 : f32
        %mul3A_581 = vector.broadcast %mul3A_580 : f32 to vector<16xf32>
        %mul3A_582 = arith.mulf %max3A_571, %mul3A_581 : vector<16xf32>
        %mul3A_583 = arith.mulf %mul3A_582, %bitcast_convert_type3A_579 : vector<16xf32>
        %mul3A_584 = arith.mulf %mul3A_583, %bitcast_convert_type3A_579 : vector<16xf32>
        %sub3A_585 = arith.constant 1.500000e+00 : f32
        %sub3A_586 = vector.broadcast %sub3A_585 : f32 to vector<16xf32>
        %sub3A_587 = arith.subf %sub3A_586, %mul3A_584 : vector<16xf32>
        %mul3A_588 = arith.mulf %bitcast_convert_type3A_579, %sub3A_587 : vector<16xf32>
        %mul3A_589 = arith.mulf %max3A_571, %mul3A_588 : vector<16xf32>
        %sub3A_590 = arith.subf %gather3A_526, %gather3A_529 : vector<16xf32>
        %sub3A_591 = arith.subf %gather3A_527, %gather3A_530 : vector<16xf32>
        %sub3A_592 = arith.subf %gather3A_528, %gather3A_531 : vector<16xf32>
        %mul3A_593 = arith.mulf %sub3A_590, %sub3A_590 : vector<16xf32>
        %mul3A_594 = arith.mulf %sub3A_591, %sub3A_591 : vector<16xf32>
        %add3A_595 = arith.addf %mul3A_593, %mul3A_594 : vector<16xf32>
        %mul3A_596 = arith.mulf %sub3A_592, %sub3A_592 : vector<16xf32>
        %add3A_597 = arith.addf %add3A_595, %mul3A_596 : vector<16xf32>
        %max3A_598 = arith.constant 9.99999993E-9 : f32
        %max3A_599 = vector.broadcast %max3A_598 : f32 to vector<16xf32>
        %max3A_600 = arith.maximumf %add3A_597, %max3A_599 : vector<16xf32>
        %bitcast_convert_type3A_601 = tpu.bitcast %max3A_600 : vector<16xf32> -> vector<16xi32>
        %shift_right_logical3A_602 = arith.constant 1 : i32
        %shift_right_logical3A_603 = vector.broadcast %shift_right_logical3A_602 : i32 to vector<16xi32>
        %shift_right_logical3A_604 = arith.shrui %bitcast_convert_type3A_601, %shift_right_logical3A_603 : vector<16xi32>
        %sub3A_605 = arith.constant 1597463007 : i32
        %sub3A_606 = vector.broadcast %sub3A_605 : i32 to vector<16xi32>
        %sub3A_607 = arith.subi %sub3A_606, %shift_right_logical3A_604 : vector<16xi32>
        %bitcast_convert_type3A_608 = tpu.bitcast %sub3A_607 : vector<16xi32> -> vector<16xf32>
        %mul3A_609 = arith.constant 5.000000e-01 : f32
        %mul3A_610 = vector.broadcast %mul3A_609 : f32 to vector<16xf32>
        %mul3A_611 = arith.mulf %max3A_600, %mul3A_610 : vector<16xf32>
        %mul3A_612 = arith.mulf %mul3A_611, %bitcast_convert_type3A_608 : vector<16xf32>
        %mul3A_613 = arith.mulf %mul3A_612, %bitcast_convert_type3A_608 : vector<16xf32>
        %sub3A_614 = arith.constant 1.500000e+00 : f32
        %sub3A_615 = vector.broadcast %sub3A_614 : f32 to vector<16xf32>
        %sub3A_616 = arith.subf %sub3A_615, %mul3A_613 : vector<16xf32>
        %mul3A_617 = arith.mulf %bitcast_convert_type3A_608, %sub3A_616 : vector<16xf32>
        %mul3A_618 = arith.mulf %max3A_600, %mul3A_617 : vector<16xf32>
        %gather3A_619 = tpu.vector_load_idx %arg7[%add3A_522, %get3A_87] : memref<8x2334xf32, #tpu.memory_space<vmem>>[vector<16xi32>, vector<16xi32>], vector<16xf32>,
        %gather3A_620 = tpu.vector_load_idx %arg7[%add3A_522, %get3A_91] : memref<8x2334xf32, #tpu.memory_space<vmem>>[vector<16xi32>, vector<16xi32>], vector<16xf32>,
        %gather3A_621 = tpu.vector_load_idx %arg7[%add3A_522, %get3A_95] : memref<8x2334xf32, #tpu.memory_space<vmem>>[vector<16xi32>, vector<16xi32>], vector<16xf32>,
        %gather3A_622 = tpu.vector_load_idx %arg7[%add3A_522, %get3A_99] : memref<8x2334xf32, #tpu.memory_space<vmem>>[vector<16xi32>, vector<16xi32>], vector<16xf32>,
        %gather3A_623 = tpu.vector_load_idx %arg7[%add3A_522, %get3A_103] : memref<8x2334xf32, #tpu.memory_space<vmem>>[vector<16xi32>, vector<16xi32>], vector<16xf32>,
        %gather3A_624 = tpu.vector_load_idx %arg7[%add3A_522, %get3A_107] : memref<8x2334xf32, #tpu.memory_space<vmem>>[vector<16xi32>, vector<16xi32>], vector<16xf32>,
        %gather3A_625 = tpu.vector_load_idx %arg7[%add3A_522, %get3A_111] : memref<8x2334xf32, #tpu.memory_space<vmem>>[vector<16xi32>, vector<16xi32>], vector<16xf32>,
        %gather3A_626 = tpu.vector_load_idx %arg7[%add3A_522, %get3A_115] : memref<8x2334xf32, #tpu.memory_space<vmem>>[vector<16xi32>, vector<16xi32>], vector<16xf32>,
        %gather3A_627 = tpu.vector_load_idx %arg7[%add3A_522, %get3A_119] : memref<8x2334xf32, #tpu.memory_space<vmem>>[vector<16xi32>, vector<16xi32>], vector<16xf32>,
        %sub3A_628 = arith.subf %gather3A_619, %gather3A_622 : vector<16xf32>
        %sub3A_629 = arith.subf %gather3A_620, %gather3A_623 : vector<16xf32>
        %sub3A_630 = arith.subf %gather3A_621, %gather3A_624 : vector<16xf32>
        %mul3A_631 = arith.mulf %sub3A_628, %sub3A_628 : vector<16xf32>
        %mul3A_632 = arith.mulf %sub3A_629, %sub3A_629 : vector<16xf32>
        %add3A_633 = arith.addf %mul3A_631, %mul3A_632 : vector<16xf32>
        %mul3A_634 = arith.mulf %sub3A_630, %sub3A_630 : vector<16xf32>
        %add3A_635 = arith.addf %add3A_633, %mul3A_634 : vector<16xf32>
        %max3A_636 = arith.constant 9.99999993E-9 : f32
        %max3A_637 = vector.broadcast %max3A_636 : f32 to vector<16xf32>
        %max3A_638 = arith.maximumf %add3A_635, %max3A_637 : vector<16xf32>
        %bitcast_convert_type3A_639 = tpu.bitcast %max3A_638 : vector<16xf32> -> vector<16xi32>
        %shift_right_logical3A_640 = arith.constant 1 : i32
        %shift_right_logical3A_641 = vector.broadcast %shift_right_logical3A_640 : i32 to vector<16xi32>
        %shift_right_logical3A_642 = arith.shrui %bitcast_convert_type3A_639, %shift_right_logical3A_641 : vector<16xi32>
        %sub3A_643 = arith.constant 1597463007 : i32
        %sub3A_644 = vector.broadcast %sub3A_643 : i32 to vector<16xi32>
        %sub3A_645 = arith.subi %sub3A_644, %shift_right_logical3A_642 : vector<16xi32>
        %bitcast_convert_type3A_646 = tpu.bitcast %sub3A_645 : vector<16xi32> -> vector<16xf32>
        %mul3A_647 = arith.constant 5.000000e-01 : f32
        %mul3A_648 = vector.broadcast %mul3A_647 : f32 to vector<16xf32>
        %mul3A_649 = arith.mulf %max3A_638, %mul3A_648 : vector<16xf32>
        %mul3A_650 = arith.mulf %mul3A_649, %bitcast_convert_type3A_646 : vector<16xf32>
        %mul3A_651 = arith.mulf %mul3A_650, %bitcast_convert_type3A_646 : vector<16xf32>
        %sub3A_652 = arith.constant 1.500000e+00 : f32
        %sub3A_653 = vector.broadcast %sub3A_652 : f32 to vector<16xf32>
        %sub3A_654 = arith.subf %sub3A_653, %mul3A_651 : vector<16xf32>
        %mul3A_655 = arith.mulf %bitcast_convert_type3A_646, %sub3A_654 : vector<16xf32>
        %mul3A_656 = arith.mulf %max3A_638, %mul3A_655 : vector<16xf32>
        %sub3A_657 = arith.subf %gather3A_619, %gather3A_625 : vector<16xf32>
        %sub3A_658 = arith.subf %gather3A_620, %gather3A_626 : vector<16xf32>
        %sub3A_659 = arith.subf %gather3A_621, %gather3A_627 : vector<16xf32>
        %mul3A_660 = arith.mulf %sub3A_657, %sub3A_657 : vector<16xf32>
        %mul3A_661 = arith.mulf %sub3A_658, %sub3A_658 : vector<16xf32>
        %add3A_662 = arith.addf %mul3A_660, %mul3A_661 : vector<16xf32>
        %mul3A_663 = arith.mulf %sub3A_659, %sub3A_659 : vector<16xf32>
        %add3A_664 = arith.addf %add3A_662, %mul3A_663 : vector<16xf32>
        %max3A_665 = arith.constant 9.99999993E-9 : f32
        %max3A_666 = vector.broadcast %max3A_665 : f32 to vector<16xf32>
        %max3A_667 = arith.maximumf %add3A_664, %max3A_666 : vector<16xf32>
        %bitcast_convert_type3A_668 = tpu.bitcast %max3A_667 : vector<16xf32> -> vector<16xi32>
        %shift_right_logical3A_669 = arith.constant 1 : i32
        %shift_right_logical3A_670 = vector.broadcast %shift_right_logical3A_669 : i32 to vector<16xi32>
        %shift_right_logical3A_671 = arith.shrui %bitcast_convert_type3A_668, %shift_right_logical3A_670 : vector<16xi32>
        %sub3A_672 = arith.constant 1597463007 : i32
        %sub3A_673 = vector.broadcast %sub3A_672 : i32 to vector<16xi32>
        %sub3A_674 = arith.subi %sub3A_673, %shift_right_logical3A_671 : vector<16xi32>
        %bitcast_convert_type3A_675 = tpu.bitcast %sub3A_674 : vector<16xi32> -> vector<16xf32>
        %mul3A_676 = arith.constant 5.000000e-01 : f32
        %mul3A_677 = vector.broadcast %mul3A_676 : f32 to vector<16xf32>
        %mul3A_678 = arith.mulf %max3A_667, %mul3A_677 : vector<16xf32>
        %mul3A_679 = arith.mulf %mul3A_678, %bitcast_convert_type3A_675 : vector<16xf32>
        %mul3A_680 = arith.mulf %mul3A_679, %bitcast_convert_type3A_675 : vector<16xf32>
        %sub3A_681 = arith.constant 1.500000e+00 : f32
        %sub3A_682 = vector.broadcast %sub3A_681 : f32 to vector<16xf32>
        %sub3A_683 = arith.subf %sub3A_682, %mul3A_680 : vector<16xf32>
        %mul3A_684 = arith.mulf %bitcast_convert_type3A_675, %sub3A_683 : vector<16xf32>
        %mul3A_685 = arith.mulf %max3A_667, %mul3A_684 : vector<16xf32>
        %sub3A_686 = arith.subf %gather3A_622, %gather3A_625 : vector<16xf32>
        %sub3A_687 = arith.subf %gather3A_623, %gather3A_626 : vector<16xf32>
        %sub3A_688 = arith.subf %gather3A_624, %gather3A_627 : vector<16xf32>
        %mul3A_689 = arith.mulf %sub3A_686, %sub3A_686 : vector<16xf32>
        %mul3A_690 = arith.mulf %sub3A_687, %sub3A_687 : vector<16xf32>
        %add3A_691 = arith.addf %mul3A_689, %mul3A_690 : vector<16xf32>
        %mul3A_692 = arith.mulf %sub3A_688, %sub3A_688 : vector<16xf32>
        %add3A_693 = arith.addf %add3A_691, %mul3A_692 : vector<16xf32>
        %max3A_694 = arith.constant 9.99999993E-9 : f32
        %max3A_695 = vector.broadcast %max3A_694 : f32 to vector<16xf32>
        %max3A_696 = arith.maximumf %add3A_693, %max3A_695 : vector<16xf32>
        %bitcast_convert_type3A_697 = tpu.bitcast %max3A_696 : vector<16xf32> -> vector<16xi32>
        %shift_right_logical3A_698 = arith.constant 1 : i32
        %shift_right_logical3A_699 = vector.broadcast %shift_right_logical3A_698 : i32 to vector<16xi32>
        %shift_right_logical3A_700 = arith.shrui %bitcast_convert_type3A_697, %shift_right_logical3A_699 : vector<16xi32>
        %sub3A_701 = arith.constant 1597463007 : i32
        %sub3A_702 = vector.broadcast %sub3A_701 : i32 to vector<16xi32>
        %sub3A_703 = arith.subi %sub3A_702, %shift_right_logical3A_700 : vector<16xi32>
        %bitcast_convert_type3A_704 = tpu.bitcast %sub3A_703 : vector<16xi32> -> vector<16xf32>
        %mul3A_705 = arith.constant 5.000000e-01 : f32
        %mul3A_706 = vector.broadcast %mul3A_705 : f32 to vector<16xf32>
        %mul3A_707 = arith.mulf %max3A_696, %mul3A_706 : vector<16xf32>
        %mul3A_708 = arith.mulf %mul3A_707, %bitcast_convert_type3A_704 : vector<16xf32>
        %mul3A_709 = arith.mulf %mul3A_708, %bitcast_convert_type3A_704 : vector<16xf32>
        %sub3A_710 = arith.constant 1.500000e+00 : f32
        %sub3A_711 = vector.broadcast %sub3A_710 : f32 to vector<16xf32>
        %sub3A_712 = arith.subf %sub3A_711, %mul3A_709 : vector<16xf32>
        %mul3A_713 = arith.mulf %bitcast_convert_type3A_704, %sub3A_712 : vector<16xf32>
        %mul3A_714 = arith.mulf %max3A_696, %mul3A_713 : vector<16xf32>
        %sub3A_715 = arith.subf %mul3A_560, %mul3A_656 : vector<16xf32>
        %abs3A_716 = math.absf %sub3A_715 : vector<16xf32>
        %sub3A_717 = arith.subf %mul3A_589, %mul3A_685 : vector<16xf32>
        %abs3A_718 = math.absf %sub3A_717 : vector<16xf32>
        %add3A_719 = arith.addf %abs3A_716, %abs3A_718 : vector<16xf32>
        %sub3A_720 = arith.subf %mul3A_618, %mul3A_714 : vector<16xf32>
        %abs3A_721 = math.absf %sub3A_720 : vector<16xf32>
        %add3A_722 = arith.addf %add3A_719, %abs3A_721 : vector<16xf32>
        %add3A_723 = arith.constant 3 : i32
        %add3A_724 = vector.broadcast %add3A_723 : i32 to vector<16xi32>
        %add3A_725 = arith.addi %broadcast_in_dim3A_1, %add3A_724 : vector<16xi32>
        %gather3A_726 = tpu.vector_load_idx %arg6[%add3A_725, %get3A_87] : memref<8x2334xf32, #tpu.memory_space<vmem>>[vector<16xi32>, vector<16xi32>], vector<16xf32>,
        %gather3A_727 = tpu.vector_load_idx %arg6[%add3A_725, %get3A_91] : memref<8x2334xf32, #tpu.memory_space<vmem>>[vector<16xi32>, vector<16xi32>], vector<16xf32>,
        %gather3A_728 = tpu.vector_load_idx %arg6[%add3A_725, %get3A_95] : memref<8x2334xf32, #tpu.memory_space<vmem>>[vector<16xi32>, vector<16xi32>], vector<16xf32>,
        %gather3A_729 = tpu.vector_load_idx %arg6[%add3A_725, %get3A_99] : memref<8x2334xf32, #tpu.memory_space<vmem>>[vector<16xi32>, vector<16xi32>], vector<16xf32>,
        %gather3A_730 = tpu.vector_load_idx %arg6[%add3A_725, %get3A_103] : memref<8x2334xf32, #tpu.memory_space<vmem>>[vector<16xi32>, vector<16xi32>], vector<16xf32>,
        %gather3A_731 = tpu.vector_load_idx %arg6[%add3A_725, %get3A_107] : memref<8x2334xf32, #tpu.memory_space<vmem>>[vector<16xi32>, vector<16xi32>], vector<16xf32>,
        %gather3A_732 = tpu.vector_load_idx %arg6[%add3A_725, %get3A_111] : memref<8x2334xf32, #tpu.memory_space<vmem>>[vector<16xi32>, vector<16xi32>], vector<16xf32>,
        %gather3A_733 = tpu.vector_load_idx %arg6[%add3A_725, %get3A_115] : memref<8x2334xf32, #tpu.memory_space<vmem>>[vector<16xi32>, vector<16xi32>], vector<16xf32>,
        %gather3A_734 = tpu.vector_load_idx %arg6[%add3A_725, %get3A_119] : memref<8x2334xf32, #tpu.memory_space<vmem>>[vector<16xi32>, vector<16xi32>], vector<16xf32>,
        %sub3A_735 = arith.subf %gather3A_726, %gather3A_729 : vector<16xf32>
        %sub3A_736 = arith.subf %gather3A_727, %gather3A_730 : vector<16xf32>
        %sub3A_737 = arith.subf %gather3A_728, %gather3A_731 : vector<16xf32>
        %mul3A_738 = arith.mulf %sub3A_735, %sub3A_735 : vector<16xf32>
        %mul3A_739 = arith.mulf %sub3A_736, %sub3A_736 : vector<16xf32>
        %add3A_740 = arith.addf %mul3A_738, %mul3A_739 : vector<16xf32>
        %mul3A_741 = arith.mulf %sub3A_737, %sub3A_737 : vector<16xf32>
        %add3A_742 = arith.addf %add3A_740, %mul3A_741 : vector<16xf32>
        %max3A_743 = arith.constant 9.99999993E-9 : f32
        %max3A_744 = vector.broadcast %max3A_743 : f32 to vector<16xf32>
        %max3A_745 = arith.maximumf %add3A_742, %max3A_744 : vector<16xf32>
        %bitcast_convert_type3A_746 = tpu.bitcast %max3A_745 : vector<16xf32> -> vector<16xi32>
        %shift_right_logical3A_747 = arith.constant 1 : i32
        %shift_right_logical3A_748 = vector.broadcast %shift_right_logical3A_747 : i32 to vector<16xi32>
        %shift_right_logical3A_749 = arith.shrui %bitcast_convert_type3A_746, %shift_right_logical3A_748 : vector<16xi32>
        %sub3A_750 = arith.constant 1597463007 : i32
        %sub3A_751 = vector.broadcast %sub3A_750 : i32 to vector<16xi32>
        %sub3A_752 = arith.subi %sub3A_751, %shift_right_logical3A_749 : vector<16xi32>
        %bitcast_convert_type3A_753 = tpu.bitcast %sub3A_752 : vector<16xi32> -> vector<16xf32>
        %mul3A_754 = arith.constant 5.000000e-01 : f32
        %mul3A_755 = vector.broadcast %mul3A_754 : f32 to vector<16xf32>
        %mul3A_756 = arith.mulf %max3A_745, %mul3A_755 : vector<16xf32>
        %mul3A_757 = arith.mulf %mul3A_756, %bitcast_convert_type3A_753 : vector<16xf32>
        %mul3A_758 = arith.mulf %mul3A_757, %bitcast_convert_type3A_753 : vector<16xf32>
        %sub3A_759 = arith.constant 1.500000e+00 : f32
        %sub3A_760 = vector.broadcast %sub3A_759 : f32 to vector<16xf32>
        %sub3A_761 = arith.subf %sub3A_760, %mul3A_758 : vector<16xf32>
        %mul3A_762 = arith.mulf %bitcast_convert_type3A_753, %sub3A_761 : vector<16xf32>
        %mul3A_763 = arith.mulf %max3A_745, %mul3A_762 : vector<16xf32>
        %sub3A_764 = arith.subf %gather3A_726, %gather3A_732 : vector<16xf32>
        %sub3A_765 = arith.subf %gather3A_727, %gather3A_733 : vector<16xf32>
        %sub3A_766 = arith.subf %gather3A_728, %gather3A_734 : vector<16xf32>
        %mul3A_767 = arith.mulf %sub3A_764, %sub3A_764 : vector<16xf32>
        %mul3A_768 = arith.mulf %sub3A_765, %sub3A_765 : vector<16xf32>
        %add3A_769 = arith.addf %mul3A_767, %mul3A_768 : vector<16xf32>
        %mul3A_770 = arith.mulf %sub3A_766, %sub3A_766 : vector<16xf32>
        %add3A_771 = arith.addf %add3A_769, %mul3A_770 : vector<16xf32>
        %max3A_772 = arith.constant 9.99999993E-9 : f32
        %max3A_773 = vector.broadcast %max3A_772 : f32 to vector<16xf32>
        %max3A_774 = arith.maximumf %add3A_771, %max3A_773 : vector<16xf32>
        %bitcast_convert_type3A_775 = tpu.bitcast %max3A_774 : vector<16xf32> -> vector<16xi32>
        %shift_right_logical3A_776 = arith.constant 1 : i32
        %shift_right_logical3A_777 = vector.broadcast %shift_right_logical3A_776 : i32 to vector<16xi32>
        %shift_right_logical3A_778 = arith.shrui %bitcast_convert_type3A_775, %shift_right_logical3A_777 : vector<16xi32>
        %sub3A_779 = arith.constant 1597463007 : i32
        %sub3A_780 = vector.broadcast %sub3A_779 : i32 to vector<16xi32>
        %sub3A_781 = arith.subi %sub3A_780, %shift_right_logical3A_778 : vector<16xi32>
        %bitcast_convert_type3A_782 = tpu.bitcast %sub3A_781 : vector<16xi32> -> vector<16xf32>
        %mul3A_783 = arith.constant 5.000000e-01 : f32
        %mul3A_784 = vector.broadcast %mul3A_783 : f32 to vector<16xf32>
        %mul3A_785 = arith.mulf %max3A_774, %mul3A_784 : vector<16xf32>
        %mul3A_786 = arith.mulf %mul3A_785, %bitcast_convert_type3A_782 : vector<16xf32>
        %mul3A_787 = arith.mulf %mul3A_786, %bitcast_convert_type3A_782 : vector<16xf32>
        %sub3A_788 = arith.constant 1.500000e+00 : f32
        %sub3A_789 = vector.broadcast %sub3A_788 : f32 to vector<16xf32>
        %sub3A_790 = arith.subf %sub3A_789, %mul3A_787 : vector<16xf32>
        %mul3A_791 = arith.mulf %bitcast_convert_type3A_782, %sub3A_790 : vector<16xf32>
        %mul3A_792 = arith.mulf %max3A_774, %mul3A_791 : vector<16xf32>
        %sub3A_793 = arith.subf %gather3A_729, %gather3A_732 : vector<16xf32>
        %sub3A_794 = arith.subf %gather3A_730, %gather3A_733 : vector<16xf32>
        %sub3A_795 = arith.subf %gather3A_731, %gather3A_734 : vector<16xf32>
        %mul3A_796 = arith.mulf %sub3A_793, %sub3A_793 : vector<16xf32>
        %mul3A_797 = arith.mulf %sub3A_794, %sub3A_794 : vector<16xf32>
        %add3A_798 = arith.addf %mul3A_796, %mul3A_797 : vector<16xf32>
        %mul3A_799 = arith.mulf %sub3A_795, %sub3A_795 : vector<16xf32>
        %add3A_800 = arith.addf %add3A_798, %mul3A_799 : vector<16xf32>
        %max3A_801 = arith.constant 9.99999993E-9 : f32
        %max3A_802 = vector.broadcast %max3A_801 : f32 to vector<16xf32>
        %max3A_803 = arith.maximumf %add3A_800, %max3A_802 : vector<16xf32>
        %bitcast_convert_type3A_804 = tpu.bitcast %max3A_803 : vector<16xf32> -> vector<16xi32>
        %shift_right_logical3A_805 = arith.constant 1 : i32
        %shift_right_logical3A_806 = vector.broadcast %shift_right_logical3A_805 : i32 to vector<16xi32>
        %shift_right_logical3A_807 = arith.shrui %bitcast_convert_type3A_804, %shift_right_logical3A_806 : vector<16xi32>
        %sub3A_808 = arith.constant 1597463007 : i32
        %sub3A_809 = vector.broadcast %sub3A_808 : i32 to vector<16xi32>
        %sub3A_810 = arith.subi %sub3A_809, %shift_right_logical3A_807 : vector<16xi32>
        %bitcast_convert_type3A_811 = tpu.bitcast %sub3A_810 : vector<16xi32> -> vector<16xf32>
        %mul3A_812 = arith.constant 5.000000e-01 : f32
        %mul3A_813 = vector.broadcast %mul3A_812 : f32 to vector<16xf32>
        %mul3A_814 = arith.mulf %max3A_803, %mul3A_813 : vector<16xf32>
        %mul3A_815 = arith.mulf %mul3A_814, %bitcast_convert_type3A_811 : vector<16xf32>
        %mul3A_816 = arith.mulf %mul3A_815, %bitcast_convert_type3A_811 : vector<16xf32>
        %sub3A_817 = arith.constant 1.500000e+00 : f32
        %sub3A_818 = vector.broadcast %sub3A_817 : f32 to vector<16xf32>
        %sub3A_819 = arith.subf %sub3A_818, %mul3A_816 : vector<16xf32>
        %mul3A_820 = arith.mulf %bitcast_convert_type3A_811, %sub3A_819 : vector<16xf32>
        %mul3A_821 = arith.mulf %max3A_803, %mul3A_820 : vector<16xf32>
        %gather3A_822 = tpu.vector_load_idx %arg7[%add3A_725, %get3A_87] : memref<8x2334xf32, #tpu.memory_space<vmem>>[vector<16xi32>, vector<16xi32>], vector<16xf32>,
        %gather3A_823 = tpu.vector_load_idx %arg7[%add3A_725, %get3A_91] : memref<8x2334xf32, #tpu.memory_space<vmem>>[vector<16xi32>, vector<16xi32>], vector<16xf32>,
        %gather3A_824 = tpu.vector_load_idx %arg7[%add3A_725, %get3A_95] : memref<8x2334xf32, #tpu.memory_space<vmem>>[vector<16xi32>, vector<16xi32>], vector<16xf32>,
        %gather3A_825 = tpu.vector_load_idx %arg7[%add3A_725, %get3A_99] : memref<8x2334xf32, #tpu.memory_space<vmem>>[vector<16xi32>, vector<16xi32>], vector<16xf32>,
        %gather3A_826 = tpu.vector_load_idx %arg7[%add3A_725, %get3A_103] : memref<8x2334xf32, #tpu.memory_space<vmem>>[vector<16xi32>, vector<16xi32>], vector<16xf32>,
        %gather3A_827 = tpu.vector_load_idx %arg7[%add3A_725, %get3A_107] : memref<8x2334xf32, #tpu.memory_space<vmem>>[vector<16xi32>, vector<16xi32>], vector<16xf32>,
        %gather3A_828 = tpu.vector_load_idx %arg7[%add3A_725, %get3A_111] : memref<8x2334xf32, #tpu.memory_space<vmem>>[vector<16xi32>, vector<16xi32>], vector<16xf32>,
        %gather3A_829 = tpu.vector_load_idx %arg7[%add3A_725, %get3A_115] : memref<8x2334xf32, #tpu.memory_space<vmem>>[vector<16xi32>, vector<16xi32>], vector<16xf32>,
        %gather3A_830 = tpu.vector_load_idx %arg7[%add3A_725, %get3A_119] : memref<8x2334xf32, #tpu.memory_space<vmem>>[vector<16xi32>, vector<16xi32>], vector<16xf32>,
        %sub3A_831 = arith.subf %gather3A_822, %gather3A_825 : vector<16xf32>
        %sub3A_832 = arith.subf %gather3A_823, %gather3A_826 : vector<16xf32>
        %sub3A_833 = arith.subf %gather3A_824, %gather3A_827 : vector<16xf32>
        %mul3A_834 = arith.mulf %sub3A_831, %sub3A_831 : vector<16xf32>
        %mul3A_835 = arith.mulf %sub3A_832, %sub3A_832 : vector<16xf32>
        %add3A_836 = arith.addf %mul3A_834, %mul3A_835 : vector<16xf32>
        %mul3A_837 = arith.mulf %sub3A_833, %sub3A_833 : vector<16xf32>
        %add3A_838 = arith.addf %add3A_836, %mul3A_837 : vector<16xf32>
        %max3A_839 = arith.constant 9.99999993E-9 : f32
        %max3A_840 = vector.broadcast %max3A_839 : f32 to vector<16xf32>
        %max3A_841 = arith.maximumf %add3A_838, %max3A_840 : vector<16xf32>
        %bitcast_convert_type3A_842 = tpu.bitcast %max3A_841 : vector<16xf32> -> vector<16xi32>
        %shift_right_logical3A_843 = arith.constant 1 : i32
        %shift_right_logical3A_844 = vector.broadcast %shift_right_logical3A_843 : i32 to vector<16xi32>
        %shift_right_logical3A_845 = arith.shrui %bitcast_convert_type3A_842, %shift_right_logical3A_844 : vector<16xi32>
        %sub3A_846 = arith.constant 1597463007 : i32
        %sub3A_847 = vector.broadcast %sub3A_846 : i32 to vector<16xi32>
        %sub3A_848 = arith.subi %sub3A_847, %shift_right_logical3A_845 : vector<16xi32>
        %bitcast_convert_type3A_849 = tpu.bitcast %sub3A_848 : vector<16xi32> -> vector<16xf32>
        %mul3A_850 = arith.constant 5.000000e-01 : f32
        %mul3A_851 = vector.broadcast %mul3A_850 : f32 to vector<16xf32>
        %mul3A_852 = arith.mulf %max3A_841, %mul3A_851 : vector<16xf32>
        %mul3A_853 = arith.mulf %mul3A_852, %bitcast_convert_type3A_849 : vector<16xf32>
        %mul3A_854 = arith.mulf %mul3A_853, %bitcast_convert_type3A_849 : vector<16xf32>
        %sub3A_855 = arith.constant 1.500000e+00 : f32
        %sub3A_856 = vector.broadcast %sub3A_855 : f32 to vector<16xf32>
        %sub3A_857 = arith.subf %sub3A_856, %mul3A_854 : vector<16xf32>
        %mul3A_858 = arith.mulf %bitcast_convert_type3A_849, %sub3A_857 : vector<16xf32>
        %mul3A_859 = arith.mulf %max3A_841, %mul3A_858 : vector<16xf32>
        %sub3A_860 = arith.subf %gather3A_822, %gather3A_828 : vector<16xf32>
        %sub3A_861 = arith.subf %gather3A_823, %gather3A_829 : vector<16xf32>
        %sub3A_862 = arith.subf %gather3A_824, %gather3A_830 : vector<16xf32>
        %mul3A_863 = arith.mulf %sub3A_860, %sub3A_860 : vector<16xf32>
        %mul3A_864 = arith.mulf %sub3A_861, %sub3A_861 : vector<16xf32>
        %add3A_865 = arith.addf %mul3A_863, %mul3A_864 : vector<16xf32>
        %mul3A_866 = arith.mulf %sub3A_862, %sub3A_862 : vector<16xf32>
        %add3A_867 = arith.addf %add3A_865, %mul3A_866 : vector<16xf32>
        %max3A_868 = arith.constant 9.99999993E-9 : f32
        %max3A_869 = vector.broadcast %max3A_868 : f32 to vector<16xf32>
        %max3A_870 = arith.maximumf %add3A_867, %max3A_869 : vector<16xf32>
        %bitcast_convert_type3A_871 = tpu.bitcast %max3A_870 : vector<16xf32> -> vector<16xi32>
        %shift_right_logical3A_872 = arith.constant 1 : i32
        %shift_right_logical3A_873 = vector.broadcast %shift_right_logical3A_872 : i32 to vector<16xi32>
        %shift_right_logical3A_874 = arith.shrui %bitcast_convert_type3A_871, %shift_right_logical3A_873 : vector<16xi32>
        %sub3A_875 = arith.constant 1597463007 : i32
        %sub3A_876 = vector.broadcast %sub3A_875 : i32 to vector<16xi32>
        %sub3A_877 = arith.subi %sub3A_876, %shift_right_logical3A_874 : vector<16xi32>
        %bitcast_convert_type3A_878 = tpu.bitcast %sub3A_877 : vector<16xi32> -> vector<16xf32>
        %mul3A_879 = arith.constant 5.000000e-01 : f32
        %mul3A_880 = vector.broadcast %mul3A_879 : f32 to vector<16xf32>
        %mul3A_881 = arith.mulf %max3A_870, %mul3A_880 : vector<16xf32>
        %mul3A_882 = arith.mulf %mul3A_881, %bitcast_convert_type3A_878 : vector<16xf32>
        %mul3A_883 = arith.mulf %mul3A_882, %bitcast_convert_type3A_878 : vector<16xf32>
        %sub3A_884 = arith.constant 1.500000e+00 : f32
        %sub3A_885 = vector.broadcast %sub3A_884 : f32 to vector<16xf32>
        %sub3A_886 = arith.subf %sub3A_885, %mul3A_883 : vector<16xf32>
        %mul3A_887 = arith.mulf %bitcast_convert_type3A_878, %sub3A_886 : vector<16xf32>
        %mul3A_888 = arith.mulf %max3A_870, %mul3A_887 : vector<16xf32>
        %sub3A_889 = arith.subf %gather3A_825, %gather3A_828 : vector<16xf32>
        %sub3A_890 = arith.subf %gather3A_826, %gather3A_829 : vector<16xf32>
        %sub3A_891 = arith.subf %gather3A_827, %gather3A_830 : vector<16xf32>
        %mul3A_892 = arith.mulf %sub3A_889, %sub3A_889 : vector<16xf32>
        %mul3A_893 = arith.mulf %sub3A_890, %sub3A_890 : vector<16xf32>
        %add3A_894 = arith.addf %mul3A_892, %mul3A_893 : vector<16xf32>
        %mul3A_895 = arith.mulf %sub3A_891, %sub3A_891 : vector<16xf32>
        %add3A_896 = arith.addf %add3A_894, %mul3A_895 : vector<16xf32>
        %max3A_897 = arith.constant 9.99999993E-9 : f32
        %max3A_898 = vector.broadcast %max3A_897 : f32 to vector<16xf32>
        %max3A_899 = arith.maximumf %add3A_896, %max3A_898 : vector<16xf32>
        %bitcast_convert_type3A_900 = tpu.bitcast %max3A_899 : vector<16xf32> -> vector<16xi32>
        %shift_right_logical3A_901 = arith.constant 1 : i32
        %shift_right_logical3A_902 = vector.broadcast %shift_right_logical3A_901 : i32 to vector<16xi32>
        %shift_right_logical3A_903 = arith.shrui %bitcast_convert_type3A_900, %shift_right_logical3A_902 : vector<16xi32>
        %sub3A_904 = arith.constant 1597463007 : i32
        %sub3A_905 = vector.broadcast %sub3A_904 : i32 to vector<16xi32>
        %sub3A_906 = arith.subi %sub3A_905, %shift_right_logical3A_903 : vector<16xi32>
        %bitcast_convert_type3A_907 = tpu.bitcast %sub3A_906 : vector<16xi32> -> vector<16xf32>
        %mul3A_908 = arith.constant 5.000000e-01 : f32
        %mul3A_909 = vector.broadcast %mul3A_908 : f32 to vector<16xf32>
        %mul3A_910 = arith.mulf %max3A_899, %mul3A_909 : vector<16xf32>
        %mul3A_911 = arith.mulf %mul3A_910, %bitcast_convert_type3A_907 : vector<16xf32>
        %mul3A_912 = arith.mulf %mul3A_911, %bitcast_convert_type3A_907 : vector<16xf32>
        %sub3A_913 = arith.constant 1.500000e+00 : f32
        %sub3A_914 = vector.broadcast %sub3A_913 : f32 to vector<16xf32>
        %sub3A_915 = arith.subf %sub3A_914, %mul3A_912 : vector<16xf32>
        %mul3A_916 = arith.mulf %bitcast_convert_type3A_907, %sub3A_915 : vector<16xf32>
        %mul3A_917 = arith.mulf %max3A_899, %mul3A_916 : vector<16xf32>
        %sub3A_918 = arith.subf %mul3A_763, %mul3A_859 : vector<16xf32>
        %abs3A_919 = math.absf %sub3A_918 : vector<16xf32>
        %sub3A_920 = arith.subf %mul3A_792, %mul3A_888 : vector<16xf32>
        %abs3A_921 = math.absf %sub3A_920 : vector<16xf32>
        %add3A_922 = arith.addf %abs3A_919, %abs3A_921 : vector<16xf32>
        %sub3A_923 = arith.subf %mul3A_821, %mul3A_917 : vector<16xf32>
        %abs3A_924 = math.absf %sub3A_923 : vector<16xf32>
        %add3A_925 = arith.addf %add3A_922, %abs3A_924 : vector<16xf32>
        %add3A_926 = arith.constant 4 : i32
        %add3A_927 = vector.broadcast %add3A_926 : i32 to vector<16xi32>
        %add3A_928 = arith.addi %broadcast_in_dim3A_1, %add3A_927 : vector<16xi32>
        %gather3A_929 = tpu.vector_load_idx %arg6[%add3A_928, %get3A_87] : memref<8x2334xf32, #tpu.memory_space<vmem>>[vector<16xi32>, vector<16xi32>], vector<16xf32>,
        %gather3A_930 = tpu.vector_load_idx %arg6[%add3A_928, %get3A_91] : memref<8x2334xf32, #tpu.memory_space<vmem>>[vector<16xi32>, vector<16xi32>], vector<16xf32>,
        %gather3A_931 = tpu.vector_load_idx %arg6[%add3A_928, %get3A_95] : memref<8x2334xf32, #tpu.memory_space<vmem>>[vector<16xi32>, vector<16xi32>], vector<16xf32>,
        %gather3A_932 = tpu.vector_load_idx %arg6[%add3A_928, %get3A_99] : memref<8x2334xf32, #tpu.memory_space<vmem>>[vector<16xi32>, vector<16xi32>], vector<16xf32>,
        %gather3A_933 = tpu.vector_load_idx %arg6[%add3A_928, %get3A_103] : memref<8x2334xf32, #tpu.memory_space<vmem>>[vector<16xi32>, vector<16xi32>], vector<16xf32>,
        %gather3A_934 = tpu.vector_load_idx %arg6[%add3A_928, %get3A_107] : memref<8x2334xf32, #tpu.memory_space<vmem>>[vector<16xi32>, vector<16xi32>], vector<16xf32>,
        %gather3A_935 = tpu.vector_load_idx %arg6[%add3A_928, %get3A_111] : memref<8x2334xf32, #tpu.memory_space<vmem>>[vector<16xi32>, vector<16xi32>], vector<16xf32>,
        %gather3A_936 = tpu.vector_load_idx %arg6[%add3A_928, %get3A_115] : memref<8x2334xf32, #tpu.memory_space<vmem>>[vector<16xi32>, vector<16xi32>], vector<16xf32>,
        %gather3A_937 = tpu.vector_load_idx %arg6[%add3A_928, %get3A_119] : memref<8x2334xf32, #tpu.memory_space<vmem>>[vector<16xi32>, vector<16xi32>], vector<16xf32>,
        %sub3A_938 = arith.subf %gather3A_929, %gather3A_932 : vector<16xf32>
        %sub3A_939 = arith.subf %gather3A_930, %gather3A_933 : vector<16xf32>
        %sub3A_940 = arith.subf %gather3A_931, %gather3A_934 : vector<16xf32>
        %mul3A_941 = arith.mulf %sub3A_938, %sub3A_938 : vector<16xf32>
        %mul3A_942 = arith.mulf %sub3A_939, %sub3A_939 : vector<16xf32>
        %add3A_943 = arith.addf %mul3A_941, %mul3A_942 : vector<16xf32>
        %mul3A_944 = arith.mulf %sub3A_940, %sub3A_940 : vector<16xf32>
        %add3A_945 = arith.addf %add3A_943, %mul3A_944 : vector<16xf32>
        %max3A_946 = arith.constant 9.99999993E-9 : f32
        %max3A_947 = vector.broadcast %max3A_946 : f32 to vector<16xf32>
        %max3A_948 = arith.maximumf %add3A_945, %max3A_947 : vector<16xf32>
        %bitcast_convert_type3A_949 = tpu.bitcast %max3A_948 : vector<16xf32> -> vector<16xi32>
        %shift_right_logical3A_950 = arith.constant 1 : i32
        %shift_right_logical3A_951 = vector.broadcast %shift_right_logical3A_950 : i32 to vector<16xi32>
        %shift_right_logical3A_952 = arith.shrui %bitcast_convert_type3A_949, %shift_right_logical3A_951 : vector<16xi32>
        %sub3A_953 = arith.constant 1597463007 : i32
        %sub3A_954 = vector.broadcast %sub3A_953 : i32 to vector<16xi32>
        %sub3A_955 = arith.subi %sub3A_954, %shift_right_logical3A_952 : vector<16xi32>
        %bitcast_convert_type3A_956 = tpu.bitcast %sub3A_955 : vector<16xi32> -> vector<16xf32>
        %mul3A_957 = arith.constant 5.000000e-01 : f32
        %mul3A_958 = vector.broadcast %mul3A_957 : f32 to vector<16xf32>
        %mul3A_959 = arith.mulf %max3A_948, %mul3A_958 : vector<16xf32>
        %mul3A_960 = arith.mulf %mul3A_959, %bitcast_convert_type3A_956 : vector<16xf32>
        %mul3A_961 = arith.mulf %mul3A_960, %bitcast_convert_type3A_956 : vector<16xf32>
        %sub3A_962 = arith.constant 1.500000e+00 : f32
        %sub3A_963 = vector.broadcast %sub3A_962 : f32 to vector<16xf32>
        %sub3A_964 = arith.subf %sub3A_963, %mul3A_961 : vector<16xf32>
        %mul3A_965 = arith.mulf %bitcast_convert_type3A_956, %sub3A_964 : vector<16xf32>
        %mul3A_966 = arith.mulf %max3A_948, %mul3A_965 : vector<16xf32>
        %sub3A_967 = arith.subf %gather3A_929, %gather3A_935 : vector<16xf32>
        %sub3A_968 = arith.subf %gather3A_930, %gather3A_936 : vector<16xf32>
        %sub3A_969 = arith.subf %gather3A_931, %gather3A_937 : vector<16xf32>
        %mul3A_970 = arith.mulf %sub3A_967, %sub3A_967 : vector<16xf32>
        %mul3A_971 = arith.mulf %sub3A_968, %sub3A_968 : vector<16xf32>
        %add3A_972 = arith.addf %mul3A_970, %mul3A_971 : vector<16xf32>
        %mul3A_973 = arith.mulf %sub3A_969, %sub3A_969 : vector<16xf32>
        %add3A_974 = arith.addf %add3A_972, %mul3A_973 : vector<16xf32>
        %max3A_975 = arith.constant 9.99999993E-9 : f32
        %max3A_976 = vector.broadcast %max3A_975 : f32 to vector<16xf32>
        %max3A_977 = arith.maximumf %add3A_974, %max3A_976 : vector<16xf32>
        %bitcast_convert_type3A_978 = tpu.bitcast %max3A_977 : vector<16xf32> -> vector<16xi32>
        %shift_right_logical3A_979 = arith.constant 1 : i32
        %shift_right_logical3A_980 = vector.broadcast %shift_right_logical3A_979 : i32 to vector<16xi32>
        %shift_right_logical3A_981 = arith.shrui %bitcast_convert_type3A_978, %shift_right_logical3A_980 : vector<16xi32>
        %sub3A_982 = arith.constant 1597463007 : i32
        %sub3A_983 = vector.broadcast %sub3A_982 : i32 to vector<16xi32>
        %sub3A_984 = arith.subi %sub3A_983, %shift_right_logical3A_981 : vector<16xi32>
        %bitcast_convert_type3A_985 = tpu.bitcast %sub3A_984 : vector<16xi32> -> vector<16xf32>
        %mul3A_986 = arith.constant 5.000000e-01 : f32
        %mul3A_987 = vector.broadcast %mul3A_986 : f32 to vector<16xf32>
        %mul3A_988 = arith.mulf %max3A_977, %mul3A_987 : vector<16xf32>
        %mul3A_989 = arith.mulf %mul3A_988, %bitcast_convert_type3A_985 : vector<16xf32>
        %mul3A_990 = arith.mulf %mul3A_989, %bitcast_convert_type3A_985 : vector<16xf32>
        %sub3A_991 = arith.constant 1.500000e+00 : f32
        %sub3A_992 = vector.broadcast %sub3A_991 : f32 to vector<16xf32>
        %sub3A_993 = arith.subf %sub3A_992, %mul3A_990 : vector<16xf32>
        %mul3A_994 = arith.mulf %bitcast_convert_type3A_985, %sub3A_993 : vector<16xf32>
        %mul3A_995 = arith.mulf %max3A_977, %mul3A_994 : vector<16xf32>
        %sub3A_996 = arith.subf %gather3A_932, %gather3A_935 : vector<16xf32>
        %sub3A_997 = arith.subf %gather3A_933, %gather3A_936 : vector<16xf32>
        %sub3A_998 = arith.subf %gather3A_934, %gather3A_937 : vector<16xf32>
        %mul3A_999 = arith.mulf %sub3A_996, %sub3A_996 : vector<16xf32>
        %mul3A_1000 = arith.mulf %sub3A_997, %sub3A_997 : vector<16xf32>
        %add3A_1001 = arith.addf %mul3A_999, %mul3A_1000 : vector<16xf32>
        %mul3A_1002 = arith.mulf %sub3A_998, %sub3A_998 : vector<16xf32>
        %add3A_1003 = arith.addf %add3A_1001, %mul3A_1002 : vector<16xf32>
        %max3A_1004 = arith.constant 9.99999993E-9 : f32
        %max3A_1005 = vector.broadcast %max3A_1004 : f32 to vector<16xf32>
        %max3A_1006 = arith.maximumf %add3A_1003, %max3A_1005 : vector<16xf32>
        %bitcast_convert_type3A_1007 = tpu.bitcast %max3A_1006 : vector<16xf32> -> vector<16xi32>
        %shift_right_logical3A_1008 = arith.constant 1 : i32
        %shift_right_logical3A_1009 = vector.broadcast %shift_right_logical3A_1008 : i32 to vector<16xi32>
        %shift_right_logical3A_1010 = arith.shrui %bitcast_convert_type3A_1007, %shift_right_logical3A_1009 : vector<16xi32>
        %sub3A_1011 = arith.constant 1597463007 : i32
        %sub3A_1012 = vector.broadcast %sub3A_1011 : i32 to vector<16xi32>
        %sub3A_1013 = arith.subi %sub3A_1012, %shift_right_logical3A_1010 : vector<16xi32>
        %bitcast_convert_type3A_1014 = tpu.bitcast %sub3A_1013 : vector<16xi32> -> vector<16xf32>
        %mul3A_1015 = arith.constant 5.000000e-01 : f32
        %mul3A_1016 = vector.broadcast %mul3A_1015 : f32 to vector<16xf32>
        %mul3A_1017 = arith.mulf %max3A_1006, %mul3A_1016 : vector<16xf32>
        %mul3A_1018 = arith.mulf %mul3A_1017, %bitcast_convert_type3A_1014 : vector<16xf32>
        %mul3A_1019 = arith.mulf %mul3A_1018, %bitcast_convert_type3A_1014 : vector<16xf32>
        %sub3A_1020 = arith.constant 1.500000e+00 : f32
        %sub3A_1021 = vector.broadcast %sub3A_1020 : f32 to vector<16xf32>
        %sub3A_1022 = arith.subf %sub3A_1021, %mul3A_1019 : vector<16xf32>
        %mul3A_1023 = arith.mulf %bitcast_convert_type3A_1014, %sub3A_1022 : vector<16xf32>
        %mul3A_1024 = arith.mulf %max3A_1006, %mul3A_1023 : vector<16xf32>
        %gather3A_1025 = tpu.vector_load_idx %arg7[%add3A_928, %get3A_87] : memref<8x2334xf32, #tpu.memory_space<vmem>>[vector<16xi32>, vector<16xi32>], vector<16xf32>,
        %gather3A_1026 = tpu.vector_load_idx %arg7[%add3A_928, %get3A_91] : memref<8x2334xf32, #tpu.memory_space<vmem>>[vector<16xi32>, vector<16xi32>], vector<16xf32>,
        %gather3A_1027 = tpu.vector_load_idx %arg7[%add3A_928, %get3A_95] : memref<8x2334xf32, #tpu.memory_space<vmem>>[vector<16xi32>, vector<16xi32>], vector<16xf32>,
        %gather3A_1028 = tpu.vector_load_idx %arg7[%add3A_928, %get3A_99] : memref<8x2334xf32, #tpu.memory_space<vmem>>[vector<16xi32>, vector<16xi32>], vector<16xf32>,
        %gather3A_1029 = tpu.vector_load_idx %arg7[%add3A_928, %get3A_103] : memref<8x2334xf32, #tpu.memory_space<vmem>>[vector<16xi32>, vector<16xi32>], vector<16xf32>,
        %gather3A_1030 = tpu.vector_load_idx %arg7[%add3A_928, %get3A_107] : memref<8x2334xf32, #tpu.memory_space<vmem>>[vector<16xi32>, vector<16xi32>], vector<16xf32>,
        %gather3A_1031 = tpu.vector_load_idx %arg7[%add3A_928, %get3A_111] : memref<8x2334xf32, #tpu.memory_space<vmem>>[vector<16xi32>, vector<16xi32>], vector<16xf32>,
        %gather3A_1032 = tpu.vector_load_idx %arg7[%add3A_928, %get3A_115] : memref<8x2334xf32, #tpu.memory_space<vmem>>[vector<16xi32>, vector<16xi32>], vector<16xf32>,
        %gather3A_1033 = tpu.vector_load_idx %arg7[%add3A_928, %get3A_119] : memref<8x2334xf32, #tpu.memory_space<vmem>>[vector<16xi32>, vector<16xi32>], vector<16xf32>,
        %sub3A_1034 = arith.subf %gather3A_1025, %gather3A_1028 : vector<16xf32>
        %sub3A_1035 = arith.subf %gather3A_1026, %gather3A_1029 : vector<16xf32>
        %sub3A_1036 = arith.subf %gather3A_1027, %gather3A_1030 : vector<16xf32>
        %mul3A_1037 = arith.mulf %sub3A_1034, %sub3A_1034 : vector<16xf32>
        %mul3A_1038 = arith.mulf %sub3A_1035, %sub3A_1035 : vector<16xf32>
        %add3A_1039 = arith.addf %mul3A_1037, %mul3A_1038 : vector<16xf32>
        %mul3A_1040 = arith.mulf %sub3A_1036, %sub3A_1036 : vector<16xf32>
        %add3A_1041 = arith.addf %add3A_1039, %mul3A_1040 : vector<16xf32>
        %max3A_1042 = arith.constant 9.99999993E-9 : f32
        %max3A_1043 = vector.broadcast %max3A_1042 : f32 to vector<16xf32>
        %max3A_1044 = arith.maximumf %add3A_1041, %max3A_1043 : vector<16xf32>
        %bitcast_convert_type3A_1045 = tpu.bitcast %max3A_1044 : vector<16xf32> -> vector<16xi32>
        %shift_right_logical3A_1046 = arith.constant 1 : i32
        %shift_right_logical3A_1047 = vector.broadcast %shift_right_logical3A_1046 : i32 to vector<16xi32>
        %shift_right_logical3A_1048 = arith.shrui %bitcast_convert_type3A_1045, %shift_right_logical3A_1047 : vector<16xi32>
        %sub3A_1049 = arith.constant 1597463007 : i32
        %sub3A_1050 = vector.broadcast %sub3A_1049 : i32 to vector<16xi32>
        %sub3A_1051 = arith.subi %sub3A_1050, %shift_right_logical3A_1048 : vector<16xi32>
        %bitcast_convert_type3A_1052 = tpu.bitcast %sub3A_1051 : vector<16xi32> -> vector<16xf32>
        %mul3A_1053 = arith.constant 5.000000e-01 : f32
        %mul3A_1054 = vector.broadcast %mul3A_1053 : f32 to vector<16xf32>
        %mul3A_1055 = arith.mulf %max3A_1044, %mul3A_1054 : vector<16xf32>
        %mul3A_1056 = arith.mulf %mul3A_1055, %bitcast_convert_type3A_1052 : vector<16xf32>
        %mul3A_1057 = arith.mulf %mul3A_1056, %bitcast_convert_type3A_1052 : vector<16xf32>
        %sub3A_1058 = arith.constant 1.500000e+00 : f32
        %sub3A_1059 = vector.broadcast %sub3A_1058 : f32 to vector<16xf32>
        %sub3A_1060 = arith.subf %sub3A_1059, %mul3A_1057 : vector<16xf32>
        %mul3A_1061 = arith.mulf %bitcast_convert_type3A_1052, %sub3A_1060 : vector<16xf32>
        %mul3A_1062 = arith.mulf %max3A_1044, %mul3A_1061 : vector<16xf32>
        %sub3A_1063 = arith.subf %gather3A_1025, %gather3A_1031 : vector<16xf32>
        %sub3A_1064 = arith.subf %gather3A_1026, %gather3A_1032 : vector<16xf32>
        %sub3A_1065 = arith.subf %gather3A_1027, %gather3A_1033 : vector<16xf32>
        %mul3A_1066 = arith.mulf %sub3A_1063, %sub3A_1063 : vector<16xf32>
        %mul3A_1067 = arith.mulf %sub3A_1064, %sub3A_1064 : vector<16xf32>
        %add3A_1068 = arith.addf %mul3A_1066, %mul3A_1067 : vector<16xf32>
        %mul3A_1069 = arith.mulf %sub3A_1065, %sub3A_1065 : vector<16xf32>
        %add3A_1070 = arith.addf %add3A_1068, %mul3A_1069 : vector<16xf32>
        %max3A_1071 = arith.constant 9.99999993E-9 : f32
        %max3A_1072 = vector.broadcast %max3A_1071 : f32 to vector<16xf32>
        %max3A_1073 = arith.maximumf %add3A_1070, %max3A_1072 : vector<16xf32>
        %bitcast_convert_type3A_1074 = tpu.bitcast %max3A_1073 : vector<16xf32> -> vector<16xi32>
        %shift_right_logical3A_1075 = arith.constant 1 : i32
        %shift_right_logical3A_1076 = vector.broadcast %shift_right_logical3A_1075 : i32 to vector<16xi32>
        %shift_right_logical3A_1077 = arith.shrui %bitcast_convert_type3A_1074, %shift_right_logical3A_1076 : vector<16xi32>
        %sub3A_1078 = arith.constant 1597463007 : i32
        %sub3A_1079 = vector.broadcast %sub3A_1078 : i32 to vector<16xi32>
        %sub3A_1080 = arith.subi %sub3A_1079, %shift_right_logical3A_1077 : vector<16xi32>
        %bitcast_convert_type3A_1081 = tpu.bitcast %sub3A_1080 : vector<16xi32> -> vector<16xf32>
        %mul3A_1082 = arith.constant 5.000000e-01 : f32
        %mul3A_1083 = vector.broadcast %mul3A_1082 : f32 to vector<16xf32>
        %mul3A_1084 = arith.mulf %max3A_1073, %mul3A_1083 : vector<16xf32>
        %mul3A_1085 = arith.mulf %mul3A_1084, %bitcast_convert_type3A_1081 : vector<16xf32>
        %mul3A_1086 = arith.mulf %mul3A_1085, %bitcast_convert_type3A_1081 : vector<16xf32>
        %sub3A_1087 = arith.constant 1.500000e+00 : f32
        %sub3A_1088 = vector.broadcast %sub3A_1087 : f32 to vector<16xf32>
        %sub3A_1089 = arith.subf %sub3A_1088, %mul3A_1086 : vector<16xf32>
        %mul3A_1090 = arith.mulf %bitcast_convert_type3A_1081, %sub3A_1089 : vector<16xf32>
        %mul3A_1091 = arith.mulf %max3A_1073, %mul3A_1090 : vector<16xf32>
        %sub3A_1092 = arith.subf %gather3A_1028, %gather3A_1031 : vector<16xf32>
        %sub3A_1093 = arith.subf %gather3A_1029, %gather3A_1032 : vector<16xf32>
        %sub3A_1094 = arith.subf %gather3A_1030, %gather3A_1033 : vector<16xf32>
        %mul3A_1095 = arith.mulf %sub3A_1092, %sub3A_1092 : vector<16xf32>
        %mul3A_1096 = arith.mulf %sub3A_1093, %sub3A_1093 : vector<16xf32>
        %add3A_1097 = arith.addf %mul3A_1095, %mul3A_1096 : vector<16xf32>
        %mul3A_1098 = arith.mulf %sub3A_1094, %sub3A_1094 : vector<16xf32>
        %add3A_1099 = arith.addf %add3A_1097, %mul3A_1098 : vector<16xf32>
        %max3A_1100 = arith.constant 9.99999993E-9 : f32
        %max3A_1101 = vector.broadcast %max3A_1100 : f32 to vector<16xf32>
        %max3A_1102 = arith.maximumf %add3A_1099, %max3A_1101 : vector<16xf32>
        %bitcast_convert_type3A_1103 = tpu.bitcast %max3A_1102 : vector<16xf32> -> vector<16xi32>
        %shift_right_logical3A_1104 = arith.constant 1 : i32
        %shift_right_logical3A_1105 = vector.broadcast %shift_right_logical3A_1104 : i32 to vector<16xi32>
        %shift_right_logical3A_1106 = arith.shrui %bitcast_convert_type3A_1103, %shift_right_logical3A_1105 : vector<16xi32>
        %sub3A_1107 = arith.constant 1597463007 : i32
        %sub3A_1108 = vector.broadcast %sub3A_1107 : i32 to vector<16xi32>
        %sub3A_1109 = arith.subi %sub3A_1108, %shift_right_logical3A_1106 : vector<16xi32>
        %bitcast_convert_type3A_1110 = tpu.bitcast %sub3A_1109 : vector<16xi32> -> vector<16xf32>
        %mul3A_1111 = arith.constant 5.000000e-01 : f32
        %mul3A_1112 = vector.broadcast %mul3A_1111 : f32 to vector<16xf32>
        %mul3A_1113 = arith.mulf %max3A_1102, %mul3A_1112 : vector<16xf32>
        %mul3A_1114 = arith.mulf %mul3A_1113, %bitcast_convert_type3A_1110 : vector<16xf32>
        %mul3A_1115 = arith.mulf %mul3A_1114, %bitcast_convert_type3A_1110 : vector<16xf32>
        %sub3A_1116 = arith.constant 1.500000e+00 : f32
        %sub3A_1117 = vector.broadcast %sub3A_1116 : f32 to vector<16xf32>
        %sub3A_1118 = arith.subf %sub3A_1117, %mul3A_1115 : vector<16xf32>
        %mul3A_1119 = arith.mulf %bitcast_convert_type3A_1110, %sub3A_1118 : vector<16xf32>
        %mul3A_1120 = arith.mulf %max3A_1102, %mul3A_1119 : vector<16xf32>
        %sub3A_1121 = arith.subf %mul3A_966, %mul3A_1062 : vector<16xf32>
        %abs3A_1122 = math.absf %sub3A_1121 : vector<16xf32>
        %sub3A_1123 = arith.subf %mul3A_995, %mul3A_1091 : vector<16xf32>
        %abs3A_1124 = math.absf %sub3A_1123 : vector<16xf32>
        %add3A_1125 = arith.addf %abs3A_1122, %abs3A_1124 : vector<16xf32>
        %sub3A_1126 = arith.subf %mul3A_1024, %mul3A_1120 : vector<16xf32>
        %abs3A_1127 = math.absf %sub3A_1126 : vector<16xf32>
        %add3A_1128 = arith.addf %add3A_1125, %abs3A_1127 : vector<16xf32>
        %add3A_1129 = arith.constant 5 : i32
        %add3A_1130 = vector.broadcast %add3A_1129 : i32 to vector<16xi32>
        %add3A_1131 = arith.addi %broadcast_in_dim3A_1, %add3A_1130 : vector<16xi32>
        %gather3A_1132 = tpu.vector_load_idx %arg6[%add3A_1131, %get3A_87] : memref<8x2334xf32, #tpu.memory_space<vmem>>[vector<16xi32>, vector<16xi32>], vector<16xf32>,
        %gather3A_1133 = tpu.vector_load_idx %arg6[%add3A_1131, %get3A_91] : memref<8x2334xf32, #tpu.memory_space<vmem>>[vector<16xi32>, vector<16xi32>], vector<16xf32>,
        %gather3A_1134 = tpu.vector_load_idx %arg6[%add3A_1131, %get3A_95] : memref<8x2334xf32, #tpu.memory_space<vmem>>[vector<16xi32>, vector<16xi32>], vector<16xf32>,
        %gather3A_1135 = tpu.vector_load_idx %arg6[%add3A_1131, %get3A_99] : memref<8x2334xf32, #tpu.memory_space<vmem>>[vector<16xi32>, vector<16xi32>], vector<16xf32>,
        %gather3A_1136 = tpu.vector_load_idx %arg6[%add3A_1131, %get3A_103] : memref<8x2334xf32, #tpu.memory_space<vmem>>[vector<16xi32>, vector<16xi32>], vector<16xf32>,
        %gather3A_1137 = tpu.vector_load_idx %arg6[%add3A_1131, %get3A_107] : memref<8x2334xf32, #tpu.memory_space<vmem>>[vector<16xi32>, vector<16xi32>], vector<16xf32>,
        %gather3A_1138 = tpu.vector_load_idx %arg6[%add3A_1131, %get3A_111] : memref<8x2334xf32, #tpu.memory_space<vmem>>[vector<16xi32>, vector<16xi32>], vector<16xf32>,
        %gather3A_1139 = tpu.vector_load_idx %arg6[%add3A_1131, %get3A_115] : memref<8x2334xf32, #tpu.memory_space<vmem>>[vector<16xi32>, vector<16xi32>], vector<16xf32>,
        %gather3A_1140 = tpu.vector_load_idx %arg6[%add3A_1131, %get3A_119] : memref<8x2334xf32, #tpu.memory_space<vmem>>[vector<16xi32>, vector<16xi32>], vector<16xf32>,
        %sub3A_1141 = arith.subf %gather3A_1132, %gather3A_1135 : vector<16xf32>
        %sub3A_1142 = arith.subf %gather3A_1133, %gather3A_1136 : vector<16xf32>
        %sub3A_1143 = arith.subf %gather3A_1134, %gather3A_1137 : vector<16xf32>
        %mul3A_1144 = arith.mulf %sub3A_1141, %sub3A_1141 : vector<16xf32>
        %mul3A_1145 = arith.mulf %sub3A_1142, %sub3A_1142 : vector<16xf32>
        %add3A_1146 = arith.addf %mul3A_1144, %mul3A_1145 : vector<16xf32>
        %mul3A_1147 = arith.mulf %sub3A_1143, %sub3A_1143 : vector<16xf32>
        %add3A_1148 = arith.addf %add3A_1146, %mul3A_1147 : vector<16xf32>
        %max3A_1149 = arith.constant 9.99999993E-9 : f32
        %max3A_1150 = vector.broadcast %max3A_1149 : f32 to vector<16xf32>
        %max3A_1151 = arith.maximumf %add3A_1148, %max3A_1150 : vector<16xf32>
        %bitcast_convert_type3A_1152 = tpu.bitcast %max3A_1151 : vector<16xf32> -> vector<16xi32>
        %shift_right_logical3A_1153 = arith.constant 1 : i32
        %shift_right_logical3A_1154 = vector.broadcast %shift_right_logical3A_1153 : i32 to vector<16xi32>
        %shift_right_logical3A_1155 = arith.shrui %bitcast_convert_type3A_1152, %shift_right_logical3A_1154 : vector<16xi32>
        %sub3A_1156 = arith.constant 1597463007 : i32
        %sub3A_1157 = vector.broadcast %sub3A_1156 : i32 to vector<16xi32>
        %sub3A_1158 = arith.subi %sub3A_1157, %shift_right_logical3A_1155 : vector<16xi32>
        %bitcast_convert_type3A_1159 = tpu.bitcast %sub3A_1158 : vector<16xi32> -> vector<16xf32>
        %mul3A_1160 = arith.constant 5.000000e-01 : f32
        %mul3A_1161 = vector.broadcast %mul3A_1160 : f32 to vector<16xf32>
        %mul3A_1162 = arith.mulf %max3A_1151, %mul3A_1161 : vector<16xf32>
        %mul3A_1163 = arith.mulf %mul3A_1162, %bitcast_convert_type3A_1159 : vector<16xf32>
        %mul3A_1164 = arith.mulf %mul3A_1163, %bitcast_convert_type3A_1159 : vector<16xf32>
        %sub3A_1165 = arith.constant 1.500000e+00 : f32
        %sub3A_1166 = vector.broadcast %sub3A_1165 : f32 to vector<16xf32>
        %sub3A_1167 = arith.subf %sub3A_1166, %mul3A_1164 : vector<16xf32>
        %mul3A_1168 = arith.mulf %bitcast_convert_type3A_1159, %sub3A_1167 : vector<16xf32>
        %mul3A_1169 = arith.mulf %max3A_1151, %mul3A_1168 : vector<16xf32>
        %sub3A_1170 = arith.subf %gather3A_1132, %gather3A_1138 : vector<16xf32>
        %sub3A_1171 = arith.subf %gather3A_1133, %gather3A_1139 : vector<16xf32>
        %sub3A_1172 = arith.subf %gather3A_1134, %gather3A_1140 : vector<16xf32>
        %mul3A_1173 = arith.mulf %sub3A_1170, %sub3A_1170 : vector<16xf32>
        %mul3A_1174 = arith.mulf %sub3A_1171, %sub3A_1171 : vector<16xf32>
        %add3A_1175 = arith.addf %mul3A_1173, %mul3A_1174 : vector<16xf32>
        %mul3A_1176 = arith.mulf %sub3A_1172, %sub3A_1172 : vector<16xf32>
        %add3A_1177 = arith.addf %add3A_1175, %mul3A_1176 : vector<16xf32>
        %max3A_1178 = arith.constant 9.99999993E-9 : f32
        %max3A_1179 = vector.broadcast %max3A_1178 : f32 to vector<16xf32>
        %max3A_1180 = arith.maximumf %add3A_1177, %max3A_1179 : vector<16xf32>
        %bitcast_convert_type3A_1181 = tpu.bitcast %max3A_1180 : vector<16xf32> -> vector<16xi32>
        %shift_right_logical3A_1182 = arith.constant 1 : i32
        %shift_right_logical3A_1183 = vector.broadcast %shift_right_logical3A_1182 : i32 to vector<16xi32>
        %shift_right_logical3A_1184 = arith.shrui %bitcast_convert_type3A_1181, %shift_right_logical3A_1183 : vector<16xi32>
        %sub3A_1185 = arith.constant 1597463007 : i32
        %sub3A_1186 = vector.broadcast %sub3A_1185 : i32 to vector<16xi32>
        %sub3A_1187 = arith.subi %sub3A_1186, %shift_right_logical3A_1184 : vector<16xi32>
        %bitcast_convert_type3A_1188 = tpu.bitcast %sub3A_1187 : vector<16xi32> -> vector<16xf32>
        %mul3A_1189 = arith.constant 5.000000e-01 : f32
        %mul3A_1190 = vector.broadcast %mul3A_1189 : f32 to vector<16xf32>
        %mul3A_1191 = arith.mulf %max3A_1180, %mul3A_1190 : vector<16xf32>
        %mul3A_1192 = arith.mulf %mul3A_1191, %bitcast_convert_type3A_1188 : vector<16xf32>
        %mul3A_1193 = arith.mulf %mul3A_1192, %bitcast_convert_type3A_1188 : vector<16xf32>
        %sub3A_1194 = arith.constant 1.500000e+00 : f32
        %sub3A_1195 = vector.broadcast %sub3A_1194 : f32 to vector<16xf32>
        %sub3A_1196 = arith.subf %sub3A_1195, %mul3A_1193 : vector<16xf32>
        %mul3A_1197 = arith.mulf %bitcast_convert_type3A_1188, %sub3A_1196 : vector<16xf32>
        %mul3A_1198 = arith.mulf %max3A_1180, %mul3A_1197 : vector<16xf32>
        %sub3A_1199 = arith.subf %gather3A_1135, %gather3A_1138 : vector<16xf32>
        %sub3A_1200 = arith.subf %gather3A_1136, %gather3A_1139 : vector<16xf32>
        %sub3A_1201 = arith.subf %gather3A_1137, %gather3A_1140 : vector<16xf32>
        %mul3A_1202 = arith.mulf %sub3A_1199, %sub3A_1199 : vector<16xf32>
        %mul3A_1203 = arith.mulf %sub3A_1200, %sub3A_1200 : vector<16xf32>
        %add3A_1204 = arith.addf %mul3A_1202, %mul3A_1203 : vector<16xf32>
        %mul3A_1205 = arith.mulf %sub3A_1201, %sub3A_1201 : vector<16xf32>
        %add3A_1206 = arith.addf %add3A_1204, %mul3A_1205 : vector<16xf32>
        %max3A_1207 = arith.constant 9.99999993E-9 : f32
        %max3A_1208 = vector.broadcast %max3A_1207 : f32 to vector<16xf32>
        %max3A_1209 = arith.maximumf %add3A_1206, %max3A_1208 : vector<16xf32>
        %bitcast_convert_type3A_1210 = tpu.bitcast %max3A_1209 : vector<16xf32> -> vector<16xi32>
        %shift_right_logical3A_1211 = arith.constant 1 : i32
        %shift_right_logical3A_1212 = vector.broadcast %shift_right_logical3A_1211 : i32 to vector<16xi32>
        %shift_right_logical3A_1213 = arith.shrui %bitcast_convert_type3A_1210, %shift_right_logical3A_1212 : vector<16xi32>
        %sub3A_1214 = arith.constant 1597463007 : i32
        %sub3A_1215 = vector.broadcast %sub3A_1214 : i32 to vector<16xi32>
        %sub3A_1216 = arith.subi %sub3A_1215, %shift_right_logical3A_1213 : vector<16xi32>
        %bitcast_convert_type3A_1217 = tpu.bitcast %sub3A_1216 : vector<16xi32> -> vector<16xf32>
        %mul3A_1218 = arith.constant 5.000000e-01 : f32
        %mul3A_1219 = vector.broadcast %mul3A_1218 : f32 to vector<16xf32>
        %mul3A_1220 = arith.mulf %max3A_1209, %mul3A_1219 : vector<16xf32>
        %mul3A_1221 = arith.mulf %mul3A_1220, %bitcast_convert_type3A_1217 : vector<16xf32>
        %mul3A_1222 = arith.mulf %mul3A_1221, %bitcast_convert_type3A_1217 : vector<16xf32>
        %sub3A_1223 = arith.constant 1.500000e+00 : f32
        %sub3A_1224 = vector.broadcast %sub3A_1223 : f32 to vector<16xf32>
        %sub3A_1225 = arith.subf %sub3A_1224, %mul3A_1222 : vector<16xf32>
        %mul3A_1226 = arith.mulf %bitcast_convert_type3A_1217, %sub3A_1225 : vector<16xf32>
        %mul3A_1227 = arith.mulf %max3A_1209, %mul3A_1226 : vector<16xf32>
        %gather3A_1228 = tpu.vector_load_idx %arg7[%add3A_1131, %get3A_87] : memref<8x2334xf32, #tpu.memory_space<vmem>>[vector<16xi32>, vector<16xi32>], vector<16xf32>,
        %gather3A_1229 = tpu.vector_load_idx %arg7[%add3A_1131, %get3A_91] : memref<8x2334xf32, #tpu.memory_space<vmem>>[vector<16xi32>, vector<16xi32>], vector<16xf32>,
        %gather3A_1230 = tpu.vector_load_idx %arg7[%add3A_1131, %get3A_95] : memref<8x2334xf32, #tpu.memory_space<vmem>>[vector<16xi32>, vector<16xi32>], vector<16xf32>,
        %gather3A_1231 = tpu.vector_load_idx %arg7[%add3A_1131, %get3A_99] : memref<8x2334xf32, #tpu.memory_space<vmem>>[vector<16xi32>, vector<16xi32>], vector<16xf32>,
        %gather3A_1232 = tpu.vector_load_idx %arg7[%add3A_1131, %get3A_103] : memref<8x2334xf32, #tpu.memory_space<vmem>>[vector<16xi32>, vector<16xi32>], vector<16xf32>,
        %gather3A_1233 = tpu.vector_load_idx %arg7[%add3A_1131, %get3A_107] : memref<8x2334xf32, #tpu.memory_space<vmem>>[vector<16xi32>, vector<16xi32>], vector<16xf32>,
        %gather3A_1234 = tpu.vector_load_idx %arg7[%add3A_1131, %get3A_111] : memref<8x2334xf32, #tpu.memory_space<vmem>>[vector<16xi32>, vector<16xi32>], vector<16xf32>,
        %gather3A_1235 = tpu.vector_load_idx %arg7[%add3A_1131, %get3A_115] : memref<8x2334xf32, #tpu.memory_space<vmem>>[vector<16xi32>, vector<16xi32>], vector<16xf32>,
        %gather3A_1236 = tpu.vector_load_idx %arg7[%add3A_1131, %get3A_119] : memref<8x2334xf32, #tpu.memory_space<vmem>>[vector<16xi32>, vector<16xi32>], vector<16xf32>,
        %sub3A_1237 = arith.subf %gather3A_1228, %gather3A_1231 : vector<16xf32>
        %sub3A_1238 = arith.subf %gather3A_1229, %gather3A_1232 : vector<16xf32>
        %sub3A_1239 = arith.subf %gather3A_1230, %gather3A_1233 : vector<16xf32>
        %mul3A_1240 = arith.mulf %sub3A_1237, %sub3A_1237 : vector<16xf32>
        %mul3A_1241 = arith.mulf %sub3A_1238, %sub3A_1238 : vector<16xf32>
        %add3A_1242 = arith.addf %mul3A_1240, %mul3A_1241 : vector<16xf32>
        %mul3A_1243 = arith.mulf %sub3A_1239, %sub3A_1239 : vector<16xf32>
        %add3A_1244 = arith.addf %add3A_1242, %mul3A_1243 : vector<16xf32>
        %max3A_1245 = arith.constant 9.99999993E-9 : f32
        %max3A_1246 = vector.broadcast %max3A_1245 : f32 to vector<16xf32>
        %max3A_1247 = arith.maximumf %add3A_1244, %max3A_1246 : vector<16xf32>
        %bitcast_convert_type3A_1248 = tpu.bitcast %max3A_1247 : vector<16xf32> -> vector<16xi32>
        %shift_right_logical3A_1249 = arith.constant 1 : i32
        %shift_right_logical3A_1250 = vector.broadcast %shift_right_logical3A_1249 : i32 to vector<16xi32>
        %shift_right_logical3A_1251 = arith.shrui %bitcast_convert_type3A_1248, %shift_right_logical3A_1250 : vector<16xi32>
        %sub3A_1252 = arith.constant 1597463007 : i32
        %sub3A_1253 = vector.broadcast %sub3A_1252 : i32 to vector<16xi32>
        %sub3A_1254 = arith.subi %sub3A_1253, %shift_right_logical3A_1251 : vector<16xi32>
        %bitcast_convert_type3A_1255 = tpu.bitcast %sub3A_1254 : vector<16xi32> -> vector<16xf32>
        %mul3A_1256 = arith.constant 5.000000e-01 : f32
        %mul3A_1257 = vector.broadcast %mul3A_1256 : f32 to vector<16xf32>
        %mul3A_1258 = arith.mulf %max3A_1247, %mul3A_1257 : vector<16xf32>
        %mul3A_1259 = arith.mulf %mul3A_1258, %bitcast_convert_type3A_1255 : vector<16xf32>
        %mul3A_1260 = arith.mulf %mul3A_1259, %bitcast_convert_type3A_1255 : vector<16xf32>
        %sub3A_1261 = arith.constant 1.500000e+00 : f32
        %sub3A_1262 = vector.broadcast %sub3A_1261 : f32 to vector<16xf32>
        %sub3A_1263 = arith.subf %sub3A_1262, %mul3A_1260 : vector<16xf32>
        %mul3A_1264 = arith.mulf %bitcast_convert_type3A_1255, %sub3A_1263 : vector<16xf32>
        %mul3A_1265 = arith.mulf %max3A_1247, %mul3A_1264 : vector<16xf32>
        %sub3A_1266 = arith.subf %gather3A_1228, %gather3A_1234 : vector<16xf32>
        %sub3A_1267 = arith.subf %gather3A_1229, %gather3A_1235 : vector<16xf32>
        %sub3A_1268 = arith.subf %gather3A_1230, %gather3A_1236 : vector<16xf32>
        %mul3A_1269 = arith.mulf %sub3A_1266, %sub3A_1266 : vector<16xf32>
        %mul3A_1270 = arith.mulf %sub3A_1267, %sub3A_1267 : vector<16xf32>
        %add3A_1271 = arith.addf %mul3A_1269, %mul3A_1270 : vector<16xf32>
        %mul3A_1272 = arith.mulf %sub3A_1268, %sub3A_1268 : vector<16xf32>
        %add3A_1273 = arith.addf %add3A_1271, %mul3A_1272 : vector<16xf32>
        %max3A_1274 = arith.constant 9.99999993E-9 : f32
        %max3A_1275 = vector.broadcast %max3A_1274 : f32 to vector<16xf32>
        %max3A_1276 = arith.maximumf %add3A_1273, %max3A_1275 : vector<16xf32>
        %bitcast_convert_type3A_1277 = tpu.bitcast %max3A_1276 : vector<16xf32> -> vector<16xi32>
        %shift_right_logical3A_1278 = arith.constant 1 : i32
        %shift_right_logical3A_1279 = vector.broadcast %shift_right_logical3A_1278 : i32 to vector<16xi32>
        %shift_right_logical3A_1280 = arith.shrui %bitcast_convert_type3A_1277, %shift_right_logical3A_1279 : vector<16xi32>
        %sub3A_1281 = arith.constant 1597463007 : i32
        %sub3A_1282 = vector.broadcast %sub3A_1281 : i32 to vector<16xi32>
        %sub3A_1283 = arith.subi %sub3A_1282, %shift_right_logical3A_1280 : vector<16xi32>
        %bitcast_convert_type3A_1284 = tpu.bitcast %sub3A_1283 : vector<16xi32> -> vector<16xf32>
        %mul3A_1285 = arith.constant 5.000000e-01 : f32
        %mul3A_1286 = vector.broadcast %mul3A_1285 : f32 to vector<16xf32>
        %mul3A_1287 = arith.mulf %max3A_1276, %mul3A_1286 : vector<16xf32>
        %mul3A_1288 = arith.mulf %mul3A_1287, %bitcast_convert_type3A_1284 : vector<16xf32>
        %mul3A_1289 = arith.mulf %mul3A_1288, %bitcast_convert_type3A_1284 : vector<16xf32>
        %sub3A_1290 = arith.constant 1.500000e+00 : f32
        %sub3A_1291 = vector.broadcast %sub3A_1290 : f32 to vector<16xf32>
        %sub3A_1292 = arith.subf %sub3A_1291, %mul3A_1289 : vector<16xf32>
        %mul3A_1293 = arith.mulf %bitcast_convert_type3A_1284, %sub3A_1292 : vector<16xf32>
        %mul3A_1294 = arith.mulf %max3A_1276, %mul3A_1293 : vector<16xf32>
        %sub3A_1295 = arith.subf %gather3A_1231, %gather3A_1234 : vector<16xf32>
        %sub3A_1296 = arith.subf %gather3A_1232, %gather3A_1235 : vector<16xf32>
        %sub3A_1297 = arith.subf %gather3A_1233, %gather3A_1236 : vector<16xf32>
        %mul3A_1298 = arith.mulf %sub3A_1295, %sub3A_1295 : vector<16xf32>
        %mul3A_1299 = arith.mulf %sub3A_1296, %sub3A_1296 : vector<16xf32>
        %add3A_1300 = arith.addf %mul3A_1298, %mul3A_1299 : vector<16xf32>
        %mul3A_1301 = arith.mulf %sub3A_1297, %sub3A_1297 : vector<16xf32>
        %add3A_1302 = arith.addf %add3A_1300, %mul3A_1301 : vector<16xf32>
        %max3A_1303 = arith.constant 9.99999993E-9 : f32
        %max3A_1304 = vector.broadcast %max3A_1303 : f32 to vector<16xf32>
        %max3A_1305 = arith.maximumf %add3A_1302, %max3A_1304 : vector<16xf32>
        %bitcast_convert_type3A_1306 = tpu.bitcast %max3A_1305 : vector<16xf32> -> vector<16xi32>
        %shift_right_logical3A_1307 = arith.constant 1 : i32
        %shift_right_logical3A_1308 = vector.broadcast %shift_right_logical3A_1307 : i32 to vector<16xi32>
        %shift_right_logical3A_1309 = arith.shrui %bitcast_convert_type3A_1306, %shift_right_logical3A_1308 : vector<16xi32>
        %sub3A_1310 = arith.constant 1597463007 : i32
        %sub3A_1311 = vector.broadcast %sub3A_1310 : i32 to vector<16xi32>
        %sub3A_1312 = arith.subi %sub3A_1311, %shift_right_logical3A_1309 : vector<16xi32>
        %bitcast_convert_type3A_1313 = tpu.bitcast %sub3A_1312 : vector<16xi32> -> vector<16xf32>
        %mul3A_1314 = arith.constant 5.000000e-01 : f32
        %mul3A_1315 = vector.broadcast %mul3A_1314 : f32 to vector<16xf32>
        %mul3A_1316 = arith.mulf %max3A_1305, %mul3A_1315 : vector<16xf32>
        %mul3A_1317 = arith.mulf %mul3A_1316, %bitcast_convert_type3A_1313 : vector<16xf32>
        %mul3A_1318 = arith.mulf %mul3A_1317, %bitcast_convert_type3A_1313 : vector<16xf32>
        %sub3A_1319 = arith.constant 1.500000e+00 : f32
        %sub3A_1320 = vector.broadcast %sub3A_1319 : f32 to vector<16xf32>
        %sub3A_1321 = arith.subf %sub3A_1320, %mul3A_1318 : vector<16xf32>
        %mul3A_1322 = arith.mulf %bitcast_convert_type3A_1313, %sub3A_1321 : vector<16xf32>
        %mul3A_1323 = arith.mulf %max3A_1305, %mul3A_1322 : vector<16xf32>
        %sub3A_1324 = arith.subf %mul3A_1169, %mul3A_1265 : vector<16xf32>
        %abs3A_1325 = math.absf %sub3A_1324 : vector<16xf32>
        %sub3A_1326 = arith.subf %mul3A_1198, %mul3A_1294 : vector<16xf32>
        %abs3A_1327 = math.absf %sub3A_1326 : vector<16xf32>
        %add3A_1328 = arith.addf %abs3A_1325, %abs3A_1327 : vector<16xf32>
        %sub3A_1329 = arith.subf %mul3A_1227, %mul3A_1323 : vector<16xf32>
        %abs3A_1330 = math.absf %sub3A_1329 : vector<16xf32>
        %add3A_1331 = arith.addf %add3A_1328, %abs3A_1330 : vector<16xf32>
        %add3A_1332 = arith.constant 6 : i32
        %add3A_1333 = vector.broadcast %add3A_1332 : i32 to vector<16xi32>
        %add3A_1334 = arith.addi %broadcast_in_dim3A_1, %add3A_1333 : vector<16xi32>
        %gather3A_1335 = tpu.vector_load_idx %arg6[%add3A_1334, %get3A_87] : memref<8x2334xf32, #tpu.memory_space<vmem>>[vector<16xi32>, vector<16xi32>], vector<16xf32>,
        %gather3A_1336 = tpu.vector_load_idx %arg6[%add3A_1334, %get3A_91] : memref<8x2334xf32, #tpu.memory_space<vmem>>[vector<16xi32>, vector<16xi32>], vector<16xf32>,
        %gather3A_1337 = tpu.vector_load_idx %arg6[%add3A_1334, %get3A_95] : memref<8x2334xf32, #tpu.memory_space<vmem>>[vector<16xi32>, vector<16xi32>], vector<16xf32>,
        %gather3A_1338 = tpu.vector_load_idx %arg6[%add3A_1334, %get3A_99] : memref<8x2334xf32, #tpu.memory_space<vmem>>[vector<16xi32>, vector<16xi32>], vector<16xf32>,
        %gather3A_1339 = tpu.vector_load_idx %arg6[%add3A_1334, %get3A_103] : memref<8x2334xf32, #tpu.memory_space<vmem>>[vector<16xi32>, vector<16xi32>], vector<16xf32>,
        %gather3A_1340 = tpu.vector_load_idx %arg6[%add3A_1334, %get3A_107] : memref<8x2334xf32, #tpu.memory_space<vmem>>[vector<16xi32>, vector<16xi32>], vector<16xf32>,
        %gather3A_1341 = tpu.vector_load_idx %arg6[%add3A_1334, %get3A_111] : memref<8x2334xf32, #tpu.memory_space<vmem>>[vector<16xi32>, vector<16xi32>], vector<16xf32>,
        %gather3A_1342 = tpu.vector_load_idx %arg6[%add3A_1334, %get3A_115] : memref<8x2334xf32, #tpu.memory_space<vmem>>[vector<16xi32>, vector<16xi32>], vector<16xf32>,
        %gather3A_1343 = tpu.vector_load_idx %arg6[%add3A_1334, %get3A_119] : memref<8x2334xf32, #tpu.memory_space<vmem>>[vector<16xi32>, vector<16xi32>], vector<16xf32>,
        %sub3A_1344 = arith.subf %gather3A_1335, %gather3A_1338 : vector<16xf32>
        %sub3A_1345 = arith.subf %gather3A_1336, %gather3A_1339 : vector<16xf32>
        %sub3A_1346 = arith.subf %gather3A_1337, %gather3A_1340 : vector<16xf32>
        %mul3A_1347 = arith.mulf %sub3A_1344, %sub3A_1344 : vector<16xf32>
        %mul3A_1348 = arith.mulf %sub3A_1345, %sub3A_1345 : vector<16xf32>
        %add3A_1349 = arith.addf %mul3A_1347, %mul3A_1348 : vector<16xf32>
        %mul3A_1350 = arith.mulf %sub3A_1346, %sub3A_1346 : vector<16xf32>
        %add3A_1351 = arith.addf %add3A_1349, %mul3A_1350 : vector<16xf32>
        %max3A_1352 = arith.constant 9.99999993E-9 : f32
        %max3A_1353 = vector.broadcast %max3A_1352 : f32 to vector<16xf32>
        %max3A_1354 = arith.maximumf %add3A_1351, %max3A_1353 : vector<16xf32>
        %bitcast_convert_type3A_1355 = tpu.bitcast %max3A_1354 : vector<16xf32> -> vector<16xi32>
        %shift_right_logical3A_1356 = arith.constant 1 : i32
        %shift_right_logical3A_1357 = vector.broadcast %shift_right_logical3A_1356 : i32 to vector<16xi32>
        %shift_right_logical3A_1358 = arith.shrui %bitcast_convert_type3A_1355, %shift_right_logical3A_1357 : vector<16xi32>
        %sub3A_1359 = arith.constant 1597463007 : i32
        %sub3A_1360 = vector.broadcast %sub3A_1359 : i32 to vector<16xi32>
        %sub3A_1361 = arith.subi %sub3A_1360, %shift_right_logical3A_1358 : vector<16xi32>
        %bitcast_convert_type3A_1362 = tpu.bitcast %sub3A_1361 : vector<16xi32> -> vector<16xf32>
        %mul3A_1363 = arith.constant 5.000000e-01 : f32
        %mul3A_1364 = vector.broadcast %mul3A_1363 : f32 to vector<16xf32>
        %mul3A_1365 = arith.mulf %max3A_1354, %mul3A_1364 : vector<16xf32>
        %mul3A_1366 = arith.mulf %mul3A_1365, %bitcast_convert_type3A_1362 : vector<16xf32>
        %mul3A_1367 = arith.mulf %mul3A_1366, %bitcast_convert_type3A_1362 : vector<16xf32>
        %sub3A_1368 = arith.constant 1.500000e+00 : f32
        %sub3A_1369 = vector.broadcast %sub3A_1368 : f32 to vector<16xf32>
        %sub3A_1370 = arith.subf %sub3A_1369, %mul3A_1367 : vector<16xf32>
        %mul3A_1371 = arith.mulf %bitcast_convert_type3A_1362, %sub3A_1370 : vector<16xf32>
        %mul3A_1372 = arith.mulf %max3A_1354, %mul3A_1371 : vector<16xf32>
        %sub3A_1373 = arith.subf %gather3A_1335, %gather3A_1341 : vector<16xf32>
        %sub3A_1374 = arith.subf %gather3A_1336, %gather3A_1342 : vector<16xf32>
        %sub3A_1375 = arith.subf %gather3A_1337, %gather3A_1343 : vector<16xf32>
        %mul3A_1376 = arith.mulf %sub3A_1373, %sub3A_1373 : vector<16xf32>
        %mul3A_1377 = arith.mulf %sub3A_1374, %sub3A_1374 : vector<16xf32>
        %add3A_1378 = arith.addf %mul3A_1376, %mul3A_1377 : vector<16xf32>
        %mul3A_1379 = arith.mulf %sub3A_1375, %sub3A_1375 : vector<16xf32>
        %add3A_1380 = arith.addf %add3A_1378, %mul3A_1379 : vector<16xf32>
        %max3A_1381 = arith.constant 9.99999993E-9 : f32
        %max3A_1382 = vector.broadcast %max3A_1381 : f32 to vector<16xf32>
        %max3A_1383 = arith.maximumf %add3A_1380, %max3A_1382 : vector<16xf32>
        %bitcast_convert_type3A_1384 = tpu.bitcast %max3A_1383 : vector<16xf32> -> vector<16xi32>
        %shift_right_logical3A_1385 = arith.constant 1 : i32
        %shift_right_logical3A_1386 = vector.broadcast %shift_right_logical3A_1385 : i32 to vector<16xi32>
        %shift_right_logical3A_1387 = arith.shrui %bitcast_convert_type3A_1384, %shift_right_logical3A_1386 : vector<16xi32>
        %sub3A_1388 = arith.constant 1597463007 : i32
        %sub3A_1389 = vector.broadcast %sub3A_1388 : i32 to vector<16xi32>
        %sub3A_1390 = arith.subi %sub3A_1389, %shift_right_logical3A_1387 : vector<16xi32>
        %bitcast_convert_type3A_1391 = tpu.bitcast %sub3A_1390 : vector<16xi32> -> vector<16xf32>
        %mul3A_1392 = arith.constant 5.000000e-01 : f32
        %mul3A_1393 = vector.broadcast %mul3A_1392 : f32 to vector<16xf32>
        %mul3A_1394 = arith.mulf %max3A_1383, %mul3A_1393 : vector<16xf32>
        %mul3A_1395 = arith.mulf %mul3A_1394, %bitcast_convert_type3A_1391 : vector<16xf32>
        %mul3A_1396 = arith.mulf %mul3A_1395, %bitcast_convert_type3A_1391 : vector<16xf32>
        %sub3A_1397 = arith.constant 1.500000e+00 : f32
        %sub3A_1398 = vector.broadcast %sub3A_1397 : f32 to vector<16xf32>
        %sub3A_1399 = arith.subf %sub3A_1398, %mul3A_1396 : vector<16xf32>
        %mul3A_1400 = arith.mulf %bitcast_convert_type3A_1391, %sub3A_1399 : vector<16xf32>
        %mul3A_1401 = arith.mulf %max3A_1383, %mul3A_1400 : vector<16xf32>
        %sub3A_1402 = arith.subf %gather3A_1338, %gather3A_1341 : vector<16xf32>
        %sub3A_1403 = arith.subf %gather3A_1339, %gather3A_1342 : vector<16xf32>
        %sub3A_1404 = arith.subf %gather3A_1340, %gather3A_1343 : vector<16xf32>
        %mul3A_1405 = arith.mulf %sub3A_1402, %sub3A_1402 : vector<16xf32>
        %mul3A_1406 = arith.mulf %sub3A_1403, %sub3A_1403 : vector<16xf32>
        %add3A_1407 = arith.addf %mul3A_1405, %mul3A_1406 : vector<16xf32>
        %mul3A_1408 = arith.mulf %sub3A_1404, %sub3A_1404 : vector<16xf32>
        %add3A_1409 = arith.addf %add3A_1407, %mul3A_1408 : vector<16xf32>
        %max3A_1410 = arith.constant 9.99999993E-9 : f32
        %max3A_1411 = vector.broadcast %max3A_1410 : f32 to vector<16xf32>
        %max3A_1412 = arith.maximumf %add3A_1409, %max3A_1411 : vector<16xf32>
        %bitcast_convert_type3A_1413 = tpu.bitcast %max3A_1412 : vector<16xf32> -> vector<16xi32>
        %shift_right_logical3A_1414 = arith.constant 1 : i32
        %shift_right_logical3A_1415 = vector.broadcast %shift_right_logical3A_1414 : i32 to vector<16xi32>
        %shift_right_logical3A_1416 = arith.shrui %bitcast_convert_type3A_1413, %shift_right_logical3A_1415 : vector<16xi32>
        %sub3A_1417 = arith.constant 1597463007 : i32
        %sub3A_1418 = vector.broadcast %sub3A_1417 : i32 to vector<16xi32>
        %sub3A_1419 = arith.subi %sub3A_1418, %shift_right_logical3A_1416 : vector<16xi32>
        %bitcast_convert_type3A_1420 = tpu.bitcast %sub3A_1419 : vector<16xi32> -> vector<16xf32>
        %mul3A_1421 = arith.constant 5.000000e-01 : f32
        %mul3A_1422 = vector.broadcast %mul3A_1421 : f32 to vector<16xf32>
        %mul3A_1423 = arith.mulf %max3A_1412, %mul3A_1422 : vector<16xf32>
        %mul3A_1424 = arith.mulf %mul3A_1423, %bitcast_convert_type3A_1420 : vector<16xf32>
        %mul3A_1425 = arith.mulf %mul3A_1424, %bitcast_convert_type3A_1420 : vector<16xf32>
        %sub3A_1426 = arith.constant 1.500000e+00 : f32
        %sub3A_1427 = vector.broadcast %sub3A_1426 : f32 to vector<16xf32>
        %sub3A_1428 = arith.subf %sub3A_1427, %mul3A_1425 : vector<16xf32>
        %mul3A_1429 = arith.mulf %bitcast_convert_type3A_1420, %sub3A_1428 : vector<16xf32>
        %mul3A_1430 = arith.mulf %max3A_1412, %mul3A_1429 : vector<16xf32>
        %gather3A_1431 = tpu.vector_load_idx %arg7[%add3A_1334, %get3A_87] : memref<8x2334xf32, #tpu.memory_space<vmem>>[vector<16xi32>, vector<16xi32>], vector<16xf32>,
        %gather3A_1432 = tpu.vector_load_idx %arg7[%add3A_1334, %get3A_91] : memref<8x2334xf32, #tpu.memory_space<vmem>>[vector<16xi32>, vector<16xi32>], vector<16xf32>,
        %gather3A_1433 = tpu.vector_load_idx %arg7[%add3A_1334, %get3A_95] : memref<8x2334xf32, #tpu.memory_space<vmem>>[vector<16xi32>, vector<16xi32>], vector<16xf32>,
        %gather3A_1434 = tpu.vector_load_idx %arg7[%add3A_1334, %get3A_99] : memref<8x2334xf32, #tpu.memory_space<vmem>>[vector<16xi32>, vector<16xi32>], vector<16xf32>,
        %gather3A_1435 = tpu.vector_load_idx %arg7[%add3A_1334, %get3A_103] : memref<8x2334xf32, #tpu.memory_space<vmem>>[vector<16xi32>, vector<16xi32>], vector<16xf32>,
        %gather3A_1436 = tpu.vector_load_idx %arg7[%add3A_1334, %get3A_107] : memref<8x2334xf32, #tpu.memory_space<vmem>>[vector<16xi32>, vector<16xi32>], vector<16xf32>,
        %gather3A_1437 = tpu.vector_load_idx %arg7[%add3A_1334, %get3A_111] : memref<8x2334xf32, #tpu.memory_space<vmem>>[vector<16xi32>, vector<16xi32>], vector<16xf32>,
        %gather3A_1438 = tpu.vector_load_idx %arg7[%add3A_1334, %get3A_115] : memref<8x2334xf32, #tpu.memory_space<vmem>>[vector<16xi32>, vector<16xi32>], vector<16xf32>,
        %gather3A_1439 = tpu.vector_load_idx %arg7[%add3A_1334, %get3A_119] : memref<8x2334xf32, #tpu.memory_space<vmem>>[vector<16xi32>, vector<16xi32>], vector<16xf32>,
        %sub3A_1440 = arith.subf %gather3A_1431, %gather3A_1434 : vector<16xf32>
        %sub3A_1441 = arith.subf %gather3A_1432, %gather3A_1435 : vector<16xf32>
        %sub3A_1442 = arith.subf %gather3A_1433, %gather3A_1436 : vector<16xf32>
        %mul3A_1443 = arith.mulf %sub3A_1440, %sub3A_1440 : vector<16xf32>
        %mul3A_1444 = arith.mulf %sub3A_1441, %sub3A_1441 : vector<16xf32>
        %add3A_1445 = arith.addf %mul3A_1443, %mul3A_1444 : vector<16xf32>
        %mul3A_1446 = arith.mulf %sub3A_1442, %sub3A_1442 : vector<16xf32>
        %add3A_1447 = arith.addf %add3A_1445, %mul3A_1446 : vector<16xf32>
        %max3A_1448 = arith.constant 9.99999993E-9 : f32
        %max3A_1449 = vector.broadcast %max3A_1448 : f32 to vector<16xf32>
        %max3A_1450 = arith.maximumf %add3A_1447, %max3A_1449 : vector<16xf32>
        %bitcast_convert_type3A_1451 = tpu.bitcast %max3A_1450 : vector<16xf32> -> vector<16xi32>
        %shift_right_logical3A_1452 = arith.constant 1 : i32
        %shift_right_logical3A_1453 = vector.broadcast %shift_right_logical3A_1452 : i32 to vector<16xi32>
        %shift_right_logical3A_1454 = arith.shrui %bitcast_convert_type3A_1451, %shift_right_logical3A_1453 : vector<16xi32>
        %sub3A_1455 = arith.constant 1597463007 : i32
        %sub3A_1456 = vector.broadcast %sub3A_1455 : i32 to vector<16xi32>
        %sub3A_1457 = arith.subi %sub3A_1456, %shift_right_logical3A_1454 : vector<16xi32>
        %bitcast_convert_type3A_1458 = tpu.bitcast %sub3A_1457 : vector<16xi32> -> vector<16xf32>
        %mul3A_1459 = arith.constant 5.000000e-01 : f32
        %mul3A_1460 = vector.broadcast %mul3A_1459 : f32 to vector<16xf32>
        %mul3A_1461 = arith.mulf %max3A_1450, %mul3A_1460 : vector<16xf32>
        %mul3A_1462 = arith.mulf %mul3A_1461, %bitcast_convert_type3A_1458 : vector<16xf32>
        %mul3A_1463 = arith.mulf %mul3A_1462, %bitcast_convert_type3A_1458 : vector<16xf32>
        %sub3A_1464 = arith.constant 1.500000e+00 : f32
        %sub3A_1465 = vector.broadcast %sub3A_1464 : f32 to vector<16xf32>
        %sub3A_1466 = arith.subf %sub3A_1465, %mul3A_1463 : vector<16xf32>
        %mul3A_1467 = arith.mulf %bitcast_convert_type3A_1458, %sub3A_1466 : vector<16xf32>
        %mul3A_1468 = arith.mulf %max3A_1450, %mul3A_1467 : vector<16xf32>
        %sub3A_1469 = arith.subf %gather3A_1431, %gather3A_1437 : vector<16xf32>
        %sub3A_1470 = arith.subf %gather3A_1432, %gather3A_1438 : vector<16xf32>
        %sub3A_1471 = arith.subf %gather3A_1433, %gather3A_1439 : vector<16xf32>
        %mul3A_1472 = arith.mulf %sub3A_1469, %sub3A_1469 : vector<16xf32>
        %mul3A_1473 = arith.mulf %sub3A_1470, %sub3A_1470 : vector<16xf32>
        %add3A_1474 = arith.addf %mul3A_1472, %mul3A_1473 : vector<16xf32>
        %mul3A_1475 = arith.mulf %sub3A_1471, %sub3A_1471 : vector<16xf32>
        %add3A_1476 = arith.addf %add3A_1474, %mul3A_1475 : vector<16xf32>
        %max3A_1477 = arith.constant 9.99999993E-9 : f32
        %max3A_1478 = vector.broadcast %max3A_1477 : f32 to vector<16xf32>
        %max3A_1479 = arith.maximumf %add3A_1476, %max3A_1478 : vector<16xf32>
        %bitcast_convert_type3A_1480 = tpu.bitcast %max3A_1479 : vector<16xf32> -> vector<16xi32>
        %shift_right_logical3A_1481 = arith.constant 1 : i32
        %shift_right_logical3A_1482 = vector.broadcast %shift_right_logical3A_1481 : i32 to vector<16xi32>
        %shift_right_logical3A_1483 = arith.shrui %bitcast_convert_type3A_1480, %shift_right_logical3A_1482 : vector<16xi32>
        %sub3A_1484 = arith.constant 1597463007 : i32
        %sub3A_1485 = vector.broadcast %sub3A_1484 : i32 to vector<16xi32>
        %sub3A_1486 = arith.subi %sub3A_1485, %shift_right_logical3A_1483 : vector<16xi32>
        %bitcast_convert_type3A_1487 = tpu.bitcast %sub3A_1486 : vector<16xi32> -> vector<16xf32>
        %mul3A_1488 = arith.constant 5.000000e-01 : f32
        %mul3A_1489 = vector.broadcast %mul3A_1488 : f32 to vector<16xf32>
        %mul3A_1490 = arith.mulf %max3A_1479, %mul3A_1489 : vector<16xf32>
        %mul3A_1491 = arith.mulf %mul3A_1490, %bitcast_convert_type3A_1487 : vector<16xf32>
        %mul3A_1492 = arith.mulf %mul3A_1491, %bitcast_convert_type3A_1487 : vector<16xf32>
        %sub3A_1493 = arith.constant 1.500000e+00 : f32
        %sub3A_1494 = vector.broadcast %sub3A_1493 : f32 to vector<16xf32>
        %sub3A_1495 = arith.subf %sub3A_1494, %mul3A_1492 : vector<16xf32>
        %mul3A_1496 = arith.mulf %bitcast_convert_type3A_1487, %sub3A_1495 : vector<16xf32>
        %mul3A_1497 = arith.mulf %max3A_1479, %mul3A_1496 : vector<16xf32>
        %sub3A_1498 = arith.subf %gather3A_1434, %gather3A_1437 : vector<16xf32>
        %sub3A_1499 = arith.subf %gather3A_1435, %gather3A_1438 : vector<16xf32>
        %sub3A_1500 = arith.subf %gather3A_1436, %gather3A_1439 : vector<16xf32>
        %mul3A_1501 = arith.mulf %sub3A_1498, %sub3A_1498 : vector<16xf32>
        %mul3A_1502 = arith.mulf %sub3A_1499, %sub3A_1499 : vector<16xf32>
        %add3A_1503 = arith.addf %mul3A_1501, %mul3A_1502 : vector<16xf32>
        %mul3A_1504 = arith.mulf %sub3A_1500, %sub3A_1500 : vector<16xf32>
        %add3A_1505 = arith.addf %add3A_1503, %mul3A_1504 : vector<16xf32>
        %max3A_1506 = arith.constant 9.99999993E-9 : f32
        %max3A_1507 = vector.broadcast %max3A_1506 : f32 to vector<16xf32>
        %max3A_1508 = arith.maximumf %add3A_1505, %max3A_1507 : vector<16xf32>
        %bitcast_convert_type3A_1509 = tpu.bitcast %max3A_1508 : vector<16xf32> -> vector<16xi32>
        %shift_right_logical3A_1510 = arith.constant 1 : i32
        %shift_right_logical3A_1511 = vector.broadcast %shift_right_logical3A_1510 : i32 to vector<16xi32>
        %shift_right_logical3A_1512 = arith.shrui %bitcast_convert_type3A_1509, %shift_right_logical3A_1511 : vector<16xi32>
        %sub3A_1513 = arith.constant 1597463007 : i32
        %sub3A_1514 = vector.broadcast %sub3A_1513 : i32 to vector<16xi32>
        %sub3A_1515 = arith.subi %sub3A_1514, %shift_right_logical3A_1512 : vector<16xi32>
        %bitcast_convert_type3A_1516 = tpu.bitcast %sub3A_1515 : vector<16xi32> -> vector<16xf32>
        %mul3A_1517 = arith.constant 5.000000e-01 : f32
        %mul3A_1518 = vector.broadcast %mul3A_1517 : f32 to vector<16xf32>
        %mul3A_1519 = arith.mulf %max3A_1508, %mul3A_1518 : vector<16xf32>
        %mul3A_1520 = arith.mulf %mul3A_1519, %bitcast_convert_type3A_1516 : vector<16xf32>
        %mul3A_1521 = arith.mulf %mul3A_1520, %bitcast_convert_type3A_1516 : vector<16xf32>
        %sub3A_1522 = arith.constant 1.500000e+00 : f32
        %sub3A_1523 = vector.broadcast %sub3A_1522 : f32 to vector<16xf32>
        %sub3A_1524 = arith.subf %sub3A_1523, %mul3A_1521 : vector<16xf32>
        %mul3A_1525 = arith.mulf %bitcast_convert_type3A_1516, %sub3A_1524 : vector<16xf32>
        %mul3A_1526 = arith.mulf %max3A_1508, %mul3A_1525 : vector<16xf32>
        %sub3A_1527 = arith.subf %mul3A_1372, %mul3A_1468 : vector<16xf32>
        %abs3A_1528 = math.absf %sub3A_1527 : vector<16xf32>
        %sub3A_1529 = arith.subf %mul3A_1401, %mul3A_1497 : vector<16xf32>
        %abs3A_1530 = math.absf %sub3A_1529 : vector<16xf32>
        %add3A_1531 = arith.addf %abs3A_1528, %abs3A_1530 : vector<16xf32>
        %sub3A_1532 = arith.subf %mul3A_1430, %mul3A_1526 : vector<16xf32>
        %abs3A_1533 = math.absf %sub3A_1532 : vector<16xf32>
        %add3A_1534 = arith.addf %add3A_1531, %abs3A_1533 : vector<16xf32>
        %add3A_1535 = arith.constant 7 : i32
        %add3A_1536 = vector.broadcast %add3A_1535 : i32 to vector<16xi32>
        %add3A_1537 = arith.addi %broadcast_in_dim3A_1, %add3A_1536 : vector<16xi32>
        %gather3A_1538 = tpu.vector_load_idx %arg6[%add3A_1537, %get3A_87] : memref<8x2334xf32, #tpu.memory_space<vmem>>[vector<16xi32>, vector<16xi32>], vector<16xf32>,
        %gather3A_1539 = tpu.vector_load_idx %arg6[%add3A_1537, %get3A_91] : memref<8x2334xf32, #tpu.memory_space<vmem>>[vector<16xi32>, vector<16xi32>], vector<16xf32>,
        %gather3A_1540 = tpu.vector_load_idx %arg6[%add3A_1537, %get3A_95] : memref<8x2334xf32, #tpu.memory_space<vmem>>[vector<16xi32>, vector<16xi32>], vector<16xf32>,
        %gather3A_1541 = tpu.vector_load_idx %arg6[%add3A_1537, %get3A_99] : memref<8x2334xf32, #tpu.memory_space<vmem>>[vector<16xi32>, vector<16xi32>], vector<16xf32>,
        %gather3A_1542 = tpu.vector_load_idx %arg6[%add3A_1537, %get3A_103] : memref<8x2334xf32, #tpu.memory_space<vmem>>[vector<16xi32>, vector<16xi32>], vector<16xf32>,
        %gather3A_1543 = tpu.vector_load_idx %arg6[%add3A_1537, %get3A_107] : memref<8x2334xf32, #tpu.memory_space<vmem>>[vector<16xi32>, vector<16xi32>], vector<16xf32>,
        %gather3A_1544 = tpu.vector_load_idx %arg6[%add3A_1537, %get3A_111] : memref<8x2334xf32, #tpu.memory_space<vmem>>[vector<16xi32>, vector<16xi32>], vector<16xf32>,
        %gather3A_1545 = tpu.vector_load_idx %arg6[%add3A_1537, %get3A_115] : memref<8x2334xf32, #tpu.memory_space<vmem>>[vector<16xi32>, vector<16xi32>], vector<16xf32>,
        %gather3A_1546 = tpu.vector_load_idx %arg6[%add3A_1537, %get3A_119] : memref<8x2334xf32, #tpu.memory_space<vmem>>[vector<16xi32>, vector<16xi32>], vector<16xf32>,
        %sub3A_1547 = arith.subf %gather3A_1538, %gather3A_1541 : vector<16xf32>
        %sub3A_1548 = arith.subf %gather3A_1539, %gather3A_1542 : vector<16xf32>
        %sub3A_1549 = arith.subf %gather3A_1540, %gather3A_1543 : vector<16xf32>
        %mul3A_1550 = arith.mulf %sub3A_1547, %sub3A_1547 : vector<16xf32>
        %mul3A_1551 = arith.mulf %sub3A_1548, %sub3A_1548 : vector<16xf32>
        %add3A_1552 = arith.addf %mul3A_1550, %mul3A_1551 : vector<16xf32>
        %mul3A_1553 = arith.mulf %sub3A_1549, %sub3A_1549 : vector<16xf32>
        %add3A_1554 = arith.addf %add3A_1552, %mul3A_1553 : vector<16xf32>
        %max3A_1555 = arith.constant 9.99999993E-9 : f32
        %max3A_1556 = vector.broadcast %max3A_1555 : f32 to vector<16xf32>
        %max3A_1557 = arith.maximumf %add3A_1554, %max3A_1556 : vector<16xf32>
        %bitcast_convert_type3A_1558 = tpu.bitcast %max3A_1557 : vector<16xf32> -> vector<16xi32>
        %shift_right_logical3A_1559 = arith.constant 1 : i32
        %shift_right_logical3A_1560 = vector.broadcast %shift_right_logical3A_1559 : i32 to vector<16xi32>
        %shift_right_logical3A_1561 = arith.shrui %bitcast_convert_type3A_1558, %shift_right_logical3A_1560 : vector<16xi32>
        %sub3A_1562 = arith.constant 1597463007 : i32
        %sub3A_1563 = vector.broadcast %sub3A_1562 : i32 to vector<16xi32>
        %sub3A_1564 = arith.subi %sub3A_1563, %shift_right_logical3A_1561 : vector<16xi32>
        %bitcast_convert_type3A_1565 = tpu.bitcast %sub3A_1564 : vector<16xi32> -> vector<16xf32>
        %mul3A_1566 = arith.constant 5.000000e-01 : f32
        %mul3A_1567 = vector.broadcast %mul3A_1566 : f32 to vector<16xf32>
        %mul3A_1568 = arith.mulf %max3A_1557, %mul3A_1567 : vector<16xf32>
        %mul3A_1569 = arith.mulf %mul3A_1568, %bitcast_convert_type3A_1565 : vector<16xf32>
        %mul3A_1570 = arith.mulf %mul3A_1569, %bitcast_convert_type3A_1565 : vector<16xf32>
        %sub3A_1571 = arith.constant 1.500000e+00 : f32
        %sub3A_1572 = vector.broadcast %sub3A_1571 : f32 to vector<16xf32>
        %sub3A_1573 = arith.subf %sub3A_1572, %mul3A_1570 : vector<16xf32>
        %mul3A_1574 = arith.mulf %bitcast_convert_type3A_1565, %sub3A_1573 : vector<16xf32>
        %mul3A_1575 = arith.mulf %max3A_1557, %mul3A_1574 : vector<16xf32>
        %sub3A_1576 = arith.subf %gather3A_1538, %gather3A_1544 : vector<16xf32>
        %sub3A_1577 = arith.subf %gather3A_1539, %gather3A_1545 : vector<16xf32>
        %sub3A_1578 = arith.subf %gather3A_1540, %gather3A_1546 : vector<16xf32>
        %mul3A_1579 = arith.mulf %sub3A_1576, %sub3A_1576 : vector<16xf32>
        %mul3A_1580 = arith.mulf %sub3A_1577, %sub3A_1577 : vector<16xf32>
        %add3A_1581 = arith.addf %mul3A_1579, %mul3A_1580 : vector<16xf32>
        %mul3A_1582 = arith.mulf %sub3A_1578, %sub3A_1578 : vector<16xf32>
        %add3A_1583 = arith.addf %add3A_1581, %mul3A_1582 : vector<16xf32>
        %max3A_1584 = arith.constant 9.99999993E-9 : f32
        %max3A_1585 = vector.broadcast %max3A_1584 : f32 to vector<16xf32>
        %max3A_1586 = arith.maximumf %add3A_1583, %max3A_1585 : vector<16xf32>
        %bitcast_convert_type3A_1587 = tpu.bitcast %max3A_1586 : vector<16xf32> -> vector<16xi32>
        %shift_right_logical3A_1588 = arith.constant 1 : i32
        %shift_right_logical3A_1589 = vector.broadcast %shift_right_logical3A_1588 : i32 to vector<16xi32>
        %shift_right_logical3A_1590 = arith.shrui %bitcast_convert_type3A_1587, %shift_right_logical3A_1589 : vector<16xi32>
        %sub3A_1591 = arith.constant 1597463007 : i32
        %sub3A_1592 = vector.broadcast %sub3A_1591 : i32 to vector<16xi32>
        %sub3A_1593 = arith.subi %sub3A_1592, %shift_right_logical3A_1590 : vector<16xi32>
        %bitcast_convert_type3A_1594 = tpu.bitcast %sub3A_1593 : vector<16xi32> -> vector<16xf32>
        %mul3A_1595 = arith.constant 5.000000e-01 : f32
        %mul3A_1596 = vector.broadcast %mul3A_1595 : f32 to vector<16xf32>
        %mul3A_1597 = arith.mulf %max3A_1586, %mul3A_1596 : vector<16xf32>
        %mul3A_1598 = arith.mulf %mul3A_1597, %bitcast_convert_type3A_1594 : vector<16xf32>
        %mul3A_1599 = arith.mulf %mul3A_1598, %bitcast_convert_type3A_1594 : vector<16xf32>
        %sub3A_1600 = arith.constant 1.500000e+00 : f32
        %sub3A_1601 = vector.broadcast %sub3A_1600 : f32 to vector<16xf32>
        %sub3A_1602 = arith.subf %sub3A_1601, %mul3A_1599 : vector<16xf32>
        %mul3A_1603 = arith.mulf %bitcast_convert_type3A_1594, %sub3A_1602 : vector<16xf32>
        %mul3A_1604 = arith.mulf %max3A_1586, %mul3A_1603 : vector<16xf32>
        %sub3A_1605 = arith.subf %gather3A_1541, %gather3A_1544 : vector<16xf32>
        %sub3A_1606 = arith.subf %gather3A_1542, %gather3A_1545 : vector<16xf32>
        %sub3A_1607 = arith.subf %gather3A_1543, %gather3A_1546 : vector<16xf32>
        %mul3A_1608 = arith.mulf %sub3A_1605, %sub3A_1605 : vector<16xf32>
        %mul3A_1609 = arith.mulf %sub3A_1606, %sub3A_1606 : vector<16xf32>
        %add3A_1610 = arith.addf %mul3A_1608, %mul3A_1609 : vector<16xf32>
        %mul3A_1611 = arith.mulf %sub3A_1607, %sub3A_1607 : vector<16xf32>
        %add3A_1612 = arith.addf %add3A_1610, %mul3A_1611 : vector<16xf32>
        %max3A_1613 = arith.constant 9.99999993E-9 : f32
        %max3A_1614 = vector.broadcast %max3A_1613 : f32 to vector<16xf32>
        %max3A_1615 = arith.maximumf %add3A_1612, %max3A_1614 : vector<16xf32>
        %bitcast_convert_type3A_1616 = tpu.bitcast %max3A_1615 : vector<16xf32> -> vector<16xi32>
        %shift_right_logical3A_1617 = arith.constant 1 : i32
        %shift_right_logical3A_1618 = vector.broadcast %shift_right_logical3A_1617 : i32 to vector<16xi32>
        %shift_right_logical3A_1619 = arith.shrui %bitcast_convert_type3A_1616, %shift_right_logical3A_1618 : vector<16xi32>
        %sub3A_1620 = arith.constant 1597463007 : i32
        %sub3A_1621 = vector.broadcast %sub3A_1620 : i32 to vector<16xi32>
        %sub3A_1622 = arith.subi %sub3A_1621, %shift_right_logical3A_1619 : vector<16xi32>
        %bitcast_convert_type3A_1623 = tpu.bitcast %sub3A_1622 : vector<16xi32> -> vector<16xf32>
        %mul3A_1624 = arith.constant 5.000000e-01 : f32
        %mul3A_1625 = vector.broadcast %mul3A_1624 : f32 to vector<16xf32>
        %mul3A_1626 = arith.mulf %max3A_1615, %mul3A_1625 : vector<16xf32>
        %mul3A_1627 = arith.mulf %mul3A_1626, %bitcast_convert_type3A_1623 : vector<16xf32>
        %mul3A_1628 = arith.mulf %mul3A_1627, %bitcast_convert_type3A_1623 : vector<16xf32>
        %sub3A_1629 = arith.constant 1.500000e+00 : f32
        %sub3A_1630 = vector.broadcast %sub3A_1629 : f32 to vector<16xf32>
        %sub3A_1631 = arith.subf %sub3A_1630, %mul3A_1628 : vector<16xf32>
        %mul3A_1632 = arith.mulf %bitcast_convert_type3A_1623, %sub3A_1631 : vector<16xf32>
        %mul3A_1633 = arith.mulf %max3A_1615, %mul3A_1632 : vector<16xf32>
        %gather3A_1634 = tpu.vector_load_idx %arg7[%add3A_1537, %get3A_87] : memref<8x2334xf32, #tpu.memory_space<vmem>>[vector<16xi32>, vector<16xi32>], vector<16xf32>,
        %gather3A_1635 = tpu.vector_load_idx %arg7[%add3A_1537, %get3A_91] : memref<8x2334xf32, #tpu.memory_space<vmem>>[vector<16xi32>, vector<16xi32>], vector<16xf32>,
        %gather3A_1636 = tpu.vector_load_idx %arg7[%add3A_1537, %get3A_95] : memref<8x2334xf32, #tpu.memory_space<vmem>>[vector<16xi32>, vector<16xi32>], vector<16xf32>,
        %gather3A_1637 = tpu.vector_load_idx %arg7[%add3A_1537, %get3A_99] : memref<8x2334xf32, #tpu.memory_space<vmem>>[vector<16xi32>, vector<16xi32>], vector<16xf32>,
        %gather3A_1638 = tpu.vector_load_idx %arg7[%add3A_1537, %get3A_103] : memref<8x2334xf32, #tpu.memory_space<vmem>>[vector<16xi32>, vector<16xi32>], vector<16xf32>,
        %gather3A_1639 = tpu.vector_load_idx %arg7[%add3A_1537, %get3A_107] : memref<8x2334xf32, #tpu.memory_space<vmem>>[vector<16xi32>, vector<16xi32>], vector<16xf32>,
        %gather3A_1640 = tpu.vector_load_idx %arg7[%add3A_1537, %get3A_111] : memref<8x2334xf32, #tpu.memory_space<vmem>>[vector<16xi32>, vector<16xi32>], vector<16xf32>,
        %gather3A_1641 = tpu.vector_load_idx %arg7[%add3A_1537, %get3A_115] : memref<8x2334xf32, #tpu.memory_space<vmem>>[vector<16xi32>, vector<16xi32>], vector<16xf32>,
        %gather3A_1642 = tpu.vector_load_idx %arg7[%add3A_1537, %get3A_119] : memref<8x2334xf32, #tpu.memory_space<vmem>>[vector<16xi32>, vector<16xi32>], vector<16xf32>,
        %sub3A_1643 = arith.subf %gather3A_1634, %gather3A_1637 : vector<16xf32>
        %sub3A_1644 = arith.subf %gather3A_1635, %gather3A_1638 : vector<16xf32>
        %sub3A_1645 = arith.subf %gather3A_1636, %gather3A_1639 : vector<16xf32>
        %mul3A_1646 = arith.mulf %sub3A_1643, %sub3A_1643 : vector<16xf32>
        %mul3A_1647 = arith.mulf %sub3A_1644, %sub3A_1644 : vector<16xf32>
        %add3A_1648 = arith.addf %mul3A_1646, %mul3A_1647 : vector<16xf32>
        %mul3A_1649 = arith.mulf %sub3A_1645, %sub3A_1645 : vector<16xf32>
        %add3A_1650 = arith.addf %add3A_1648, %mul3A_1649 : vector<16xf32>
        %max3A_1651 = arith.constant 9.99999993E-9 : f32
        %max3A_1652 = vector.broadcast %max3A_1651 : f32 to vector<16xf32>
        %max3A_1653 = arith.maximumf %add3A_1650, %max3A_1652 : vector<16xf32>
        %bitcast_convert_type3A_1654 = tpu.bitcast %max3A_1653 : vector<16xf32> -> vector<16xi32>
        %shift_right_logical3A_1655 = arith.constant 1 : i32
        %shift_right_logical3A_1656 = vector.broadcast %shift_right_logical3A_1655 : i32 to vector<16xi32>
        %shift_right_logical3A_1657 = arith.shrui %bitcast_convert_type3A_1654, %shift_right_logical3A_1656 : vector<16xi32>
        %sub3A_1658 = arith.constant 1597463007 : i32
        %sub3A_1659 = vector.broadcast %sub3A_1658 : i32 to vector<16xi32>
        %sub3A_1660 = arith.subi %sub3A_1659, %shift_right_logical3A_1657 : vector<16xi32>
        %bitcast_convert_type3A_1661 = tpu.bitcast %sub3A_1660 : vector<16xi32> -> vector<16xf32>
        %mul3A_1662 = arith.constant 5.000000e-01 : f32
        %mul3A_1663 = vector.broadcast %mul3A_1662 : f32 to vector<16xf32>
        %mul3A_1664 = arith.mulf %max3A_1653, %mul3A_1663 : vector<16xf32>
        %mul3A_1665 = arith.mulf %mul3A_1664, %bitcast_convert_type3A_1661 : vector<16xf32>
        %mul3A_1666 = arith.mulf %mul3A_1665, %bitcast_convert_type3A_1661 : vector<16xf32>
        %sub3A_1667 = arith.constant 1.500000e+00 : f32
        %sub3A_1668 = vector.broadcast %sub3A_1667 : f32 to vector<16xf32>
        %sub3A_1669 = arith.subf %sub3A_1668, %mul3A_1666 : vector<16xf32>
        %mul3A_1670 = arith.mulf %bitcast_convert_type3A_1661, %sub3A_1669 : vector<16xf32>
        %mul3A_1671 = arith.mulf %max3A_1653, %mul3A_1670 : vector<16xf32>
        %sub3A_1672 = arith.subf %gather3A_1634, %gather3A_1640 : vector<16xf32>
        %sub3A_1673 = arith.subf %gather3A_1635, %gather3A_1641 : vector<16xf32>
        %sub3A_1674 = arith.subf %gather3A_1636, %gather3A_1642 : vector<16xf32>
        %mul3A_1675 = arith.mulf %sub3A_1672, %sub3A_1672 : vector<16xf32>
        %mul3A_1676 = arith.mulf %sub3A_1673, %sub3A_1673 : vector<16xf32>
        %add3A_1677 = arith.addf %mul3A_1675, %mul3A_1676 : vector<16xf32>
        %mul3A_1678 = arith.mulf %sub3A_1674, %sub3A_1674 : vector<16xf32>
        %add3A_1679 = arith.addf %add3A_1677, %mul3A_1678 : vector<16xf32>
        %max3A_1680 = arith.constant 9.99999993E-9 : f32
        %max3A_1681 = vector.broadcast %max3A_1680 : f32 to vector<16xf32>
        %max3A_1682 = arith.maximumf %add3A_1679, %max3A_1681 : vector<16xf32>
        %bitcast_convert_type3A_1683 = tpu.bitcast %max3A_1682 : vector<16xf32> -> vector<16xi32>
        %shift_right_logical3A_1684 = arith.constant 1 : i32
        %shift_right_logical3A_1685 = vector.broadcast %shift_right_logical3A_1684 : i32 to vector<16xi32>
        %shift_right_logical3A_1686 = arith.shrui %bitcast_convert_type3A_1683, %shift_right_logical3A_1685 : vector<16xi32>
        %sub3A_1687 = arith.constant 1597463007 : i32
        %sub3A_1688 = vector.broadcast %sub3A_1687 : i32 to vector<16xi32>
        %sub3A_1689 = arith.subi %sub3A_1688, %shift_right_logical3A_1686 : vector<16xi32>
        %bitcast_convert_type3A_1690 = tpu.bitcast %sub3A_1689 : vector<16xi32> -> vector<16xf32>
        %mul3A_1691 = arith.constant 5.000000e-01 : f32
        %mul3A_1692 = vector.broadcast %mul3A_1691 : f32 to vector<16xf32>
        %mul3A_1693 = arith.mulf %max3A_1682, %mul3A_1692 : vector<16xf32>
        %mul3A_1694 = arith.mulf %mul3A_1693, %bitcast_convert_type3A_1690 : vector<16xf32>
        %mul3A_1695 = arith.mulf %mul3A_1694, %bitcast_convert_type3A_1690 : vector<16xf32>
        %sub3A_1696 = arith.constant 1.500000e+00 : f32
        %sub3A_1697 = vector.broadcast %sub3A_1696 : f32 to vector<16xf32>
        %sub3A_1698 = arith.subf %sub3A_1697, %mul3A_1695 : vector<16xf32>
        %mul3A_1699 = arith.mulf %bitcast_convert_type3A_1690, %sub3A_1698 : vector<16xf32>
        %mul3A_1700 = arith.mulf %max3A_1682, %mul3A_1699 : vector<16xf32>
        %sub3A_1701 = arith.subf %gather3A_1637, %gather3A_1640 : vector<16xf32>
        %sub3A_1702 = arith.subf %gather3A_1638, %gather3A_1641 : vector<16xf32>
        %sub3A_1703 = arith.subf %gather3A_1639, %gather3A_1642 : vector<16xf32>
        %mul3A_1704 = arith.mulf %sub3A_1701, %sub3A_1701 : vector<16xf32>
        %mul3A_1705 = arith.mulf %sub3A_1702, %sub3A_1702 : vector<16xf32>
        %add3A_1706 = arith.addf %mul3A_1704, %mul3A_1705 : vector<16xf32>
        %mul3A_1707 = arith.mulf %sub3A_1703, %sub3A_1703 : vector<16xf32>
        %add3A_1708 = arith.addf %add3A_1706, %mul3A_1707 : vector<16xf32>
        %max3A_1709 = arith.constant 9.99999993E-9 : f32
        %max3A_1710 = vector.broadcast %max3A_1709 : f32 to vector<16xf32>
        %max3A_1711 = arith.maximumf %add3A_1708, %max3A_1710 : vector<16xf32>
        %bitcast_convert_type3A_1712 = tpu.bitcast %max3A_1711 : vector<16xf32> -> vector<16xi32>
        %shift_right_logical3A_1713 = arith.constant 1 : i32
        %shift_right_logical3A_1714 = vector.broadcast %shift_right_logical3A_1713 : i32 to vector<16xi32>
        %shift_right_logical3A_1715 = arith.shrui %bitcast_convert_type3A_1712, %shift_right_logical3A_1714 : vector<16xi32>
        %sub3A_1716 = arith.constant 1597463007 : i32
        %sub3A_1717 = vector.broadcast %sub3A_1716 : i32 to vector<16xi32>
        %sub3A_1718 = arith.subi %sub3A_1717, %shift_right_logical3A_1715 : vector<16xi32>
        %bitcast_convert_type3A_1719 = tpu.bitcast %sub3A_1718 : vector<16xi32> -> vector<16xf32>
        %mul3A_1720 = arith.constant 5.000000e-01 : f32
        %mul3A_1721 = vector.broadcast %mul3A_1720 : f32 to vector<16xf32>
        %mul3A_1722 = arith.mulf %max3A_1711, %mul3A_1721 : vector<16xf32>
        %mul3A_1723 = arith.mulf %mul3A_1722, %bitcast_convert_type3A_1719 : vector<16xf32>
        %mul3A_1724 = arith.mulf %mul3A_1723, %bitcast_convert_type3A_1719 : vector<16xf32>
        %sub3A_1725 = arith.constant 1.500000e+00 : f32
        %sub3A_1726 = vector.broadcast %sub3A_1725 : f32 to vector<16xf32>
        %sub3A_1727 = arith.subf %sub3A_1726, %mul3A_1724 : vector<16xf32>
        %mul3A_1728 = arith.mulf %bitcast_convert_type3A_1719, %sub3A_1727 : vector<16xf32>
        %mul3A_1729 = arith.mulf %max3A_1711, %mul3A_1728 : vector<16xf32>
        %sub3A_1730 = arith.subf %mul3A_1575, %mul3A_1671 : vector<16xf32>
        %abs3A_1731 = math.absf %sub3A_1730 : vector<16xf32>
        %sub3A_1732 = arith.subf %mul3A_1604, %mul3A_1700 : vector<16xf32>
        %abs3A_1733 = math.absf %sub3A_1732 : vector<16xf32>
        %add3A_1734 = arith.addf %abs3A_1731, %abs3A_1733 : vector<16xf32>
        %sub3A_1735 = arith.subf %mul3A_1633, %mul3A_1729 : vector<16xf32>
        %abs3A_1736 = math.absf %sub3A_1735 : vector<16xf32>
        %add3A_1737 = arith.addf %add3A_1734, %abs3A_1736 : vector<16xf32>
        %add3A_1738 = arith.addf %add3A_316, %add3A_519 : vector<16xf32>
        %add3A_1739 = arith.addf %add3A_722, %add3A_925 : vector<16xf32>
        %add3A_1740 = arith.addf %add3A_1128, %add3A_1331 : vector<16xf32>
        %add3A_1741 = arith.addf %add3A_1534, %add3A_1737 : vector<16xf32>
        %add3A_1742 = arith.addf %add3A_1738, %add3A_1739 : vector<16xf32>
        %add3A_1743 = arith.addf %add3A_1740, %add3A_1741 : vector<16xf32>
        %add3A_1744 = arith.addf %add3A_1742, %add3A_1743 : vector<16xf32>
        %add3A_1745 = arith.addf %scan3A_82, %add3A_1744 : vector<16xf32>
        scf.yield %add3A_1745 : vector<16xf32>
      }
      %scan3A_52 = arith.constant 16 : i32
      %lt3A = arith.constant 7 : i32
      %lt3A_53 = arith.cmpi slt, %scan3A_31, %lt3A : i32
      %convert_element_type3A = arith.extui %lt3A_53 : i1 to i32
      %cond3A = arith.constant 0 : i32
      %cond3A_54 = arith.cmpi ne, %convert_element_type3A, %cond3A : i32
      scf.if %cond3A_54 {
        %add3A_81 = arith.constant 2 : i32
        %add3A_82 = arith.addi %add3A_36, %add3A_81 : i32
        %mul3A_83 = arith.constant 8 : i32
        %mul3A_84 = arith.muli %add3A_82, %mul3A_83 : i32
        %add3A_85 = arith.addi %mul3A_3, %mul3A_84 : i32
        %dma_start3A_86 = arith.constant 0 : i32
        %dma_start3A_87 = tpu.memref_slice %arg2[%add3A_85, %dma_start3A_86] : memref<4096x2334xf32, #tpu.memory_space<hbm>> -> memref<8x2334xf32, #tpu.memory_space<hbm>>
        %dma_start3A_88 = arith.constant 0 : i32
        %dma_start3A_89 = tpu.memref_slice %arg2[%add3A_85, %dma_start3A_88] : memref<4096x2334xf32, #tpu.memory_space<hbm>> -> memref<8x2334xf32, #tpu.memory_space<hbm>>
        tpu.enqueue_dma source(%dma_start3A_89 : memref<8x2334xf32, #tpu.memory_space<hbm>>) target(%arg6 : memref<8x2334xf32, #tpu.memory_space<vmem>>) target_semaphore(%arg12 : memref<!tpu.dma_semaphore, #tpu.memory_space<semaphore_mem>>)
        %dma_start3A_90 = arith.constant 0 : i32
        %dma_start3A_91 = tpu.memref_slice %arg3[%add3A_85, %dma_start3A_90] : memref<4096x2334xf32, #tpu.memory_space<hbm>> -> memref<8x2334xf32, #tpu.memory_space<hbm>>
        %dma_start3A_92 = arith.constant 0 : i32
        %dma_start3A_93 = tpu.memref_slice %arg3[%add3A_85, %dma_start3A_92] : memref<4096x2334xf32, #tpu.memory_space<hbm>> -> memref<8x2334xf32, #tpu.memory_space<hbm>>
        tpu.enqueue_dma source(%dma_start3A_93 : memref<8x2334xf32, #tpu.memory_space<hbm>>) target(%arg7 : memref<8x2334xf32, #tpu.memory_space<vmem>>) target_semaphore(%arg12 : memref<!tpu.dma_semaphore, #tpu.memory_space<semaphore_mem>>)
      } else {
      }
      %mul3A_55 = arith.constant 2 : i32
      %mul3A_56 = arith.muli %mul3A_55, %scan3A_31 : i32
      %add3A_57 = arith.constant 1 : i32
      %add3A_58 = arith.addi %mul3A_56, %add3A_57 : i32
      %mul3A_59 = arith.constant 8 : i32
      %mul3A_60 = arith.muli %add3A_58, %mul3A_59 : i32
      %add3A_61 = arith.addi %mul3A_3, %mul3A_60 : i32
      %dma_wait3A_62 = arith.constant 0 : i32
      %dma_wait3A_63 = tpu.memref_slice %arg2[%add3A_61, %dma_wait3A_62] : memref<4096x2334xf32, #tpu.memory_space<hbm>> -> memref<8x2334xf32, #tpu.memory_space<hbm>>
      %dma_wait3A_64 = arith.constant 0 : i32
      %dma_wait3A_65 = tpu.memref_slice %arg2[%add3A_61, %dma_wait3A_64] : memref<4096x2334xf32, #tpu.memory_space<hbm>> -> memref<8x2334xf32, #tpu.memory_space<hbm>>
      tpu.wait_dma2 semaphore(%arg13 : memref<!tpu.dma_semaphore, #tpu.memory_space<semaphore_mem>>) src(%dma_wait3A_65 : memref<8x2334xf32, #tpu.memory_space<hbm>>) dst(%arg8 : memref<8x2334xf32, #tpu.memory_space<vmem>>)
      %dma_wait3A_66 = arith.constant 0 : i32
      %dma_wait3A_67 = tpu.memref_slice %arg3[%add3A_61, %dma_wait3A_66] : memref<4096x2334xf32, #tpu.memory_space<hbm>> -> memref<8x2334xf32, #tpu.memory_space<hbm>>
      %dma_wait3A_68 = arith.constant 0 : i32
      %dma_wait3A_69 = tpu.memref_slice %arg3[%add3A_61, %dma_wait3A_68] : memref<4096x2334xf32, #tpu.memory_space<hbm>> -> memref<8x2334xf32, #tpu.memory_space<hbm>>
      tpu.wait_dma2 semaphore(%arg13 : memref<!tpu.dma_semaphore, #tpu.memory_space<semaphore_mem>>) src(%dma_wait3A_69 : memref<8x2334xf32, #tpu.memory_space<hbm>>) dst(%arg9 : memref<8x2334xf32, #tpu.memory_space<vmem>>)
      %scan3A_70 = arith.constant 0 : i32
      %scan3A_71 = arith.constant 16 : i32
      %scan3A_72 = arith.addi %scan3A_70, %scan3A_71 : i32
      %scan3A_73 = arith.constant 1 : i32
      %scan3A_74 = scf.for %scan3A_81 = %scan3A_70 to %scan3A_72 step %scan3A_73 iter_args(%scan3A_82 = %scan3A_51) -> (vector<16xf32>)  : i32 {
        %mul3A_83 = arith.constant 16 : i32
        %mul3A_84 = arith.muli %scan3A_81, %mul3A_83 : i32
        %get3A = arith.constant 0 : i32
        %get3A_85 = arith.index_cast %get3A : i32 to index
        %get3A_86 = arith.index_cast %mul3A_84 : i32 to index
        %get3A_87 = tpu.vector_load %arg10[%get3A_85, %get3A_86] {strides = array<i32>} : memref<9x256xi32, #tpu.memory_space<vmem>>, vector<16xi32>,
        %get3A_88 = arith.constant 1 : i32
        %get3A_89 = arith.index_cast %get3A_88 : i32 to index
        %get3A_90 = arith.index_cast %mul3A_84 : i32 to index
        %get3A_91 = tpu.vector_load %arg10[%get3A_89, %get3A_90] {strides = array<i32>} : memref<9x256xi32, #tpu.memory_space<vmem>>, vector<16xi32>,
        %get3A_92 = arith.constant 2 : i32
        %get3A_93 = arith.index_cast %get3A_92 : i32 to index
        %get3A_94 = arith.index_cast %mul3A_84 : i32 to index
        %get3A_95 = tpu.vector_load %arg10[%get3A_93, %get3A_94] {strides = array<i32>} : memref<9x256xi32, #tpu.memory_space<vmem>>, vector<16xi32>,
        %get3A_96 = arith.constant 3 : i32
        %get3A_97 = arith.index_cast %get3A_96 : i32 to index
        %get3A_98 = arith.index_cast %mul3A_84 : i32 to index
        %get3A_99 = tpu.vector_load %arg10[%get3A_97, %get3A_98] {strides = array<i32>} : memref<9x256xi32, #tpu.memory_space<vmem>>, vector<16xi32>,
        %get3A_100 = arith.constant 4 : i32
        %get3A_101 = arith.index_cast %get3A_100 : i32 to index
        %get3A_102 = arith.index_cast %mul3A_84 : i32 to index
        %get3A_103 = tpu.vector_load %arg10[%get3A_101, %get3A_102] {strides = array<i32>} : memref<9x256xi32, #tpu.memory_space<vmem>>, vector<16xi32>,
        %get3A_104 = arith.constant 5 : i32
        %get3A_105 = arith.index_cast %get3A_104 : i32 to index
        %get3A_106 = arith.index_cast %mul3A_84 : i32 to index
        %get3A_107 = tpu.vector_load %arg10[%get3A_105, %get3A_106] {strides = array<i32>} : memref<9x256xi32, #tpu.memory_space<vmem>>, vector<16xi32>,
        %get3A_108 = arith.constant 6 : i32
        %get3A_109 = arith.index_cast %get3A_108 : i32 to index
        %get3A_110 = arith.index_cast %mul3A_84 : i32 to index
        %get3A_111 = tpu.vector_load %arg10[%get3A_109, %get3A_110] {strides = array<i32>} : memref<9x256xi32, #tpu.memory_space<vmem>>, vector<16xi32>,
        %get3A_112 = arith.constant 7 : i32
        %get3A_113 = arith.index_cast %get3A_112 : i32 to index
        %get3A_114 = arith.index_cast %mul3A_84 : i32 to index
        %get3A_115 = tpu.vector_load %arg10[%get3A_113, %get3A_114] {strides = array<i32>} : memref<9x256xi32, #tpu.memory_space<vmem>>, vector<16xi32>,
        %get3A_116 = arith.constant 8 : i32
        %get3A_117 = arith.index_cast %get3A_116 : i32 to index
        %get3A_118 = arith.index_cast %mul3A_84 : i32 to index
        %get3A_119 = tpu.vector_load %arg10[%get3A_117, %get3A_118] {strides = array<i32>} : memref<9x256xi32, #tpu.memory_space<vmem>>, vector<16xi32>,
        %add3A_120 = arith.constant 0 : i32
        %add3A_121 = vector.broadcast %add3A_120 : i32 to vector<16xi32>
        %add3A_122 = arith.addi %broadcast_in_dim3A_1, %add3A_121 : vector<16xi32>
        %gather3A = tpu.vector_load_idx %arg8[%add3A_122, %get3A_87] : memref<8x2334xf32, #tpu.memory_space<vmem>>[vector<16xi32>, vector<16xi32>], vector<16xf32>,
        %gather3A_123 = tpu.vector_load_idx %arg8[%add3A_122, %get3A_91] : memref<8x2334xf32, #tpu.memory_space<vmem>>[vector<16xi32>, vector<16xi32>], vector<16xf32>,
        %gather3A_124 = tpu.vector_load_idx %arg8[%add3A_122, %get3A_95] : memref<8x2334xf32, #tpu.memory_space<vmem>>[vector<16xi32>, vector<16xi32>], vector<16xf32>,
        %gather3A_125 = tpu.vector_load_idx %arg8[%add3A_122, %get3A_99] : memref<8x2334xf32, #tpu.memory_space<vmem>>[vector<16xi32>, vector<16xi32>], vector<16xf32>,
        %gather3A_126 = tpu.vector_load_idx %arg8[%add3A_122, %get3A_103] : memref<8x2334xf32, #tpu.memory_space<vmem>>[vector<16xi32>, vector<16xi32>], vector<16xf32>,
        %gather3A_127 = tpu.vector_load_idx %arg8[%add3A_122, %get3A_107] : memref<8x2334xf32, #tpu.memory_space<vmem>>[vector<16xi32>, vector<16xi32>], vector<16xf32>,
        %gather3A_128 = tpu.vector_load_idx %arg8[%add3A_122, %get3A_111] : memref<8x2334xf32, #tpu.memory_space<vmem>>[vector<16xi32>, vector<16xi32>], vector<16xf32>,
        %gather3A_129 = tpu.vector_load_idx %arg8[%add3A_122, %get3A_115] : memref<8x2334xf32, #tpu.memory_space<vmem>>[vector<16xi32>, vector<16xi32>], vector<16xf32>,
        %gather3A_130 = tpu.vector_load_idx %arg8[%add3A_122, %get3A_119] : memref<8x2334xf32, #tpu.memory_space<vmem>>[vector<16xi32>, vector<16xi32>], vector<16xf32>,
        %sub3A = arith.subf %gather3A, %gather3A_125 : vector<16xf32>
        %sub3A_131 = arith.subf %gather3A_123, %gather3A_126 : vector<16xf32>
        %sub3A_132 = arith.subf %gather3A_124, %gather3A_127 : vector<16xf32>
        %mul3A_133 = arith.mulf %sub3A, %sub3A : vector<16xf32>
        %mul3A_134 = arith.mulf %sub3A_131, %sub3A_131 : vector<16xf32>
        %add3A_135 = arith.addf %mul3A_133, %mul3A_134 : vector<16xf32>
        %mul3A_136 = arith.mulf %sub3A_132, %sub3A_132 : vector<16xf32>
        %add3A_137 = arith.addf %add3A_135, %mul3A_136 : vector<16xf32>
        %max3A = arith.constant 9.99999993E-9 : f32
        %max3A_138 = vector.broadcast %max3A : f32 to vector<16xf32>
        %max3A_139 = arith.maximumf %add3A_137, %max3A_138 : vector<16xf32>
        %bitcast_convert_type3A = tpu.bitcast %max3A_139 : vector<16xf32> -> vector<16xi32>
        %shift_right_logical3A = arith.constant 1 : i32
        %shift_right_logical3A_140 = vector.broadcast %shift_right_logical3A : i32 to vector<16xi32>
        %shift_right_logical3A_141 = arith.shrui %bitcast_convert_type3A, %shift_right_logical3A_140 : vector<16xi32>
        %sub3A_142 = arith.constant 1597463007 : i32
        %sub3A_143 = vector.broadcast %sub3A_142 : i32 to vector<16xi32>
        %sub3A_144 = arith.subi %sub3A_143, %shift_right_logical3A_141 : vector<16xi32>
        %bitcast_convert_type3A_145 = tpu.bitcast %sub3A_144 : vector<16xi32> -> vector<16xf32>
        %mul3A_146 = arith.constant 5.000000e-01 : f32
        %mul3A_147 = vector.broadcast %mul3A_146 : f32 to vector<16xf32>
        %mul3A_148 = arith.mulf %max3A_139, %mul3A_147 : vector<16xf32>
        %mul3A_149 = arith.mulf %mul3A_148, %bitcast_convert_type3A_145 : vector<16xf32>
        %mul3A_150 = arith.mulf %mul3A_149, %bitcast_convert_type3A_145 : vector<16xf32>
        %sub3A_151 = arith.constant 1.500000e+00 : f32
        %sub3A_152 = vector.broadcast %sub3A_151 : f32 to vector<16xf32>
        %sub3A_153 = arith.subf %sub3A_152, %mul3A_150 : vector<16xf32>
        %mul3A_154 = arith.mulf %bitcast_convert_type3A_145, %sub3A_153 : vector<16xf32>
        %mul3A_155 = arith.mulf %max3A_139, %mul3A_154 : vector<16xf32>
        %sub3A_156 = arith.subf %gather3A, %gather3A_128 : vector<16xf32>
        %sub3A_157 = arith.subf %gather3A_123, %gather3A_129 : vector<16xf32>
        %sub3A_158 = arith.subf %gather3A_124, %gather3A_130 : vector<16xf32>
        %mul3A_159 = arith.mulf %sub3A_156, %sub3A_156 : vector<16xf32>
        %mul3A_160 = arith.mulf %sub3A_157, %sub3A_157 : vector<16xf32>
        %add3A_161 = arith.addf %mul3A_159, %mul3A_160 : vector<16xf32>
        %mul3A_162 = arith.mulf %sub3A_158, %sub3A_158 : vector<16xf32>
        %add3A_163 = arith.addf %add3A_161, %mul3A_162 : vector<16xf32>
        %max3A_164 = arith.constant 9.99999993E-9 : f32
        %max3A_165 = vector.broadcast %max3A_164 : f32 to vector<16xf32>
        %max3A_166 = arith.maximumf %add3A_163, %max3A_165 : vector<16xf32>
        %bitcast_convert_type3A_167 = tpu.bitcast %max3A_166 : vector<16xf32> -> vector<16xi32>
        %shift_right_logical3A_168 = arith.constant 1 : i32
        %shift_right_logical3A_169 = vector.broadcast %shift_right_logical3A_168 : i32 to vector<16xi32>
        %shift_right_logical3A_170 = arith.shrui %bitcast_convert_type3A_167, %shift_right_logical3A_169 : vector<16xi32>
        %sub3A_171 = arith.constant 1597463007 : i32
        %sub3A_172 = vector.broadcast %sub3A_171 : i32 to vector<16xi32>
        %sub3A_173 = arith.subi %sub3A_172, %shift_right_logical3A_170 : vector<16xi32>
        %bitcast_convert_type3A_174 = tpu.bitcast %sub3A_173 : vector<16xi32> -> vector<16xf32>
        %mul3A_175 = arith.constant 5.000000e-01 : f32
        %mul3A_176 = vector.broadcast %mul3A_175 : f32 to vector<16xf32>
        %mul3A_177 = arith.mulf %max3A_166, %mul3A_176 : vector<16xf32>
        %mul3A_178 = arith.mulf %mul3A_177, %bitcast_convert_type3A_174 : vector<16xf32>
        %mul3A_179 = arith.mulf %mul3A_178, %bitcast_convert_type3A_174 : vector<16xf32>
        %sub3A_180 = arith.constant 1.500000e+00 : f32
        %sub3A_181 = vector.broadcast %sub3A_180 : f32 to vector<16xf32>
        %sub3A_182 = arith.subf %sub3A_181, %mul3A_179 : vector<16xf32>
        %mul3A_183 = arith.mulf %bitcast_convert_type3A_174, %sub3A_182 : vector<16xf32>
        %mul3A_184 = arith.mulf %max3A_166, %mul3A_183 : vector<16xf32>
        %sub3A_185 = arith.subf %gather3A_125, %gather3A_128 : vector<16xf32>
        %sub3A_186 = arith.subf %gather3A_126, %gather3A_129 : vector<16xf32>
        %sub3A_187 = arith.subf %gather3A_127, %gather3A_130 : vector<16xf32>
        %mul3A_188 = arith.mulf %sub3A_185, %sub3A_185 : vector<16xf32>
        %mul3A_189 = arith.mulf %sub3A_186, %sub3A_186 : vector<16xf32>
        %add3A_190 = arith.addf %mul3A_188, %mul3A_189 : vector<16xf32>
        %mul3A_191 = arith.mulf %sub3A_187, %sub3A_187 : vector<16xf32>
        %add3A_192 = arith.addf %add3A_190, %mul3A_191 : vector<16xf32>
        %max3A_193 = arith.constant 9.99999993E-9 : f32
        %max3A_194 = vector.broadcast %max3A_193 : f32 to vector<16xf32>
        %max3A_195 = arith.maximumf %add3A_192, %max3A_194 : vector<16xf32>
        %bitcast_convert_type3A_196 = tpu.bitcast %max3A_195 : vector<16xf32> -> vector<16xi32>
        %shift_right_logical3A_197 = arith.constant 1 : i32
        %shift_right_logical3A_198 = vector.broadcast %shift_right_logical3A_197 : i32 to vector<16xi32>
        %shift_right_logical3A_199 = arith.shrui %bitcast_convert_type3A_196, %shift_right_logical3A_198 : vector<16xi32>
        %sub3A_200 = arith.constant 1597463007 : i32
        %sub3A_201 = vector.broadcast %sub3A_200 : i32 to vector<16xi32>
        %sub3A_202 = arith.subi %sub3A_201, %shift_right_logical3A_199 : vector<16xi32>
        %bitcast_convert_type3A_203 = tpu.bitcast %sub3A_202 : vector<16xi32> -> vector<16xf32>
        %mul3A_204 = arith.constant 5.000000e-01 : f32
        %mul3A_205 = vector.broadcast %mul3A_204 : f32 to vector<16xf32>
        %mul3A_206 = arith.mulf %max3A_195, %mul3A_205 : vector<16xf32>
        %mul3A_207 = arith.mulf %mul3A_206, %bitcast_convert_type3A_203 : vector<16xf32>
        %mul3A_208 = arith.mulf %mul3A_207, %bitcast_convert_type3A_203 : vector<16xf32>
        %sub3A_209 = arith.constant 1.500000e+00 : f32
        %sub3A_210 = vector.broadcast %sub3A_209 : f32 to vector<16xf32>
        %sub3A_211 = arith.subf %sub3A_210, %mul3A_208 : vector<16xf32>
        %mul3A_212 = arith.mulf %bitcast_convert_type3A_203, %sub3A_211 : vector<16xf32>
        %mul3A_213 = arith.mulf %max3A_195, %mul3A_212 : vector<16xf32>
        %gather3A_214 = tpu.vector_load_idx %arg9[%add3A_122, %get3A_87] : memref<8x2334xf32, #tpu.memory_space<vmem>>[vector<16xi32>, vector<16xi32>], vector<16xf32>,
        %gather3A_215 = tpu.vector_load_idx %arg9[%add3A_122, %get3A_91] : memref<8x2334xf32, #tpu.memory_space<vmem>>[vector<16xi32>, vector<16xi32>], vector<16xf32>,
        %gather3A_216 = tpu.vector_load_idx %arg9[%add3A_122, %get3A_95] : memref<8x2334xf32, #tpu.memory_space<vmem>>[vector<16xi32>, vector<16xi32>], vector<16xf32>,
        %gather3A_217 = tpu.vector_load_idx %arg9[%add3A_122, %get3A_99] : memref<8x2334xf32, #tpu.memory_space<vmem>>[vector<16xi32>, vector<16xi32>], vector<16xf32>,
        %gather3A_218 = tpu.vector_load_idx %arg9[%add3A_122, %get3A_103] : memref<8x2334xf32, #tpu.memory_space<vmem>>[vector<16xi32>, vector<16xi32>], vector<16xf32>,
        %gather3A_219 = tpu.vector_load_idx %arg9[%add3A_122, %get3A_107] : memref<8x2334xf32, #tpu.memory_space<vmem>>[vector<16xi32>, vector<16xi32>], vector<16xf32>,
        %gather3A_220 = tpu.vector_load_idx %arg9[%add3A_122, %get3A_111] : memref<8x2334xf32, #tpu.memory_space<vmem>>[vector<16xi32>, vector<16xi32>], vector<16xf32>,
        %gather3A_221 = tpu.vector_load_idx %arg9[%add3A_122, %get3A_115] : memref<8x2334xf32, #tpu.memory_space<vmem>>[vector<16xi32>, vector<16xi32>], vector<16xf32>,
        %gather3A_222 = tpu.vector_load_idx %arg9[%add3A_122, %get3A_119] : memref<8x2334xf32, #tpu.memory_space<vmem>>[vector<16xi32>, vector<16xi32>], vector<16xf32>,
        %sub3A_223 = arith.subf %gather3A_214, %gather3A_217 : vector<16xf32>
        %sub3A_224 = arith.subf %gather3A_215, %gather3A_218 : vector<16xf32>
        %sub3A_225 = arith.subf %gather3A_216, %gather3A_219 : vector<16xf32>
        %mul3A_226 = arith.mulf %sub3A_223, %sub3A_223 : vector<16xf32>
        %mul3A_227 = arith.mulf %sub3A_224, %sub3A_224 : vector<16xf32>
        %add3A_228 = arith.addf %mul3A_226, %mul3A_227 : vector<16xf32>
        %mul3A_229 = arith.mulf %sub3A_225, %sub3A_225 : vector<16xf32>
        %add3A_230 = arith.addf %add3A_228, %mul3A_229 : vector<16xf32>
        %max3A_231 = arith.constant 9.99999993E-9 : f32
        %max3A_232 = vector.broadcast %max3A_231 : f32 to vector<16xf32>
        %max3A_233 = arith.maximumf %add3A_230, %max3A_232 : vector<16xf32>
        %bitcast_convert_type3A_234 = tpu.bitcast %max3A_233 : vector<16xf32> -> vector<16xi32>
        %shift_right_logical3A_235 = arith.constant 1 : i32
        %shift_right_logical3A_236 = vector.broadcast %shift_right_logical3A_235 : i32 to vector<16xi32>
        %shift_right_logical3A_237 = arith.shrui %bitcast_convert_type3A_234, %shift_right_logical3A_236 : vector<16xi32>
        %sub3A_238 = arith.constant 1597463007 : i32
        %sub3A_239 = vector.broadcast %sub3A_238 : i32 to vector<16xi32>
        %sub3A_240 = arith.subi %sub3A_239, %shift_right_logical3A_237 : vector<16xi32>
        %bitcast_convert_type3A_241 = tpu.bitcast %sub3A_240 : vector<16xi32> -> vector<16xf32>
        %mul3A_242 = arith.constant 5.000000e-01 : f32
        %mul3A_243 = vector.broadcast %mul3A_242 : f32 to vector<16xf32>
        %mul3A_244 = arith.mulf %max3A_233, %mul3A_243 : vector<16xf32>
        %mul3A_245 = arith.mulf %mul3A_244, %bitcast_convert_type3A_241 : vector<16xf32>
        %mul3A_246 = arith.mulf %mul3A_245, %bitcast_convert_type3A_241 : vector<16xf32>
        %sub3A_247 = arith.constant 1.500000e+00 : f32
        %sub3A_248 = vector.broadcast %sub3A_247 : f32 to vector<16xf32>
        %sub3A_249 = arith.subf %sub3A_248, %mul3A_246 : vector<16xf32>
        %mul3A_250 = arith.mulf %bitcast_convert_type3A_241, %sub3A_249 : vector<16xf32>
        %mul3A_251 = arith.mulf %max3A_233, %mul3A_250 : vector<16xf32>
        %sub3A_252 = arith.subf %gather3A_214, %gather3A_220 : vector<16xf32>
        %sub3A_253 = arith.subf %gather3A_215, %gather3A_221 : vector<16xf32>
        %sub3A_254 = arith.subf %gather3A_216, %gather3A_222 : vector<16xf32>
        %mul3A_255 = arith.mulf %sub3A_252, %sub3A_252 : vector<16xf32>
        %mul3A_256 = arith.mulf %sub3A_253, %sub3A_253 : vector<16xf32>
        %add3A_257 = arith.addf %mul3A_255, %mul3A_256 : vector<16xf32>
        %mul3A_258 = arith.mulf %sub3A_254, %sub3A_254 : vector<16xf32>
        %add3A_259 = arith.addf %add3A_257, %mul3A_258 : vector<16xf32>
        %max3A_260 = arith.constant 9.99999993E-9 : f32
        %max3A_261 = vector.broadcast %max3A_260 : f32 to vector<16xf32>
        %max3A_262 = arith.maximumf %add3A_259, %max3A_261 : vector<16xf32>
        %bitcast_convert_type3A_263 = tpu.bitcast %max3A_262 : vector<16xf32> -> vector<16xi32>
        %shift_right_logical3A_264 = arith.constant 1 : i32
        %shift_right_logical3A_265 = vector.broadcast %shift_right_logical3A_264 : i32 to vector<16xi32>
        %shift_right_logical3A_266 = arith.shrui %bitcast_convert_type3A_263, %shift_right_logical3A_265 : vector<16xi32>
        %sub3A_267 = arith.constant 1597463007 : i32
        %sub3A_268 = vector.broadcast %sub3A_267 : i32 to vector<16xi32>
        %sub3A_269 = arith.subi %sub3A_268, %shift_right_logical3A_266 : vector<16xi32>
        %bitcast_convert_type3A_270 = tpu.bitcast %sub3A_269 : vector<16xi32> -> vector<16xf32>
        %mul3A_271 = arith.constant 5.000000e-01 : f32
        %mul3A_272 = vector.broadcast %mul3A_271 : f32 to vector<16xf32>
        %mul3A_273 = arith.mulf %max3A_262, %mul3A_272 : vector<16xf32>
        %mul3A_274 = arith.mulf %mul3A_273, %bitcast_convert_type3A_270 : vector<16xf32>
        %mul3A_275 = arith.mulf %mul3A_274, %bitcast_convert_type3A_270 : vector<16xf32>
        %sub3A_276 = arith.constant 1.500000e+00 : f32
        %sub3A_277 = vector.broadcast %sub3A_276 : f32 to vector<16xf32>
        %sub3A_278 = arith.subf %sub3A_277, %mul3A_275 : vector<16xf32>
        %mul3A_279 = arith.mulf %bitcast_convert_type3A_270, %sub3A_278 : vector<16xf32>
        %mul3A_280 = arith.mulf %max3A_262, %mul3A_279 : vector<16xf32>
        %sub3A_281 = arith.subf %gather3A_217, %gather3A_220 : vector<16xf32>
        %sub3A_282 = arith.subf %gather3A_218, %gather3A_221 : vector<16xf32>
        %sub3A_283 = arith.subf %gather3A_219, %gather3A_222 : vector<16xf32>
        %mul3A_284 = arith.mulf %sub3A_281, %sub3A_281 : vector<16xf32>
        %mul3A_285 = arith.mulf %sub3A_282, %sub3A_282 : vector<16xf32>
        %add3A_286 = arith.addf %mul3A_284, %mul3A_285 : vector<16xf32>
        %mul3A_287 = arith.mulf %sub3A_283, %sub3A_283 : vector<16xf32>
        %add3A_288 = arith.addf %add3A_286, %mul3A_287 : vector<16xf32>
        %max3A_289 = arith.constant 9.99999993E-9 : f32
        %max3A_290 = vector.broadcast %max3A_289 : f32 to vector<16xf32>
        %max3A_291 = arith.maximumf %add3A_288, %max3A_290 : vector<16xf32>
        %bitcast_convert_type3A_292 = tpu.bitcast %max3A_291 : vector<16xf32> -> vector<16xi32>
        %shift_right_logical3A_293 = arith.constant 1 : i32
        %shift_right_logical3A_294 = vector.broadcast %shift_right_logical3A_293 : i32 to vector<16xi32>
        %shift_right_logical3A_295 = arith.shrui %bitcast_convert_type3A_292, %shift_right_logical3A_294 : vector<16xi32>
        %sub3A_296 = arith.constant 1597463007 : i32
        %sub3A_297 = vector.broadcast %sub3A_296 : i32 to vector<16xi32>
        %sub3A_298 = arith.subi %sub3A_297, %shift_right_logical3A_295 : vector<16xi32>
        %bitcast_convert_type3A_299 = tpu.bitcast %sub3A_298 : vector<16xi32> -> vector<16xf32>
        %mul3A_300 = arith.constant 5.000000e-01 : f32
        %mul3A_301 = vector.broadcast %mul3A_300 : f32 to vector<16xf32>
        %mul3A_302 = arith.mulf %max3A_291, %mul3A_301 : vector<16xf32>
        %mul3A_303 = arith.mulf %mul3A_302, %bitcast_convert_type3A_299 : vector<16xf32>
        %mul3A_304 = arith.mulf %mul3A_303, %bitcast_convert_type3A_299 : vector<16xf32>
        %sub3A_305 = arith.constant 1.500000e+00 : f32
        %sub3A_306 = vector.broadcast %sub3A_305 : f32 to vector<16xf32>
        %sub3A_307 = arith.subf %sub3A_306, %mul3A_304 : vector<16xf32>
        %mul3A_308 = arith.mulf %bitcast_convert_type3A_299, %sub3A_307 : vector<16xf32>
        %mul3A_309 = arith.mulf %max3A_291, %mul3A_308 : vector<16xf32>
        %sub3A_310 = arith.subf %mul3A_155, %mul3A_251 : vector<16xf32>
        %abs3A = math.absf %sub3A_310 : vector<16xf32>
        %sub3A_311 = arith.subf %mul3A_184, %mul3A_280 : vector<16xf32>
        %abs3A_312 = math.absf %sub3A_311 : vector<16xf32>
        %add3A_313 = arith.addf %abs3A, %abs3A_312 : vector<16xf32>
        %sub3A_314 = arith.subf %mul3A_213, %mul3A_309 : vector<16xf32>
        %abs3A_315 = math.absf %sub3A_314 : vector<16xf32>
        %add3A_316 = arith.addf %add3A_313, %abs3A_315 : vector<16xf32>
        %add3A_317 = arith.constant 1 : i32
        %add3A_318 = vector.broadcast %add3A_317 : i32 to vector<16xi32>
        %add3A_319 = arith.addi %broadcast_in_dim3A_1, %add3A_318 : vector<16xi32>
        %gather3A_320 = tpu.vector_load_idx %arg8[%add3A_319, %get3A_87] : memref<8x2334xf32, #tpu.memory_space<vmem>>[vector<16xi32>, vector<16xi32>], vector<16xf32>,
        %gather3A_321 = tpu.vector_load_idx %arg8[%add3A_319, %get3A_91] : memref<8x2334xf32, #tpu.memory_space<vmem>>[vector<16xi32>, vector<16xi32>], vector<16xf32>,
        %gather3A_322 = tpu.vector_load_idx %arg8[%add3A_319, %get3A_95] : memref<8x2334xf32, #tpu.memory_space<vmem>>[vector<16xi32>, vector<16xi32>], vector<16xf32>,
        %gather3A_323 = tpu.vector_load_idx %arg8[%add3A_319, %get3A_99] : memref<8x2334xf32, #tpu.memory_space<vmem>>[vector<16xi32>, vector<16xi32>], vector<16xf32>,
        %gather3A_324 = tpu.vector_load_idx %arg8[%add3A_319, %get3A_103] : memref<8x2334xf32, #tpu.memory_space<vmem>>[vector<16xi32>, vector<16xi32>], vector<16xf32>,
        %gather3A_325 = tpu.vector_load_idx %arg8[%add3A_319, %get3A_107] : memref<8x2334xf32, #tpu.memory_space<vmem>>[vector<16xi32>, vector<16xi32>], vector<16xf32>,
        %gather3A_326 = tpu.vector_load_idx %arg8[%add3A_319, %get3A_111] : memref<8x2334xf32, #tpu.memory_space<vmem>>[vector<16xi32>, vector<16xi32>], vector<16xf32>,
        %gather3A_327 = tpu.vector_load_idx %arg8[%add3A_319, %get3A_115] : memref<8x2334xf32, #tpu.memory_space<vmem>>[vector<16xi32>, vector<16xi32>], vector<16xf32>,
        %gather3A_328 = tpu.vector_load_idx %arg8[%add3A_319, %get3A_119] : memref<8x2334xf32, #tpu.memory_space<vmem>>[vector<16xi32>, vector<16xi32>], vector<16xf32>,
        %sub3A_329 = arith.subf %gather3A_320, %gather3A_323 : vector<16xf32>
        %sub3A_330 = arith.subf %gather3A_321, %gather3A_324 : vector<16xf32>
        %sub3A_331 = arith.subf %gather3A_322, %gather3A_325 : vector<16xf32>
        %mul3A_332 = arith.mulf %sub3A_329, %sub3A_329 : vector<16xf32>
        %mul3A_333 = arith.mulf %sub3A_330, %sub3A_330 : vector<16xf32>
        %add3A_334 = arith.addf %mul3A_332, %mul3A_333 : vector<16xf32>
        %mul3A_335 = arith.mulf %sub3A_331, %sub3A_331 : vector<16xf32>
        %add3A_336 = arith.addf %add3A_334, %mul3A_335 : vector<16xf32>
        %max3A_337 = arith.constant 9.99999993E-9 : f32
        %max3A_338 = vector.broadcast %max3A_337 : f32 to vector<16xf32>
        %max3A_339 = arith.maximumf %add3A_336, %max3A_338 : vector<16xf32>
        %bitcast_convert_type3A_340 = tpu.bitcast %max3A_339 : vector<16xf32> -> vector<16xi32>
        %shift_right_logical3A_341 = arith.constant 1 : i32
        %shift_right_logical3A_342 = vector.broadcast %shift_right_logical3A_341 : i32 to vector<16xi32>
        %shift_right_logical3A_343 = arith.shrui %bitcast_convert_type3A_340, %shift_right_logical3A_342 : vector<16xi32>
        %sub3A_344 = arith.constant 1597463007 : i32
        %sub3A_345 = vector.broadcast %sub3A_344 : i32 to vector<16xi32>
        %sub3A_346 = arith.subi %sub3A_345, %shift_right_logical3A_343 : vector<16xi32>
        %bitcast_convert_type3A_347 = tpu.bitcast %sub3A_346 : vector<16xi32> -> vector<16xf32>
        %mul3A_348 = arith.constant 5.000000e-01 : f32
        %mul3A_349 = vector.broadcast %mul3A_348 : f32 to vector<16xf32>
        %mul3A_350 = arith.mulf %max3A_339, %mul3A_349 : vector<16xf32>
        %mul3A_351 = arith.mulf %mul3A_350, %bitcast_convert_type3A_347 : vector<16xf32>
        %mul3A_352 = arith.mulf %mul3A_351, %bitcast_convert_type3A_347 : vector<16xf32>
        %sub3A_353 = arith.constant 1.500000e+00 : f32
        %sub3A_354 = vector.broadcast %sub3A_353 : f32 to vector<16xf32>
        %sub3A_355 = arith.subf %sub3A_354, %mul3A_352 : vector<16xf32>
        %mul3A_356 = arith.mulf %bitcast_convert_type3A_347, %sub3A_355 : vector<16xf32>
        %mul3A_357 = arith.mulf %max3A_339, %mul3A_356 : vector<16xf32>
        %sub3A_358 = arith.subf %gather3A_320, %gather3A_326 : vector<16xf32>
        %sub3A_359 = arith.subf %gather3A_321, %gather3A_327 : vector<16xf32>
        %sub3A_360 = arith.subf %gather3A_322, %gather3A_328 : vector<16xf32>
        %mul3A_361 = arith.mulf %sub3A_358, %sub3A_358 : vector<16xf32>
        %mul3A_362 = arith.mulf %sub3A_359, %sub3A_359 : vector<16xf32>
        %add3A_363 = arith.addf %mul3A_361, %mul3A_362 : vector<16xf32>
        %mul3A_364 = arith.mulf %sub3A_360, %sub3A_360 : vector<16xf32>
        %add3A_365 = arith.addf %add3A_363, %mul3A_364 : vector<16xf32>
        %max3A_366 = arith.constant 9.99999993E-9 : f32
        %max3A_367 = vector.broadcast %max3A_366 : f32 to vector<16xf32>
        %max3A_368 = arith.maximumf %add3A_365, %max3A_367 : vector<16xf32>
        %bitcast_convert_type3A_369 = tpu.bitcast %max3A_368 : vector<16xf32> -> vector<16xi32>
        %shift_right_logical3A_370 = arith.constant 1 : i32
        %shift_right_logical3A_371 = vector.broadcast %shift_right_logical3A_370 : i32 to vector<16xi32>
        %shift_right_logical3A_372 = arith.shrui %bitcast_convert_type3A_369, %shift_right_logical3A_371 : vector<16xi32>
        %sub3A_373 = arith.constant 1597463007 : i32
        %sub3A_374 = vector.broadcast %sub3A_373 : i32 to vector<16xi32>
        %sub3A_375 = arith.subi %sub3A_374, %shift_right_logical3A_372 : vector<16xi32>
        %bitcast_convert_type3A_376 = tpu.bitcast %sub3A_375 : vector<16xi32> -> vector<16xf32>
        %mul3A_377 = arith.constant 5.000000e-01 : f32
        %mul3A_378 = vector.broadcast %mul3A_377 : f32 to vector<16xf32>
        %mul3A_379 = arith.mulf %max3A_368, %mul3A_378 : vector<16xf32>
        %mul3A_380 = arith.mulf %mul3A_379, %bitcast_convert_type3A_376 : vector<16xf32>
        %mul3A_381 = arith.mulf %mul3A_380, %bitcast_convert_type3A_376 : vector<16xf32>
        %sub3A_382 = arith.constant 1.500000e+00 : f32
        %sub3A_383 = vector.broadcast %sub3A_382 : f32 to vector<16xf32>
        %sub3A_384 = arith.subf %sub3A_383, %mul3A_381 : vector<16xf32>
        %mul3A_385 = arith.mulf %bitcast_convert_type3A_376, %sub3A_384 : vector<16xf32>
        %mul3A_386 = arith.mulf %max3A_368, %mul3A_385 : vector<16xf32>
        %sub3A_387 = arith.subf %gather3A_323, %gather3A_326 : vector<16xf32>
        %sub3A_388 = arith.subf %gather3A_324, %gather3A_327 : vector<16xf32>
        %sub3A_389 = arith.subf %gather3A_325, %gather3A_328 : vector<16xf32>
        %mul3A_390 = arith.mulf %sub3A_387, %sub3A_387 : vector<16xf32>
        %mul3A_391 = arith.mulf %sub3A_388, %sub3A_388 : vector<16xf32>
        %add3A_392 = arith.addf %mul3A_390, %mul3A_391 : vector<16xf32>
        %mul3A_393 = arith.mulf %sub3A_389, %sub3A_389 : vector<16xf32>
        %add3A_394 = arith.addf %add3A_392, %mul3A_393 : vector<16xf32>
        %max3A_395 = arith.constant 9.99999993E-9 : f32
        %max3A_396 = vector.broadcast %max3A_395 : f32 to vector<16xf32>
        %max3A_397 = arith.maximumf %add3A_394, %max3A_396 : vector<16xf32>
        %bitcast_convert_type3A_398 = tpu.bitcast %max3A_397 : vector<16xf32> -> vector<16xi32>
        %shift_right_logical3A_399 = arith.constant 1 : i32
        %shift_right_logical3A_400 = vector.broadcast %shift_right_logical3A_399 : i32 to vector<16xi32>
        %shift_right_logical3A_401 = arith.shrui %bitcast_convert_type3A_398, %shift_right_logical3A_400 : vector<16xi32>
        %sub3A_402 = arith.constant 1597463007 : i32
        %sub3A_403 = vector.broadcast %sub3A_402 : i32 to vector<16xi32>
        %sub3A_404 = arith.subi %sub3A_403, %shift_right_logical3A_401 : vector<16xi32>
        %bitcast_convert_type3A_405 = tpu.bitcast %sub3A_404 : vector<16xi32> -> vector<16xf32>
        %mul3A_406 = arith.constant 5.000000e-01 : f32
        %mul3A_407 = vector.broadcast %mul3A_406 : f32 to vector<16xf32>
        %mul3A_408 = arith.mulf %max3A_397, %mul3A_407 : vector<16xf32>
        %mul3A_409 = arith.mulf %mul3A_408, %bitcast_convert_type3A_405 : vector<16xf32>
        %mul3A_410 = arith.mulf %mul3A_409, %bitcast_convert_type3A_405 : vector<16xf32>
        %sub3A_411 = arith.constant 1.500000e+00 : f32
        %sub3A_412 = vector.broadcast %sub3A_411 : f32 to vector<16xf32>
        %sub3A_413 = arith.subf %sub3A_412, %mul3A_410 : vector<16xf32>
        %mul3A_414 = arith.mulf %bitcast_convert_type3A_405, %sub3A_413 : vector<16xf32>
        %mul3A_415 = arith.mulf %max3A_397, %mul3A_414 : vector<16xf32>
        %gather3A_416 = tpu.vector_load_idx %arg9[%add3A_319, %get3A_87] : memref<8x2334xf32, #tpu.memory_space<vmem>>[vector<16xi32>, vector<16xi32>], vector<16xf32>,
        %gather3A_417 = tpu.vector_load_idx %arg9[%add3A_319, %get3A_91] : memref<8x2334xf32, #tpu.memory_space<vmem>>[vector<16xi32>, vector<16xi32>], vector<16xf32>,
        %gather3A_418 = tpu.vector_load_idx %arg9[%add3A_319, %get3A_95] : memref<8x2334xf32, #tpu.memory_space<vmem>>[vector<16xi32>, vector<16xi32>], vector<16xf32>,
        %gather3A_419 = tpu.vector_load_idx %arg9[%add3A_319, %get3A_99] : memref<8x2334xf32, #tpu.memory_space<vmem>>[vector<16xi32>, vector<16xi32>], vector<16xf32>,
        %gather3A_420 = tpu.vector_load_idx %arg9[%add3A_319, %get3A_103] : memref<8x2334xf32, #tpu.memory_space<vmem>>[vector<16xi32>, vector<16xi32>], vector<16xf32>,
        %gather3A_421 = tpu.vector_load_idx %arg9[%add3A_319, %get3A_107] : memref<8x2334xf32, #tpu.memory_space<vmem>>[vector<16xi32>, vector<16xi32>], vector<16xf32>,
        %gather3A_422 = tpu.vector_load_idx %arg9[%add3A_319, %get3A_111] : memref<8x2334xf32, #tpu.memory_space<vmem>>[vector<16xi32>, vector<16xi32>], vector<16xf32>,
        %gather3A_423 = tpu.vector_load_idx %arg9[%add3A_319, %get3A_115] : memref<8x2334xf32, #tpu.memory_space<vmem>>[vector<16xi32>, vector<16xi32>], vector<16xf32>,
        %gather3A_424 = tpu.vector_load_idx %arg9[%add3A_319, %get3A_119] : memref<8x2334xf32, #tpu.memory_space<vmem>>[vector<16xi32>, vector<16xi32>], vector<16xf32>,
        %sub3A_425 = arith.subf %gather3A_416, %gather3A_419 : vector<16xf32>
        %sub3A_426 = arith.subf %gather3A_417, %gather3A_420 : vector<16xf32>
        %sub3A_427 = arith.subf %gather3A_418, %gather3A_421 : vector<16xf32>
        %mul3A_428 = arith.mulf %sub3A_425, %sub3A_425 : vector<16xf32>
        %mul3A_429 = arith.mulf %sub3A_426, %sub3A_426 : vector<16xf32>
        %add3A_430 = arith.addf %mul3A_428, %mul3A_429 : vector<16xf32>
        %mul3A_431 = arith.mulf %sub3A_427, %sub3A_427 : vector<16xf32>
        %add3A_432 = arith.addf %add3A_430, %mul3A_431 : vector<16xf32>
        %max3A_433 = arith.constant 9.99999993E-9 : f32
        %max3A_434 = vector.broadcast %max3A_433 : f32 to vector<16xf32>
        %max3A_435 = arith.maximumf %add3A_432, %max3A_434 : vector<16xf32>
        %bitcast_convert_type3A_436 = tpu.bitcast %max3A_435 : vector<16xf32> -> vector<16xi32>
        %shift_right_logical3A_437 = arith.constant 1 : i32
        %shift_right_logical3A_438 = vector.broadcast %shift_right_logical3A_437 : i32 to vector<16xi32>
        %shift_right_logical3A_439 = arith.shrui %bitcast_convert_type3A_436, %shift_right_logical3A_438 : vector<16xi32>
        %sub3A_440 = arith.constant 1597463007 : i32
        %sub3A_441 = vector.broadcast %sub3A_440 : i32 to vector<16xi32>
        %sub3A_442 = arith.subi %sub3A_441, %shift_right_logical3A_439 : vector<16xi32>
        %bitcast_convert_type3A_443 = tpu.bitcast %sub3A_442 : vector<16xi32> -> vector<16xf32>
        %mul3A_444 = arith.constant 5.000000e-01 : f32
        %mul3A_445 = vector.broadcast %mul3A_444 : f32 to vector<16xf32>
        %mul3A_446 = arith.mulf %max3A_435, %mul3A_445 : vector<16xf32>
        %mul3A_447 = arith.mulf %mul3A_446, %bitcast_convert_type3A_443 : vector<16xf32>
        %mul3A_448 = arith.mulf %mul3A_447, %bitcast_convert_type3A_443 : vector<16xf32>
        %sub3A_449 = arith.constant 1.500000e+00 : f32
        %sub3A_450 = vector.broadcast %sub3A_449 : f32 to vector<16xf32>
        %sub3A_451 = arith.subf %sub3A_450, %mul3A_448 : vector<16xf32>
        %mul3A_452 = arith.mulf %bitcast_convert_type3A_443, %sub3A_451 : vector<16xf32>
        %mul3A_453 = arith.mulf %max3A_435, %mul3A_452 : vector<16xf32>
        %sub3A_454 = arith.subf %gather3A_416, %gather3A_422 : vector<16xf32>
        %sub3A_455 = arith.subf %gather3A_417, %gather3A_423 : vector<16xf32>
        %sub3A_456 = arith.subf %gather3A_418, %gather3A_424 : vector<16xf32>
        %mul3A_457 = arith.mulf %sub3A_454, %sub3A_454 : vector<16xf32>
        %mul3A_458 = arith.mulf %sub3A_455, %sub3A_455 : vector<16xf32>
        %add3A_459 = arith.addf %mul3A_457, %mul3A_458 : vector<16xf32>
        %mul3A_460 = arith.mulf %sub3A_456, %sub3A_456 : vector<16xf32>
        %add3A_461 = arith.addf %add3A_459, %mul3A_460 : vector<16xf32>
        %max3A_462 = arith.constant 9.99999993E-9 : f32
        %max3A_463 = vector.broadcast %max3A_462 : f32 to vector<16xf32>
        %max3A_464 = arith.maximumf %add3A_461, %max3A_463 : vector<16xf32>
        %bitcast_convert_type3A_465 = tpu.bitcast %max3A_464 : vector<16xf32> -> vector<16xi32>
        %shift_right_logical3A_466 = arith.constant 1 : i32
        %shift_right_logical3A_467 = vector.broadcast %shift_right_logical3A_466 : i32 to vector<16xi32>
        %shift_right_logical3A_468 = arith.shrui %bitcast_convert_type3A_465, %shift_right_logical3A_467 : vector<16xi32>
        %sub3A_469 = arith.constant 1597463007 : i32
        %sub3A_470 = vector.broadcast %sub3A_469 : i32 to vector<16xi32>
        %sub3A_471 = arith.subi %sub3A_470, %shift_right_logical3A_468 : vector<16xi32>
        %bitcast_convert_type3A_472 = tpu.bitcast %sub3A_471 : vector<16xi32> -> vector<16xf32>
        %mul3A_473 = arith.constant 5.000000e-01 : f32
        %mul3A_474 = vector.broadcast %mul3A_473 : f32 to vector<16xf32>
        %mul3A_475 = arith.mulf %max3A_464, %mul3A_474 : vector<16xf32>
        %mul3A_476 = arith.mulf %mul3A_475, %bitcast_convert_type3A_472 : vector<16xf32>
        %mul3A_477 = arith.mulf %mul3A_476, %bitcast_convert_type3A_472 : vector<16xf32>
        %sub3A_478 = arith.constant 1.500000e+00 : f32
        %sub3A_479 = vector.broadcast %sub3A_478 : f32 to vector<16xf32>
        %sub3A_480 = arith.subf %sub3A_479, %mul3A_477 : vector<16xf32>
        %mul3A_481 = arith.mulf %bitcast_convert_type3A_472, %sub3A_480 : vector<16xf32>
        %mul3A_482 = arith.mulf %max3A_464, %mul3A_481 : vector<16xf32>
        %sub3A_483 = arith.subf %gather3A_419, %gather3A_422 : vector<16xf32>
        %sub3A_484 = arith.subf %gather3A_420, %gather3A_423 : vector<16xf32>
        %sub3A_485 = arith.subf %gather3A_421, %gather3A_424 : vector<16xf32>
        %mul3A_486 = arith.mulf %sub3A_483, %sub3A_483 : vector<16xf32>
        %mul3A_487 = arith.mulf %sub3A_484, %sub3A_484 : vector<16xf32>
        %add3A_488 = arith.addf %mul3A_486, %mul3A_487 : vector<16xf32>
        %mul3A_489 = arith.mulf %sub3A_485, %sub3A_485 : vector<16xf32>
        %add3A_490 = arith.addf %add3A_488, %mul3A_489 : vector<16xf32>
        %max3A_491 = arith.constant 9.99999993E-9 : f32
        %max3A_492 = vector.broadcast %max3A_491 : f32 to vector<16xf32>
        %max3A_493 = arith.maximumf %add3A_490, %max3A_492 : vector<16xf32>
        %bitcast_convert_type3A_494 = tpu.bitcast %max3A_493 : vector<16xf32> -> vector<16xi32>
        %shift_right_logical3A_495 = arith.constant 1 : i32
        %shift_right_logical3A_496 = vector.broadcast %shift_right_logical3A_495 : i32 to vector<16xi32>
        %shift_right_logical3A_497 = arith.shrui %bitcast_convert_type3A_494, %shift_right_logical3A_496 : vector<16xi32>
        %sub3A_498 = arith.constant 1597463007 : i32
        %sub3A_499 = vector.broadcast %sub3A_498 : i32 to vector<16xi32>
        %sub3A_500 = arith.subi %sub3A_499, %shift_right_logical3A_497 : vector<16xi32>
        %bitcast_convert_type3A_501 = tpu.bitcast %sub3A_500 : vector<16xi32> -> vector<16xf32>
        %mul3A_502 = arith.constant 5.000000e-01 : f32
        %mul3A_503 = vector.broadcast %mul3A_502 : f32 to vector<16xf32>
        %mul3A_504 = arith.mulf %max3A_493, %mul3A_503 : vector<16xf32>
        %mul3A_505 = arith.mulf %mul3A_504, %bitcast_convert_type3A_501 : vector<16xf32>
        %mul3A_506 = arith.mulf %mul3A_505, %bitcast_convert_type3A_501 : vector<16xf32>
        %sub3A_507 = arith.constant 1.500000e+00 : f32
        %sub3A_508 = vector.broadcast %sub3A_507 : f32 to vector<16xf32>
        %sub3A_509 = arith.subf %sub3A_508, %mul3A_506 : vector<16xf32>
        %mul3A_510 = arith.mulf %bitcast_convert_type3A_501, %sub3A_509 : vector<16xf32>
        %mul3A_511 = arith.mulf %max3A_493, %mul3A_510 : vector<16xf32>
        %sub3A_512 = arith.subf %mul3A_357, %mul3A_453 : vector<16xf32>
        %abs3A_513 = math.absf %sub3A_512 : vector<16xf32>
        %sub3A_514 = arith.subf %mul3A_386, %mul3A_482 : vector<16xf32>
        %abs3A_515 = math.absf %sub3A_514 : vector<16xf32>
        %add3A_516 = arith.addf %abs3A_513, %abs3A_515 : vector<16xf32>
        %sub3A_517 = arith.subf %mul3A_415, %mul3A_511 : vector<16xf32>
        %abs3A_518 = math.absf %sub3A_517 : vector<16xf32>
        %add3A_519 = arith.addf %add3A_516, %abs3A_518 : vector<16xf32>
        %add3A_520 = arith.constant 2 : i32
        %add3A_521 = vector.broadcast %add3A_520 : i32 to vector<16xi32>
        %add3A_522 = arith.addi %broadcast_in_dim3A_1, %add3A_521 : vector<16xi32>
        %gather3A_523 = tpu.vector_load_idx %arg8[%add3A_522, %get3A_87] : memref<8x2334xf32, #tpu.memory_space<vmem>>[vector<16xi32>, vector<16xi32>], vector<16xf32>,
        %gather3A_524 = tpu.vector_load_idx %arg8[%add3A_522, %get3A_91] : memref<8x2334xf32, #tpu.memory_space<vmem>>[vector<16xi32>, vector<16xi32>], vector<16xf32>,
        %gather3A_525 = tpu.vector_load_idx %arg8[%add3A_522, %get3A_95] : memref<8x2334xf32, #tpu.memory_space<vmem>>[vector<16xi32>, vector<16xi32>], vector<16xf32>,
        %gather3A_526 = tpu.vector_load_idx %arg8[%add3A_522, %get3A_99] : memref<8x2334xf32, #tpu.memory_space<vmem>>[vector<16xi32>, vector<16xi32>], vector<16xf32>,
        %gather3A_527 = tpu.vector_load_idx %arg8[%add3A_522, %get3A_103] : memref<8x2334xf32, #tpu.memory_space<vmem>>[vector<16xi32>, vector<16xi32>], vector<16xf32>,
        %gather3A_528 = tpu.vector_load_idx %arg8[%add3A_522, %get3A_107] : memref<8x2334xf32, #tpu.memory_space<vmem>>[vector<16xi32>, vector<16xi32>], vector<16xf32>,
        %gather3A_529 = tpu.vector_load_idx %arg8[%add3A_522, %get3A_111] : memref<8x2334xf32, #tpu.memory_space<vmem>>[vector<16xi32>, vector<16xi32>], vector<16xf32>,
        %gather3A_530 = tpu.vector_load_idx %arg8[%add3A_522, %get3A_115] : memref<8x2334xf32, #tpu.memory_space<vmem>>[vector<16xi32>, vector<16xi32>], vector<16xf32>,
        %gather3A_531 = tpu.vector_load_idx %arg8[%add3A_522, %get3A_119] : memref<8x2334xf32, #tpu.memory_space<vmem>>[vector<16xi32>, vector<16xi32>], vector<16xf32>,
        %sub3A_532 = arith.subf %gather3A_523, %gather3A_526 : vector<16xf32>
        %sub3A_533 = arith.subf %gather3A_524, %gather3A_527 : vector<16xf32>
        %sub3A_534 = arith.subf %gather3A_525, %gather3A_528 : vector<16xf32>
        %mul3A_535 = arith.mulf %sub3A_532, %sub3A_532 : vector<16xf32>
        %mul3A_536 = arith.mulf %sub3A_533, %sub3A_533 : vector<16xf32>
        %add3A_537 = arith.addf %mul3A_535, %mul3A_536 : vector<16xf32>
        %mul3A_538 = arith.mulf %sub3A_534, %sub3A_534 : vector<16xf32>
        %add3A_539 = arith.addf %add3A_537, %mul3A_538 : vector<16xf32>
        %max3A_540 = arith.constant 9.99999993E-9 : f32
        %max3A_541 = vector.broadcast %max3A_540 : f32 to vector<16xf32>
        %max3A_542 = arith.maximumf %add3A_539, %max3A_541 : vector<16xf32>
        %bitcast_convert_type3A_543 = tpu.bitcast %max3A_542 : vector<16xf32> -> vector<16xi32>
        %shift_right_logical3A_544 = arith.constant 1 : i32
        %shift_right_logical3A_545 = vector.broadcast %shift_right_logical3A_544 : i32 to vector<16xi32>
        %shift_right_logical3A_546 = arith.shrui %bitcast_convert_type3A_543, %shift_right_logical3A_545 : vector<16xi32>
        %sub3A_547 = arith.constant 1597463007 : i32
        %sub3A_548 = vector.broadcast %sub3A_547 : i32 to vector<16xi32>
        %sub3A_549 = arith.subi %sub3A_548, %shift_right_logical3A_546 : vector<16xi32>
        %bitcast_convert_type3A_550 = tpu.bitcast %sub3A_549 : vector<16xi32> -> vector<16xf32>
        %mul3A_551 = arith.constant 5.000000e-01 : f32
        %mul3A_552 = vector.broadcast %mul3A_551 : f32 to vector<16xf32>
        %mul3A_553 = arith.mulf %max3A_542, %mul3A_552 : vector<16xf32>
        %mul3A_554 = arith.mulf %mul3A_553, %bitcast_convert_type3A_550 : vector<16xf32>
        %mul3A_555 = arith.mulf %mul3A_554, %bitcast_convert_type3A_550 : vector<16xf32>
        %sub3A_556 = arith.constant 1.500000e+00 : f32
        %sub3A_557 = vector.broadcast %sub3A_556 : f32 to vector<16xf32>
        %sub3A_558 = arith.subf %sub3A_557, %mul3A_555 : vector<16xf32>
        %mul3A_559 = arith.mulf %bitcast_convert_type3A_550, %sub3A_558 : vector<16xf32>
        %mul3A_560 = arith.mulf %max3A_542, %mul3A_559 : vector<16xf32>
        %sub3A_561 = arith.subf %gather3A_523, %gather3A_529 : vector<16xf32>
        %sub3A_562 = arith.subf %gather3A_524, %gather3A_530 : vector<16xf32>
        %sub3A_563 = arith.subf %gather3A_525, %gather3A_531 : vector<16xf32>
        %mul3A_564 = arith.mulf %sub3A_561, %sub3A_561 : vector<16xf32>
        %mul3A_565 = arith.mulf %sub3A_562, %sub3A_562 : vector<16xf32>
        %add3A_566 = arith.addf %mul3A_564, %mul3A_565 : vector<16xf32>
        %mul3A_567 = arith.mulf %sub3A_563, %sub3A_563 : vector<16xf32>
        %add3A_568 = arith.addf %add3A_566, %mul3A_567 : vector<16xf32>
        %max3A_569 = arith.constant 9.99999993E-9 : f32
        %max3A_570 = vector.broadcast %max3A_569 : f32 to vector<16xf32>
        %max3A_571 = arith.maximumf %add3A_568, %max3A_570 : vector<16xf32>
        %bitcast_convert_type3A_572 = tpu.bitcast %max3A_571 : vector<16xf32> -> vector<16xi32>
        %shift_right_logical3A_573 = arith.constant 1 : i32
        %shift_right_logical3A_574 = vector.broadcast %shift_right_logical3A_573 : i32 to vector<16xi32>
        %shift_right_logical3A_575 = arith.shrui %bitcast_convert_type3A_572, %shift_right_logical3A_574 : vector<16xi32>
        %sub3A_576 = arith.constant 1597463007 : i32
        %sub3A_577 = vector.broadcast %sub3A_576 : i32 to vector<16xi32>
        %sub3A_578 = arith.subi %sub3A_577, %shift_right_logical3A_575 : vector<16xi32>
        %bitcast_convert_type3A_579 = tpu.bitcast %sub3A_578 : vector<16xi32> -> vector<16xf32>
        %mul3A_580 = arith.constant 5.000000e-01 : f32
        %mul3A_581 = vector.broadcast %mul3A_580 : f32 to vector<16xf32>
        %mul3A_582 = arith.mulf %max3A_571, %mul3A_581 : vector<16xf32>
        %mul3A_583 = arith.mulf %mul3A_582, %bitcast_convert_type3A_579 : vector<16xf32>
        %mul3A_584 = arith.mulf %mul3A_583, %bitcast_convert_type3A_579 : vector<16xf32>
        %sub3A_585 = arith.constant 1.500000e+00 : f32
        %sub3A_586 = vector.broadcast %sub3A_585 : f32 to vector<16xf32>
        %sub3A_587 = arith.subf %sub3A_586, %mul3A_584 : vector<16xf32>
        %mul3A_588 = arith.mulf %bitcast_convert_type3A_579, %sub3A_587 : vector<16xf32>
        %mul3A_589 = arith.mulf %max3A_571, %mul3A_588 : vector<16xf32>
        %sub3A_590 = arith.subf %gather3A_526, %gather3A_529 : vector<16xf32>
        %sub3A_591 = arith.subf %gather3A_527, %gather3A_530 : vector<16xf32>
        %sub3A_592 = arith.subf %gather3A_528, %gather3A_531 : vector<16xf32>
        %mul3A_593 = arith.mulf %sub3A_590, %sub3A_590 : vector<16xf32>
        %mul3A_594 = arith.mulf %sub3A_591, %sub3A_591 : vector<16xf32>
        %add3A_595 = arith.addf %mul3A_593, %mul3A_594 : vector<16xf32>
        %mul3A_596 = arith.mulf %sub3A_592, %sub3A_592 : vector<16xf32>
        %add3A_597 = arith.addf %add3A_595, %mul3A_596 : vector<16xf32>
        %max3A_598 = arith.constant 9.99999993E-9 : f32
        %max3A_599 = vector.broadcast %max3A_598 : f32 to vector<16xf32>
        %max3A_600 = arith.maximumf %add3A_597, %max3A_599 : vector<16xf32>
        %bitcast_convert_type3A_601 = tpu.bitcast %max3A_600 : vector<16xf32> -> vector<16xi32>
        %shift_right_logical3A_602 = arith.constant 1 : i32
        %shift_right_logical3A_603 = vector.broadcast %shift_right_logical3A_602 : i32 to vector<16xi32>
        %shift_right_logical3A_604 = arith.shrui %bitcast_convert_type3A_601, %shift_right_logical3A_603 : vector<16xi32>
        %sub3A_605 = arith.constant 1597463007 : i32
        %sub3A_606 = vector.broadcast %sub3A_605 : i32 to vector<16xi32>
        %sub3A_607 = arith.subi %sub3A_606, %shift_right_logical3A_604 : vector<16xi32>
        %bitcast_convert_type3A_608 = tpu.bitcast %sub3A_607 : vector<16xi32> -> vector<16xf32>
        %mul3A_609 = arith.constant 5.000000e-01 : f32
        %mul3A_610 = vector.broadcast %mul3A_609 : f32 to vector<16xf32>
        %mul3A_611 = arith.mulf %max3A_600, %mul3A_610 : vector<16xf32>
        %mul3A_612 = arith.mulf %mul3A_611, %bitcast_convert_type3A_608 : vector<16xf32>
        %mul3A_613 = arith.mulf %mul3A_612, %bitcast_convert_type3A_608 : vector<16xf32>
        %sub3A_614 = arith.constant 1.500000e+00 : f32
        %sub3A_615 = vector.broadcast %sub3A_614 : f32 to vector<16xf32>
        %sub3A_616 = arith.subf %sub3A_615, %mul3A_613 : vector<16xf32>
        %mul3A_617 = arith.mulf %bitcast_convert_type3A_608, %sub3A_616 : vector<16xf32>
        %mul3A_618 = arith.mulf %max3A_600, %mul3A_617 : vector<16xf32>
        %gather3A_619 = tpu.vector_load_idx %arg9[%add3A_522, %get3A_87] : memref<8x2334xf32, #tpu.memory_space<vmem>>[vector<16xi32>, vector<16xi32>], vector<16xf32>,
        %gather3A_620 = tpu.vector_load_idx %arg9[%add3A_522, %get3A_91] : memref<8x2334xf32, #tpu.memory_space<vmem>>[vector<16xi32>, vector<16xi32>], vector<16xf32>,
        %gather3A_621 = tpu.vector_load_idx %arg9[%add3A_522, %get3A_95] : memref<8x2334xf32, #tpu.memory_space<vmem>>[vector<16xi32>, vector<16xi32>], vector<16xf32>,
        %gather3A_622 = tpu.vector_load_idx %arg9[%add3A_522, %get3A_99] : memref<8x2334xf32, #tpu.memory_space<vmem>>[vector<16xi32>, vector<16xi32>], vector<16xf32>,
        %gather3A_623 = tpu.vector_load_idx %arg9[%add3A_522, %get3A_103] : memref<8x2334xf32, #tpu.memory_space<vmem>>[vector<16xi32>, vector<16xi32>], vector<16xf32>,
        %gather3A_624 = tpu.vector_load_idx %arg9[%add3A_522, %get3A_107] : memref<8x2334xf32, #tpu.memory_space<vmem>>[vector<16xi32>, vector<16xi32>], vector<16xf32>,
        %gather3A_625 = tpu.vector_load_idx %arg9[%add3A_522, %get3A_111] : memref<8x2334xf32, #tpu.memory_space<vmem>>[vector<16xi32>, vector<16xi32>], vector<16xf32>,
        %gather3A_626 = tpu.vector_load_idx %arg9[%add3A_522, %get3A_115] : memref<8x2334xf32, #tpu.memory_space<vmem>>[vector<16xi32>, vector<16xi32>], vector<16xf32>,
        %gather3A_627 = tpu.vector_load_idx %arg9[%add3A_522, %get3A_119] : memref<8x2334xf32, #tpu.memory_space<vmem>>[vector<16xi32>, vector<16xi32>], vector<16xf32>,
        %sub3A_628 = arith.subf %gather3A_619, %gather3A_622 : vector<16xf32>
        %sub3A_629 = arith.subf %gather3A_620, %gather3A_623 : vector<16xf32>
        %sub3A_630 = arith.subf %gather3A_621, %gather3A_624 : vector<16xf32>
        %mul3A_631 = arith.mulf %sub3A_628, %sub3A_628 : vector<16xf32>
        %mul3A_632 = arith.mulf %sub3A_629, %sub3A_629 : vector<16xf32>
        %add3A_633 = arith.addf %mul3A_631, %mul3A_632 : vector<16xf32>
        %mul3A_634 = arith.mulf %sub3A_630, %sub3A_630 : vector<16xf32>
        %add3A_635 = arith.addf %add3A_633, %mul3A_634 : vector<16xf32>
        %max3A_636 = arith.constant 9.99999993E-9 : f32
        %max3A_637 = vector.broadcast %max3A_636 : f32 to vector<16xf32>
        %max3A_638 = arith.maximumf %add3A_635, %max3A_637 : vector<16xf32>
        %bitcast_convert_type3A_639 = tpu.bitcast %max3A_638 : vector<16xf32> -> vector<16xi32>
        %shift_right_logical3A_640 = arith.constant 1 : i32
        %shift_right_logical3A_641 = vector.broadcast %shift_right_logical3A_640 : i32 to vector<16xi32>
        %shift_right_logical3A_642 = arith.shrui %bitcast_convert_type3A_639, %shift_right_logical3A_641 : vector<16xi32>
        %sub3A_643 = arith.constant 1597463007 : i32
        %sub3A_644 = vector.broadcast %sub3A_643 : i32 to vector<16xi32>
        %sub3A_645 = arith.subi %sub3A_644, %shift_right_logical3A_642 : vector<16xi32>
        %bitcast_convert_type3A_646 = tpu.bitcast %sub3A_645 : vector<16xi32> -> vector<16xf32>
        %mul3A_647 = arith.constant 5.000000e-01 : f32
        %mul3A_648 = vector.broadcast %mul3A_647 : f32 to vector<16xf32>
        %mul3A_649 = arith.mulf %max3A_638, %mul3A_648 : vector<16xf32>
        %mul3A_650 = arith.mulf %mul3A_649, %bitcast_convert_type3A_646 : vector<16xf32>
        %mul3A_651 = arith.mulf %mul3A_650, %bitcast_convert_type3A_646 : vector<16xf32>
        %sub3A_652 = arith.constant 1.500000e+00 : f32
        %sub3A_653 = vector.broadcast %sub3A_652 : f32 to vector<16xf32>
        %sub3A_654 = arith.subf %sub3A_653, %mul3A_651 : vector<16xf32>
        %mul3A_655 = arith.mulf %bitcast_convert_type3A_646, %sub3A_654 : vector<16xf32>
        %mul3A_656 = arith.mulf %max3A_638, %mul3A_655 : vector<16xf32>
        %sub3A_657 = arith.subf %gather3A_619, %gather3A_625 : vector<16xf32>
        %sub3A_658 = arith.subf %gather3A_620, %gather3A_626 : vector<16xf32>
        %sub3A_659 = arith.subf %gather3A_621, %gather3A_627 : vector<16xf32>
        %mul3A_660 = arith.mulf %sub3A_657, %sub3A_657 : vector<16xf32>
        %mul3A_661 = arith.mulf %sub3A_658, %sub3A_658 : vector<16xf32>
        %add3A_662 = arith.addf %mul3A_660, %mul3A_661 : vector<16xf32>
        %mul3A_663 = arith.mulf %sub3A_659, %sub3A_659 : vector<16xf32>
        %add3A_664 = arith.addf %add3A_662, %mul3A_663 : vector<16xf32>
        %max3A_665 = arith.constant 9.99999993E-9 : f32
        %max3A_666 = vector.broadcast %max3A_665 : f32 to vector<16xf32>
        %max3A_667 = arith.maximumf %add3A_664, %max3A_666 : vector<16xf32>
        %bitcast_convert_type3A_668 = tpu.bitcast %max3A_667 : vector<16xf32> -> vector<16xi32>
        %shift_right_logical3A_669 = arith.constant 1 : i32
        %shift_right_logical3A_670 = vector.broadcast %shift_right_logical3A_669 : i32 to vector<16xi32>
        %shift_right_logical3A_671 = arith.shrui %bitcast_convert_type3A_668, %shift_right_logical3A_670 : vector<16xi32>
        %sub3A_672 = arith.constant 1597463007 : i32
        %sub3A_673 = vector.broadcast %sub3A_672 : i32 to vector<16xi32>
        %sub3A_674 = arith.subi %sub3A_673, %shift_right_logical3A_671 : vector<16xi32>
        %bitcast_convert_type3A_675 = tpu.bitcast %sub3A_674 : vector<16xi32> -> vector<16xf32>
        %mul3A_676 = arith.constant 5.000000e-01 : f32
        %mul3A_677 = vector.broadcast %mul3A_676 : f32 to vector<16xf32>
        %mul3A_678 = arith.mulf %max3A_667, %mul3A_677 : vector<16xf32>
        %mul3A_679 = arith.mulf %mul3A_678, %bitcast_convert_type3A_675 : vector<16xf32>
        %mul3A_680 = arith.mulf %mul3A_679, %bitcast_convert_type3A_675 : vector<16xf32>
        %sub3A_681 = arith.constant 1.500000e+00 : f32
        %sub3A_682 = vector.broadcast %sub3A_681 : f32 to vector<16xf32>
        %sub3A_683 = arith.subf %sub3A_682, %mul3A_680 : vector<16xf32>
        %mul3A_684 = arith.mulf %bitcast_convert_type3A_675, %sub3A_683 : vector<16xf32>
        %mul3A_685 = arith.mulf %max3A_667, %mul3A_684 : vector<16xf32>
        %sub3A_686 = arith.subf %gather3A_622, %gather3A_625 : vector<16xf32>
        %sub3A_687 = arith.subf %gather3A_623, %gather3A_626 : vector<16xf32>
        %sub3A_688 = arith.subf %gather3A_624, %gather3A_627 : vector<16xf32>
        %mul3A_689 = arith.mulf %sub3A_686, %sub3A_686 : vector<16xf32>
        %mul3A_690 = arith.mulf %sub3A_687, %sub3A_687 : vector<16xf32>
        %add3A_691 = arith.addf %mul3A_689, %mul3A_690 : vector<16xf32>
        %mul3A_692 = arith.mulf %sub3A_688, %sub3A_688 : vector<16xf32>
        %add3A_693 = arith.addf %add3A_691, %mul3A_692 : vector<16xf32>
        %max3A_694 = arith.constant 9.99999993E-9 : f32
        %max3A_695 = vector.broadcast %max3A_694 : f32 to vector<16xf32>
        %max3A_696 = arith.maximumf %add3A_693, %max3A_695 : vector<16xf32>
        %bitcast_convert_type3A_697 = tpu.bitcast %max3A_696 : vector<16xf32> -> vector<16xi32>
        %shift_right_logical3A_698 = arith.constant 1 : i32
        %shift_right_logical3A_699 = vector.broadcast %shift_right_logical3A_698 : i32 to vector<16xi32>
        %shift_right_logical3A_700 = arith.shrui %bitcast_convert_type3A_697, %shift_right_logical3A_699 : vector<16xi32>
        %sub3A_701 = arith.constant 1597463007 : i32
        %sub3A_702 = vector.broadcast %sub3A_701 : i32 to vector<16xi32>
        %sub3A_703 = arith.subi %sub3A_702, %shift_right_logical3A_700 : vector<16xi32>
        %bitcast_convert_type3A_704 = tpu.bitcast %sub3A_703 : vector<16xi32> -> vector<16xf32>
        %mul3A_705 = arith.constant 5.000000e-01 : f32
        %mul3A_706 = vector.broadcast %mul3A_705 : f32 to vector<16xf32>
        %mul3A_707 = arith.mulf %max3A_696, %mul3A_706 : vector<16xf32>
        %mul3A_708 = arith.mulf %mul3A_707, %bitcast_convert_type3A_704 : vector<16xf32>
        %mul3A_709 = arith.mulf %mul3A_708, %bitcast_convert_type3A_704 : vector<16xf32>
        %sub3A_710 = arith.constant 1.500000e+00 : f32
        %sub3A_711 = vector.broadcast %sub3A_710 : f32 to vector<16xf32>
        %sub3A_712 = arith.subf %sub3A_711, %mul3A_709 : vector<16xf32>
        %mul3A_713 = arith.mulf %bitcast_convert_type3A_704, %sub3A_712 : vector<16xf32>
        %mul3A_714 = arith.mulf %max3A_696, %mul3A_713 : vector<16xf32>
        %sub3A_715 = arith.subf %mul3A_560, %mul3A_656 : vector<16xf32>
        %abs3A_716 = math.absf %sub3A_715 : vector<16xf32>
        %sub3A_717 = arith.subf %mul3A_589, %mul3A_685 : vector<16xf32>
        %abs3A_718 = math.absf %sub3A_717 : vector<16xf32>
        %add3A_719 = arith.addf %abs3A_716, %abs3A_718 : vector<16xf32>
        %sub3A_720 = arith.subf %mul3A_618, %mul3A_714 : vector<16xf32>
        %abs3A_721 = math.absf %sub3A_720 : vector<16xf32>
        %add3A_722 = arith.addf %add3A_719, %abs3A_721 : vector<16xf32>
        %add3A_723 = arith.constant 3 : i32
        %add3A_724 = vector.broadcast %add3A_723 : i32 to vector<16xi32>
        %add3A_725 = arith.addi %broadcast_in_dim3A_1, %add3A_724 : vector<16xi32>
        %gather3A_726 = tpu.vector_load_idx %arg8[%add3A_725, %get3A_87] : memref<8x2334xf32, #tpu.memory_space<vmem>>[vector<16xi32>, vector<16xi32>], vector<16xf32>,
        %gather3A_727 = tpu.vector_load_idx %arg8[%add3A_725, %get3A_91] : memref<8x2334xf32, #tpu.memory_space<vmem>>[vector<16xi32>, vector<16xi32>], vector<16xf32>,
        %gather3A_728 = tpu.vector_load_idx %arg8[%add3A_725, %get3A_95] : memref<8x2334xf32, #tpu.memory_space<vmem>>[vector<16xi32>, vector<16xi32>], vector<16xf32>,
        %gather3A_729 = tpu.vector_load_idx %arg8[%add3A_725, %get3A_99] : memref<8x2334xf32, #tpu.memory_space<vmem>>[vector<16xi32>, vector<16xi32>], vector<16xf32>,
        %gather3A_730 = tpu.vector_load_idx %arg8[%add3A_725, %get3A_103] : memref<8x2334xf32, #tpu.memory_space<vmem>>[vector<16xi32>, vector<16xi32>], vector<16xf32>,
        %gather3A_731 = tpu.vector_load_idx %arg8[%add3A_725, %get3A_107] : memref<8x2334xf32, #tpu.memory_space<vmem>>[vector<16xi32>, vector<16xi32>], vector<16xf32>,
        %gather3A_732 = tpu.vector_load_idx %arg8[%add3A_725, %get3A_111] : memref<8x2334xf32, #tpu.memory_space<vmem>>[vector<16xi32>, vector<16xi32>], vector<16xf32>,
        %gather3A_733 = tpu.vector_load_idx %arg8[%add3A_725, %get3A_115] : memref<8x2334xf32, #tpu.memory_space<vmem>>[vector<16xi32>, vector<16xi32>], vector<16xf32>,
        %gather3A_734 = tpu.vector_load_idx %arg8[%add3A_725, %get3A_119] : memref<8x2334xf32, #tpu.memory_space<vmem>>[vector<16xi32>, vector<16xi32>], vector<16xf32>,
        %sub3A_735 = arith.subf %gather3A_726, %gather3A_729 : vector<16xf32>
        %sub3A_736 = arith.subf %gather3A_727, %gather3A_730 : vector<16xf32>
        %sub3A_737 = arith.subf %gather3A_728, %gather3A_731 : vector<16xf32>
        %mul3A_738 = arith.mulf %sub3A_735, %sub3A_735 : vector<16xf32>
        %mul3A_739 = arith.mulf %sub3A_736, %sub3A_736 : vector<16xf32>
        %add3A_740 = arith.addf %mul3A_738, %mul3A_739 : vector<16xf32>
        %mul3A_741 = arith.mulf %sub3A_737, %sub3A_737 : vector<16xf32>
        %add3A_742 = arith.addf %add3A_740, %mul3A_741 : vector<16xf32>
        %max3A_743 = arith.constant 9.99999993E-9 : f32
        %max3A_744 = vector.broadcast %max3A_743 : f32 to vector<16xf32>
        %max3A_745 = arith.maximumf %add3A_742, %max3A_744 : vector<16xf32>
        %bitcast_convert_type3A_746 = tpu.bitcast %max3A_745 : vector<16xf32> -> vector<16xi32>
        %shift_right_logical3A_747 = arith.constant 1 : i32
        %shift_right_logical3A_748 = vector.broadcast %shift_right_logical3A_747 : i32 to vector<16xi32>
        %shift_right_logical3A_749 = arith.shrui %bitcast_convert_type3A_746, %shift_right_logical3A_748 : vector<16xi32>
        %sub3A_750 = arith.constant 1597463007 : i32
        %sub3A_751 = vector.broadcast %sub3A_750 : i32 to vector<16xi32>
        %sub3A_752 = arith.subi %sub3A_751, %shift_right_logical3A_749 : vector<16xi32>
        %bitcast_convert_type3A_753 = tpu.bitcast %sub3A_752 : vector<16xi32> -> vector<16xf32>
        %mul3A_754 = arith.constant 5.000000e-01 : f32
        %mul3A_755 = vector.broadcast %mul3A_754 : f32 to vector<16xf32>
        %mul3A_756 = arith.mulf %max3A_745, %mul3A_755 : vector<16xf32>
        %mul3A_757 = arith.mulf %mul3A_756, %bitcast_convert_type3A_753 : vector<16xf32>
        %mul3A_758 = arith.mulf %mul3A_757, %bitcast_convert_type3A_753 : vector<16xf32>
        %sub3A_759 = arith.constant 1.500000e+00 : f32
        %sub3A_760 = vector.broadcast %sub3A_759 : f32 to vector<16xf32>
        %sub3A_761 = arith.subf %sub3A_760, %mul3A_758 : vector<16xf32>
        %mul3A_762 = arith.mulf %bitcast_convert_type3A_753, %sub3A_761 : vector<16xf32>
        %mul3A_763 = arith.mulf %max3A_745, %mul3A_762 : vector<16xf32>
        %sub3A_764 = arith.subf %gather3A_726, %gather3A_732 : vector<16xf32>
        %sub3A_765 = arith.subf %gather3A_727, %gather3A_733 : vector<16xf32>
        %sub3A_766 = arith.subf %gather3A_728, %gather3A_734 : vector<16xf32>
        %mul3A_767 = arith.mulf %sub3A_764, %sub3A_764 : vector<16xf32>
        %mul3A_768 = arith.mulf %sub3A_765, %sub3A_765 : vector<16xf32>
        %add3A_769 = arith.addf %mul3A_767, %mul3A_768 : vector<16xf32>
        %mul3A_770 = arith.mulf %sub3A_766, %sub3A_766 : vector<16xf32>
        %add3A_771 = arith.addf %add3A_769, %mul3A_770 : vector<16xf32>
        %max3A_772 = arith.constant 9.99999993E-9 : f32
        %max3A_773 = vector.broadcast %max3A_772 : f32 to vector<16xf32>
        %max3A_774 = arith.maximumf %add3A_771, %max3A_773 : vector<16xf32>
        %bitcast_convert_type3A_775 = tpu.bitcast %max3A_774 : vector<16xf32> -> vector<16xi32>
        %shift_right_logical3A_776 = arith.constant 1 : i32
        %shift_right_logical3A_777 = vector.broadcast %shift_right_logical3A_776 : i32 to vector<16xi32>
        %shift_right_logical3A_778 = arith.shrui %bitcast_convert_type3A_775, %shift_right_logical3A_777 : vector<16xi32>
        %sub3A_779 = arith.constant 1597463007 : i32
        %sub3A_780 = vector.broadcast %sub3A_779 : i32 to vector<16xi32>
        %sub3A_781 = arith.subi %sub3A_780, %shift_right_logical3A_778 : vector<16xi32>
        %bitcast_convert_type3A_782 = tpu.bitcast %sub3A_781 : vector<16xi32> -> vector<16xf32>
        %mul3A_783 = arith.constant 5.000000e-01 : f32
        %mul3A_784 = vector.broadcast %mul3A_783 : f32 to vector<16xf32>
        %mul3A_785 = arith.mulf %max3A_774, %mul3A_784 : vector<16xf32>
        %mul3A_786 = arith.mulf %mul3A_785, %bitcast_convert_type3A_782 : vector<16xf32>
        %mul3A_787 = arith.mulf %mul3A_786, %bitcast_convert_type3A_782 : vector<16xf32>
        %sub3A_788 = arith.constant 1.500000e+00 : f32
        %sub3A_789 = vector.broadcast %sub3A_788 : f32 to vector<16xf32>
        %sub3A_790 = arith.subf %sub3A_789, %mul3A_787 : vector<16xf32>
        %mul3A_791 = arith.mulf %bitcast_convert_type3A_782, %sub3A_790 : vector<16xf32>
        %mul3A_792 = arith.mulf %max3A_774, %mul3A_791 : vector<16xf32>
        %sub3A_793 = arith.subf %gather3A_729, %gather3A_732 : vector<16xf32>
        %sub3A_794 = arith.subf %gather3A_730, %gather3A_733 : vector<16xf32>
        %sub3A_795 = arith.subf %gather3A_731, %gather3A_734 : vector<16xf32>
        %mul3A_796 = arith.mulf %sub3A_793, %sub3A_793 : vector<16xf32>
        %mul3A_797 = arith.mulf %sub3A_794, %sub3A_794 : vector<16xf32>
        %add3A_798 = arith.addf %mul3A_796, %mul3A_797 : vector<16xf32>
        %mul3A_799 = arith.mulf %sub3A_795, %sub3A_795 : vector<16xf32>
        %add3A_800 = arith.addf %add3A_798, %mul3A_799 : vector<16xf32>
        %max3A_801 = arith.constant 9.99999993E-9 : f32
        %max3A_802 = vector.broadcast %max3A_801 : f32 to vector<16xf32>
        %max3A_803 = arith.maximumf %add3A_800, %max3A_802 : vector<16xf32>
        %bitcast_convert_type3A_804 = tpu.bitcast %max3A_803 : vector<16xf32> -> vector<16xi32>
        %shift_right_logical3A_805 = arith.constant 1 : i32
        %shift_right_logical3A_806 = vector.broadcast %shift_right_logical3A_805 : i32 to vector<16xi32>
        %shift_right_logical3A_807 = arith.shrui %bitcast_convert_type3A_804, %shift_right_logical3A_806 : vector<16xi32>
        %sub3A_808 = arith.constant 1597463007 : i32
        %sub3A_809 = vector.broadcast %sub3A_808 : i32 to vector<16xi32>
        %sub3A_810 = arith.subi %sub3A_809, %shift_right_logical3A_807 : vector<16xi32>
        %bitcast_convert_type3A_811 = tpu.bitcast %sub3A_810 : vector<16xi32> -> vector<16xf32>
        %mul3A_812 = arith.constant 5.000000e-01 : f32
        %mul3A_813 = vector.broadcast %mul3A_812 : f32 to vector<16xf32>
        %mul3A_814 = arith.mulf %max3A_803, %mul3A_813 : vector<16xf32>
        %mul3A_815 = arith.mulf %mul3A_814, %bitcast_convert_type3A_811 : vector<16xf32>
        %mul3A_816 = arith.mulf %mul3A_815, %bitcast_convert_type3A_811 : vector<16xf32>
        %sub3A_817 = arith.constant 1.500000e+00 : f32
        %sub3A_818 = vector.broadcast %sub3A_817 : f32 to vector<16xf32>
        %sub3A_819 = arith.subf %sub3A_818, %mul3A_816 : vector<16xf32>
        %mul3A_820 = arith.mulf %bitcast_convert_type3A_811, %sub3A_819 : vector<16xf32>
        %mul3A_821 = arith.mulf %max3A_803, %mul3A_820 : vector<16xf32>
        %gather3A_822 = tpu.vector_load_idx %arg9[%add3A_725, %get3A_87] : memref<8x2334xf32, #tpu.memory_space<vmem>>[vector<16xi32>, vector<16xi32>], vector<16xf32>,
        %gather3A_823 = tpu.vector_load_idx %arg9[%add3A_725, %get3A_91] : memref<8x2334xf32, #tpu.memory_space<vmem>>[vector<16xi32>, vector<16xi32>], vector<16xf32>,
        %gather3A_824 = tpu.vector_load_idx %arg9[%add3A_725, %get3A_95] : memref<8x2334xf32, #tpu.memory_space<vmem>>[vector<16xi32>, vector<16xi32>], vector<16xf32>,
        %gather3A_825 = tpu.vector_load_idx %arg9[%add3A_725, %get3A_99] : memref<8x2334xf32, #tpu.memory_space<vmem>>[vector<16xi32>, vector<16xi32>], vector<16xf32>,
        %gather3A_826 = tpu.vector_load_idx %arg9[%add3A_725, %get3A_103] : memref<8x2334xf32, #tpu.memory_space<vmem>>[vector<16xi32>, vector<16xi32>], vector<16xf32>,
        %gather3A_827 = tpu.vector_load_idx %arg9[%add3A_725, %get3A_107] : memref<8x2334xf32, #tpu.memory_space<vmem>>[vector<16xi32>, vector<16xi32>], vector<16xf32>,
        %gather3A_828 = tpu.vector_load_idx %arg9[%add3A_725, %get3A_111] : memref<8x2334xf32, #tpu.memory_space<vmem>>[vector<16xi32>, vector<16xi32>], vector<16xf32>,
        %gather3A_829 = tpu.vector_load_idx %arg9[%add3A_725, %get3A_115] : memref<8x2334xf32, #tpu.memory_space<vmem>>[vector<16xi32>, vector<16xi32>], vector<16xf32>,
        %gather3A_830 = tpu.vector_load_idx %arg9[%add3A_725, %get3A_119] : memref<8x2334xf32, #tpu.memory_space<vmem>>[vector<16xi32>, vector<16xi32>], vector<16xf32>,
        %sub3A_831 = arith.subf %gather3A_822, %gather3A_825 : vector<16xf32>
        %sub3A_832 = arith.subf %gather3A_823, %gather3A_826 : vector<16xf32>
        %sub3A_833 = arith.subf %gather3A_824, %gather3A_827 : vector<16xf32>
        %mul3A_834 = arith.mulf %sub3A_831, %sub3A_831 : vector<16xf32>
        %mul3A_835 = arith.mulf %sub3A_832, %sub3A_832 : vector<16xf32>
        %add3A_836 = arith.addf %mul3A_834, %mul3A_835 : vector<16xf32>
        %mul3A_837 = arith.mulf %sub3A_833, %sub3A_833 : vector<16xf32>
        %add3A_838 = arith.addf %add3A_836, %mul3A_837 : vector<16xf32>
        %max3A_839 = arith.constant 9.99999993E-9 : f32
        %max3A_840 = vector.broadcast %max3A_839 : f32 to vector<16xf32>
        %max3A_841 = arith.maximumf %add3A_838, %max3A_840 : vector<16xf32>
        %bitcast_convert_type3A_842 = tpu.bitcast %max3A_841 : vector<16xf32> -> vector<16xi32>
        %shift_right_logical3A_843 = arith.constant 1 : i32
        %shift_right_logical3A_844 = vector.broadcast %shift_right_logical3A_843 : i32 to vector<16xi32>
        %shift_right_logical3A_845 = arith.shrui %bitcast_convert_type3A_842, %shift_right_logical3A_844 : vector<16xi32>
        %sub3A_846 = arith.constant 1597463007 : i32
        %sub3A_847 = vector.broadcast %sub3A_846 : i32 to vector<16xi32>
        %sub3A_848 = arith.subi %sub3A_847, %shift_right_logical3A_845 : vector<16xi32>
        %bitcast_convert_type3A_849 = tpu.bitcast %sub3A_848 : vector<16xi32> -> vector<16xf32>
        %mul3A_850 = arith.constant 5.000000e-01 : f32
        %mul3A_851 = vector.broadcast %mul3A_850 : f32 to vector<16xf32>
        %mul3A_852 = arith.mulf %max3A_841, %mul3A_851 : vector<16xf32>
        %mul3A_853 = arith.mulf %mul3A_852, %bitcast_convert_type3A_849 : vector<16xf32>
        %mul3A_854 = arith.mulf %mul3A_853, %bitcast_convert_type3A_849 : vector<16xf32>
        %sub3A_855 = arith.constant 1.500000e+00 : f32
        %sub3A_856 = vector.broadcast %sub3A_855 : f32 to vector<16xf32>
        %sub3A_857 = arith.subf %sub3A_856, %mul3A_854 : vector<16xf32>
        %mul3A_858 = arith.mulf %bitcast_convert_type3A_849, %sub3A_857 : vector<16xf32>
        %mul3A_859 = arith.mulf %max3A_841, %mul3A_858 : vector<16xf32>
        %sub3A_860 = arith.subf %gather3A_822, %gather3A_828 : vector<16xf32>
        %sub3A_861 = arith.subf %gather3A_823, %gather3A_829 : vector<16xf32>
        %sub3A_862 = arith.subf %gather3A_824, %gather3A_830 : vector<16xf32>
        %mul3A_863 = arith.mulf %sub3A_860, %sub3A_860 : vector<16xf32>
        %mul3A_864 = arith.mulf %sub3A_861, %sub3A_861 : vector<16xf32>
        %add3A_865 = arith.addf %mul3A_863, %mul3A_864 : vector<16xf32>
        %mul3A_866 = arith.mulf %sub3A_862, %sub3A_862 : vector<16xf32>
        %add3A_867 = arith.addf %add3A_865, %mul3A_866 : vector<16xf32>
        %max3A_868 = arith.constant 9.99999993E-9 : f32
        %max3A_869 = vector.broadcast %max3A_868 : f32 to vector<16xf32>
        %max3A_870 = arith.maximumf %add3A_867, %max3A_869 : vector<16xf32>
        %bitcast_convert_type3A_871 = tpu.bitcast %max3A_870 : vector<16xf32> -> vector<16xi32>
        %shift_right_logical3A_872 = arith.constant 1 : i32
        %shift_right_logical3A_873 = vector.broadcast %shift_right_logical3A_872 : i32 to vector<16xi32>
        %shift_right_logical3A_874 = arith.shrui %bitcast_convert_type3A_871, %shift_right_logical3A_873 : vector<16xi32>
        %sub3A_875 = arith.constant 1597463007 : i32
        %sub3A_876 = vector.broadcast %sub3A_875 : i32 to vector<16xi32>
        %sub3A_877 = arith.subi %sub3A_876, %shift_right_logical3A_874 : vector<16xi32>
        %bitcast_convert_type3A_878 = tpu.bitcast %sub3A_877 : vector<16xi32> -> vector<16xf32>
        %mul3A_879 = arith.constant 5.000000e-01 : f32
        %mul3A_880 = vector.broadcast %mul3A_879 : f32 to vector<16xf32>
        %mul3A_881 = arith.mulf %max3A_870, %mul3A_880 : vector<16xf32>
        %mul3A_882 = arith.mulf %mul3A_881, %bitcast_convert_type3A_878 : vector<16xf32>
        %mul3A_883 = arith.mulf %mul3A_882, %bitcast_convert_type3A_878 : vector<16xf32>
        %sub3A_884 = arith.constant 1.500000e+00 : f32
        %sub3A_885 = vector.broadcast %sub3A_884 : f32 to vector<16xf32>
        %sub3A_886 = arith.subf %sub3A_885, %mul3A_883 : vector<16xf32>
        %mul3A_887 = arith.mulf %bitcast_convert_type3A_878, %sub3A_886 : vector<16xf32>
        %mul3A_888 = arith.mulf %max3A_870, %mul3A_887 : vector<16xf32>
        %sub3A_889 = arith.subf %gather3A_825, %gather3A_828 : vector<16xf32>
        %sub3A_890 = arith.subf %gather3A_826, %gather3A_829 : vector<16xf32>
        %sub3A_891 = arith.subf %gather3A_827, %gather3A_830 : vector<16xf32>
        %mul3A_892 = arith.mulf %sub3A_889, %sub3A_889 : vector<16xf32>
        %mul3A_893 = arith.mulf %sub3A_890, %sub3A_890 : vector<16xf32>
        %add3A_894 = arith.addf %mul3A_892, %mul3A_893 : vector<16xf32>
        %mul3A_895 = arith.mulf %sub3A_891, %sub3A_891 : vector<16xf32>
        %add3A_896 = arith.addf %add3A_894, %mul3A_895 : vector<16xf32>
        %max3A_897 = arith.constant 9.99999993E-9 : f32
        %max3A_898 = vector.broadcast %max3A_897 : f32 to vector<16xf32>
        %max3A_899 = arith.maximumf %add3A_896, %max3A_898 : vector<16xf32>
        %bitcast_convert_type3A_900 = tpu.bitcast %max3A_899 : vector<16xf32> -> vector<16xi32>
        %shift_right_logical3A_901 = arith.constant 1 : i32
        %shift_right_logical3A_902 = vector.broadcast %shift_right_logical3A_901 : i32 to vector<16xi32>
        %shift_right_logical3A_903 = arith.shrui %bitcast_convert_type3A_900, %shift_right_logical3A_902 : vector<16xi32>
        %sub3A_904 = arith.constant 1597463007 : i32
        %sub3A_905 = vector.broadcast %sub3A_904 : i32 to vector<16xi32>
        %sub3A_906 = arith.subi %sub3A_905, %shift_right_logical3A_903 : vector<16xi32>
        %bitcast_convert_type3A_907 = tpu.bitcast %sub3A_906 : vector<16xi32> -> vector<16xf32>
        %mul3A_908 = arith.constant 5.000000e-01 : f32
        %mul3A_909 = vector.broadcast %mul3A_908 : f32 to vector<16xf32>
        %mul3A_910 = arith.mulf %max3A_899, %mul3A_909 : vector<16xf32>
        %mul3A_911 = arith.mulf %mul3A_910, %bitcast_convert_type3A_907 : vector<16xf32>
        %mul3A_912 = arith.mulf %mul3A_911, %bitcast_convert_type3A_907 : vector<16xf32>
        %sub3A_913 = arith.constant 1.500000e+00 : f32
        %sub3A_914 = vector.broadcast %sub3A_913 : f32 to vector<16xf32>
        %sub3A_915 = arith.subf %sub3A_914, %mul3A_912 : vector<16xf32>
        %mul3A_916 = arith.mulf %bitcast_convert_type3A_907, %sub3A_915 : vector<16xf32>
        %mul3A_917 = arith.mulf %max3A_899, %mul3A_916 : vector<16xf32>
        %sub3A_918 = arith.subf %mul3A_763, %mul3A_859 : vector<16xf32>
        %abs3A_919 = math.absf %sub3A_918 : vector<16xf32>
        %sub3A_920 = arith.subf %mul3A_792, %mul3A_888 : vector<16xf32>
        %abs3A_921 = math.absf %sub3A_920 : vector<16xf32>
        %add3A_922 = arith.addf %abs3A_919, %abs3A_921 : vector<16xf32>
        %sub3A_923 = arith.subf %mul3A_821, %mul3A_917 : vector<16xf32>
        %abs3A_924 = math.absf %sub3A_923 : vector<16xf32>
        %add3A_925 = arith.addf %add3A_922, %abs3A_924 : vector<16xf32>
        %add3A_926 = arith.constant 4 : i32
        %add3A_927 = vector.broadcast %add3A_926 : i32 to vector<16xi32>
        %add3A_928 = arith.addi %broadcast_in_dim3A_1, %add3A_927 : vector<16xi32>
        %gather3A_929 = tpu.vector_load_idx %arg8[%add3A_928, %get3A_87] : memref<8x2334xf32, #tpu.memory_space<vmem>>[vector<16xi32>, vector<16xi32>], vector<16xf32>,
        %gather3A_930 = tpu.vector_load_idx %arg8[%add3A_928, %get3A_91] : memref<8x2334xf32, #tpu.memory_space<vmem>>[vector<16xi32>, vector<16xi32>], vector<16xf32>,
        %gather3A_931 = tpu.vector_load_idx %arg8[%add3A_928, %get3A_95] : memref<8x2334xf32, #tpu.memory_space<vmem>>[vector<16xi32>, vector<16xi32>], vector<16xf32>,
        %gather3A_932 = tpu.vector_load_idx %arg8[%add3A_928, %get3A_99] : memref<8x2334xf32, #tpu.memory_space<vmem>>[vector<16xi32>, vector<16xi32>], vector<16xf32>,
        %gather3A_933 = tpu.vector_load_idx %arg8[%add3A_928, %get3A_103] : memref<8x2334xf32, #tpu.memory_space<vmem>>[vector<16xi32>, vector<16xi32>], vector<16xf32>,
        %gather3A_934 = tpu.vector_load_idx %arg8[%add3A_928, %get3A_107] : memref<8x2334xf32, #tpu.memory_space<vmem>>[vector<16xi32>, vector<16xi32>], vector<16xf32>,
        %gather3A_935 = tpu.vector_load_idx %arg8[%add3A_928, %get3A_111] : memref<8x2334xf32, #tpu.memory_space<vmem>>[vector<16xi32>, vector<16xi32>], vector<16xf32>,
        %gather3A_936 = tpu.vector_load_idx %arg8[%add3A_928, %get3A_115] : memref<8x2334xf32, #tpu.memory_space<vmem>>[vector<16xi32>, vector<16xi32>], vector<16xf32>,
        %gather3A_937 = tpu.vector_load_idx %arg8[%add3A_928, %get3A_119] : memref<8x2334xf32, #tpu.memory_space<vmem>>[vector<16xi32>, vector<16xi32>], vector<16xf32>,
        %sub3A_938 = arith.subf %gather3A_929, %gather3A_932 : vector<16xf32>
        %sub3A_939 = arith.subf %gather3A_930, %gather3A_933 : vector<16xf32>
        %sub3A_940 = arith.subf %gather3A_931, %gather3A_934 : vector<16xf32>
        %mul3A_941 = arith.mulf %sub3A_938, %sub3A_938 : vector<16xf32>
        %mul3A_942 = arith.mulf %sub3A_939, %sub3A_939 : vector<16xf32>
        %add3A_943 = arith.addf %mul3A_941, %mul3A_942 : vector<16xf32>
        %mul3A_944 = arith.mulf %sub3A_940, %sub3A_940 : vector<16xf32>
        %add3A_945 = arith.addf %add3A_943, %mul3A_944 : vector<16xf32>
        %max3A_946 = arith.constant 9.99999993E-9 : f32
        %max3A_947 = vector.broadcast %max3A_946 : f32 to vector<16xf32>
        %max3A_948 = arith.maximumf %add3A_945, %max3A_947 : vector<16xf32>
        %bitcast_convert_type3A_949 = tpu.bitcast %max3A_948 : vector<16xf32> -> vector<16xi32>
        %shift_right_logical3A_950 = arith.constant 1 : i32
        %shift_right_logical3A_951 = vector.broadcast %shift_right_logical3A_950 : i32 to vector<16xi32>
        %shift_right_logical3A_952 = arith.shrui %bitcast_convert_type3A_949, %shift_right_logical3A_951 : vector<16xi32>
        %sub3A_953 = arith.constant 1597463007 : i32
        %sub3A_954 = vector.broadcast %sub3A_953 : i32 to vector<16xi32>
        %sub3A_955 = arith.subi %sub3A_954, %shift_right_logical3A_952 : vector<16xi32>
        %bitcast_convert_type3A_956 = tpu.bitcast %sub3A_955 : vector<16xi32> -> vector<16xf32>
        %mul3A_957 = arith.constant 5.000000e-01 : f32
        %mul3A_958 = vector.broadcast %mul3A_957 : f32 to vector<16xf32>
        %mul3A_959 = arith.mulf %max3A_948, %mul3A_958 : vector<16xf32>
        %mul3A_960 = arith.mulf %mul3A_959, %bitcast_convert_type3A_956 : vector<16xf32>
        %mul3A_961 = arith.mulf %mul3A_960, %bitcast_convert_type3A_956 : vector<16xf32>
        %sub3A_962 = arith.constant 1.500000e+00 : f32
        %sub3A_963 = vector.broadcast %sub3A_962 : f32 to vector<16xf32>
        %sub3A_964 = arith.subf %sub3A_963, %mul3A_961 : vector<16xf32>
        %mul3A_965 = arith.mulf %bitcast_convert_type3A_956, %sub3A_964 : vector<16xf32>
        %mul3A_966 = arith.mulf %max3A_948, %mul3A_965 : vector<16xf32>
        %sub3A_967 = arith.subf %gather3A_929, %gather3A_935 : vector<16xf32>
        %sub3A_968 = arith.subf %gather3A_930, %gather3A_936 : vector<16xf32>
        %sub3A_969 = arith.subf %gather3A_931, %gather3A_937 : vector<16xf32>
        %mul3A_970 = arith.mulf %sub3A_967, %sub3A_967 : vector<16xf32>
        %mul3A_971 = arith.mulf %sub3A_968, %sub3A_968 : vector<16xf32>
        %add3A_972 = arith.addf %mul3A_970, %mul3A_971 : vector<16xf32>
        %mul3A_973 = arith.mulf %sub3A_969, %sub3A_969 : vector<16xf32>
        %add3A_974 = arith.addf %add3A_972, %mul3A_973 : vector<16xf32>
        %max3A_975 = arith.constant 9.99999993E-9 : f32
        %max3A_976 = vector.broadcast %max3A_975 : f32 to vector<16xf32>
        %max3A_977 = arith.maximumf %add3A_974, %max3A_976 : vector<16xf32>
        %bitcast_convert_type3A_978 = tpu.bitcast %max3A_977 : vector<16xf32> -> vector<16xi32>
        %shift_right_logical3A_979 = arith.constant 1 : i32
        %shift_right_logical3A_980 = vector.broadcast %shift_right_logical3A_979 : i32 to vector<16xi32>
        %shift_right_logical3A_981 = arith.shrui %bitcast_convert_type3A_978, %shift_right_logical3A_980 : vector<16xi32>
        %sub3A_982 = arith.constant 1597463007 : i32
        %sub3A_983 = vector.broadcast %sub3A_982 : i32 to vector<16xi32>
        %sub3A_984 = arith.subi %sub3A_983, %shift_right_logical3A_981 : vector<16xi32>
        %bitcast_convert_type3A_985 = tpu.bitcast %sub3A_984 : vector<16xi32> -> vector<16xf32>
        %mul3A_986 = arith.constant 5.000000e-01 : f32
        %mul3A_987 = vector.broadcast %mul3A_986 : f32 to vector<16xf32>
        %mul3A_988 = arith.mulf %max3A_977, %mul3A_987 : vector<16xf32>
        %mul3A_989 = arith.mulf %mul3A_988, %bitcast_convert_type3A_985 : vector<16xf32>
        %mul3A_990 = arith.mulf %mul3A_989, %bitcast_convert_type3A_985 : vector<16xf32>
        %sub3A_991 = arith.constant 1.500000e+00 : f32
        %sub3A_992 = vector.broadcast %sub3A_991 : f32 to vector<16xf32>
        %sub3A_993 = arith.subf %sub3A_992, %mul3A_990 : vector<16xf32>
        %mul3A_994 = arith.mulf %bitcast_convert_type3A_985, %sub3A_993 : vector<16xf32>
        %mul3A_995 = arith.mulf %max3A_977, %mul3A_994 : vector<16xf32>
        %sub3A_996 = arith.subf %gather3A_932, %gather3A_935 : vector<16xf32>
        %sub3A_997 = arith.subf %gather3A_933, %gather3A_936 : vector<16xf32>
        %sub3A_998 = arith.subf %gather3A_934, %gather3A_937 : vector<16xf32>
        %mul3A_999 = arith.mulf %sub3A_996, %sub3A_996 : vector<16xf32>
        %mul3A_1000 = arith.mulf %sub3A_997, %sub3A_997 : vector<16xf32>
        %add3A_1001 = arith.addf %mul3A_999, %mul3A_1000 : vector<16xf32>
        %mul3A_1002 = arith.mulf %sub3A_998, %sub3A_998 : vector<16xf32>
        %add3A_1003 = arith.addf %add3A_1001, %mul3A_1002 : vector<16xf32>
        %max3A_1004 = arith.constant 9.99999993E-9 : f32
        %max3A_1005 = vector.broadcast %max3A_1004 : f32 to vector<16xf32>
        %max3A_1006 = arith.maximumf %add3A_1003, %max3A_1005 : vector<16xf32>
        %bitcast_convert_type3A_1007 = tpu.bitcast %max3A_1006 : vector<16xf32> -> vector<16xi32>
        %shift_right_logical3A_1008 = arith.constant 1 : i32
        %shift_right_logical3A_1009 = vector.broadcast %shift_right_logical3A_1008 : i32 to vector<16xi32>
        %shift_right_logical3A_1010 = arith.shrui %bitcast_convert_type3A_1007, %shift_right_logical3A_1009 : vector<16xi32>
        %sub3A_1011 = arith.constant 1597463007 : i32
        %sub3A_1012 = vector.broadcast %sub3A_1011 : i32 to vector<16xi32>
        %sub3A_1013 = arith.subi %sub3A_1012, %shift_right_logical3A_1010 : vector<16xi32>
        %bitcast_convert_type3A_1014 = tpu.bitcast %sub3A_1013 : vector<16xi32> -> vector<16xf32>
        %mul3A_1015 = arith.constant 5.000000e-01 : f32
        %mul3A_1016 = vector.broadcast %mul3A_1015 : f32 to vector<16xf32>
        %mul3A_1017 = arith.mulf %max3A_1006, %mul3A_1016 : vector<16xf32>
        %mul3A_1018 = arith.mulf %mul3A_1017, %bitcast_convert_type3A_1014 : vector<16xf32>
        %mul3A_1019 = arith.mulf %mul3A_1018, %bitcast_convert_type3A_1014 : vector<16xf32>
        %sub3A_1020 = arith.constant 1.500000e+00 : f32
        %sub3A_1021 = vector.broadcast %sub3A_1020 : f32 to vector<16xf32>
        %sub3A_1022 = arith.subf %sub3A_1021, %mul3A_1019 : vector<16xf32>
        %mul3A_1023 = arith.mulf %bitcast_convert_type3A_1014, %sub3A_1022 : vector<16xf32>
        %mul3A_1024 = arith.mulf %max3A_1006, %mul3A_1023 : vector<16xf32>
        %gather3A_1025 = tpu.vector_load_idx %arg9[%add3A_928, %get3A_87] : memref<8x2334xf32, #tpu.memory_space<vmem>>[vector<16xi32>, vector<16xi32>], vector<16xf32>,
        %gather3A_1026 = tpu.vector_load_idx %arg9[%add3A_928, %get3A_91] : memref<8x2334xf32, #tpu.memory_space<vmem>>[vector<16xi32>, vector<16xi32>], vector<16xf32>,
        %gather3A_1027 = tpu.vector_load_idx %arg9[%add3A_928, %get3A_95] : memref<8x2334xf32, #tpu.memory_space<vmem>>[vector<16xi32>, vector<16xi32>], vector<16xf32>,
        %gather3A_1028 = tpu.vector_load_idx %arg9[%add3A_928, %get3A_99] : memref<8x2334xf32, #tpu.memory_space<vmem>>[vector<16xi32>, vector<16xi32>], vector<16xf32>,
        %gather3A_1029 = tpu.vector_load_idx %arg9[%add3A_928, %get3A_103] : memref<8x2334xf32, #tpu.memory_space<vmem>>[vector<16xi32>, vector<16xi32>], vector<16xf32>,
        %gather3A_1030 = tpu.vector_load_idx %arg9[%add3A_928, %get3A_107] : memref<8x2334xf32, #tpu.memory_space<vmem>>[vector<16xi32>, vector<16xi32>], vector<16xf32>,
        %gather3A_1031 = tpu.vector_load_idx %arg9[%add3A_928, %get3A_111] : memref<8x2334xf32, #tpu.memory_space<vmem>>[vector<16xi32>, vector<16xi32>], vector<16xf32>,
        %gather3A_1032 = tpu.vector_load_idx %arg9[%add3A_928, %get3A_115] : memref<8x2334xf32, #tpu.memory_space<vmem>>[vector<16xi32>, vector<16xi32>], vector<16xf32>,
        %gather3A_1033 = tpu.vector_load_idx %arg9[%add3A_928, %get3A_119] : memref<8x2334xf32, #tpu.memory_space<vmem>>[vector<16xi32>, vector<16xi32>], vector<16xf32>,
        %sub3A_1034 = arith.subf %gather3A_1025, %gather3A_1028 : vector<16xf32>
        %sub3A_1035 = arith.subf %gather3A_1026, %gather3A_1029 : vector<16xf32>
        %sub3A_1036 = arith.subf %gather3A_1027, %gather3A_1030 : vector<16xf32>
        %mul3A_1037 = arith.mulf %sub3A_1034, %sub3A_1034 : vector<16xf32>
        %mul3A_1038 = arith.mulf %sub3A_1035, %sub3A_1035 : vector<16xf32>
        %add3A_1039 = arith.addf %mul3A_1037, %mul3A_1038 : vector<16xf32>
        %mul3A_1040 = arith.mulf %sub3A_1036, %sub3A_1036 : vector<16xf32>
        %add3A_1041 = arith.addf %add3A_1039, %mul3A_1040 : vector<16xf32>
        %max3A_1042 = arith.constant 9.99999993E-9 : f32
        %max3A_1043 = vector.broadcast %max3A_1042 : f32 to vector<16xf32>
        %max3A_1044 = arith.maximumf %add3A_1041, %max3A_1043 : vector<16xf32>
        %bitcast_convert_type3A_1045 = tpu.bitcast %max3A_1044 : vector<16xf32> -> vector<16xi32>
        %shift_right_logical3A_1046 = arith.constant 1 : i32
        %shift_right_logical3A_1047 = vector.broadcast %shift_right_logical3A_1046 : i32 to vector<16xi32>
        %shift_right_logical3A_1048 = arith.shrui %bitcast_convert_type3A_1045, %shift_right_logical3A_1047 : vector<16xi32>
        %sub3A_1049 = arith.constant 1597463007 : i32
        %sub3A_1050 = vector.broadcast %sub3A_1049 : i32 to vector<16xi32>
        %sub3A_1051 = arith.subi %sub3A_1050, %shift_right_logical3A_1048 : vector<16xi32>
        %bitcast_convert_type3A_1052 = tpu.bitcast %sub3A_1051 : vector<16xi32> -> vector<16xf32>
        %mul3A_1053 = arith.constant 5.000000e-01 : f32
        %mul3A_1054 = vector.broadcast %mul3A_1053 : f32 to vector<16xf32>
        %mul3A_1055 = arith.mulf %max3A_1044, %mul3A_1054 : vector<16xf32>
        %mul3A_1056 = arith.mulf %mul3A_1055, %bitcast_convert_type3A_1052 : vector<16xf32>
        %mul3A_1057 = arith.mulf %mul3A_1056, %bitcast_convert_type3A_1052 : vector<16xf32>
        %sub3A_1058 = arith.constant 1.500000e+00 : f32
        %sub3A_1059 = vector.broadcast %sub3A_1058 : f32 to vector<16xf32>
        %sub3A_1060 = arith.subf %sub3A_1059, %mul3A_1057 : vector<16xf32>
        %mul3A_1061 = arith.mulf %bitcast_convert_type3A_1052, %sub3A_1060 : vector<16xf32>
        %mul3A_1062 = arith.mulf %max3A_1044, %mul3A_1061 : vector<16xf32>
        %sub3A_1063 = arith.subf %gather3A_1025, %gather3A_1031 : vector<16xf32>
        %sub3A_1064 = arith.subf %gather3A_1026, %gather3A_1032 : vector<16xf32>
        %sub3A_1065 = arith.subf %gather3A_1027, %gather3A_1033 : vector<16xf32>
        %mul3A_1066 = arith.mulf %sub3A_1063, %sub3A_1063 : vector<16xf32>
        %mul3A_1067 = arith.mulf %sub3A_1064, %sub3A_1064 : vector<16xf32>
        %add3A_1068 = arith.addf %mul3A_1066, %mul3A_1067 : vector<16xf32>
        %mul3A_1069 = arith.mulf %sub3A_1065, %sub3A_1065 : vector<16xf32>
        %add3A_1070 = arith.addf %add3A_1068, %mul3A_1069 : vector<16xf32>
        %max3A_1071 = arith.constant 9.99999993E-9 : f32
        %max3A_1072 = vector.broadcast %max3A_1071 : f32 to vector<16xf32>
        %max3A_1073 = arith.maximumf %add3A_1070, %max3A_1072 : vector<16xf32>
        %bitcast_convert_type3A_1074 = tpu.bitcast %max3A_1073 : vector<16xf32> -> vector<16xi32>
        %shift_right_logical3A_1075 = arith.constant 1 : i32
        %shift_right_logical3A_1076 = vector.broadcast %shift_right_logical3A_1075 : i32 to vector<16xi32>
        %shift_right_logical3A_1077 = arith.shrui %bitcast_convert_type3A_1074, %shift_right_logical3A_1076 : vector<16xi32>
        %sub3A_1078 = arith.constant 1597463007 : i32
        %sub3A_1079 = vector.broadcast %sub3A_1078 : i32 to vector<16xi32>
        %sub3A_1080 = arith.subi %sub3A_1079, %shift_right_logical3A_1077 : vector<16xi32>
        %bitcast_convert_type3A_1081 = tpu.bitcast %sub3A_1080 : vector<16xi32> -> vector<16xf32>
        %mul3A_1082 = arith.constant 5.000000e-01 : f32
        %mul3A_1083 = vector.broadcast %mul3A_1082 : f32 to vector<16xf32>
        %mul3A_1084 = arith.mulf %max3A_1073, %mul3A_1083 : vector<16xf32>
        %mul3A_1085 = arith.mulf %mul3A_1084, %bitcast_convert_type3A_1081 : vector<16xf32>
        %mul3A_1086 = arith.mulf %mul3A_1085, %bitcast_convert_type3A_1081 : vector<16xf32>
        %sub3A_1087 = arith.constant 1.500000e+00 : f32
        %sub3A_1088 = vector.broadcast %sub3A_1087 : f32 to vector<16xf32>
        %sub3A_1089 = arith.subf %sub3A_1088, %mul3A_1086 : vector<16xf32>
        %mul3A_1090 = arith.mulf %bitcast_convert_type3A_1081, %sub3A_1089 : vector<16xf32>
        %mul3A_1091 = arith.mulf %max3A_1073, %mul3A_1090 : vector<16xf32>
        %sub3A_1092 = arith.subf %gather3A_1028, %gather3A_1031 : vector<16xf32>
        %sub3A_1093 = arith.subf %gather3A_1029, %gather3A_1032 : vector<16xf32>
        %sub3A_1094 = arith.subf %gather3A_1030, %gather3A_1033 : vector<16xf32>
        %mul3A_1095 = arith.mulf %sub3A_1092, %sub3A_1092 : vector<16xf32>
        %mul3A_1096 = arith.mulf %sub3A_1093, %sub3A_1093 : vector<16xf32>
        %add3A_1097 = arith.addf %mul3A_1095, %mul3A_1096 : vector<16xf32>
        %mul3A_1098 = arith.mulf %sub3A_1094, %sub3A_1094 : vector<16xf32>
        %add3A_1099 = arith.addf %add3A_1097, %mul3A_1098 : vector<16xf32>
        %max3A_1100 = arith.constant 9.99999993E-9 : f32
        %max3A_1101 = vector.broadcast %max3A_1100 : f32 to vector<16xf32>
        %max3A_1102 = arith.maximumf %add3A_1099, %max3A_1101 : vector<16xf32>
        %bitcast_convert_type3A_1103 = tpu.bitcast %max3A_1102 : vector<16xf32> -> vector<16xi32>
        %shift_right_logical3A_1104 = arith.constant 1 : i32
        %shift_right_logical3A_1105 = vector.broadcast %shift_right_logical3A_1104 : i32 to vector<16xi32>
        %shift_right_logical3A_1106 = arith.shrui %bitcast_convert_type3A_1103, %shift_right_logical3A_1105 : vector<16xi32>
        %sub3A_1107 = arith.constant 1597463007 : i32
        %sub3A_1108 = vector.broadcast %sub3A_1107 : i32 to vector<16xi32>
        %sub3A_1109 = arith.subi %sub3A_1108, %shift_right_logical3A_1106 : vector<16xi32>
        %bitcast_convert_type3A_1110 = tpu.bitcast %sub3A_1109 : vector<16xi32> -> vector<16xf32>
        %mul3A_1111 = arith.constant 5.000000e-01 : f32
        %mul3A_1112 = vector.broadcast %mul3A_1111 : f32 to vector<16xf32>
        %mul3A_1113 = arith.mulf %max3A_1102, %mul3A_1112 : vector<16xf32>
        %mul3A_1114 = arith.mulf %mul3A_1113, %bitcast_convert_type3A_1110 : vector<16xf32>
        %mul3A_1115 = arith.mulf %mul3A_1114, %bitcast_convert_type3A_1110 : vector<16xf32>
        %sub3A_1116 = arith.constant 1.500000e+00 : f32
        %sub3A_1117 = vector.broadcast %sub3A_1116 : f32 to vector<16xf32>
        %sub3A_1118 = arith.subf %sub3A_1117, %mul3A_1115 : vector<16xf32>
        %mul3A_1119 = arith.mulf %bitcast_convert_type3A_1110, %sub3A_1118 : vector<16xf32>
        %mul3A_1120 = arith.mulf %max3A_1102, %mul3A_1119 : vector<16xf32>
        %sub3A_1121 = arith.subf %mul3A_966, %mul3A_1062 : vector<16xf32>
        %abs3A_1122 = math.absf %sub3A_1121 : vector<16xf32>
        %sub3A_1123 = arith.subf %mul3A_995, %mul3A_1091 : vector<16xf32>
        %abs3A_1124 = math.absf %sub3A_1123 : vector<16xf32>
        %add3A_1125 = arith.addf %abs3A_1122, %abs3A_1124 : vector<16xf32>
        %sub3A_1126 = arith.subf %mul3A_1024, %mul3A_1120 : vector<16xf32>
        %abs3A_1127 = math.absf %sub3A_1126 : vector<16xf32>
        %add3A_1128 = arith.addf %add3A_1125, %abs3A_1127 : vector<16xf32>
        %add3A_1129 = arith.constant 5 : i32
        %add3A_1130 = vector.broadcast %add3A_1129 : i32 to vector<16xi32>
        %add3A_1131 = arith.addi %broadcast_in_dim3A_1, %add3A_1130 : vector<16xi32>
        %gather3A_1132 = tpu.vector_load_idx %arg8[%add3A_1131, %get3A_87] : memref<8x2334xf32, #tpu.memory_space<vmem>>[vector<16xi32>, vector<16xi32>], vector<16xf32>,
        %gather3A_1133 = tpu.vector_load_idx %arg8[%add3A_1131, %get3A_91] : memref<8x2334xf32, #tpu.memory_space<vmem>>[vector<16xi32>, vector<16xi32>], vector<16xf32>,
        %gather3A_1134 = tpu.vector_load_idx %arg8[%add3A_1131, %get3A_95] : memref<8x2334xf32, #tpu.memory_space<vmem>>[vector<16xi32>, vector<16xi32>], vector<16xf32>,
        %gather3A_1135 = tpu.vector_load_idx %arg8[%add3A_1131, %get3A_99] : memref<8x2334xf32, #tpu.memory_space<vmem>>[vector<16xi32>, vector<16xi32>], vector<16xf32>,
        %gather3A_1136 = tpu.vector_load_idx %arg8[%add3A_1131, %get3A_103] : memref<8x2334xf32, #tpu.memory_space<vmem>>[vector<16xi32>, vector<16xi32>], vector<16xf32>,
        %gather3A_1137 = tpu.vector_load_idx %arg8[%add3A_1131, %get3A_107] : memref<8x2334xf32, #tpu.memory_space<vmem>>[vector<16xi32>, vector<16xi32>], vector<16xf32>,
        %gather3A_1138 = tpu.vector_load_idx %arg8[%add3A_1131, %get3A_111] : memref<8x2334xf32, #tpu.memory_space<vmem>>[vector<16xi32>, vector<16xi32>], vector<16xf32>,
        %gather3A_1139 = tpu.vector_load_idx %arg8[%add3A_1131, %get3A_115] : memref<8x2334xf32, #tpu.memory_space<vmem>>[vector<16xi32>, vector<16xi32>], vector<16xf32>,
        %gather3A_1140 = tpu.vector_load_idx %arg8[%add3A_1131, %get3A_119] : memref<8x2334xf32, #tpu.memory_space<vmem>>[vector<16xi32>, vector<16xi32>], vector<16xf32>,
        %sub3A_1141 = arith.subf %gather3A_1132, %gather3A_1135 : vector<16xf32>
        %sub3A_1142 = arith.subf %gather3A_1133, %gather3A_1136 : vector<16xf32>
        %sub3A_1143 = arith.subf %gather3A_1134, %gather3A_1137 : vector<16xf32>
        %mul3A_1144 = arith.mulf %sub3A_1141, %sub3A_1141 : vector<16xf32>
        %mul3A_1145 = arith.mulf %sub3A_1142, %sub3A_1142 : vector<16xf32>
        %add3A_1146 = arith.addf %mul3A_1144, %mul3A_1145 : vector<16xf32>
        %mul3A_1147 = arith.mulf %sub3A_1143, %sub3A_1143 : vector<16xf32>
        %add3A_1148 = arith.addf %add3A_1146, %mul3A_1147 : vector<16xf32>
        %max3A_1149 = arith.constant 9.99999993E-9 : f32
        %max3A_1150 = vector.broadcast %max3A_1149 : f32 to vector<16xf32>
        %max3A_1151 = arith.maximumf %add3A_1148, %max3A_1150 : vector<16xf32>
        %bitcast_convert_type3A_1152 = tpu.bitcast %max3A_1151 : vector<16xf32> -> vector<16xi32>
        %shift_right_logical3A_1153 = arith.constant 1 : i32
        %shift_right_logical3A_1154 = vector.broadcast %shift_right_logical3A_1153 : i32 to vector<16xi32>
        %shift_right_logical3A_1155 = arith.shrui %bitcast_convert_type3A_1152, %shift_right_logical3A_1154 : vector<16xi32>
        %sub3A_1156 = arith.constant 1597463007 : i32
        %sub3A_1157 = vector.broadcast %sub3A_1156 : i32 to vector<16xi32>
        %sub3A_1158 = arith.subi %sub3A_1157, %shift_right_logical3A_1155 : vector<16xi32>
        %bitcast_convert_type3A_1159 = tpu.bitcast %sub3A_1158 : vector<16xi32> -> vector<16xf32>
        %mul3A_1160 = arith.constant 5.000000e-01 : f32
        %mul3A_1161 = vector.broadcast %mul3A_1160 : f32 to vector<16xf32>
        %mul3A_1162 = arith.mulf %max3A_1151, %mul3A_1161 : vector<16xf32>
        %mul3A_1163 = arith.mulf %mul3A_1162, %bitcast_convert_type3A_1159 : vector<16xf32>
        %mul3A_1164 = arith.mulf %mul3A_1163, %bitcast_convert_type3A_1159 : vector<16xf32>
        %sub3A_1165 = arith.constant 1.500000e+00 : f32
        %sub3A_1166 = vector.broadcast %sub3A_1165 : f32 to vector<16xf32>
        %sub3A_1167 = arith.subf %sub3A_1166, %mul3A_1164 : vector<16xf32>
        %mul3A_1168 = arith.mulf %bitcast_convert_type3A_1159, %sub3A_1167 : vector<16xf32>
        %mul3A_1169 = arith.mulf %max3A_1151, %mul3A_1168 : vector<16xf32>
        %sub3A_1170 = arith.subf %gather3A_1132, %gather3A_1138 : vector<16xf32>
        %sub3A_1171 = arith.subf %gather3A_1133, %gather3A_1139 : vector<16xf32>
        %sub3A_1172 = arith.subf %gather3A_1134, %gather3A_1140 : vector<16xf32>
        %mul3A_1173 = arith.mulf %sub3A_1170, %sub3A_1170 : vector<16xf32>
        %mul3A_1174 = arith.mulf %sub3A_1171, %sub3A_1171 : vector<16xf32>
        %add3A_1175 = arith.addf %mul3A_1173, %mul3A_1174 : vector<16xf32>
        %mul3A_1176 = arith.mulf %sub3A_1172, %sub3A_1172 : vector<16xf32>
        %add3A_1177 = arith.addf %add3A_1175, %mul3A_1176 : vector<16xf32>
        %max3A_1178 = arith.constant 9.99999993E-9 : f32
        %max3A_1179 = vector.broadcast %max3A_1178 : f32 to vector<16xf32>
        %max3A_1180 = arith.maximumf %add3A_1177, %max3A_1179 : vector<16xf32>
        %bitcast_convert_type3A_1181 = tpu.bitcast %max3A_1180 : vector<16xf32> -> vector<16xi32>
        %shift_right_logical3A_1182 = arith.constant 1 : i32
        %shift_right_logical3A_1183 = vector.broadcast %shift_right_logical3A_1182 : i32 to vector<16xi32>
        %shift_right_logical3A_1184 = arith.shrui %bitcast_convert_type3A_1181, %shift_right_logical3A_1183 : vector<16xi32>
        %sub3A_1185 = arith.constant 1597463007 : i32
        %sub3A_1186 = vector.broadcast %sub3A_1185 : i32 to vector<16xi32>
        %sub3A_1187 = arith.subi %sub3A_1186, %shift_right_logical3A_1184 : vector<16xi32>
        %bitcast_convert_type3A_1188 = tpu.bitcast %sub3A_1187 : vector<16xi32> -> vector<16xf32>
        %mul3A_1189 = arith.constant 5.000000e-01 : f32
        %mul3A_1190 = vector.broadcast %mul3A_1189 : f32 to vector<16xf32>
        %mul3A_1191 = arith.mulf %max3A_1180, %mul3A_1190 : vector<16xf32>
        %mul3A_1192 = arith.mulf %mul3A_1191, %bitcast_convert_type3A_1188 : vector<16xf32>
        %mul3A_1193 = arith.mulf %mul3A_1192, %bitcast_convert_type3A_1188 : vector<16xf32>
        %sub3A_1194 = arith.constant 1.500000e+00 : f32
        %sub3A_1195 = vector.broadcast %sub3A_1194 : f32 to vector<16xf32>
        %sub3A_1196 = arith.subf %sub3A_1195, %mul3A_1193 : vector<16xf32>
        %mul3A_1197 = arith.mulf %bitcast_convert_type3A_1188, %sub3A_1196 : vector<16xf32>
        %mul3A_1198 = arith.mulf %max3A_1180, %mul3A_1197 : vector<16xf32>
        %sub3A_1199 = arith.subf %gather3A_1135, %gather3A_1138 : vector<16xf32>
        %sub3A_1200 = arith.subf %gather3A_1136, %gather3A_1139 : vector<16xf32>
        %sub3A_1201 = arith.subf %gather3A_1137, %gather3A_1140 : vector<16xf32>
        %mul3A_1202 = arith.mulf %sub3A_1199, %sub3A_1199 : vector<16xf32>
        %mul3A_1203 = arith.mulf %sub3A_1200, %sub3A_1200 : vector<16xf32>
        %add3A_1204 = arith.addf %mul3A_1202, %mul3A_1203 : vector<16xf32>
        %mul3A_1205 = arith.mulf %sub3A_1201, %sub3A_1201 : vector<16xf32>
        %add3A_1206 = arith.addf %add3A_1204, %mul3A_1205 : vector<16xf32>
        %max3A_1207 = arith.constant 9.99999993E-9 : f32
        %max3A_1208 = vector.broadcast %max3A_1207 : f32 to vector<16xf32>
        %max3A_1209 = arith.maximumf %add3A_1206, %max3A_1208 : vector<16xf32>
        %bitcast_convert_type3A_1210 = tpu.bitcast %max3A_1209 : vector<16xf32> -> vector<16xi32>
        %shift_right_logical3A_1211 = arith.constant 1 : i32
        %shift_right_logical3A_1212 = vector.broadcast %shift_right_logical3A_1211 : i32 to vector<16xi32>
        %shift_right_logical3A_1213 = arith.shrui %bitcast_convert_type3A_1210, %shift_right_logical3A_1212 : vector<16xi32>
        %sub3A_1214 = arith.constant 1597463007 : i32
        %sub3A_1215 = vector.broadcast %sub3A_1214 : i32 to vector<16xi32>
        %sub3A_1216 = arith.subi %sub3A_1215, %shift_right_logical3A_1213 : vector<16xi32>
        %bitcast_convert_type3A_1217 = tpu.bitcast %sub3A_1216 : vector<16xi32> -> vector<16xf32>
        %mul3A_1218 = arith.constant 5.000000e-01 : f32
        %mul3A_1219 = vector.broadcast %mul3A_1218 : f32 to vector<16xf32>
        %mul3A_1220 = arith.mulf %max3A_1209, %mul3A_1219 : vector<16xf32>
        %mul3A_1221 = arith.mulf %mul3A_1220, %bitcast_convert_type3A_1217 : vector<16xf32>
        %mul3A_1222 = arith.mulf %mul3A_1221, %bitcast_convert_type3A_1217 : vector<16xf32>
        %sub3A_1223 = arith.constant 1.500000e+00 : f32
        %sub3A_1224 = vector.broadcast %sub3A_1223 : f32 to vector<16xf32>
        %sub3A_1225 = arith.subf %sub3A_1224, %mul3A_1222 : vector<16xf32>
        %mul3A_1226 = arith.mulf %bitcast_convert_type3A_1217, %sub3A_1225 : vector<16xf32>
        %mul3A_1227 = arith.mulf %max3A_1209, %mul3A_1226 : vector<16xf32>
        %gather3A_1228 = tpu.vector_load_idx %arg9[%add3A_1131, %get3A_87] : memref<8x2334xf32, #tpu.memory_space<vmem>>[vector<16xi32>, vector<16xi32>], vector<16xf32>,
        %gather3A_1229 = tpu.vector_load_idx %arg9[%add3A_1131, %get3A_91] : memref<8x2334xf32, #tpu.memory_space<vmem>>[vector<16xi32>, vector<16xi32>], vector<16xf32>,
        %gather3A_1230 = tpu.vector_load_idx %arg9[%add3A_1131, %get3A_95] : memref<8x2334xf32, #tpu.memory_space<vmem>>[vector<16xi32>, vector<16xi32>], vector<16xf32>,
        %gather3A_1231 = tpu.vector_load_idx %arg9[%add3A_1131, %get3A_99] : memref<8x2334xf32, #tpu.memory_space<vmem>>[vector<16xi32>, vector<16xi32>], vector<16xf32>,
        %gather3A_1232 = tpu.vector_load_idx %arg9[%add3A_1131, %get3A_103] : memref<8x2334xf32, #tpu.memory_space<vmem>>[vector<16xi32>, vector<16xi32>], vector<16xf32>,
        %gather3A_1233 = tpu.vector_load_idx %arg9[%add3A_1131, %get3A_107] : memref<8x2334xf32, #tpu.memory_space<vmem>>[vector<16xi32>, vector<16xi32>], vector<16xf32>,
        %gather3A_1234 = tpu.vector_load_idx %arg9[%add3A_1131, %get3A_111] : memref<8x2334xf32, #tpu.memory_space<vmem>>[vector<16xi32>, vector<16xi32>], vector<16xf32>,
        %gather3A_1235 = tpu.vector_load_idx %arg9[%add3A_1131, %get3A_115] : memref<8x2334xf32, #tpu.memory_space<vmem>>[vector<16xi32>, vector<16xi32>], vector<16xf32>,
        %gather3A_1236 = tpu.vector_load_idx %arg9[%add3A_1131, %get3A_119] : memref<8x2334xf32, #tpu.memory_space<vmem>>[vector<16xi32>, vector<16xi32>], vector<16xf32>,
        %sub3A_1237 = arith.subf %gather3A_1228, %gather3A_1231 : vector<16xf32>
        %sub3A_1238 = arith.subf %gather3A_1229, %gather3A_1232 : vector<16xf32>
        %sub3A_1239 = arith.subf %gather3A_1230, %gather3A_1233 : vector<16xf32>
        %mul3A_1240 = arith.mulf %sub3A_1237, %sub3A_1237 : vector<16xf32>
        %mul3A_1241 = arith.mulf %sub3A_1238, %sub3A_1238 : vector<16xf32>
        %add3A_1242 = arith.addf %mul3A_1240, %mul3A_1241 : vector<16xf32>
        %mul3A_1243 = arith.mulf %sub3A_1239, %sub3A_1239 : vector<16xf32>
        %add3A_1244 = arith.addf %add3A_1242, %mul3A_1243 : vector<16xf32>
        %max3A_1245 = arith.constant 9.99999993E-9 : f32
        %max3A_1246 = vector.broadcast %max3A_1245 : f32 to vector<16xf32>
        %max3A_1247 = arith.maximumf %add3A_1244, %max3A_1246 : vector<16xf32>
        %bitcast_convert_type3A_1248 = tpu.bitcast %max3A_1247 : vector<16xf32> -> vector<16xi32>
        %shift_right_logical3A_1249 = arith.constant 1 : i32
        %shift_right_logical3A_1250 = vector.broadcast %shift_right_logical3A_1249 : i32 to vector<16xi32>
        %shift_right_logical3A_1251 = arith.shrui %bitcast_convert_type3A_1248, %shift_right_logical3A_1250 : vector<16xi32>
        %sub3A_1252 = arith.constant 1597463007 : i32
        %sub3A_1253 = vector.broadcast %sub3A_1252 : i32 to vector<16xi32>
        %sub3A_1254 = arith.subi %sub3A_1253, %shift_right_logical3A_1251 : vector<16xi32>
        %bitcast_convert_type3A_1255 = tpu.bitcast %sub3A_1254 : vector<16xi32> -> vector<16xf32>
        %mul3A_1256 = arith.constant 5.000000e-01 : f32
        %mul3A_1257 = vector.broadcast %mul3A_1256 : f32 to vector<16xf32>
        %mul3A_1258 = arith.mulf %max3A_1247, %mul3A_1257 : vector<16xf32>
        %mul3A_1259 = arith.mulf %mul3A_1258, %bitcast_convert_type3A_1255 : vector<16xf32>
        %mul3A_1260 = arith.mulf %mul3A_1259, %bitcast_convert_type3A_1255 : vector<16xf32>
        %sub3A_1261 = arith.constant 1.500000e+00 : f32
        %sub3A_1262 = vector.broadcast %sub3A_1261 : f32 to vector<16xf32>
        %sub3A_1263 = arith.subf %sub3A_1262, %mul3A_1260 : vector<16xf32>
        %mul3A_1264 = arith.mulf %bitcast_convert_type3A_1255, %sub3A_1263 : vector<16xf32>
        %mul3A_1265 = arith.mulf %max3A_1247, %mul3A_1264 : vector<16xf32>
        %sub3A_1266 = arith.subf %gather3A_1228, %gather3A_1234 : vector<16xf32>
        %sub3A_1267 = arith.subf %gather3A_1229, %gather3A_1235 : vector<16xf32>
        %sub3A_1268 = arith.subf %gather3A_1230, %gather3A_1236 : vector<16xf32>
        %mul3A_1269 = arith.mulf %sub3A_1266, %sub3A_1266 : vector<16xf32>
        %mul3A_1270 = arith.mulf %sub3A_1267, %sub3A_1267 : vector<16xf32>
        %add3A_1271 = arith.addf %mul3A_1269, %mul3A_1270 : vector<16xf32>
        %mul3A_1272 = arith.mulf %sub3A_1268, %sub3A_1268 : vector<16xf32>
        %add3A_1273 = arith.addf %add3A_1271, %mul3A_1272 : vector<16xf32>
        %max3A_1274 = arith.constant 9.99999993E-9 : f32
        %max3A_1275 = vector.broadcast %max3A_1274 : f32 to vector<16xf32>
        %max3A_1276 = arith.maximumf %add3A_1273, %max3A_1275 : vector<16xf32>
        %bitcast_convert_type3A_1277 = tpu.bitcast %max3A_1276 : vector<16xf32> -> vector<16xi32>
        %shift_right_logical3A_1278 = arith.constant 1 : i32
        %shift_right_logical3A_1279 = vector.broadcast %shift_right_logical3A_1278 : i32 to vector<16xi32>
        %shift_right_logical3A_1280 = arith.shrui %bitcast_convert_type3A_1277, %shift_right_logical3A_1279 : vector<16xi32>
        %sub3A_1281 = arith.constant 1597463007 : i32
        %sub3A_1282 = vector.broadcast %sub3A_1281 : i32 to vector<16xi32>
        %sub3A_1283 = arith.subi %sub3A_1282, %shift_right_logical3A_1280 : vector<16xi32>
        %bitcast_convert_type3A_1284 = tpu.bitcast %sub3A_1283 : vector<16xi32> -> vector<16xf32>
        %mul3A_1285 = arith.constant 5.000000e-01 : f32
        %mul3A_1286 = vector.broadcast %mul3A_1285 : f32 to vector<16xf32>
        %mul3A_1287 = arith.mulf %max3A_1276, %mul3A_1286 : vector<16xf32>
        %mul3A_1288 = arith.mulf %mul3A_1287, %bitcast_convert_type3A_1284 : vector<16xf32>
        %mul3A_1289 = arith.mulf %mul3A_1288, %bitcast_convert_type3A_1284 : vector<16xf32>
        %sub3A_1290 = arith.constant 1.500000e+00 : f32
        %sub3A_1291 = vector.broadcast %sub3A_1290 : f32 to vector<16xf32>
        %sub3A_1292 = arith.subf %sub3A_1291, %mul3A_1289 : vector<16xf32>
        %mul3A_1293 = arith.mulf %bitcast_convert_type3A_1284, %sub3A_1292 : vector<16xf32>
        %mul3A_1294 = arith.mulf %max3A_1276, %mul3A_1293 : vector<16xf32>
        %sub3A_1295 = arith.subf %gather3A_1231, %gather3A_1234 : vector<16xf32>
        %sub3A_1296 = arith.subf %gather3A_1232, %gather3A_1235 : vector<16xf32>
        %sub3A_1297 = arith.subf %gather3A_1233, %gather3A_1236 : vector<16xf32>
        %mul3A_1298 = arith.mulf %sub3A_1295, %sub3A_1295 : vector<16xf32>
        %mul3A_1299 = arith.mulf %sub3A_1296, %sub3A_1296 : vector<16xf32>
        %add3A_1300 = arith.addf %mul3A_1298, %mul3A_1299 : vector<16xf32>
        %mul3A_1301 = arith.mulf %sub3A_1297, %sub3A_1297 : vector<16xf32>
        %add3A_1302 = arith.addf %add3A_1300, %mul3A_1301 : vector<16xf32>
        %max3A_1303 = arith.constant 9.99999993E-9 : f32
        %max3A_1304 = vector.broadcast %max3A_1303 : f32 to vector<16xf32>
        %max3A_1305 = arith.maximumf %add3A_1302, %max3A_1304 : vector<16xf32>
        %bitcast_convert_type3A_1306 = tpu.bitcast %max3A_1305 : vector<16xf32> -> vector<16xi32>
        %shift_right_logical3A_1307 = arith.constant 1 : i32
        %shift_right_logical3A_1308 = vector.broadcast %shift_right_logical3A_1307 : i32 to vector<16xi32>
        %shift_right_logical3A_1309 = arith.shrui %bitcast_convert_type3A_1306, %shift_right_logical3A_1308 : vector<16xi32>
        %sub3A_1310 = arith.constant 1597463007 : i32
        %sub3A_1311 = vector.broadcast %sub3A_1310 : i32 to vector<16xi32>
        %sub3A_1312 = arith.subi %sub3A_1311, %shift_right_logical3A_1309 : vector<16xi32>
        %bitcast_convert_type3A_1313 = tpu.bitcast %sub3A_1312 : vector<16xi32> -> vector<16xf32>
        %mul3A_1314 = arith.constant 5.000000e-01 : f32
        %mul3A_1315 = vector.broadcast %mul3A_1314 : f32 to vector<16xf32>
        %mul3A_1316 = arith.mulf %max3A_1305, %mul3A_1315 : vector<16xf32>
        %mul3A_1317 = arith.mulf %mul3A_1316, %bitcast_convert_type3A_1313 : vector<16xf32>
        %mul3A_1318 = arith.mulf %mul3A_1317, %bitcast_convert_type3A_1313 : vector<16xf32>
        %sub3A_1319 = arith.constant 1.500000e+00 : f32
        %sub3A_1320 = vector.broadcast %sub3A_1319 : f32 to vector<16xf32>
        %sub3A_1321 = arith.subf %sub3A_1320, %mul3A_1318 : vector<16xf32>
        %mul3A_1322 = arith.mulf %bitcast_convert_type3A_1313, %sub3A_1321 : vector<16xf32>
        %mul3A_1323 = arith.mulf %max3A_1305, %mul3A_1322 : vector<16xf32>
        %sub3A_1324 = arith.subf %mul3A_1169, %mul3A_1265 : vector<16xf32>
        %abs3A_1325 = math.absf %sub3A_1324 : vector<16xf32>
        %sub3A_1326 = arith.subf %mul3A_1198, %mul3A_1294 : vector<16xf32>
        %abs3A_1327 = math.absf %sub3A_1326 : vector<16xf32>
        %add3A_1328 = arith.addf %abs3A_1325, %abs3A_1327 : vector<16xf32>
        %sub3A_1329 = arith.subf %mul3A_1227, %mul3A_1323 : vector<16xf32>
        %abs3A_1330 = math.absf %sub3A_1329 : vector<16xf32>
        %add3A_1331 = arith.addf %add3A_1328, %abs3A_1330 : vector<16xf32>
        %add3A_1332 = arith.constant 6 : i32
        %add3A_1333 = vector.broadcast %add3A_1332 : i32 to vector<16xi32>
        %add3A_1334 = arith.addi %broadcast_in_dim3A_1, %add3A_1333 : vector<16xi32>
        %gather3A_1335 = tpu.vector_load_idx %arg8[%add3A_1334, %get3A_87] : memref<8x2334xf32, #tpu.memory_space<vmem>>[vector<16xi32>, vector<16xi32>], vector<16xf32>,
        %gather3A_1336 = tpu.vector_load_idx %arg8[%add3A_1334, %get3A_91] : memref<8x2334xf32, #tpu.memory_space<vmem>>[vector<16xi32>, vector<16xi32>], vector<16xf32>,
        %gather3A_1337 = tpu.vector_load_idx %arg8[%add3A_1334, %get3A_95] : memref<8x2334xf32, #tpu.memory_space<vmem>>[vector<16xi32>, vector<16xi32>], vector<16xf32>,
        %gather3A_1338 = tpu.vector_load_idx %arg8[%add3A_1334, %get3A_99] : memref<8x2334xf32, #tpu.memory_space<vmem>>[vector<16xi32>, vector<16xi32>], vector<16xf32>,
        %gather3A_1339 = tpu.vector_load_idx %arg8[%add3A_1334, %get3A_103] : memref<8x2334xf32, #tpu.memory_space<vmem>>[vector<16xi32>, vector<16xi32>], vector<16xf32>,
        %gather3A_1340 = tpu.vector_load_idx %arg8[%add3A_1334, %get3A_107] : memref<8x2334xf32, #tpu.memory_space<vmem>>[vector<16xi32>, vector<16xi32>], vector<16xf32>,
        %gather3A_1341 = tpu.vector_load_idx %arg8[%add3A_1334, %get3A_111] : memref<8x2334xf32, #tpu.memory_space<vmem>>[vector<16xi32>, vector<16xi32>], vector<16xf32>,
        %gather3A_1342 = tpu.vector_load_idx %arg8[%add3A_1334, %get3A_115] : memref<8x2334xf32, #tpu.memory_space<vmem>>[vector<16xi32>, vector<16xi32>], vector<16xf32>,
        %gather3A_1343 = tpu.vector_load_idx %arg8[%add3A_1334, %get3A_119] : memref<8x2334xf32, #tpu.memory_space<vmem>>[vector<16xi32>, vector<16xi32>], vector<16xf32>,
        %sub3A_1344 = arith.subf %gather3A_1335, %gather3A_1338 : vector<16xf32>
        %sub3A_1345 = arith.subf %gather3A_1336, %gather3A_1339 : vector<16xf32>
        %sub3A_1346 = arith.subf %gather3A_1337, %gather3A_1340 : vector<16xf32>
        %mul3A_1347 = arith.mulf %sub3A_1344, %sub3A_1344 : vector<16xf32>
        %mul3A_1348 = arith.mulf %sub3A_1345, %sub3A_1345 : vector<16xf32>
        %add3A_1349 = arith.addf %mul3A_1347, %mul3A_1348 : vector<16xf32>
        %mul3A_1350 = arith.mulf %sub3A_1346, %sub3A_1346 : vector<16xf32>
        %add3A_1351 = arith.addf %add3A_1349, %mul3A_1350 : vector<16xf32>
        %max3A_1352 = arith.constant 9.99999993E-9 : f32
        %max3A_1353 = vector.broadcast %max3A_1352 : f32 to vector<16xf32>
        %max3A_1354 = arith.maximumf %add3A_1351, %max3A_1353 : vector<16xf32>
        %bitcast_convert_type3A_1355 = tpu.bitcast %max3A_1354 : vector<16xf32> -> vector<16xi32>
        %shift_right_logical3A_1356 = arith.constant 1 : i32
        %shift_right_logical3A_1357 = vector.broadcast %shift_right_logical3A_1356 : i32 to vector<16xi32>
        %shift_right_logical3A_1358 = arith.shrui %bitcast_convert_type3A_1355, %shift_right_logical3A_1357 : vector<16xi32>
        %sub3A_1359 = arith.constant 1597463007 : i32
        %sub3A_1360 = vector.broadcast %sub3A_1359 : i32 to vector<16xi32>
        %sub3A_1361 = arith.subi %sub3A_1360, %shift_right_logical3A_1358 : vector<16xi32>
        %bitcast_convert_type3A_1362 = tpu.bitcast %sub3A_1361 : vector<16xi32> -> vector<16xf32>
        %mul3A_1363 = arith.constant 5.000000e-01 : f32
        %mul3A_1364 = vector.broadcast %mul3A_1363 : f32 to vector<16xf32>
        %mul3A_1365 = arith.mulf %max3A_1354, %mul3A_1364 : vector<16xf32>
        %mul3A_1366 = arith.mulf %mul3A_1365, %bitcast_convert_type3A_1362 : vector<16xf32>
        %mul3A_1367 = arith.mulf %mul3A_1366, %bitcast_convert_type3A_1362 : vector<16xf32>
        %sub3A_1368 = arith.constant 1.500000e+00 : f32
        %sub3A_1369 = vector.broadcast %sub3A_1368 : f32 to vector<16xf32>
        %sub3A_1370 = arith.subf %sub3A_1369, %mul3A_1367 : vector<16xf32>
        %mul3A_1371 = arith.mulf %bitcast_convert_type3A_1362, %sub3A_1370 : vector<16xf32>
        %mul3A_1372 = arith.mulf %max3A_1354, %mul3A_1371 : vector<16xf32>
        %sub3A_1373 = arith.subf %gather3A_1335, %gather3A_1341 : vector<16xf32>
        %sub3A_1374 = arith.subf %gather3A_1336, %gather3A_1342 : vector<16xf32>
        %sub3A_1375 = arith.subf %gather3A_1337, %gather3A_1343 : vector<16xf32>
        %mul3A_1376 = arith.mulf %sub3A_1373, %sub3A_1373 : vector<16xf32>
        %mul3A_1377 = arith.mulf %sub3A_1374, %sub3A_1374 : vector<16xf32>
        %add3A_1378 = arith.addf %mul3A_1376, %mul3A_1377 : vector<16xf32>
        %mul3A_1379 = arith.mulf %sub3A_1375, %sub3A_1375 : vector<16xf32>
        %add3A_1380 = arith.addf %add3A_1378, %mul3A_1379 : vector<16xf32>
        %max3A_1381 = arith.constant 9.99999993E-9 : f32
        %max3A_1382 = vector.broadcast %max3A_1381 : f32 to vector<16xf32>
        %max3A_1383 = arith.maximumf %add3A_1380, %max3A_1382 : vector<16xf32>
        %bitcast_convert_type3A_1384 = tpu.bitcast %max3A_1383 : vector<16xf32> -> vector<16xi32>
        %shift_right_logical3A_1385 = arith.constant 1 : i32
        %shift_right_logical3A_1386 = vector.broadcast %shift_right_logical3A_1385 : i32 to vector<16xi32>
        %shift_right_logical3A_1387 = arith.shrui %bitcast_convert_type3A_1384, %shift_right_logical3A_1386 : vector<16xi32>
        %sub3A_1388 = arith.constant 1597463007 : i32
        %sub3A_1389 = vector.broadcast %sub3A_1388 : i32 to vector<16xi32>
        %sub3A_1390 = arith.subi %sub3A_1389, %shift_right_logical3A_1387 : vector<16xi32>
        %bitcast_convert_type3A_1391 = tpu.bitcast %sub3A_1390 : vector<16xi32> -> vector<16xf32>
        %mul3A_1392 = arith.constant 5.000000e-01 : f32
        %mul3A_1393 = vector.broadcast %mul3A_1392 : f32 to vector<16xf32>
        %mul3A_1394 = arith.mulf %max3A_1383, %mul3A_1393 : vector<16xf32>
        %mul3A_1395 = arith.mulf %mul3A_1394, %bitcast_convert_type3A_1391 : vector<16xf32>
        %mul3A_1396 = arith.mulf %mul3A_1395, %bitcast_convert_type3A_1391 : vector<16xf32>
        %sub3A_1397 = arith.constant 1.500000e+00 : f32
        %sub3A_1398 = vector.broadcast %sub3A_1397 : f32 to vector<16xf32>
        %sub3A_1399 = arith.subf %sub3A_1398, %mul3A_1396 : vector<16xf32>
        %mul3A_1400 = arith.mulf %bitcast_convert_type3A_1391, %sub3A_1399 : vector<16xf32>
        %mul3A_1401 = arith.mulf %max3A_1383, %mul3A_1400 : vector<16xf32>
        %sub3A_1402 = arith.subf %gather3A_1338, %gather3A_1341 : vector<16xf32>
        %sub3A_1403 = arith.subf %gather3A_1339, %gather3A_1342 : vector<16xf32>
        %sub3A_1404 = arith.subf %gather3A_1340, %gather3A_1343 : vector<16xf32>
        %mul3A_1405 = arith.mulf %sub3A_1402, %sub3A_1402 : vector<16xf32>
        %mul3A_1406 = arith.mulf %sub3A_1403, %sub3A_1403 : vector<16xf32>
        %add3A_1407 = arith.addf %mul3A_1405, %mul3A_1406 : vector<16xf32>
        %mul3A_1408 = arith.mulf %sub3A_1404, %sub3A_1404 : vector<16xf32>
        %add3A_1409 = arith.addf %add3A_1407, %mul3A_1408 : vector<16xf32>
        %max3A_1410 = arith.constant 9.99999993E-9 : f32
        %max3A_1411 = vector.broadcast %max3A_1410 : f32 to vector<16xf32>
        %max3A_1412 = arith.maximumf %add3A_1409, %max3A_1411 : vector<16xf32>
        %bitcast_convert_type3A_1413 = tpu.bitcast %max3A_1412 : vector<16xf32> -> vector<16xi32>
        %shift_right_logical3A_1414 = arith.constant 1 : i32
        %shift_right_logical3A_1415 = vector.broadcast %shift_right_logical3A_1414 : i32 to vector<16xi32>
        %shift_right_logical3A_1416 = arith.shrui %bitcast_convert_type3A_1413, %shift_right_logical3A_1415 : vector<16xi32>
        %sub3A_1417 = arith.constant 1597463007 : i32
        %sub3A_1418 = vector.broadcast %sub3A_1417 : i32 to vector<16xi32>
        %sub3A_1419 = arith.subi %sub3A_1418, %shift_right_logical3A_1416 : vector<16xi32>
        %bitcast_convert_type3A_1420 = tpu.bitcast %sub3A_1419 : vector<16xi32> -> vector<16xf32>
        %mul3A_1421 = arith.constant 5.000000e-01 : f32
        %mul3A_1422 = vector.broadcast %mul3A_1421 : f32 to vector<16xf32>
        %mul3A_1423 = arith.mulf %max3A_1412, %mul3A_1422 : vector<16xf32>
        %mul3A_1424 = arith.mulf %mul3A_1423, %bitcast_convert_type3A_1420 : vector<16xf32>
        %mul3A_1425 = arith.mulf %mul3A_1424, %bitcast_convert_type3A_1420 : vector<16xf32>
        %sub3A_1426 = arith.constant 1.500000e+00 : f32
        %sub3A_1427 = vector.broadcast %sub3A_1426 : f32 to vector<16xf32>
        %sub3A_1428 = arith.subf %sub3A_1427, %mul3A_1425 : vector<16xf32>
        %mul3A_1429 = arith.mulf %bitcast_convert_type3A_1420, %sub3A_1428 : vector<16xf32>
        %mul3A_1430 = arith.mulf %max3A_1412, %mul3A_1429 : vector<16xf32>
        %gather3A_1431 = tpu.vector_load_idx %arg9[%add3A_1334, %get3A_87] : memref<8x2334xf32, #tpu.memory_space<vmem>>[vector<16xi32>, vector<16xi32>], vector<16xf32>,
        %gather3A_1432 = tpu.vector_load_idx %arg9[%add3A_1334, %get3A_91] : memref<8x2334xf32, #tpu.memory_space<vmem>>[vector<16xi32>, vector<16xi32>], vector<16xf32>,
        %gather3A_1433 = tpu.vector_load_idx %arg9[%add3A_1334, %get3A_95] : memref<8x2334xf32, #tpu.memory_space<vmem>>[vector<16xi32>, vector<16xi32>], vector<16xf32>,
        %gather3A_1434 = tpu.vector_load_idx %arg9[%add3A_1334, %get3A_99] : memref<8x2334xf32, #tpu.memory_space<vmem>>[vector<16xi32>, vector<16xi32>], vector<16xf32>,
        %gather3A_1435 = tpu.vector_load_idx %arg9[%add3A_1334, %get3A_103] : memref<8x2334xf32, #tpu.memory_space<vmem>>[vector<16xi32>, vector<16xi32>], vector<16xf32>,
        %gather3A_1436 = tpu.vector_load_idx %arg9[%add3A_1334, %get3A_107] : memref<8x2334xf32, #tpu.memory_space<vmem>>[vector<16xi32>, vector<16xi32>], vector<16xf32>,
        %gather3A_1437 = tpu.vector_load_idx %arg9[%add3A_1334, %get3A_111] : memref<8x2334xf32, #tpu.memory_space<vmem>>[vector<16xi32>, vector<16xi32>], vector<16xf32>,
        %gather3A_1438 = tpu.vector_load_idx %arg9[%add3A_1334, %get3A_115] : memref<8x2334xf32, #tpu.memory_space<vmem>>[vector<16xi32>, vector<16xi32>], vector<16xf32>,
        %gather3A_1439 = tpu.vector_load_idx %arg9[%add3A_1334, %get3A_119] : memref<8x2334xf32, #tpu.memory_space<vmem>>[vector<16xi32>, vector<16xi32>], vector<16xf32>,
        %sub3A_1440 = arith.subf %gather3A_1431, %gather3A_1434 : vector<16xf32>
        %sub3A_1441 = arith.subf %gather3A_1432, %gather3A_1435 : vector<16xf32>
        %sub3A_1442 = arith.subf %gather3A_1433, %gather3A_1436 : vector<16xf32>
        %mul3A_1443 = arith.mulf %sub3A_1440, %sub3A_1440 : vector<16xf32>
        %mul3A_1444 = arith.mulf %sub3A_1441, %sub3A_1441 : vector<16xf32>
        %add3A_1445 = arith.addf %mul3A_1443, %mul3A_1444 : vector<16xf32>
        %mul3A_1446 = arith.mulf %sub3A_1442, %sub3A_1442 : vector<16xf32>
        %add3A_1447 = arith.addf %add3A_1445, %mul3A_1446 : vector<16xf32>
        %max3A_1448 = arith.constant 9.99999993E-9 : f32
        %max3A_1449 = vector.broadcast %max3A_1448 : f32 to vector<16xf32>
        %max3A_1450 = arith.maximumf %add3A_1447, %max3A_1449 : vector<16xf32>
        %bitcast_convert_type3A_1451 = tpu.bitcast %max3A_1450 : vector<16xf32> -> vector<16xi32>
        %shift_right_logical3A_1452 = arith.constant 1 : i32
        %shift_right_logical3A_1453 = vector.broadcast %shift_right_logical3A_1452 : i32 to vector<16xi32>
        %shift_right_logical3A_1454 = arith.shrui %bitcast_convert_type3A_1451, %shift_right_logical3A_1453 : vector<16xi32>
        %sub3A_1455 = arith.constant 1597463007 : i32
        %sub3A_1456 = vector.broadcast %sub3A_1455 : i32 to vector<16xi32>
        %sub3A_1457 = arith.subi %sub3A_1456, %shift_right_logical3A_1454 : vector<16xi32>
        %bitcast_convert_type3A_1458 = tpu.bitcast %sub3A_1457 : vector<16xi32> -> vector<16xf32>
        %mul3A_1459 = arith.constant 5.000000e-01 : f32
        %mul3A_1460 = vector.broadcast %mul3A_1459 : f32 to vector<16xf32>
        %mul3A_1461 = arith.mulf %max3A_1450, %mul3A_1460 : vector<16xf32>
        %mul3A_1462 = arith.mulf %mul3A_1461, %bitcast_convert_type3A_1458 : vector<16xf32>
        %mul3A_1463 = arith.mulf %mul3A_1462, %bitcast_convert_type3A_1458 : vector<16xf32>
        %sub3A_1464 = arith.constant 1.500000e+00 : f32
        %sub3A_1465 = vector.broadcast %sub3A_1464 : f32 to vector<16xf32>
        %sub3A_1466 = arith.subf %sub3A_1465, %mul3A_1463 : vector<16xf32>
        %mul3A_1467 = arith.mulf %bitcast_convert_type3A_1458, %sub3A_1466 : vector<16xf32>
        %mul3A_1468 = arith.mulf %max3A_1450, %mul3A_1467 : vector<16xf32>
        %sub3A_1469 = arith.subf %gather3A_1431, %gather3A_1437 : vector<16xf32>
        %sub3A_1470 = arith.subf %gather3A_1432, %gather3A_1438 : vector<16xf32>
        %sub3A_1471 = arith.subf %gather3A_1433, %gather3A_1439 : vector<16xf32>
        %mul3A_1472 = arith.mulf %sub3A_1469, %sub3A_1469 : vector<16xf32>
        %mul3A_1473 = arith.mulf %sub3A_1470, %sub3A_1470 : vector<16xf32>
        %add3A_1474 = arith.addf %mul3A_1472, %mul3A_1473 : vector<16xf32>
        %mul3A_1475 = arith.mulf %sub3A_1471, %sub3A_1471 : vector<16xf32>
        %add3A_1476 = arith.addf %add3A_1474, %mul3A_1475 : vector<16xf32>
        %max3A_1477 = arith.constant 9.99999993E-9 : f32
        %max3A_1478 = vector.broadcast %max3A_1477 : f32 to vector<16xf32>
        %max3A_1479 = arith.maximumf %add3A_1476, %max3A_1478 : vector<16xf32>
        %bitcast_convert_type3A_1480 = tpu.bitcast %max3A_1479 : vector<16xf32> -> vector<16xi32>
        %shift_right_logical3A_1481 = arith.constant 1 : i32
        %shift_right_logical3A_1482 = vector.broadcast %shift_right_logical3A_1481 : i32 to vector<16xi32>
        %shift_right_logical3A_1483 = arith.shrui %bitcast_convert_type3A_1480, %shift_right_logical3A_1482 : vector<16xi32>
        %sub3A_1484 = arith.constant 1597463007 : i32
        %sub3A_1485 = vector.broadcast %sub3A_1484 : i32 to vector<16xi32>
        %sub3A_1486 = arith.subi %sub3A_1485, %shift_right_logical3A_1483 : vector<16xi32>
        %bitcast_convert_type3A_1487 = tpu.bitcast %sub3A_1486 : vector<16xi32> -> vector<16xf32>
        %mul3A_1488 = arith.constant 5.000000e-01 : f32
        %mul3A_1489 = vector.broadcast %mul3A_1488 : f32 to vector<16xf32>
        %mul3A_1490 = arith.mulf %max3A_1479, %mul3A_1489 : vector<16xf32>
        %mul3A_1491 = arith.mulf %mul3A_1490, %bitcast_convert_type3A_1487 : vector<16xf32>
        %mul3A_1492 = arith.mulf %mul3A_1491, %bitcast_convert_type3A_1487 : vector<16xf32>
        %sub3A_1493 = arith.constant 1.500000e+00 : f32
        %sub3A_1494 = vector.broadcast %sub3A_1493 : f32 to vector<16xf32>
        %sub3A_1495 = arith.subf %sub3A_1494, %mul3A_1492 : vector<16xf32>
        %mul3A_1496 = arith.mulf %bitcast_convert_type3A_1487, %sub3A_1495 : vector<16xf32>
        %mul3A_1497 = arith.mulf %max3A_1479, %mul3A_1496 : vector<16xf32>
        %sub3A_1498 = arith.subf %gather3A_1434, %gather3A_1437 : vector<16xf32>
        %sub3A_1499 = arith.subf %gather3A_1435, %gather3A_1438 : vector<16xf32>
        %sub3A_1500 = arith.subf %gather3A_1436, %gather3A_1439 : vector<16xf32>
        %mul3A_1501 = arith.mulf %sub3A_1498, %sub3A_1498 : vector<16xf32>
        %mul3A_1502 = arith.mulf %sub3A_1499, %sub3A_1499 : vector<16xf32>
        %add3A_1503 = arith.addf %mul3A_1501, %mul3A_1502 : vector<16xf32>
        %mul3A_1504 = arith.mulf %sub3A_1500, %sub3A_1500 : vector<16xf32>
        %add3A_1505 = arith.addf %add3A_1503, %mul3A_1504 : vector<16xf32>
        %max3A_1506 = arith.constant 9.99999993E-9 : f32
        %max3A_1507 = vector.broadcast %max3A_1506 : f32 to vector<16xf32>
        %max3A_1508 = arith.maximumf %add3A_1505, %max3A_1507 : vector<16xf32>
        %bitcast_convert_type3A_1509 = tpu.bitcast %max3A_1508 : vector<16xf32> -> vector<16xi32>
        %shift_right_logical3A_1510 = arith.constant 1 : i32
        %shift_right_logical3A_1511 = vector.broadcast %shift_right_logical3A_1510 : i32 to vector<16xi32>
        %shift_right_logical3A_1512 = arith.shrui %bitcast_convert_type3A_1509, %shift_right_logical3A_1511 : vector<16xi32>
        %sub3A_1513 = arith.constant 1597463007 : i32
        %sub3A_1514 = vector.broadcast %sub3A_1513 : i32 to vector<16xi32>
        %sub3A_1515 = arith.subi %sub3A_1514, %shift_right_logical3A_1512 : vector<16xi32>
        %bitcast_convert_type3A_1516 = tpu.bitcast %sub3A_1515 : vector<16xi32> -> vector<16xf32>
        %mul3A_1517 = arith.constant 5.000000e-01 : f32
        %mul3A_1518 = vector.broadcast %mul3A_1517 : f32 to vector<16xf32>
        %mul3A_1519 = arith.mulf %max3A_1508, %mul3A_1518 : vector<16xf32>
        %mul3A_1520 = arith.mulf %mul3A_1519, %bitcast_convert_type3A_1516 : vector<16xf32>
        %mul3A_1521 = arith.mulf %mul3A_1520, %bitcast_convert_type3A_1516 : vector<16xf32>
        %sub3A_1522 = arith.constant 1.500000e+00 : f32
        %sub3A_1523 = vector.broadcast %sub3A_1522 : f32 to vector<16xf32>
        %sub3A_1524 = arith.subf %sub3A_1523, %mul3A_1521 : vector<16xf32>
        %mul3A_1525 = arith.mulf %bitcast_convert_type3A_1516, %sub3A_1524 : vector<16xf32>
        %mul3A_1526 = arith.mulf %max3A_1508, %mul3A_1525 : vector<16xf32>
        %sub3A_1527 = arith.subf %mul3A_1372, %mul3A_1468 : vector<16xf32>
        %abs3A_1528 = math.absf %sub3A_1527 : vector<16xf32>
        %sub3A_1529 = arith.subf %mul3A_1401, %mul3A_1497 : vector<16xf32>
        %abs3A_1530 = math.absf %sub3A_1529 : vector<16xf32>
        %add3A_1531 = arith.addf %abs3A_1528, %abs3A_1530 : vector<16xf32>
        %sub3A_1532 = arith.subf %mul3A_1430, %mul3A_1526 : vector<16xf32>
        %abs3A_1533 = math.absf %sub3A_1532 : vector<16xf32>
        %add3A_1534 = arith.addf %add3A_1531, %abs3A_1533 : vector<16xf32>
        %add3A_1535 = arith.constant 7 : i32
        %add3A_1536 = vector.broadcast %add3A_1535 : i32 to vector<16xi32>
        %add3A_1537 = arith.addi %broadcast_in_dim3A_1, %add3A_1536 : vector<16xi32>
        %gather3A_1538 = tpu.vector_load_idx %arg8[%add3A_1537, %get3A_87] : memref<8x2334xf32, #tpu.memory_space<vmem>>[vector<16xi32>, vector<16xi32>], vector<16xf32>,
        %gather3A_1539 = tpu.vector_load_idx %arg8[%add3A_1537, %get3A_91] : memref<8x2334xf32, #tpu.memory_space<vmem>>[vector<16xi32>, vector<16xi32>], vector<16xf32>,
        %gather3A_1540 = tpu.vector_load_idx %arg8[%add3A_1537, %get3A_95] : memref<8x2334xf32, #tpu.memory_space<vmem>>[vector<16xi32>, vector<16xi32>], vector<16xf32>,
        %gather3A_1541 = tpu.vector_load_idx %arg8[%add3A_1537, %get3A_99] : memref<8x2334xf32, #tpu.memory_space<vmem>>[vector<16xi32>, vector<16xi32>], vector<16xf32>,
        %gather3A_1542 = tpu.vector_load_idx %arg8[%add3A_1537, %get3A_103] : memref<8x2334xf32, #tpu.memory_space<vmem>>[vector<16xi32>, vector<16xi32>], vector<16xf32>,
        %gather3A_1543 = tpu.vector_load_idx %arg8[%add3A_1537, %get3A_107] : memref<8x2334xf32, #tpu.memory_space<vmem>>[vector<16xi32>, vector<16xi32>], vector<16xf32>,
        %gather3A_1544 = tpu.vector_load_idx %arg8[%add3A_1537, %get3A_111] : memref<8x2334xf32, #tpu.memory_space<vmem>>[vector<16xi32>, vector<16xi32>], vector<16xf32>,
        %gather3A_1545 = tpu.vector_load_idx %arg8[%add3A_1537, %get3A_115] : memref<8x2334xf32, #tpu.memory_space<vmem>>[vector<16xi32>, vector<16xi32>], vector<16xf32>,
        %gather3A_1546 = tpu.vector_load_idx %arg8[%add3A_1537, %get3A_119] : memref<8x2334xf32, #tpu.memory_space<vmem>>[vector<16xi32>, vector<16xi32>], vector<16xf32>,
        %sub3A_1547 = arith.subf %gather3A_1538, %gather3A_1541 : vector<16xf32>
        %sub3A_1548 = arith.subf %gather3A_1539, %gather3A_1542 : vector<16xf32>
        %sub3A_1549 = arith.subf %gather3A_1540, %gather3A_1543 : vector<16xf32>
        %mul3A_1550 = arith.mulf %sub3A_1547, %sub3A_1547 : vector<16xf32>
        %mul3A_1551 = arith.mulf %sub3A_1548, %sub3A_1548 : vector<16xf32>
        %add3A_1552 = arith.addf %mul3A_1550, %mul3A_1551 : vector<16xf32>
        %mul3A_1553 = arith.mulf %sub3A_1549, %sub3A_1549 : vector<16xf32>
        %add3A_1554 = arith.addf %add3A_1552, %mul3A_1553 : vector<16xf32>
        %max3A_1555 = arith.constant 9.99999993E-9 : f32
        %max3A_1556 = vector.broadcast %max3A_1555 : f32 to vector<16xf32>
        %max3A_1557 = arith.maximumf %add3A_1554, %max3A_1556 : vector<16xf32>
        %bitcast_convert_type3A_1558 = tpu.bitcast %max3A_1557 : vector<16xf32> -> vector<16xi32>
        %shift_right_logical3A_1559 = arith.constant 1 : i32
        %shift_right_logical3A_1560 = vector.broadcast %shift_right_logical3A_1559 : i32 to vector<16xi32>
        %shift_right_logical3A_1561 = arith.shrui %bitcast_convert_type3A_1558, %shift_right_logical3A_1560 : vector<16xi32>
        %sub3A_1562 = arith.constant 1597463007 : i32
        %sub3A_1563 = vector.broadcast %sub3A_1562 : i32 to vector<16xi32>
        %sub3A_1564 = arith.subi %sub3A_1563, %shift_right_logical3A_1561 : vector<16xi32>
        %bitcast_convert_type3A_1565 = tpu.bitcast %sub3A_1564 : vector<16xi32> -> vector<16xf32>
        %mul3A_1566 = arith.constant 5.000000e-01 : f32
        %mul3A_1567 = vector.broadcast %mul3A_1566 : f32 to vector<16xf32>
        %mul3A_1568 = arith.mulf %max3A_1557, %mul3A_1567 : vector<16xf32>
        %mul3A_1569 = arith.mulf %mul3A_1568, %bitcast_convert_type3A_1565 : vector<16xf32>
        %mul3A_1570 = arith.mulf %mul3A_1569, %bitcast_convert_type3A_1565 : vector<16xf32>
        %sub3A_1571 = arith.constant 1.500000e+00 : f32
        %sub3A_1572 = vector.broadcast %sub3A_1571 : f32 to vector<16xf32>
        %sub3A_1573 = arith.subf %sub3A_1572, %mul3A_1570 : vector<16xf32>
        %mul3A_1574 = arith.mulf %bitcast_convert_type3A_1565, %sub3A_1573 : vector<16xf32>
        %mul3A_1575 = arith.mulf %max3A_1557, %mul3A_1574 : vector<16xf32>
        %sub3A_1576 = arith.subf %gather3A_1538, %gather3A_1544 : vector<16xf32>
        %sub3A_1577 = arith.subf %gather3A_1539, %gather3A_1545 : vector<16xf32>
        %sub3A_1578 = arith.subf %gather3A_1540, %gather3A_1546 : vector<16xf32>
        %mul3A_1579 = arith.mulf %sub3A_1576, %sub3A_1576 : vector<16xf32>
        %mul3A_1580 = arith.mulf %sub3A_1577, %sub3A_1577 : vector<16xf32>
        %add3A_1581 = arith.addf %mul3A_1579, %mul3A_1580 : vector<16xf32>
        %mul3A_1582 = arith.mulf %sub3A_1578, %sub3A_1578 : vector<16xf32>
        %add3A_1583 = arith.addf %add3A_1581, %mul3A_1582 : vector<16xf32>
        %max3A_1584 = arith.constant 9.99999993E-9 : f32
        %max3A_1585 = vector.broadcast %max3A_1584 : f32 to vector<16xf32>
        %max3A_1586 = arith.maximumf %add3A_1583, %max3A_1585 : vector<16xf32>
        %bitcast_convert_type3A_1587 = tpu.bitcast %max3A_1586 : vector<16xf32> -> vector<16xi32>
        %shift_right_logical3A_1588 = arith.constant 1 : i32
        %shift_right_logical3A_1589 = vector.broadcast %shift_right_logical3A_1588 : i32 to vector<16xi32>
        %shift_right_logical3A_1590 = arith.shrui %bitcast_convert_type3A_1587, %shift_right_logical3A_1589 : vector<16xi32>
        %sub3A_1591 = arith.constant 1597463007 : i32
        %sub3A_1592 = vector.broadcast %sub3A_1591 : i32 to vector<16xi32>
        %sub3A_1593 = arith.subi %sub3A_1592, %shift_right_logical3A_1590 : vector<16xi32>
        %bitcast_convert_type3A_1594 = tpu.bitcast %sub3A_1593 : vector<16xi32> -> vector<16xf32>
        %mul3A_1595 = arith.constant 5.000000e-01 : f32
        %mul3A_1596 = vector.broadcast %mul3A_1595 : f32 to vector<16xf32>
        %mul3A_1597 = arith.mulf %max3A_1586, %mul3A_1596 : vector<16xf32>
        %mul3A_1598 = arith.mulf %mul3A_1597, %bitcast_convert_type3A_1594 : vector<16xf32>
        %mul3A_1599 = arith.mulf %mul3A_1598, %bitcast_convert_type3A_1594 : vector<16xf32>
        %sub3A_1600 = arith.constant 1.500000e+00 : f32
        %sub3A_1601 = vector.broadcast %sub3A_1600 : f32 to vector<16xf32>
        %sub3A_1602 = arith.subf %sub3A_1601, %mul3A_1599 : vector<16xf32>
        %mul3A_1603 = arith.mulf %bitcast_convert_type3A_1594, %sub3A_1602 : vector<16xf32>
        %mul3A_1604 = arith.mulf %max3A_1586, %mul3A_1603 : vector<16xf32>
        %sub3A_1605 = arith.subf %gather3A_1541, %gather3A_1544 : vector<16xf32>
        %sub3A_1606 = arith.subf %gather3A_1542, %gather3A_1545 : vector<16xf32>
        %sub3A_1607 = arith.subf %gather3A_1543, %gather3A_1546 : vector<16xf32>
        %mul3A_1608 = arith.mulf %sub3A_1605, %sub3A_1605 : vector<16xf32>
        %mul3A_1609 = arith.mulf %sub3A_1606, %sub3A_1606 : vector<16xf32>
        %add3A_1610 = arith.addf %mul3A_1608, %mul3A_1609 : vector<16xf32>
        %mul3A_1611 = arith.mulf %sub3A_1607, %sub3A_1607 : vector<16xf32>
        %add3A_1612 = arith.addf %add3A_1610, %mul3A_1611 : vector<16xf32>
        %max3A_1613 = arith.constant 9.99999993E-9 : f32
        %max3A_1614 = vector.broadcast %max3A_1613 : f32 to vector<16xf32>
        %max3A_1615 = arith.maximumf %add3A_1612, %max3A_1614 : vector<16xf32>
        %bitcast_convert_type3A_1616 = tpu.bitcast %max3A_1615 : vector<16xf32> -> vector<16xi32>
        %shift_right_logical3A_1617 = arith.constant 1 : i32
        %shift_right_logical3A_1618 = vector.broadcast %shift_right_logical3A_1617 : i32 to vector<16xi32>
        %shift_right_logical3A_1619 = arith.shrui %bitcast_convert_type3A_1616, %shift_right_logical3A_1618 : vector<16xi32>
        %sub3A_1620 = arith.constant 1597463007 : i32
        %sub3A_1621 = vector.broadcast %sub3A_1620 : i32 to vector<16xi32>
        %sub3A_1622 = arith.subi %sub3A_1621, %shift_right_logical3A_1619 : vector<16xi32>
        %bitcast_convert_type3A_1623 = tpu.bitcast %sub3A_1622 : vector<16xi32> -> vector<16xf32>
        %mul3A_1624 = arith.constant 5.000000e-01 : f32
        %mul3A_1625 = vector.broadcast %mul3A_1624 : f32 to vector<16xf32>
        %mul3A_1626 = arith.mulf %max3A_1615, %mul3A_1625 : vector<16xf32>
        %mul3A_1627 = arith.mulf %mul3A_1626, %bitcast_convert_type3A_1623 : vector<16xf32>
        %mul3A_1628 = arith.mulf %mul3A_1627, %bitcast_convert_type3A_1623 : vector<16xf32>
        %sub3A_1629 = arith.constant 1.500000e+00 : f32
        %sub3A_1630 = vector.broadcast %sub3A_1629 : f32 to vector<16xf32>
        %sub3A_1631 = arith.subf %sub3A_1630, %mul3A_1628 : vector<16xf32>
        %mul3A_1632 = arith.mulf %bitcast_convert_type3A_1623, %sub3A_1631 : vector<16xf32>
        %mul3A_1633 = arith.mulf %max3A_1615, %mul3A_1632 : vector<16xf32>
        %gather3A_1634 = tpu.vector_load_idx %arg9[%add3A_1537, %get3A_87] : memref<8x2334xf32, #tpu.memory_space<vmem>>[vector<16xi32>, vector<16xi32>], vector<16xf32>,
        %gather3A_1635 = tpu.vector_load_idx %arg9[%add3A_1537, %get3A_91] : memref<8x2334xf32, #tpu.memory_space<vmem>>[vector<16xi32>, vector<16xi32>], vector<16xf32>,
        %gather3A_1636 = tpu.vector_load_idx %arg9[%add3A_1537, %get3A_95] : memref<8x2334xf32, #tpu.memory_space<vmem>>[vector<16xi32>, vector<16xi32>], vector<16xf32>,
        %gather3A_1637 = tpu.vector_load_idx %arg9[%add3A_1537, %get3A_99] : memref<8x2334xf32, #tpu.memory_space<vmem>>[vector<16xi32>, vector<16xi32>], vector<16xf32>,
        %gather3A_1638 = tpu.vector_load_idx %arg9[%add3A_1537, %get3A_103] : memref<8x2334xf32, #tpu.memory_space<vmem>>[vector<16xi32>, vector<16xi32>], vector<16xf32>,
        %gather3A_1639 = tpu.vector_load_idx %arg9[%add3A_1537, %get3A_107] : memref<8x2334xf32, #tpu.memory_space<vmem>>[vector<16xi32>, vector<16xi32>], vector<16xf32>,
        %gather3A_1640 = tpu.vector_load_idx %arg9[%add3A_1537, %get3A_111] : memref<8x2334xf32, #tpu.memory_space<vmem>>[vector<16xi32>, vector<16xi32>], vector<16xf32>,
        %gather3A_1641 = tpu.vector_load_idx %arg9[%add3A_1537, %get3A_115] : memref<8x2334xf32, #tpu.memory_space<vmem>>[vector<16xi32>, vector<16xi32>], vector<16xf32>,
        %gather3A_1642 = tpu.vector_load_idx %arg9[%add3A_1537, %get3A_119] : memref<8x2334xf32, #tpu.memory_space<vmem>>[vector<16xi32>, vector<16xi32>], vector<16xf32>,
        %sub3A_1643 = arith.subf %gather3A_1634, %gather3A_1637 : vector<16xf32>
        %sub3A_1644 = arith.subf %gather3A_1635, %gather3A_1638 : vector<16xf32>
        %sub3A_1645 = arith.subf %gather3A_1636, %gather3A_1639 : vector<16xf32>
        %mul3A_1646 = arith.mulf %sub3A_1643, %sub3A_1643 : vector<16xf32>
        %mul3A_1647 = arith.mulf %sub3A_1644, %sub3A_1644 : vector<16xf32>
        %add3A_1648 = arith.addf %mul3A_1646, %mul3A_1647 : vector<16xf32>
        %mul3A_1649 = arith.mulf %sub3A_1645, %sub3A_1645 : vector<16xf32>
        %add3A_1650 = arith.addf %add3A_1648, %mul3A_1649 : vector<16xf32>
        %max3A_1651 = arith.constant 9.99999993E-9 : f32
        %max3A_1652 = vector.broadcast %max3A_1651 : f32 to vector<16xf32>
        %max3A_1653 = arith.maximumf %add3A_1650, %max3A_1652 : vector<16xf32>
        %bitcast_convert_type3A_1654 = tpu.bitcast %max3A_1653 : vector<16xf32> -> vector<16xi32>
        %shift_right_logical3A_1655 = arith.constant 1 : i32
        %shift_right_logical3A_1656 = vector.broadcast %shift_right_logical3A_1655 : i32 to vector<16xi32>
        %shift_right_logical3A_1657 = arith.shrui %bitcast_convert_type3A_1654, %shift_right_logical3A_1656 : vector<16xi32>
        %sub3A_1658 = arith.constant 1597463007 : i32
        %sub3A_1659 = vector.broadcast %sub3A_1658 : i32 to vector<16xi32>
        %sub3A_1660 = arith.subi %sub3A_1659, %shift_right_logical3A_1657 : vector<16xi32>
        %bitcast_convert_type3A_1661 = tpu.bitcast %sub3A_1660 : vector<16xi32> -> vector<16xf32>
        %mul3A_1662 = arith.constant 5.000000e-01 : f32
        %mul3A_1663 = vector.broadcast %mul3A_1662 : f32 to vector<16xf32>
        %mul3A_1664 = arith.mulf %max3A_1653, %mul3A_1663 : vector<16xf32>
        %mul3A_1665 = arith.mulf %mul3A_1664, %bitcast_convert_type3A_1661 : vector<16xf32>
        %mul3A_1666 = arith.mulf %mul3A_1665, %bitcast_convert_type3A_1661 : vector<16xf32>
        %sub3A_1667 = arith.constant 1.500000e+00 : f32
        %sub3A_1668 = vector.broadcast %sub3A_1667 : f32 to vector<16xf32>
        %sub3A_1669 = arith.subf %sub3A_1668, %mul3A_1666 : vector<16xf32>
        %mul3A_1670 = arith.mulf %bitcast_convert_type3A_1661, %sub3A_1669 : vector<16xf32>
        %mul3A_1671 = arith.mulf %max3A_1653, %mul3A_1670 : vector<16xf32>
        %sub3A_1672 = arith.subf %gather3A_1634, %gather3A_1640 : vector<16xf32>
        %sub3A_1673 = arith.subf %gather3A_1635, %gather3A_1641 : vector<16xf32>
        %sub3A_1674 = arith.subf %gather3A_1636, %gather3A_1642 : vector<16xf32>
        %mul3A_1675 = arith.mulf %sub3A_1672, %sub3A_1672 : vector<16xf32>
        %mul3A_1676 = arith.mulf %sub3A_1673, %sub3A_1673 : vector<16xf32>
        %add3A_1677 = arith.addf %mul3A_1675, %mul3A_1676 : vector<16xf32>
        %mul3A_1678 = arith.mulf %sub3A_1674, %sub3A_1674 : vector<16xf32>
        %add3A_1679 = arith.addf %add3A_1677, %mul3A_1678 : vector<16xf32>
        %max3A_1680 = arith.constant 9.99999993E-9 : f32
        %max3A_1681 = vector.broadcast %max3A_1680 : f32 to vector<16xf32>
        %max3A_1682 = arith.maximumf %add3A_1679, %max3A_1681 : vector<16xf32>
        %bitcast_convert_type3A_1683 = tpu.bitcast %max3A_1682 : vector<16xf32> -> vector<16xi32>
        %shift_right_logical3A_1684 = arith.constant 1 : i32
        %shift_right_logical3A_1685 = vector.broadcast %shift_right_logical3A_1684 : i32 to vector<16xi32>
        %shift_right_logical3A_1686 = arith.shrui %bitcast_convert_type3A_1683, %shift_right_logical3A_1685 : vector<16xi32>
        %sub3A_1687 = arith.constant 1597463007 : i32
        %sub3A_1688 = vector.broadcast %sub3A_1687 : i32 to vector<16xi32>
        %sub3A_1689 = arith.subi %sub3A_1688, %shift_right_logical3A_1686 : vector<16xi32>
        %bitcast_convert_type3A_1690 = tpu.bitcast %sub3A_1689 : vector<16xi32> -> vector<16xf32>
        %mul3A_1691 = arith.constant 5.000000e-01 : f32
        %mul3A_1692 = vector.broadcast %mul3A_1691 : f32 to vector<16xf32>
        %mul3A_1693 = arith.mulf %max3A_1682, %mul3A_1692 : vector<16xf32>
        %mul3A_1694 = arith.mulf %mul3A_1693, %bitcast_convert_type3A_1690 : vector<16xf32>
        %mul3A_1695 = arith.mulf %mul3A_1694, %bitcast_convert_type3A_1690 : vector<16xf32>
        %sub3A_1696 = arith.constant 1.500000e+00 : f32
        %sub3A_1697 = vector.broadcast %sub3A_1696 : f32 to vector<16xf32>
        %sub3A_1698 = arith.subf %sub3A_1697, %mul3A_1695 : vector<16xf32>
        %mul3A_1699 = arith.mulf %bitcast_convert_type3A_1690, %sub3A_1698 : vector<16xf32>
        %mul3A_1700 = arith.mulf %max3A_1682, %mul3A_1699 : vector<16xf32>
        %sub3A_1701 = arith.subf %gather3A_1637, %gather3A_1640 : vector<16xf32>
        %sub3A_1702 = arith.subf %gather3A_1638, %gather3A_1641 : vector<16xf32>
        %sub3A_1703 = arith.subf %gather3A_1639, %gather3A_1642 : vector<16xf32>
        %mul3A_1704 = arith.mulf %sub3A_1701, %sub3A_1701 : vector<16xf32>
        %mul3A_1705 = arith.mulf %sub3A_1702, %sub3A_1702 : vector<16xf32>
        %add3A_1706 = arith.addf %mul3A_1704, %mul3A_1705 : vector<16xf32>
        %mul3A_1707 = arith.mulf %sub3A_1703, %sub3A_1703 : vector<16xf32>
        %add3A_1708 = arith.addf %add3A_1706, %mul3A_1707 : vector<16xf32>
        %max3A_1709 = arith.constant 9.99999993E-9 : f32
        %max3A_1710 = vector.broadcast %max3A_1709 : f32 to vector<16xf32>
        %max3A_1711 = arith.maximumf %add3A_1708, %max3A_1710 : vector<16xf32>
        %bitcast_convert_type3A_1712 = tpu.bitcast %max3A_1711 : vector<16xf32> -> vector<16xi32>
        %shift_right_logical3A_1713 = arith.constant 1 : i32
        %shift_right_logical3A_1714 = vector.broadcast %shift_right_logical3A_1713 : i32 to vector<16xi32>
        %shift_right_logical3A_1715 = arith.shrui %bitcast_convert_type3A_1712, %shift_right_logical3A_1714 : vector<16xi32>
        %sub3A_1716 = arith.constant 1597463007 : i32
        %sub3A_1717 = vector.broadcast %sub3A_1716 : i32 to vector<16xi32>
        %sub3A_1718 = arith.subi %sub3A_1717, %shift_right_logical3A_1715 : vector<16xi32>
        %bitcast_convert_type3A_1719 = tpu.bitcast %sub3A_1718 : vector<16xi32> -> vector<16xf32>
        %mul3A_1720 = arith.constant 5.000000e-01 : f32
        %mul3A_1721 = vector.broadcast %mul3A_1720 : f32 to vector<16xf32>
        %mul3A_1722 = arith.mulf %max3A_1711, %mul3A_1721 : vector<16xf32>
        %mul3A_1723 = arith.mulf %mul3A_1722, %bitcast_convert_type3A_1719 : vector<16xf32>
        %mul3A_1724 = arith.mulf %mul3A_1723, %bitcast_convert_type3A_1719 : vector<16xf32>
        %sub3A_1725 = arith.constant 1.500000e+00 : f32
        %sub3A_1726 = vector.broadcast %sub3A_1725 : f32 to vector<16xf32>
        %sub3A_1727 = arith.subf %sub3A_1726, %mul3A_1724 : vector<16xf32>
        %mul3A_1728 = arith.mulf %bitcast_convert_type3A_1719, %sub3A_1727 : vector<16xf32>
        %mul3A_1729 = arith.mulf %max3A_1711, %mul3A_1728 : vector<16xf32>
        %sub3A_1730 = arith.subf %mul3A_1575, %mul3A_1671 : vector<16xf32>
        %abs3A_1731 = math.absf %sub3A_1730 : vector<16xf32>
        %sub3A_1732 = arith.subf %mul3A_1604, %mul3A_1700 : vector<16xf32>
        %abs3A_1733 = math.absf %sub3A_1732 : vector<16xf32>
        %add3A_1734 = arith.addf %abs3A_1731, %abs3A_1733 : vector<16xf32>
        %sub3A_1735 = arith.subf %mul3A_1633, %mul3A_1729 : vector<16xf32>
        %abs3A_1736 = math.absf %sub3A_1735 : vector<16xf32>
        %add3A_1737 = arith.addf %add3A_1734, %abs3A_1736 : vector<16xf32>
        %add3A_1738 = arith.addf %add3A_316, %add3A_519 : vector<16xf32>
        %add3A_1739 = arith.addf %add3A_722, %add3A_925 : vector<16xf32>
        %add3A_1740 = arith.addf %add3A_1128, %add3A_1331 : vector<16xf32>
        %add3A_1741 = arith.addf %add3A_1534, %add3A_1737 : vector<16xf32>
        %add3A_1742 = arith.addf %add3A_1738, %add3A_1739 : vector<16xf32>
        %add3A_1743 = arith.addf %add3A_1740, %add3A_1741 : vector<16xf32>
        %add3A_1744 = arith.addf %add3A_1742, %add3A_1743 : vector<16xf32>
        %add3A_1745 = arith.addf %scan3A_82, %add3A_1744 : vector<16xf32>
        scf.yield %add3A_1745 : vector<16xf32>
      }
      %scan3A_75 = arith.constant 16 : i32
      %lt3A_76 = arith.constant 7 : i32
      %lt3A_77 = arith.cmpi slt, %scan3A_31, %lt3A_76 : i32
      %convert_element_type3A_78 = arith.extui %lt3A_77 : i1 to i32
      %cond3A_79 = arith.constant 0 : i32
      %cond3A_80 = arith.cmpi ne, %convert_element_type3A_78, %cond3A_79 : i32
      scf.if %cond3A_80 {
        %add3A_81 = arith.constant 2 : i32
        %add3A_82 = arith.addi %add3A_58, %add3A_81 : i32
        %mul3A_83 = arith.constant 8 : i32
        %mul3A_84 = arith.muli %add3A_82, %mul3A_83 : i32
        %add3A_85 = arith.addi %mul3A_3, %mul3A_84 : i32
        %dma_start3A_86 = arith.constant 0 : i32
        %dma_start3A_87 = tpu.memref_slice %arg2[%add3A_85, %dma_start3A_86] : memref<4096x2334xf32, #tpu.memory_space<hbm>> -> memref<8x2334xf32, #tpu.memory_space<hbm>>
        %dma_start3A_88 = arith.constant 0 : i32
        %dma_start3A_89 = tpu.memref_slice %arg2[%add3A_85, %dma_start3A_88] : memref<4096x2334xf32, #tpu.memory_space<hbm>> -> memref<8x2334xf32, #tpu.memory_space<hbm>>
        tpu.enqueue_dma source(%dma_start3A_89 : memref<8x2334xf32, #tpu.memory_space<hbm>>) target(%arg8 : memref<8x2334xf32, #tpu.memory_space<vmem>>) target_semaphore(%arg13 : memref<!tpu.dma_semaphore, #tpu.memory_space<semaphore_mem>>)
        %dma_start3A_90 = arith.constant 0 : i32
        %dma_start3A_91 = tpu.memref_slice %arg3[%add3A_85, %dma_start3A_90] : memref<4096x2334xf32, #tpu.memory_space<hbm>> -> memref<8x2334xf32, #tpu.memory_space<hbm>>
        %dma_start3A_92 = arith.constant 0 : i32
        %dma_start3A_93 = tpu.memref_slice %arg3[%add3A_85, %dma_start3A_92] : memref<4096x2334xf32, #tpu.memory_space<hbm>> -> memref<8x2334xf32, #tpu.memory_space<hbm>>
        tpu.enqueue_dma source(%dma_start3A_93 : memref<8x2334xf32, #tpu.memory_space<hbm>>) target(%arg9 : memref<8x2334xf32, #tpu.memory_space<vmem>>) target_semaphore(%arg13 : memref<!tpu.dma_semaphore, #tpu.memory_space<semaphore_mem>>)
      } else {
      }
      scf.yield %scan3A_74 : vector<16xf32>
    }
    %scan3A_29 = arith.constant 8 : i32
    %swap3A = arith.constant 0 : index
    %swap3A_30 = tpu.vector_load %arg11[%swap3A] {strides = array<i32>} : memref<16xf32, #tpu.memory_space<vmem>>, vector<16xf32>,
    tpu.vector_store %arg11[%swap3A], %scan3A_28 {strides = array<i32>} : memref<16xf32, #tpu.memory_space<vmem>>, vector<16xf32>,
    "tpu.region"() ({
      %run_scoped3A = tpu.sem_alloc : memref<!tpu.dma_semaphore, #tpu.memory_space<semaphore_mem>>
      %dma_start3A_31 = arith.constant 0 : i32
      %dma_start3A_32 = tpu.memref_slice %arg5[%add3A, %dma_start3A_31] : memref<32x16xf32, #tpu.memory_space<hbm>> -> memref<1x16xf32, #tpu.memory_space<hbm>>
      %dma_start3A_33 = tpu.memref_squeeze %dma_start3A_32 : memref<1x16xf32, #tpu.memory_space<hbm>> -> memref<16xf32, #tpu.memory_space<hbm>>
      %dma_start3A_34 = arith.constant 0 : i32
      %dma_start3A_35 = tpu.memref_slice %arg5[%add3A, %dma_start3A_34] : memref<32x16xf32, #tpu.memory_space<hbm>> -> memref<1x16xf32, #tpu.memory_space<hbm>>
      %dma_start3A_36 = tpu.memref_squeeze %dma_start3A_35 : memref<1x16xf32, #tpu.memory_space<hbm>> -> memref<16xf32, #tpu.memory_space<hbm>>
      tpu.enqueue_dma source(%arg11 : memref<16xf32, #tpu.memory_space<vmem>>) target(%dma_start3A_36 : memref<16xf32, #tpu.memory_space<hbm>>) target_semaphore(%run_scoped3A : memref<!tpu.dma_semaphore, #tpu.memory_space<semaphore_mem>>)
      %dma_wait3A = arith.constant 0 : i32
      %dma_wait3A_37 = tpu.memref_slice %arg5[%add3A, %dma_wait3A] : memref<32x16xf32, #tpu.memory_space<hbm>> -> memref<1x16xf32, #tpu.memory_space<hbm>>
      %dma_wait3A_38 = tpu.memref_squeeze %dma_wait3A_37 : memref<1x16xf32, #tpu.memory_space<hbm>> -> memref<16xf32, #tpu.memory_space<hbm>>
      %dma_wait3A_39 = arith.constant 0 : i32
      %dma_wait3A_40 = tpu.memref_slice %arg5[%add3A, %dma_wait3A_39] : memref<32x16xf32, #tpu.memory_space<hbm>> -> memref<1x16xf32, #tpu.memory_space<hbm>>
      %dma_wait3A_41 = tpu.memref_squeeze %dma_wait3A_40 : memref<1x16xf32, #tpu.memory_space<hbm>> -> memref<16xf32, #tpu.memory_space<hbm>>
      tpu.wait_dma2 semaphore(%run_scoped3A : memref<!tpu.dma_semaphore, #tpu.memory_space<semaphore_mem>>) src(%arg11 : memref<16xf32, #tpu.memory_space<vmem>>) dst(%dma_wait3A_41 : memref<16xf32, #tpu.memory_space<hbm>>)
      tpu.yield
    }) : () -> ()
    return
  }
}

</mosaic_0001>

<sc_bundles>
// kernel: kernel.3.cloned.1.call-start
scs
__scs_entry_jumppad:
0x0: {  	(pc) =	sbr.rel $0x88, $3  }
0x1: {  	(tag) =	ssettag $0x0;
	lr =	simm.s32 $0x1  }
0x2: {  	[smem:$0x3F9E] =	sst lr;
	_ =	strace $0xD0000000  }
0x3: {  	_ = 	snop  }
0x4: {  	_ = 	snop  }
0x5: {  	_ = 	snop  }
0x6: {  	_ = 	snop  }
0x7: {  	_ = 	snop  }
__scs_overlays_trampoline_lowered:
0x8: {  	[smem:$0x3FAD] =	sst s0  }
0x9: {  	[smem:$0x3FAE] =	sst s1  }
0xa: {  	[smem:$0x3FAF] =	sst s2  }
0xb: {  	[smem:$0x3FB0] =	sst s3  }
0xc: {  	[smem:$0x3FB1] =	sst s4  }
0xd: {  	[smem:$0x3FB2] =	sst s5  }
0xe: {  	[smem:$0x3FB3] =	sst s6  }
0xf: {  	[smem:$0x3FB4] =	sst s7  }
0x10: {  	[smem:$0x3FB5] =	sst s8  }
0x11: {  	[smem:$0x3FB6] =	sst s9;
	s0 =	simm.s32 @!p0 $0x0  }
0x12: {  	s1 =	sld [smem:$0x3F9C];
	s0 =	simm.s32 @p0 $0x1  }
0x13: {  	[smem:$0x3FB7] =	sst s0;
	s0 =	simm.s32 @!p1 $0x0  }
0x14: {  	s2 =	sld [smem:$0x3F9B];
	s0 =	simm.s32 @p1 $0x1  }
0x15: {  	[smem:$0x3FB8] =	sst s0;
	s0 =	simm.s32 @!p2 $0x0  }
0x16: {  	s3 =	sld [smem:$0x3FDB];
	s0 =	simm.s32 @p2 $0x1  }
0x17: {  	s4 =	simm.s32 $0x1BF5;
	[smem:$0x3FBA] =	sst s0  }
0x18: {  	s0 =	sld [smem:$0x3F9D];
	_ =	swait.ge [sflag:s4], $0x0  }
0x19: {  	s7 =	sld [smem:$0x3F9E]  }
0x1a: {  	s8 =	sadd.s32 $0xFFFFE003, lr  }
0x1b: {  	s9 =	sadd.s32 $0xFFFFFEF7, lr;
	s5 =	simm.s32 $0xFFFFFFFF;
	p2 =	slt.u32 s8, $0xFFFFF086  }
0x1c: {  	p1 =	slt.u32 s9, $0xF7A;
	s5 =	simm.s32 @!p2 $0x0  }
0x1d: {  	s5 =	simm.s32 @p1 $0x1;
	p0 =	seq.s32 s7, s2  }
0x1e: {  	s7 =	smul.u32 @!p0 $0xF7A, s2;
	p2 =	seq.s32 @!p0 s5, $0x0  }
0x1f: {  	s9 =	smul.u32 $0xF7A, s1;
	s8 =	simm.s32 @!p0 $0x1BF5;
	p2 =	por !p2, p0  }
0x20: {  	[sflag:s8] =	ssyncset.s32 @!p0 $0xFFFFF086;
	s6 =	sadd.s32 @!p0 s3, s7;
	s7 =	simm.s32 @!p0 $0x108  }
0x21: {  	s3 =	sadd.s32 s3, s9;
	s6 =	sadd.s32 @!p0 $0x88, s6;
	s7 =	simm.s32 @p2 $0x1082  }
0x22: {  	[simem:s7], [sflag:s8] =	dma.local @!p0 [hbm:s6], $0xF7A  }
0x23: {  	s9 =	sor.u32 $0xD0000000, s2;
	s6 =	simm.s32 $0x108;
	_ =	swait.ge @!p0 [sflag:s8], $0x0  }
0x24: {  	s3 =	sadd.s32 $0x88, s3;
	s6 =	simm.s32 @!p1 $0x1082;
	[sflag:s4] =	ssyncset.s32 $0xFFFFF086  }
0x25: {  	[simem:s6], [sflag:s4] =	dma.local [hbm:s3], $0xF7A  }
0x26: {  	[smem:$0x3F9E] =	sst s1;
	(tag) =	ssettag s2;
	_ =	strace s9  }
0x27: {  	s1 =	sld [smem:$0x3FAE]  }
0x28: {  	s2 =	sld [smem:$0x3FAF]  }
0x29: {  	s4 =	sld [smem:$0x3FB1]  }
0x2a: {  	p0 =	seq.s32 s5, $0x0;
	s5 =	sld [smem:$0x3FB2]  }
0x2b: {  	s6 =	sld [smem:$0x3FB3]  }
0x2c: {  	s7 =	sld [smem:$0x3FB4]  }
0x2d: {  	s3 =	simm.s32 $0x108;
	s8 =	sld [smem:$0x3FB5]  }
0x2e: {  	s3 =	simm.s32 @!p0 $0x1082;
	s9 =	sld [smem:$0x3FB6]  }
0x2f: {  	lr =	sadd.s32 s0, s3;
	s0 =	sld [smem:$0x3FAD]  }
0x30: {  	s3 =	sld [smem:$0x3FB0]  }
0x31: {  	[smem:$0x3FB9] =	sst s10  }
0x32: {  	s10 =	sld [smem:$0x3FB7];
	_ =	sdelay $0x3  }
0x33: {  	p0 =	seq.s32 s10, $0x1;
	s10 =	sld [smem:$0x3FB9];
	_ =	sdelay $0x3  }
0x34: {  	[smem:$0x3FB9] =	sst s10  }
0x35: {  	s10 =	sld [smem:$0x3FB8];
	_ =	sdelay $0x3  }
0x36: {  	p1 =	seq.s32 s10, $0x1;
	s10 =	sld [smem:$0x3FB9];
	_ =	sdelay $0x3  }
0x37: {  	[smem:$0x3FB9] =	sst s10  }
0x38: {  	s10 =	sld [smem:$0x3FBA]  }
0x39: {  	_ = 	snop;
	(pc) =	sbr.ind lr, $3  }
0x3a: {  	_ = 	snop  }
0x3b: {  	_ = 	snop  }
0x3c: {  	p2 =	seq.s32 s10, $0x1;
	s10 =	sld [smem:$0x3FB9]  }
0x3d: {  	_ =	shalt  }
0x3e: {  	_ =	shalt  }
0x3f: {  	_ =	shalt  }
0x40: {  	_ =	shalt  }
0x41: {  	_ =	shalt  }
0x42: {  	_ =	shalt  }
0x43: {  	_ =	shalt  }
0x44: {  	_ =	shalt  }
0x45: {  	_ =	shalt  }
0x46: {  	_ =	shalt  }
0x47: {  	_ =	shalt  }
0x48: {  	_ =	shalt  }
0x49: {  	_ =	shalt  }
0x4a: {  	_ =	shalt  }
0x4b: {  	_ =	shalt  }
0x4c: {  	_ =	shalt  }
0x4d: {  	_ =	shalt  }
0x4e: {  	_ =	shalt  }
0x4f: {  	_ =	shalt  }
0x50: {  	_ =	shalt  }
0x51: {  	_ =	shalt  }
0x52: {  	_ =	shalt  }
0x53: {  	_ =	shalt  }
0x54: {  	_ =	shalt  }
0x55: {  	_ =	shalt  }
0x56: {  	_ =	shalt  }
0x57: {  	_ =	shalt  }
0x58: {  	_ =	shalt  }
0x59: {  	_ =	shalt  }
0x5a: {  	_ =	shalt  }
0x5b: {  	_ =	shalt  }
0x5c: {  	_ =	shalt  }
0x5d: {  	_ =	shalt  }
0x5e: {  	_ =	shalt  }
0x5f: {  	_ =	shalt  }
0x60: {  	_ =	shalt  }
0x61: {  	_ =	shalt  }
0x62: {  	_ =	shalt  }
0x63: {  	_ =	shalt  }
0x64: {  	_ =	shalt  }
0x65: {  	_ =	shalt  }
0x66: {  	_ =	shalt  }
0x67: {  	_ =	shalt  }
0x68: {  	_ =	shalt  }
0x69: {  	_ =	shalt  }
0x6a: {  	_ =	shalt  }
0x6b: {  	_ =	shalt  }
0x6c: {  	_ =	shalt  }
0x6d: {  	_ =	shalt  }
0x6e: {  	_ =	shalt  }
0x6f: {  	_ =	shalt  }
0x70: {  	_ =	shalt  }
0x71: {  	_ =	shalt  }
0x72: {  	_ =	shalt  }
0x73: {  	_ =	shalt  }
0x74: {  	_ =	shalt  }
0x75: {  	_ =	shalt  }
0x76: {  	_ =	shalt  }
0x77: {  	_ =	shalt  }
0x78: {  	_ =	shalt  }
0x79: {  	_ =	shalt  }
0x7a: {  	_ =	shalt  }
0x7b: {  	_ =	shalt  }
0x7c: {  	_ =	shalt  }
0x7d: {  	_ =	shalt  }
0x7e: {  	_ =	shalt  }
0x7f: {  	_ =	shalt  }
0x80: {  	_ =	shalt  }
0x81: {  	_ =	shalt  }
0x82: {  	_ =	shalt  }
0x83: {  	_ =	shalt  }
0x84: {  	_ =	shalt  }
0x85: {  	_ =	shalt  }
0x86: {  	_ =	shalt  }
0x87: {  	_ =	shalt  }
.Lfunc_end0:
.L_simem_size_0:
called_computation.2_lowered:
.L_overlay_start_0:
0x88: {  	s2 =	sld [smem:$0x3FD9]  }
0x89: {  	s3 =	sld [smem:$0x3FFE];
	_ =	sdelay $0x1  }
0x8a: {  	s1 =	srdreg.scid  }
0x8b: {  	s0 =	sand.u32 $0x1, s1  }
0x8c: {  	s16 =	sshll.u32 s0, $0xA;
	s2 =	sadd.s32 s3, s2  }
0x8d: {  	s2 =	sadd.s32 s2, s16  }
0x8e: {  	[smem:$0x3FC5] =	sst s2  }
0x8f: {  	_ = 	snop  }
0x90: {  	(tm) =	ssettm $0x1  }
0x91: {  	s17 =	sld [smem:$0x3FFB];
	_ =	sdelay $0x3  }
0x92: {  	_ =	strace s17  }
0x93: {  	s2 =	sld [smem:$0x3FFC];
	_ =	sdelay $0x3  }
0x94: {  	_ =	strace s2  }
0x95: {  	s2 =	sld [smem:$0x3FFD];
	_ =	sdelay $0x3  }
0x96: {  	_ =	strace s2  }
0x97: {  	_ =	strace $0x8FFFFFFF  }
0x98: {  	s18 =	sld [smem:$0x3FDB];
	_ =	sdelay $0x1  }
0x99: {  	s19 =	simm.s32 $_scs_section_size  }
0x9a: {  	s4 =	simm.s32 $_size__tile_overlayer_lowered;
	s5 =	simm.s32 $_tile_overlayer_lowered  }
0x9b: {  	s22 =	simm.s32 $0x1BFF;
	s21 =	sshll.u32 s5, $0x1;
	s2 =	sadd.s32 s19, s18  }
0x9c: {  	s6 =	simm.s32 $0x0;
	s20 =	sshll.u32 s4, $0x1;
	s4 =	sadd.s32 s21, s2  }
0x9d: {  	[timem:s6], [sflag:s22] =	dma.local [hbm:s4], s20  }
0x9e: {  	_ =	swait.ge [sflag:s22], s20  }
0x9f: {  	s3 =	ssub.s32 $0x0, s20;
	[sflag:s22] =	ssyncset.done $0x0  }
0xa0: {  	[sflag:s22] =	ssyncadd.s32 s3;
	_ =	sdelay $0x1  }
0xa1: {  	s23 =	simm.s32 $0x1B8B  }
0xa2: {  	_ =	swait.ge [sflag:s23], $0x1  }
0xa3: {  	[sflag:s23] =	ssyncset.done $0x0  }
0xa4: {  	s25 =	simm.s32 $0x1B8E;
	s24 =	sld [smem:$0x3FFE];
	[sflag:s23] =	ssyncadd.s32 $0xFFFFFFFF  }
0xa5: {  	s26 =	simm.s32 $execute0_lowered;
	[smem:$0x3FD2] =	sst s25  }
0xa6: {  	s4 =	sshll.u32 s26, $0x1;
	_ =	strace $0x8000004C;
	[dreg:$0x1] =	wrdreg $0xFFFFFFFF  }
0xa7: {  	s28 =	simm.s32 $_size_execute0_lowered;
	s2 =	sadd.s32 s2, s4;
	[dreg:$0x0] =	wrdreg $0x0  }
0xa8: {  	s4 =	sshll.u32 s28, $0x1;
	[dreg:$0x2] =	wrdreg s2  }
0xa9: {  	[dreg:$0x3] =	wrdreg s4  }
0xaa: {  	[dreg:$0x4] =	wrdreg $0xC0  }
0xab: {  	_ =	task [dreg:s6], $0x5FFFF  }
0xac: {  	[dreg:$0x1] =	wrdreg $0xFFFFFFFF  }
0xad: {  	[dreg:$0x0] =	wrdreg $0x60  }
0xae: {  	[dreg:$0x2] =	wrdreg s24  }
0xaf: {  	[dreg:$0x3] =	wrdreg $0x9  }
0xb0: {  	_ =	task.clear_ibuf [dreg:s6], $0x4FFFF;
	_ =	strace $0x9000004C  }
0xb1: {  	s29 =	simm.s32 $0x9;
	_ =	strace $0x8000004E  }
0xb2: {  	_ =	swait.ge [sflag:s29], $0x1  }
0xb3: {  	[sflag:s29] =	ssyncadd.s32 $0xFFFFFFFF  }
0xb4: {  	_ =	strace $0x9000004E  }
0xb5: {  	_ =	sfence  }
0xb6: {  	s30 =	sld [smem:$0x0];
	_ =	sdelay $0x2  }
0xb7: {  	s31 =	sshll.u32 s1, $0xD;
	s1 =	sshrl.u32 s1, $0x2  }
0xb8: {  	s3 =	sand.u32 $0x4000, s31;
	s1 =	sadd.s32 s1, s30  }
0xb9: {  	s0 =	sor.u32 s3, s0;
	s1 =	sshll.u32 s1, $0x11  }
0xba: {  	s0 =	sor.u32 s1, s0  }
0xbb: {  	s0 =	sadd.s32 $0x8F2B, s0  }
0xbc: {  	[sflag:s0] =	ssyncadd.remote.s32 $0x1  }
0xbd: {  	_ =	sfence.sel $0xFFFF  }
0xbe: {  	[dreg:$0x0] =	wrdreg $0xFFFFFFFF;
	(pc) =	sbr.abs _section_cstart, $3  }
0xbf: {  	[dreg:$0x1] =	wrdreg $0xFFFFFFFF  }
0xc0: {  	_ =	task.clear_ibuf [dreg:s6], $0x2FFFF;
	_ =	strace $0x9FFFFFFF  }
0xc1: {  	(tm) =	ssettm $0x7FFFFFFF  }
tec
execute0_lowered:
.L_overlay_start_1:
0x0: {  	(tag) =	ssettag $0x1  }
0x1: {  	s6 =	rddreg [dreg:$0x0]  }
0x2: {  	s0 =	rddreg [dreg:$0x1]  }
0x3: {  	s2 =	simm.s32 $0x0;
	s4 =	srdreg.scid;
	s1 =	stileid.u32  }
0x4: {  	s14 =	simm.s32 $0x12400;
	s15 =	simm.s32 $0x3;
	s16 =	simm.s32 $0x4900  }
0x5: {  	s17 =	simm.s32 $0x9200;
	s18 =	simm.s32 $0xDB00;
	s19 =	simm.s32 $0x1  }
0x6: {  	s20 =	simm.s32 $0x2;
	s21 =	simm.s32 $0x12D00;
	s22 =	simm.s32 $0x0  }
0x7: {  	[smem:$0x7FF] =	sst s2;
	s7 =	sand.u32 $0x1, s4;
	s8 =	sshll.u32 s1, $0x1  }
0x8: {  	s3 =	sadd.s32 $0x260C00, s6;
	s5 =	sadd.s32 $0x130A00, s6;
	s8 =	sor.u32 s7, s8  }
0x9: {  	s4 =	sadd.s32 $0xA00, s6;
	_ =	strace $0x8000004D;
	s10 =	smul.u32 $0x49000, s8  }
0xa: {  	s7 =	ssub.s32 $0x2, s7;
	s9 =	sshll.u32 s8, $0x1;
	s29 =	smul.u32 $0x9200, s8  }
.Ltmp0:
0xb: {  	s28 =	sshrl.u32 s7, $0x1;
	s11 =	sshll.u32 s8, $0x7;
	(pc) =	sbr.rel .LBB2_1-.Ltmp0, $4  }
0xc: {  	s12 =	sadd.s32 s9, s6;
	s13 =	ssub.s32 s7, s28;
	s30 =	sshrl.u32 s10, $0x3  }
0xd: {  	s6 =	sadd.s32 s3, s29;
	s7 =	sadd.s32 s4, s29;
	s10 =	sor.u32 $0x10, s11  }
0xe: {  	s11 =	sor.u32 $0x18, s11;
	s12 =	sadd.s32 $0x124A00, s12;
	s31 =	sadd.s32 $0x920, s30  }
0xf: {  	s13 =	smax.u32 s13, $0x1;
	s8 =	sadd.s32 s3, s31;
	s9 =	sadd.s32 s4, s31  }
.LBB2_8:
0x10: {  	s22 =	sadd.s32 $0x1, s22  }
0x11: {  	p0 =	sne.s32 s22, s13  }
.Ltmp1:
0x12: {  	[tilespmem:$0x12D00] =	vst v0;
	(pc) =	sbr.rel @!p0 .LBB2_9-.Ltmp1, $4  }
0x13: {  	[hbm4b:s12+s2] =	stream.linear.scatter [tilespmem:s21], [sflag:$0x3], $0x10, $0x38;
	[tilespmem:$0x12D10] =	vst v63  }
0x14: {  	_ =	swait.ge [sflag:s15], $0x10  }
0x15: {  	[sflag:s15] =	ssyncset.done $0x0  }
0x16: {  	[sflag:s15] =	ssyncadd.s32 $0xFFFFFFF0  }
.LBB2_1:
0x17: {  	[tilespmem:s14], [sflag:$0x3] =	stream.linear.gather [hbm4b:s5+s2], $0x900, $0x38;
	[tilespmem:$0x12D10] =	vst v63  }
0x18: {  	_ =	swait.ge [sflag:s15], $0x900  }
0x19: {  	[sflag:s15] =	ssyncset.done $0x0  }
0x1a: {  	[sflag:s15] =	ssyncadd.s32 $0xFFFFF700  }
0x1b: {  	[tilespmem:s2], [sflag:$0x1] =	stream.linear.gather [hbm4b:s6+s2], $0x4900, $0x38;
	[tilespmem:$0x12D10] =	vst v63  }
0x1c: {  	_ = 	snop  }
0x1d: {  	[tilespmem:s16], [sflag:$0x1] =	stream.linear.gather [hbm4b:s7+s2], $0x4900, $0x38;
	[tilespmem:$0x12D10] =	vst v63  }
0x1e: {  	_ = 	snop  }
0x1f: {  	[tilespmem:s17], [sflag:$0x2] =	stream.linear.gather [hbm4b:s8+s2], $0x4900, $0x38;
	[tilespmem:$0x12D10] =	vst v63  }
0x20: {  	s23 =	simm.s32 $0x0  }
0x21: {  	v0 =	vimm.f32 $0.0e+00;
	[tilespmem:s18], [sflag:$0x2] =	stream.linear.gather [hbm4b:s9+s2], $0x4900, $0x38;
	[tilespmem:$0x12D10] =	vst v63  }
.LBB2_2:
0x22: {  	_ =	swait.ge [sflag:s19], $0x4900  }
0x23: {  	[sflag:s19] =	ssyncset.done $0x0  }
0x24: {  	[sflag:s19] =	ssyncadd.s32 $0xFFFFB700  }
0x25: {  	_ =	swait.ge [sflag:s19], $0x4900  }
0x26: {  	[sflag:s19] =	ssyncset.done $0x0  }
0x27: {  	s24 =	simm.s32 $0xFFFFFC00;
	[sflag:s19] =	ssyncadd.s32 $0xFFFFB700  }
.LBB2_3:
0x28: {  	s25 =	sshra.s32 s24, $0x2  }
0x29: {  	v9 =	vld [tilespmem:s25+$0x12500]  }
0x2a: {  	v8 =	vld [tilespmem:s25+$0x12600]  }
0x2b: {  	v5 =	vld [tilespmem:s25+$0x12700]  }
0x2c: {  	v7 =	vld [tilespmem:s25+$0x12800]  }
0x2d: {  	v6 =	vld [tilespmem:s25+$0x12900]  }
0x2e: {  	v4 =	vld [tilespmem:s25+$0x12A00]  }
0x2f: {  	v3 =	vld [tilespmem:s25+$0x12B00]  }
0x30: {  	v2 =	vld [tilespmem:s25+$0x12C00]  }
0x31: {  	v1 =	vld [tilespmem:s25+$0x12D00]  }
0x32: {  	v10 =	vld.idx.msk [tilespmem:v9+s2+$0x0], $0xffff  }
0x33: {  	v11 =	vld.idx.msk [tilespmem:v8+s2+$0x0], $0xffff  }
0x34: {  	v12 =	vld.idx.msk [tilespmem:v7+s2+$0x0], $0xffff  }
0x35: {  	v13 =	vld.idx.msk [tilespmem:v6+s2+$0x0], $0xffff  }
0x36: {  	v14 =	vld.idx.msk [tilespmem:v5+s2+$0x0], $0xffff  }
0x37: {  	v15 =	vld.idx.msk [tilespmem:v4+s2+$0x0], $0xffff  }
0x38: {  	v16 =	vld.idx.msk [tilespmem:v3+s2+$0x0], $0xffff  }
0x39: {  	v17 =	vld.idx.msk [tilespmem:v2+s2+$0x0], $0xffff  }
0x3a: {  	v20 =	vld.idx.msk [tilespmem:v1+s2+$0x0], $0xffff  }
0x3b: {  	v47 =	vld.idx.msk [tilespmem:v9+s16+$0x0], $0xffff  }
0x3c: {  	v49 =	vld.idx.msk [tilespmem:v8+s16+$0x0], $0xffff  }
0x3d: {  	v52 =	vld.idx.msk [tilespmem:v7+s16+$0x0], $0xffff  }
0x3e: {  	v54 =	vld.idx.msk [tilespmem:v6+s16+$0x0], $0xffff  }
0x3f: {  	v55 =	vld.idx.msk [tilespmem:v5+s16+$0x0], $0xffff;
	v18 =	vsub.f32 v10, v12;
	v19 =	vsub.f32 v11, v13  }
0x40: {  	v30 =	vadd.s32 $0x920, v5;
	v57 =	vld.idx.msk [tilespmem:v4+s16+$0x0], $0xffff;
	v21 =	vsub.f32 v14, v15;
	v10 =	vsub.f32 v10, v16  }
0x41: {  	v31 =	vadd.s32 $0x920, v3;
	v28 =	vld.idx.msk [tilespmem:v3+s16+$0x0], $0xffff;
	v11 =	vsub.f32 v11, v17;
	v14 =	vsub.f32 v14, v20  }
0x42: {  	v33 =	vadd.s32 $0x920, v2;
	v29 =	vld.idx.msk [tilespmem:v2+s16+$0x0], $0xffff;
	v12 =	vsub.f32 v12, v16;
	v13 =	vsub.f32 v13, v17  }
0x43: {  	v35 =	vadd.s32 $0x920, v1;
	v60 =	vld.idx.msk [tilespmem:v1+s16+$0x0], $0xffff;
	v46 =	vsub.f32 v15, v20;
	v25 =	vsub.f32 v47, v52  }
0x44: {  	v26 =	vsub.f32 v49, v54;
	v18 =	vmul.f32 v18, v18;
	v19 =	vmul.f32 v19, v19  }
0x45: {  	v27 =	vsub.f32 v55, v57;
	v43 =	vmul.f32 v21, v21;
	v10 =	vmul.f32 v10, v10  }
0x46: {  	v15 =	vsub.f32 v47, v28;
	v11 =	vmul.f32 v11, v11;
	v45 =	vmul.f32 v14, v14  }
0x47: {  	v17 =	vsub.f32 v54, v29;
	v12 =	vmul.f32 v12, v12;
	v13 =	vmul.f32 v13, v13  }
0x48: {  	v47 =	vsub.f32 v57, v60;
	v25 =	vmul.f32 v25, v25;
	v26 =	vmul.f32 v26, v26  }
0x49: {  	v51 =	vmul.f32 v46, v46;
	v18 =	vadd.f32 v19, v18;
	v10 =	vadd.f32 v11, v10  }
0x4a: {  	v58 =	vmul.f32 v27, v27;
	v50 =	vadd.f32 v13, v12;
	v25 =	vadd.f32 v26, v25  }
0x4b: {  	v15 =	vmul.f32 v15, v15;
	v19 =	vsub.f32 v49, v29;
	v12 =	vsub.f32 v55, v60  }
0x4c: {  	v17 =	vmul.f32 v17, v17;
	v13 =	vsub.f32 v52, v28;
	v18 =	vadd.f32 v43, v18  }
0x4d: {  	v29 =	vadd.s32 $0x920, v4;
	v10 =	vadd.f32 v45, v10;
	v11 =	vadd.f32 v51, v50  }
0x4e: {  	v41 =	vld.idx.msk [tilespmem:v35+s2+$0x0], $0xffff;
	v25 =	vadd.f32 v58, v25;
	v19 =	vmul.f32 v19, v19;
	v12 =	vmul.f32 v12, v12  }
0x4f: {  	v52 =	vld.idx.msk [tilespmem:v30+s2+$0x0], $0xffff;
	v45 =	vadd.s32 $0x920, v6;
	v13 =	vmul.f32 v13, v13;
	v51 =	vmul.f32 v47, v47  }
0x50: {  	v47 =	vld.idx.msk [tilespmem:v30+s16+$0x0], $0xffff;
	v30 =	vadd.s32 $0x1240, v7;
	v44 =	vmax.f32 v18, $9.999999930e-09;
	v10 =	vmax.f32 v10, $9.999999930e-09  }
0x51: {  	v11 =	vmax.f32 v11, $9.999999930e-09;
	v63 =	vmax.f32 v25, $9.999999930e-09;
	v25 =	vadd.s32 $0x920, v7  }
0x52: {  	v15 =	vadd.f32 v19, v15;
	v13 =	vadd.f32 v17, v13;
	v48 =	vshrl.u32 v44, $0x1  }
0x53: {  	v18 =	vmul.f32 $5.000000000e-01, v44;
	v56 =	vshrl.u32 v10, $0x1;
	v22 =	vmul.f32 $5.000000000e-01, v10  }
0x54: {  	v23 =	vshrl.u32 v11, $0x1;
	v24 =	vmul.f32 $5.000000000e-01, v11;
	v32 =	vmul.f32 $5.000000000e-01, v63  }
0x55: {  	v19 =	vsub.f32 v52, v41;
	v53 =	vsub.s32 $0x5F3759DF, v48;
	v20 =	vsub.s32 $0x5F3759DF, v56  }
0x56: {  	v34 =	vld.idx.msk [tilespmem:v29+s2+$0x0], $0xffff;
	v23 =	vsub.s32 $0x5F3759DF, v23;
	v12 =	vadd.f32 v12, v15;
	v18 =	vmul.f32 v53, v18  }
0x57: {  	v13 =	vadd.f32 v51, v13;
	v56 =	vld.idx.msk [tilespmem:v33+s2+$0x0], $0xffff;
	v22 =	vmul.f32 v20, v22;
	v24 =	vmul.f32 v23, v24  }
0x58: {  	v50 =	vld.idx.msk [tilespmem:v45+s2+$0x0], $0xffff;
	v19 =	vmul.f32 v19, v19;
	v12 =	vmax.f32 v12, $9.999999930e-09;
	v18 =	vmul.f32 v53, v18  }
0x59: {  	v13 =	vmax.f32 v13, $9.999999930e-09;
	v22 =	vmul.f32 v20, v22;
	v24 =	vmul.f32 v23, v24  }
0x5a: {  	v55 =	vld.idx.msk [tilespmem:v31+s2+$0x0], $0xffff;
	v38 =	vmul.f32 $5.000000000e-01, v12;
	v39 =	vshrl.u32 v13, $0x1;
	v40 =	vmul.f32 $5.000000000e-01, v13  }
0x5b: {  	v49 =	vld.idx.msk [tilespmem:v25+s2+$0x0], $0xffff;
	v42 =	vsub.f32 v52, v34;
	v39 =	vsub.s32 $0x5F3759DF, v39;
	v18 =	vsub.f32 $1.500000000e+00, v18  }
0x5c: {  	v59 =	vsub.f32 $1.500000000e+00, v22;
	v24 =	vsub.f32 $1.500000000e+00, v24;
	v40 =	vmul.f32 v39, v40  }
0x5d: {  	v57 =	vmul.f32 v42, v42;
	v15 =	vsub.f32 v50, v56;
	v14 =	vmul.f32 v53, v18  }
0x5e: {  	v61 =	vmul.f32 v20, v59;
	v18 =	vadd.s32 $0x920, v9;
	v62 =	vmul.f32 v23, v24  }
0x5f: {  	v24 =	vadd.s32 $0x920, v8;
	v53 =	vshrl.u32 v12, $0x1;
	v60 =	vmul.f32 v39, v40  }
0x60: {  	v16 =	vsub.s32 $0x5F3759DF, v53;
	v20 =	vsub.f32 v49, v55;
	v15 =	vmul.f32 v15, v15  }
0x61: {  	v43 =	vld.idx.msk [tilespmem:v45+s16+$0x0], $0xffff;
	v14 =	vmul.f32 v14, v44;
	v44 =	vshrl.u32 v63, $0x1;
	v38 =	vmul.f32 v16, v38  }
0x62: {  	v40 =	vld.idx.msk [tilespmem:v25+s16+$0x0], $0xffff;
	v11 =	vmul.f32 v62, v11;
	v62 =	vsub.f32 $1.500000000e+00, v60;
	v26 =	vsub.s32 $0x5F3759DF, v44  }
0x63: {  	v51 =	vsub.f32 v34, v41;
	v32 =	vmul.f32 v26, v32;
	v59 =	vmul.f32 v16, v38;
	v46 =	vld.idx.msk [tilespmem:v18+s2+$0x0], $0xffff  }
0x64: {  	v34 =	vadd.s32 $0x1240, v3;
	v20 =	vmul.f32 v20, v20;
	v28 =	vmul.f32 v39, v62;
	v48 =	vld.idx.msk [tilespmem:v24+s2+$0x0], $0xffff  }
0x65: {  	v10 =	vmul.f32 v61, v10;
	v18 =	vld.idx.msk [tilespmem:v18+s16+$0x0], $0xffff;
	v54 =	vmul.f32 v26, v32;
	v61 =	vsub.f32 $1.500000000e+00, v59  }
0x66: {  	v38 =	vld.idx.msk [tilespmem:v24+s16+$0x0], $0xffff;
	v15 =	vadd.f32 v15, v20;
	v24 =	vadd.s32 $0x1240, v4;
	v13 =	vmul.f32 v28, v13  }
0x67: {  	v32 =	vadd.s32 $0x1240, v6;
	v17 =	vsub.f32 $1.500000000e+00, v54;
	v16 =	vmul.f32 v16, v61  }
0x68: {  	v54 =	vmul.f32 v51, v51;
	v11 =	vsub.f32 v11, v13;
	v36 =	vsub.f32 v46, v49  }
0x69: {  	v37 =	vsub.f32 v48, v50;
	v17 =	vmul.f32 v26, v17;
	v58 =	vsub.f32 v46, v55  }
0x6a: {  	v21 =	vsub.f32 v48, v56;
	v12 =	vmul.f32 v16, v12;
	v52 =	vsub.f32 v18, v40  }
0x6b: {  	v53 =	vsub.f32 v38, v43;
	v15 =	vadd.f32 v54, v15;
	v36 =	vmul.f32 v36, v36  }
0x6c: {  	v48 =	vld.idx.msk [tilespmem:v29+s16+$0x0], $0xffff;
	v11 =	vand.u32 $0x7FFFFFFF, v11;
	v37 =	vmul.f32 v37, v37;
	v26 =	vmul.f32 v58, v58  }
0x6d: {  	v56 =	vld.idx.msk [tilespmem:v31+s16+$0x0], $0xffff;
	v21 =	vmul.f32 v21, v21;
	v17 =	vmul.f32 v17, v63;
	v10 =	vsub.f32 v10, v12  }
0x6e: {  	v28 =	vmul.f32 v52, v52;
	v29 =	vmul.f32 v53, v53;
	v15 =	vmax.f32 v15, $9.999999930e-09  }
0x6f: {  	v58 =	vld.idx.msk [tilespmem:v35+s16+$0x0], $0xffff;
	v35 =	vadd.s32 $0x1240, v1;
	v59 =	vshrl.u32 v15, $0x1;
	v36 =	vadd.f32 v37, v36  }
0x70: {  	v60 =	vmul.f32 $5.000000000e-01, v15;
	v21 =	vadd.f32 v21, v26;
	v14 =	vsub.f32 v14, v17  }
0x71: {  	v10 =	vand.u32 $0x7FFFFFFF, v10;
	v28 =	vadd.f32 v29, v28;
	v61 =	vsub.s32 $0x5F3759DF, v59  }
0x72: {  	v29 =	vadd.s32 $0x1240, v8;
	v55 =	vsub.f32 v47, v48;
	v18 =	vsub.f32 v18, v56  }
0x73: {  	v20 =	vsub.f32 v40, v56;
	v36 =	vadd.f32 v57, v36;
	v14 =	vand.u32 $0x7FFFFFFF, v14  }
0x74: {  	v62 =	vmul.f32 v61, v60;
	v19 =	vadd.f32 v19, v21;
	v10 =	vadd.f32 v10, v14  }
0x75: {  	v26 =	vmul.f32 v55, v55;
	v27 =	vsub.f32 v47, v58;
	v18 =	vmul.f32 v18, v18  }
0x76: {  	v57 =	vld.idx.msk [tilespmem:v33+s16+$0x0], $0xffff;
	v17 =	vmul.f32 v61, v62;
	v22 =	vsub.f32 v48, v58;
	v36 =	vmax.f32 v36, $9.999999930e-09  }
0x77: {  	v20 =	vmul.f32 v20, v20;
	v42 =	vmax.f32 v19, $9.999999930e-09;
	v63 =	vshrl.u32 v36, $0x1  }
0x78: {  	v37 =	vmul.f32 $5.000000000e-01, v36;
	v45 =	vshrl.u32 v42, $0x1;
	v46 =	vmul.f32 $5.000000000e-01, v42  }
0x79: {  	v26 =	vadd.f32 v26, v28;
	v17 =	vsub.f32 $1.500000000e+00, v17;
	v23 =	vsub.s32 $0x5F3759DF, v63  }
0x7a: {  	v47 =	vmul.f32 v22, v22;
	v25 =	vsub.s32 $0x5F3759DF, v45;
	v39 =	vmul.f32 v23, v37  }
0x7b: {  	v50 =	vmul.f32 v25, v46;
	v63 =	vmax.f32 v26, $9.999999930e-09;
	v21 =	vsub.f32 v38, v57  }
0x7c: {  	v26 =	vadd.s32 $0x1240, v9;
	v46 =	vmul.f32 v27, v27;
	v27 =	vadd.s32 $0x1240, v5  }
0x7d: {  	v14 =	vsub.f32 v43, v57;
	v44 =	vshrl.u32 v63, $0x1;
	v45 =	vmul.f32 $5.000000000e-01, v63  }
0x7e: {  	v16 =	vmul.f32 v23, v39;
	v21 =	vmul.f32 v21, v21;
	v28 =	vsub.s32 $0x5F3759DF, v44  }
0x7f: {  	v33 =	vld.idx.msk [tilespmem:v32+s2+$0x0], $0xffff;
	v10 =	vadd.f32 v10, v11;
	v14 =	vmul.f32 v14, v14;
	v31 =	vmul.f32 v28, v45  }
0x80: {  	v37 =	vld.idx.msk [tilespmem:v24+s2+$0x0], $0xffff;
	v49 =	vsub.f32 $1.500000000e+00, v16;
	v16 =	vmul.f32 v25, v50;
	v18 =	vadd.f32 v21, v18  }
0x81: {  	v38 =	vadd.s32 $0x1240, v2;
	v13 =	vmul.f32 v61, v17;
	v21 =	vld.idx.msk [tilespmem:v29+s2+$0x0], $0xffff;
	v14 =	vadd.f32 v14, v20  }
0x82: {  	v19 =	vld.idx.msk [tilespmem:v26+s2+$0x0], $0xffff;
	v31 =	vmul.f32 v28, v31;
	v16 =	vsub.f32 $1.500000000e+00, v16;
	v18 =	vadd.f32 v46, v18  }
0x83: {  	v13 =	vmul.f32 v13, v15;
	v22 =	vld.idx.msk [tilespmem:v27+s2+$0x0], $0xffff;
	v12 =	vmul.f32 v23, v49;
	v14 =	vadd.f32 v47, v14  }
0x84: {  	v23 =	vld.idx.msk [tilespmem:v30+s2+$0x0], $0xffff;
	v51 =	vsub.f32 $1.500000000e+00, v31;
	v16 =	vmul.f32 v25, v16;
	v18 =	vmax.f32 v18, $9.999999930e-09  }
0x85: {  	v57 =	vld.idx.msk [tilespmem:v34+s2+$0x0], $0xffff;
	v12 =	vmul.f32 v12, v36;
	v14 =	vmax.f32 v14, $9.999999930e-09;
	v48 =	vshrl.u32 v18, $0x1  }
0x86: {  	v60 =	vld.idx.msk [tilespmem:v35+s2+$0x0], $0xffff;
	v49 =	vmul.f32 $5.000000000e-01, v18;
	v54 =	vsub.f32 v21, v33;
	v56 =	vmul.f32 $5.000000000e-01, v14  }
0x87: {  	v55 =	vshrl.u32 v14, $0x1;
	v20 =	vmul.f32 v28, v51;
	v16 =	vmul.f32 v16, v42  }
0x88: {  	v43 =	vld.idx.msk [tilespmem:v38+s2+$0x0], $0xffff;
	v50 =	vsub.s32 $0x5F3759DF, v48;
	v44 =	vsub.f32 v22, v37;
	v59 =	vsub.s32 $0x5F3759DF, v55  }
0x89: {  	v52 =	vmul.f32 v50, v49;
	v53 =	vsub.f32 v19, v23;
	v39 =	vmul.f32 v54, v54  }
0x8a: {  	v24 =	vld.idx.msk [tilespmem:v24+s16+$0x0], $0xffff;
	v40 =	vmul.f32 v59, v56;
	v63 =	vmul.f32 v20, v63;
	v56 =	vsub.f32 v23, v57  }
0x8b: {  	v47 =	vld.idx.msk [tilespmem:v26+s16+$0x0], $0xffff;
	v61 =	vmul.f32 v44, v44;
	v44 =	vsub.f32 v22, v60;
	v31 =	vmul.f32 v50, v52  }
0x8c: {  	v55 =	vld.idx.msk [tilespmem:v27+s16+$0x0], $0xffff;
	v60 =	vsub.f32 v37, v60;
	v36 =	vmul.f32 v53, v53;
	v28 =	vmul.f32 v59, v40  }
0x8d: {  	v40 =	vsub.f32 v21, v43;
	v12 =	vsub.f32 v12, v63;
	v53 =	vld.idx.msk [tilespmem:v32+s16+$0x0], $0xffff;
	v32 =	vadd.s32 $0x1B60, v4  }
0x8e: {  	v49 =	vld.idx.msk [tilespmem:v29+s16+$0x0], $0xffff;
	v48 =	vmul.f32 v44, v44;
	v58 =	vsub.f32 $1.500000000e+00, v31;
	v36 =	vadd.f32 v39, v36  }
0x8f: {  	v37 =	vld.idx.msk [tilespmem:v38+s16+$0x0], $0xffff;
	v63 =	vmul.f32 v60, v60;
	v39 =	vsub.f32 v19, v57;
	v20 =	vsub.f32 $1.500000000e+00, v28  }
0x90: {  	v52 =	vld.idx.msk [tilespmem:v30+s16+$0x0], $0xffff;
	v19 =	vmul.f32 v40, v40;
	v12 =	vand.u32 $0x7FFFFFFF, v12;
	v57 =	vsub.f32 v33, v43  }
0x91: {  	v38 =	vsub.f32 v55, v24;
	v28 =	vadd.s32 $0x1B60, v5;
	v31 =	vadd.s32 $0x1B60, v6  }
0x92: {  	v33 =	vadd.s32 $0x1B60, v3;
	v62 =	vmul.f32 v50, v58;
	v50 =	vmul.f32 v59, v20  }
0x93: {  	v36 =	vadd.f32 v61, v36;
	v20 =	vmul.f32 v56, v56;
	v23 =	vmul.f32 v57, v57  }
0x94: {  	v43 =	vld.idx.msk [tilespmem:v35+s16+$0x0], $0xffff;
	v41 =	vmul.f32 v38, v38;
	v21 =	vsub.f32 v49, v37;
	v38 =	vadd.s32 $0x1B60, v1  }
0x95: {  	v61 =	vsub.f32 v47, v52;
	v15 =	vmul.f32 v62, v18;
	v17 =	vmax.f32 v36, $9.999999930e-09  }
0x96: {  	v18 =	vmul.f32 v39, v39;
	v11 =	vmul.f32 v50, v14;
	v62 =	vsub.f32 v49, v53  }
0x97: {  	v20 =	vadd.f32 v23, v20;
	v36 =	vld.idx.msk [tilespmem:v34+s16+$0x0], $0xffff;
	v21 =	vmul.f32 v21, v21;
	v34 =	vadd.s32 $0x1B60, v2  }
0x98: {  	v45 =	vshrl.u32 v17, $0x1;
	v46 =	vmul.f32 $5.000000000e-01, v17;
	v29 =	vmul.f32 v61, v61  }
0x99: {  	v24 =	vsub.f32 v24, v43;
	v15 =	vsub.f32 v16, v15;
	v16 =	vsub.s32 $0x5F3759DF, v45  }
0x9a: {  	v18 =	vadd.f32 v19, v18;
	v30 =	vmul.f32 v62, v62;
	v20 =	vadd.f32 v63, v20  }
0x9b: {  	v11 =	vsub.f32 v13, v11;
	v19 =	vsub.f32 v53, v37;
	v51 =	vmul.f32 v16, v46  }
0x9c: {  	v49 =	vmul.f32 v24, v24;
	v15 =	vand.u32 $0x7FFFFFFF, v15;
	v18 =	vadd.f32 v48, v18  }
0x9d: {  	v40 =	vadd.f32 v30, v29;
	v30 =	vadd.s32 $0x1B60, v9;
	v29 =	vadd.s32 $0x1B60, v7  }
0x9e: {  	v19 =	vmul.f32 v19, v19;
	v11 =	vand.u32 $0x7FFFFFFF, v11;
	v12 =	vadd.f32 v15, v12  }
0x9f: {  	v54 =	vmul.f32 v16, v51;
	v44 =	vsub.f32 v47, v36;
	v15 =	vsub.f32 v55, v43  }
0xa0: {  	v22 =	vsub.f32 v52, v36;
	v18 =	vmax.f32 v18, $9.999999930e-09;
	v13 =	vadd.f32 v41, v40  }
0xa1: {  	v14 =	vsub.f32 $1.500000000e+00, v54;
	v58 =	vshrl.u32 v18, $0x1;
	v59 =	vmul.f32 $5.000000000e-01, v18  }
0xa2: {  	v23 =	vmul.f32 v44, v44;
	v15 =	vmul.f32 v15, v15;
	v26 =	vsub.s32 $0x5F3759DF, v58  }
0xa3: {  	v22 =	vmul.f32 v22, v22;
	v13 =	vmax.f32 v13, $9.999999930e-09;
	v27 =	vmul.f32 v26, v59  }
0xa4: {  	v14 =	vmul.f32 v16, v14;
	v46 =	vshrl.u32 v13, $0x1;
	v21 =	vadd.f32 v21, v23  }
0xa5: {  	v37 =	vld.idx.msk [tilespmem:v31+s2+$0x0], $0xffff;
	v23 =	vadd.s32 $0x1B60, v8;
	v19 =	vadd.f32 v19, v22;
	v39 =	vmul.f32 v26, v27  }
0xa6: {  	v48 =	vld.idx.msk [tilespmem:v30+s2+$0x0], $0xffff;
	v14 =	vmul.f32 v14, v17;
	v17 =	vmax.f32 v20, $9.999999930e-09;
	v15 =	vadd.f32 v15, v21  }
0xa7: {  	v22 =	vld.idx.msk [tilespmem:v29+s2+$0x0], $0xffff;
	v19 =	vadd.f32 v49, v19;
	v20 =	vshrl.u32 v17, $0x1;
	v42 =	vmul.f32 $5.000000000e-01, v17  }
0xa8: {  	v52 =	vld.idx.msk [tilespmem:v28+s2+$0x0], $0xffff;
	v47 =	vmul.f32 $5.000000000e-01, v13;
	v16 =	vsub.f32 $1.500000000e+00, v39;
	v20 =	vsub.s32 $0x5F3759DF, v20  }
0xa9: {  	v40 =	vld.idx.msk [tilespmem:v34+s2+$0x0], $0xffff;
	v15 =	vmax.f32 v15, $9.999999930e-09;
	v19 =	vmax.f32 v19, $9.999999930e-09;
	v45 =	vmul.f32 v20, v42  }
0xaa: {  	v39 =	vld.idx.msk [tilespmem:v32+s2+$0x0], $0xffff;
	v53 =	vshrl.u32 v15, $0x1;
	v54 =	vmul.f32 $5.000000000e-01, v15;
	v55 =	vshrl.u32 v19, $0x1  }
0xab: {  	v50 =	vld.idx.msk [tilespmem:v23+s2+$0x0], $0xffff;
	v56 =	vmul.f32 $5.000000000e-01, v19;
	v16 =	vmul.f32 v26, v16;
	v26 =	vsub.s32 $0x5F3759DF, v46  }
0xac: {  	v42 =	vld.idx.msk [tilespmem:v33+s2+$0x0], $0xffff;
	v58 =	vsub.f32 v48, v22;
	v35 =	vsub.s32 $0x5F3759DF, v53;
	v27 =	vmul.f32 v26, v47  }
0xad: {  	v57 =	vsub.s32 $0x5F3759DF, v55;
	v51 =	vmul.f32 v20, v45;
	v36 =	vmul.f32 v35, v54  }
0xae: {  	v11 =	vadd.f32 v12, v11;
	v41 =	vmul.f32 v57, v56;
	v43 =	vmul.f32 v58, v58  }
0xaf: {  	v54 =	vld.idx.msk [tilespmem:v30+s16+$0x0], $0xffff;
	v58 =	vsub.f32 v37, v40;
	v30 =	vadd.s32 $0x2480, v4;
	v16 =	vmul.f32 v16, v18  }
0xb0: {  	v27 =	vmul.f32 v26, v27;
	v18 =	vsub.f32 $1.500000000e+00, v51;
	v62 =	vsub.f32 v52, v39  }
0xb1: {  	v36 =	vmul.f32 v35, v36;
	v59 =	vsub.f32 v50, v37;
	v21 =	vsub.f32 v48, v42  }
0xb2: {  	v23 =	vld.idx.msk [tilespmem:v23+s16+$0x0], $0xffff;
	v61 =	vmul.f32 v57, v41;
	v24 =	vsub.f32 v50, v40;
	v22 =	vsub.f32 v22, v42  }
0xb3: {  	v42 =	vld.idx.msk [tilespmem:v34+s16+$0x0], $0xffff;
	v27 =	vsub.f32 $1.500000000e+00, v27;
	v18 =	vmul.f32 v20, v18;
	v41 =	vmul.f32 v62, v62  }
0xb4: {  	v20 =	vld.idx.msk [tilespmem:v38+s2+$0x0], $0xffff;
	v63 =	vsub.f32 $1.500000000e+00, v61;
	v44 =	vmul.f32 v59, v59;
	v21 =	vmul.f32 v21, v21  }
0xb5: {  	v60 =	vsub.f32 $1.500000000e+00, v36;
	v62 =	vld.idx.msk [tilespmem:v28+s16+$0x0], $0xffff;
	v24 =	vmul.f32 v24, v24;
	v22 =	vmul.f32 v22, v22  }
0xb6: {  	v59 =	vld.idx.msk [tilespmem:v31+s16+$0x0], $0xffff;
	v31 =	vadd.s32 $0x2480, v7;
	v26 =	vmul.f32 v26, v27;
	v47 =	vmul.f32 v57, v63  }
0xb7: {  	v17 =	vmul.f32 v18, v17;
	v57 =	vld.idx.msk [tilespmem:v29+s16+$0x0], $0xffff;
	v27 =	vmul.f32 v58, v58;
	v45 =	vadd.f32 v44, v43  }
0xb8: {  	v21 =	vadd.f32 v24, v21;
	v44 =	vld.idx.msk [tilespmem:v38+s16+$0x0], $0xffff;
	v38 =	vadd.s32 $0x2480, v1;
	v13 =	vmul.f32 v26, v13  }
0xb9: {  	v63 =	vld.idx.msk [tilespmem:v32+s16+$0x0], $0xffff;
	v26 =	vmul.f32 v35, v60;
	v37 =	vadd.f32 v27, v22;
	v25 =	vsub.f32 v52, v20  }
0xba: {  	v48 =	vadd.f32 v41, v45;
	v20 =	vsub.f32 v39, v20;
	v41 =	vld.idx.msk [tilespmem:v33+s16+$0x0], $0xffff;
	v33 =	vadd.s32 $0x2480, v6  }
0xbb: {  	v46 =	vmul.f32 v26, v15;
	v15 =	vmul.f32 v47, v19;
	v13 =	vsub.f32 v14, v13  }
0xbc: {  	v40 =	vsub.f32 v23, v59;
	v23 =	vsub.f32 v23, v42;
	v49 =	vmul.f32 v25, v25  }
0xbd: {  	v50 =	vmax.f32 v48, $9.999999930e-09;
	v20 =	vmul.f32 v20, v20;
	v39 =	vsub.f32 v54, v57  }
0xbe: {  	v43 =	vsub.f32 v62, v63;
	v12 =	vsub.f32 v16, v46;
	v13 =	vand.u32 $0x7FFFFFFF, v13  }
0xbf: {  	v52 =	vshrl.u32 v50, $0x1;
	v53 =	vmul.f32 $5.000000000e-01, v50;
	v15 =	vsub.f32 v17, v15  }
0xc0: {  	v27 =	vmul.f32 v40, v40;
	v25 =	vsub.f32 v62, v44;
	v23 =	vmul.f32 v23, v23  }
0xc1: {  	v40 =	vadd.s32 $0x2480, v2;
	v51 =	vadd.f32 v49, v21;
	v18 =	vsub.s32 $0x5F3759DF, v52  }
0xc2: {  	v22 =	vmul.f32 v39, v39;
	v45 =	vmul.f32 v43, v43;
	v12 =	vand.u32 $0x7FFFFFFF, v12  }
0xc3: {  	v19 =	vmul.f32 v18, v53;
	v15 =	vand.u32 $0x7FFFFFFF, v15;
	v21 =	vsub.f32 v54, v41  }
0xc4: {  	v49 =	vmul.f32 v25, v25;
	v25 =	vadd.s32 $0x2480, v5;
	v16 =	vmax.f32 v51, $9.999999930e-09  }
0xc5: {  	v12 =	vadd.f32 v12, v13;
	v22 =	vadd.f32 v27, v22;
	v27 =	vadd.s32 $0x2480, v8  }
0xc6: {  	v55 =	vshrl.u32 v16, $0x1;
	v56 =	vmul.f32 $5.000000000e-01, v16;
	v60 =	vmul.f32 v18, v19  }
0xc7: {  	v19 =	vadd.f32 v20, v37;
	v21 =	vmul.f32 v21, v21;
	v24 =	vsub.s32 $0x5F3759DF, v55  }
0xc8: {  	v20 =	vsub.f32 v57, v41;
	v22 =	vadd.f32 v45, v22;
	v61 =	vmul.f32 v24, v56  }
0xc9: {  	v13 =	vsub.f32 $1.500000000e+00, v60;
	v19 =	vmax.f32 v19, $9.999999930e-09;
	v21 =	vadd.f32 v23, v21  }
0xca: {  	v20 =	vmul.f32 v20, v20;
	v46 =	vshrl.u32 v19, $0x1;
	v47 =	vmul.f32 $5.000000000e-01, v19  }
0xcb: {  	v22 =	vmax.f32 v22, $9.999999930e-09;
	v36 =	vmul.f32 v24, v61;
	v13 =	vmul.f32 v18, v13  }
0xcc: {  	v48 =	vshrl.u32 v22, $0x1;
	v51 =	vmul.f32 $5.000000000e-01, v22;
	v21 =	vadd.f32 v49, v21  }
0xcd: {  	v35 =	vld.idx.msk [tilespmem:v33+s2+$0x0], $0xffff;
	v18 =	vsub.f32 v63, v44;
	v32 =	vsub.s32 $0x5F3759DF, v48;
	v17 =	vsub.f32 $1.500000000e+00, v36  }
0xce: {  	v52 =	vld.idx.msk [tilespmem:v27+s2+$0x0], $0xffff;
	v13 =	vmul.f32 v13, v50;
	v50 =	vsub.f32 v59, v42;
	v34 =	vmul.f32 v32, v51  }
0xcf: {  	v21 =	vmax.f32 v21, $9.999999930e-09;
	v18 =	vmul.f32 v18, v18;
	v36 =	vadd.s32 $0x2480, v3  }
0xd0: {  	v53 =	vshrl.u32 v21, $0x1;
	v54 =	vmul.f32 $5.000000000e-01, v21;
	v26 =	vmul.f32 v50, v50  }
0xd1: {  	v39 =	vld.idx.msk [tilespmem:v30+s2+$0x0], $0xffff;
	v17 =	vmul.f32 v24, v17;
	v24 =	vadd.s32 $0x2480, v9;
	v37 =	vsub.s32 $0x5F3759DF, v53  }
0xd2: {  	v55 =	vmul.f32 v32, v34;
	v56 =	vmul.f32 v37, v54;
	v20 =	vadd.f32 v26, v20;
	v26 =	vld.idx.msk [tilespmem:v25+s2+$0x0], $0xffff  }
0xd3: {  	v58 =	vsub.f32 v52, v35;
	v14 =	vmul.f32 v17, v16;
	v16 =	vsub.s32 $0x5F3759DF, v46  }
0xd4: {  	v46 =	vld.idx.msk [tilespmem:v40+s2+$0x0], $0xffff;
	v17 =	vmul.f32 v16, v47;
	v34 =	vmul.f32 v37, v56;
	v18 =	vadd.f32 v18, v20  }
0xd5: {  	v12 =	vadd.f32 v12, v15;
	v48 =	vld.idx.msk [tilespmem:v38+s2+$0x0], $0xffff;
	v42 =	vmul.f32 v58, v58;
	v20 =	vsub.f32 $1.500000000e+00, v55  }
0xd6: {  	v28 =	vld.idx.msk [tilespmem:v31+s2+$0x0], $0xffff;
	v17 =	vmul.f32 v16, v17;
	v34 =	vsub.f32 $1.500000000e+00, v34;
	v18 =	vmax.f32 v18, $9.999999930e-09  }
0xd7: {  	v29 =	vld.idx.msk [tilespmem:v24+s2+$0x0], $0xffff;
	v59 =	vshrl.u32 v18, $0x1;
	v60 =	vmul.f32 $5.000000000e-01, v18;
	v47 =	vsub.f32 v26, v39  }
0xd8: {  	v45 =	vld.idx.msk [tilespmem:v36+s2+$0x0], $0xffff;
	v63 =	vmul.f32 v32, v20;
	v17 =	vsub.f32 $1.500000000e+00, v17;
	v43 =	vsub.s32 $0x5F3759DF, v59  }
0xd9: {  	v23 =	vsub.f32 v52, v46;
	v44 =	vmul.f32 v43, v60;
	v61 =	vmul.f32 v47, v47  }
0xda: {  	v26 =	vsub.f32 v26, v48;
	v62 =	vmul.f32 v16, v17;
	v47 =	vmul.f32 v37, v34  }
0xdb: {  	v55 =	vld.idx.msk [tilespmem:v27+s16+$0x0], $0xffff;
	v39 =	vsub.f32 v39, v48;
	v16 =	vmul.f32 v63, v22;
	v23 =	vmul.f32 v23, v23  }
0xdc: {  	v59 =	vld.idx.msk [tilespmem:v33+s16+$0x0], $0xffff;
	v54 =	vmul.f32 v26, v26;
	v34 =	vadd.s32 $0x2DA0, v4;
	v57 =	vsub.f32 v29, v28  }
0xdd: {  	v60 =	vld.idx.msk [tilespmem:v25+s16+$0x0], $0xffff;
	v51 =	vsub.f32 v29, v45;
	v49 =	vmul.f32 v43, v44;
	v17 =	vmul.f32 v47, v21  }
0xde: {  	v63 =	vld.idx.msk [tilespmem:v30+s16+$0x0], $0xffff;
	v13 =	vsub.f32 v13, v16;
	v15 =	vmul.f32 v62, v19;
	v62 =	vsub.f32 v35, v46  }
0xdf: {  	v41 =	vmul.f32 v57, v57;
	v22 =	vmul.f32 v51, v51;
	v57 =	vld.idx.msk [tilespmem:v31+s16+$0x0], $0xffff;
	v31 =	vadd.s32 $0x2DA0, v7  }
0xe0: {  	v44 =	vld.idx.msk [tilespmem:v40+s16+$0x0], $0xffff;
	v20 =	vsub.f32 $1.500000000e+00, v49;
	v14 =	vsub.f32 v14, v17;
	v13 =	vand.u32 $0x7FFFFFFF, v13  }
0xe1: {  	v24 =	vld.idx.msk [tilespmem:v24+s16+$0x0], $0xffff;
	v25 =	vmul.f32 v62, v62;
	v41 =	vadd.f32 v42, v41;
	v22 =	vadd.f32 v23, v22  }
0xe2: {  	v33 =	vsub.f32 v55, v59;
	v42 =	vmul.f32 v39, v39;
	v20 =	vmul.f32 v43, v20  }
0xe3: {  	v14 =	vand.u32 $0x7FFFFFFF, v14;
	v50 =	vadd.f32 v61, v41;
	v58 =	vadd.f32 v54, v22  }
0xe4: {  	v33 =	vmul.f32 v33, v33;
	v61 =	vsub.f32 v28, v45;
	v45 =	vsub.f32 v60, v63  }
0xe5: {  	v13 =	vadd.f32 v14, v13;
	v26 =	vsub.f32 v55, v44;
	v18 =	vmul.f32 v20, v18  }
0xe6: {  	v43 =	vld.idx.msk [tilespmem:v36+s16+$0x0], $0xffff;
	v41 =	vsub.f32 v24, v57;
	v20 =	vsub.f32 v59, v44;
	v52 =	vmax.f32 v50, $9.999999930e-09  }
0xe7: {  	v19 =	vmax.f32 v58, $9.999999930e-09;
	v23 =	vmul.f32 v61, v61;
	v48 =	vmul.f32 v45, v45  }
0xe8: {  	v26 =	vmul.f32 v26, v26;
	v53 =	vshrl.u32 v52, $0x1;
	v32 =	vmul.f32 $5.000000000e-01, v52  }
0xe9: {  	v35 =	vshrl.u32 v19, $0x1;
	v37 =	vmul.f32 $5.000000000e-01, v19;
	v15 =	vsub.f32 v15, v18  }
0xea: {  	v20 =	vmul.f32 v20, v20;
	v29 =	vsub.s32 $0x5F3759DF, v53;
	v23 =	vadd.f32 v25, v23  }
0xeb: {  	v28 =	vsub.s32 $0x5F3759DF, v35;
	v24 =	vsub.f32 v24, v43;
	v17 =	vsub.f32 v57, v43  }
0xec: {  	v35 =	vadd.s32 $0x2DA0, v3;
	v56 =	vmul.f32 v29, v32;
	v30 =	vmul.f32 v28, v37  }
0xed: {  	v32 =	vmul.f32 v41, v41;
	v37 =	vadd.s32 $0x2DA0, v2;
	v41 =	vadd.s32 $0x2DA0, v1  }
0xee: {  	v23 =	vadd.f32 v42, v23;
	v24 =	vmul.f32 v24, v24;
	v16 =	vmul.f32 v29, v56  }
0xef: {  	v46 =	vmul.f32 v28, v30;
	v47 =	vadd.f32 v33, v32;
	v32 =	vadd.s32 $0x2DA0, v6  }
0xf0: {  	v30 =	vadd.s32 $0x2DA0, v5;
	v23 =	vmax.f32 v23, $9.999999930e-09;
	v16 =	vsub.f32 $1.500000000e+00, v16  }
0xf1: {  	v45 =	vld.idx.msk [tilespmem:v34+s16+$0x0], $0xffff;
	v50 =	vshrl.u32 v23, $0x1;
	v51 =	vmul.f32 $5.000000000e-01, v23;
	v14 =	vadd.f32 v48, v47  }
0xf2: {  	v42 =	vld.idx.msk [tilespmem:v34+s2+$0x0], $0xffff;
	v24 =	vadd.f32 v26, v24;
	v26 =	vadd.s32 $0x2DA0, v8;
	v53 =	vsub.s32 $0x5F3759DF, v50  }
0xf3: {  	v16 =	vmul.f32 v29, v16;
	v55 =	vmul.f32 v53, v51;
	v14 =	vmax.f32 v14, $9.999999930e-09;
	v51 =	vld.idx.msk [tilespmem:v37+s2+$0x0], $0xffff  }
0xf4: {  	v15 =	vand.u32 $0x7FFFFFFF, v15;
	v49 =	vsub.f32 $1.500000000e+00, v46;
	v57 =	vmul.f32 $5.000000000e-01, v14;
	v40 =	vld.idx.msk [tilespmem:v32+s2+$0x0], $0xffff  }
0xf5: {  	v56 =	vshrl.u32 v14, $0x1;
	v16 =	vmul.f32 v16, v52;
	v52 =	vld.idx.msk [tilespmem:v38+s16+$0x0], $0xffff;
	v21 =	vmul.f32 v53, v55  }
0xf6: {  	v17 =	vmul.f32 v17, v17;
	v48 =	vld.idx.msk [tilespmem:v35+s2+$0x0], $0xffff;
	v54 =	vmul.f32 v28, v49;
	v28 =	vsub.s32 $0x5F3759DF, v56  }
0xf7: {  	v13 =	vadd.f32 v13, v15;
	v59 =	vld.idx.msk [tilespmem:v26+s2+$0x0], $0xffff;
	v33 =	vmul.f32 v28, v57;
	v21 =	vsub.f32 $1.500000000e+00, v21  }
0xf8: {  	v34 =	vadd.s32 $0x36C0, v6;
	v6 =	vadd.s32 $0x3FE0, v6;
	v17 =	vadd.f32 v20, v17;
	v36 =	vld.idx.msk [tilespmem:v30+s2+$0x0], $0xffff  }
0xf9: {  	v29 =	vadd.s32 $0x2DA0, v9;
	v30 =	vld.idx.msk [tilespmem:v30+s16+$0x0], $0xffff;
	v33 =	vmul.f32 v28, v33;
	v49 =	vmul.f32 v53, v21  }
0xfa: {  	v35 =	vld.idx.msk [tilespmem:v35+s16+$0x0], $0xffff;
	v18 =	vmul.f32 v54, v19;
	v25 =	vsub.f32 v40, v51;
	v22 =	vsub.f32 v60, v52  }
0xfb: {  	v27 =	vsub.f32 v63, v52;
	v33 =	vsub.f32 $1.500000000e+00, v33;
	v52 =	vld.idx.msk [tilespmem:v41+s2+$0x0], $0xffff;
	v19 =	vmul.f32 v49, v23  }
0xfc: {  	v54 =	vsub.f32 v59, v40;
	v40 =	vld.idx.msk [tilespmem:v31+s16+$0x0], $0xffff;
	v25 =	vmul.f32 v25, v25;
	v22 =	vmul.f32 v22, v22  }
0xfd: {  	v57 =	vsub.f32 v36, v42;
	v58 =	vmul.f32 v27, v27;
	v28 =	vmul.f32 v28, v33  }
0xfe: {  	v46 =	vmul.f32 v54, v54;
	v27 =	vsub.f32 v59, v51;
	v51 =	vsub.f32 v30, v45  }
0xff: {  	v20 =	vld.idx.msk [tilespmem:v31+s2+$0x0], $0xffff;
	v22 =	vadd.f32 v22, v24;
	v17 =	vadd.f32 v58, v17;
	v14 =	vmul.f32 v28, v14  }
0x100: {  	v24 =	vld.idx.msk [tilespmem:v29+s2+$0x0], $0xffff;
	v27 =	vmul.f32 v27, v27;
	v54 =	vmul.f32 v51, v51;
	v36 =	vsub.f32 v36, v52  }
0x101: {  	v23 =	vsub.f32 v42, v52;
	v28 =	vsub.f32 v40, v35;
	v22 =	vmax.f32 v22, $9.999999930e-09  }
0x102: {  	v17 =	vmax.f32 v17, $9.999999930e-09;
	v60 =	vshrl.u32 v22, $0x1;
	v61 =	vmul.f32 $5.000000000e-01, v22  }
0x103: {  	v62 =	vshrl.u32 v17, $0x1;
	v63 =	vmul.f32 $5.000000000e-01, v17;
	v38 =	vsub.s32 $0x5F3759DF, v60  }
0x104: {  	v14 =	vsub.f32 v16, v14;
	v50 =	vsub.s32 $0x5F3759DF, v62;
	v39 =	vmul.f32 v38, v61  }
0x105: {  	v23 =	vmul.f32 v23, v23;
	v43 =	vmul.f32 v50, v63;
	v53 =	vsub.f32 v24, v20  }
0x106: {  	v26 =	vld.idx.msk [tilespmem:v26+s16+$0x0], $0xffff;
	v24 =	vsub.f32 v24, v48;
	v61 =	vmul.f32 v36, v36;
	v39 =	vmul.f32 v38, v39  }
0x107: {  	v36 =	vld.idx.msk [tilespmem:v29+s16+$0x0], $0xffff;
	v20 =	vsub.f32 v20, v48;
	v56 =	vmul.f32 v50, v43;
	v44 =	vmul.f32 v53, v53  }
0x108: {  	v42 =	vld.idx.msk [tilespmem:v32+s16+$0x0], $0xffff;
	v14 =	vand.u32 $0x7FFFFFFF, v14;
	v43 =	vmul.f32 v57, v57;
	v24 =	vmul.f32 v24, v24  }
0x109: {  	v20 =	vmul.f32 v20, v20;
	v57 =	vld.idx.msk [tilespmem:v37+s16+$0x0], $0xffff;
	v37 =	vadd.s32 $0x36C0, v3;
	v55 =	vsub.f32 $1.500000000e+00, v39  }
0x10a: {  	v3 =	vadd.s32 $0x3FE0, v3;
	v58 =	vsub.f32 $1.500000000e+00, v56;
	v59 =	vadd.f32 v46, v44  }
0x10b: {  	v24 =	vadd.f32 v27, v24;
	v20 =	vadd.f32 v25, v20;
	v25 =	vadd.s32 $0x36C0, v2  }
0x10c: {  	v2 =	vadd.s32 $0x3FE0, v2;
	v49 =	vsub.f32 v36, v40;
	v33 =	vmul.f32 v38, v55  }
0x10d: {  	v21 =	vmul.f32 v50, v58;
	v60 =	vadd.f32 v43, v59;
	v20 =	vadd.f32 v23, v20  }
0x10e: {  	v50 =	vsub.f32 v26, v42;
	v23 =	vmul.f32 v49, v49;
	v26 =	vsub.f32 v26, v57  }
0x10f: {  	v62 =	vmul.f32 v33, v22;
	v17 =	vmul.f32 v21, v17;
	v63 =	vmax.f32 v60, $9.999999930e-09  }
0x110: {  	v33 =	vadd.f32 v61, v24;
	v20 =	vmax.f32 v20, $9.999999930e-09;
	v31 =	vmul.f32 v50, v50  }
0x111: {  	v22 =	vsub.f32 v36, v35;
	v35 =	vadd.s32 $0x36C0, v5;
	v36 =	vadd.s32 $0x36C0, v4  }
0x112: {  	v38 =	vshrl.u32 v63, $0x1;
	v39 =	vmul.f32 $5.000000000e-01, v63;
	v52 =	vshrl.u32 v20, $0x1  }
0x113: {  	v59 =	vld.idx.msk [tilespmem:v41+s16+$0x0], $0xffff;
	v53 =	vmul.f32 $5.000000000e-01, v20;
	v26 =	vmul.f32 v26, v26;
	v24 =	vsub.s32 $0x5F3759DF, v38  }
0x114: {  	v21 =	vmax.f32 v33, $9.999999930e-09;
	v15 =	vsub.f32 v18, v62;
	v17 =	vsub.f32 v19, v17  }
0x115: {  	v33 =	vsub.s32 $0x5F3759DF, v52;
	v23 =	vadd.f32 v31, v23;
	v31 =	vadd.s32 $0x36C0, v7  }
0x116: {  	v22 =	vmul.f32 v22, v22;
	v7 =	vadd.s32 $0x3FE0, v7;
	v27 =	vmul.f32 v24, v39  }
0x117: {  	v43 =	vshrl.u32 v21, $0x1;
	v44 =	vmul.f32 $5.000000000e-01, v21;
	v56 =	vmul.f32 v33, v53  }
0x118: {  	v30 =	vsub.f32 v30, v59;
	v16 =	vsub.f32 v45, v59;
	v39 =	vadd.s32 $0x36C0, v1  }
0x119: {  	v46 =	vsub.s32 $0x5F3759DF, v43;
	v15 =	vand.u32 $0x7FFFFFFF, v15;
	v17 =	vand.u32 $0x7FFFFFFF, v17  }
0x11a: {  	v23 =	vadd.f32 v54, v23;
	v47 =	vmul.f32 v24, v27;
	v48 =	vmul.f32 v46, v44  }
0x11b: {  	v22 =	vadd.f32 v26, v22;
	v58 =	vmul.f32 v33, v56;
	v62 =	vmul.f32 v30, v30  }
0x11c: {  	v14 =	vadd.f32 v15, v14;
	v19 =	vsub.f32 $1.500000000e+00, v47;
	v27 =	vmul.f32 v46, v48  }
0x11d: {  	v16 =	vmul.f32 v16, v16;
	v15 =	vsub.f32 $1.500000000e+00, v58;
	v22 =	vadd.f32 v62, v22  }
0x11e: {  	v27 =	vsub.f32 $1.500000000e+00, v27;
	v55 =	vmul.f32 v24, v19;
	v19 =	vadd.s32 $0x36C0, v9  }
0x11f: {  	v14 =	vadd.f32 v14, v17;
	v47 =	vmul.f32 v28, v28;
	v24 =	vsub.f32 v42, v57  }
0x120: {  	v15 =	vmul.f32 v33, v15;
	v22 =	vmax.f32 v22, $9.999999930e-09;
	v18 =	vmul.f32 v46, v27  }
0x121: {  	v41 =	vld.idx.msk [tilespmem:v37+s2+$0x0], $0xffff;
	v9 =	vadd.s32 $0x3FE0, v9;
	v48 =	vshrl.u32 v22, $0x1;
	v24 =	vmul.f32 v24, v24  }
0x122: {  	v28 =	vld.idx.msk [tilespmem:v31+s2+$0x0], $0xffff;
	v49 =	vmul.f32 $5.000000000e-01, v22;
	v17 =	vmul.f32 v18, v21;
	v18 =	vmax.f32 v23, $9.999999930e-09  }
0x123: {  	v24 =	vadd.f32 v24, v47;
	v60 =	vshrl.u32 v18, $0x1;
	v61 =	vmul.f32 $5.000000000e-01, v18;
	v29 =	vld.idx.msk [tilespmem:v19+s2+$0x0], $0xffff  }
0x124: {  	v33 =	vld.idx.msk [tilespmem:v35+s2+$0x0], $0xffff;
	v38 =	vsub.s32 $0x5F3759DF, v48;
	v23 =	vadd.s32 $0x36C0, v8;
	v21 =	vsub.s32 $0x5F3759DF, v60  }
0x125: {  	v40 =	vmul.f32 v38, v49;
	v16 =	vadd.f32 v16, v24;
	v24 =	vld.idx.msk [tilespmem:v36+s2+$0x0], $0xffff;
	v32 =	vmul.f32 v21, v61  }
0x126: {  	v27 =	vmul.f32 v55, v63;
	v55 =	vld.idx.msk [tilespmem:v39+s2+$0x0], $0xffff;
	v15 =	vmul.f32 v15, v20;
	v8 =	vadd.s32 $0x3FE0, v8  }
0x127: {  	v26 =	vld.idx.msk [tilespmem:v34+s2+$0x0], $0xffff;
	v40 =	vmul.f32 v38, v40;
	v16 =	vmax.f32 v16, $9.999999930e-09;
	v32 =	vmul.f32 v21, v32  }
0x128: {  	v54 =	vld.idx.msk [tilespmem:v25+s2+$0x0], $0xffff;
	v52 =	vshrl.u32 v16, $0x1;
	v53 =	vmul.f32 $5.000000000e-01, v16;
	v50 =	vsub.f32 v29, v28  }
0x129: {  	v63 =	vld.idx.msk [tilespmem:v23+s2+$0x0], $0xffff;
	v44 =	vsub.s32 $0x5F3759DF, v52;
	v62 =	vsub.f32 v29, v41;
	v28 =	vsub.f32 v28, v41  }
0x12a: {  	v31 =	vld.idx.msk [tilespmem:v31+s16+$0x0], $0xffff;
	v32 =	vsub.f32 $1.500000000e+00, v32;
	v45 =	vmul.f32 v44, v53;
	v56 =	vsub.f32 v33, v24  }
0x12b: {  	v19 =	vld.idx.msk [tilespmem:v19+s16+$0x0], $0xffff;
	v33 =	vsub.f32 v33, v55;
	v42 =	vmul.f32 v50, v50;
	v20 =	vmul.f32 v62, v62  }
0x12c: {  	v37 =	vld.idx.msk [tilespmem:v37+s16+$0x0], $0xffff;
	v24 =	vsub.f32 v24, v55;
	v28 =	vmul.f32 v28, v28;
	v57 =	vmul.f32 v21, v32  }
0x12d: {  	v59 =	vsub.f32 $1.500000000e+00, v40;
	v60 =	vmul.f32 v44, v45;
	v61 =	vmul.f32 v56, v56  }
0x12e: {  	v48 =	vmul.f32 v33, v33;
	v24 =	vmul.f32 v24, v24;
	v51 =	vsub.f32 v63, v26  }
0x12f: {  	v63 =	vsub.f32 v63, v54;
	v26 =	vsub.f32 v26, v54;
	v18 =	vmul.f32 v57, v18  }
0x130: {  	v39 =	vld.idx.msk [tilespmem:v39+s16+$0x0], $0xffff;
	v45 =	vsub.f32 $1.500000000e+00, v60;
	v57 =	vsub.f32 v19, v31;
	v43 =	vmul.f32 v51, v51  }
0x131: {  	v19 =	vsub.f32 v19, v37;
	v29 =	vmul.f32 v63, v63;
	v26 =	vmul.f32 v26, v26;
	v51 =	vld.idx.msk [tilespmem:v35+s16+$0x0], $0xffff  }
0x132: {  	v25 =	vld.idx.msk [tilespmem:v25+s16+$0x0], $0xffff;
	v32 =	vmul.f32 v44, v45;
	v18 =	vsub.f32 v27, v18;
	v58 =	vadd.f32 v43, v42  }
0x133: {  	v23 =	vld.idx.msk [tilespmem:v23+s16+$0x0], $0xffff;
	v35 =	vmul.f32 v57, v57;
	v20 =	vadd.f32 v29, v20;
	v26 =	vadd.f32 v26, v28  }
0x134: {  	v19 =	vmul.f32 v19, v19;
	v43 =	vmul.f32 v38, v59;
	v29 =	vld.idx.msk [tilespmem:v34+s16+$0x0], $0xffff;
	v21 =	vadd.f32 v61, v58  }
0x135: {  	v34 =	vld.idx.msk [tilespmem:v36+s16+$0x0], $0xffff;
	v16 =	vmul.f32 v32, v16;
	v20 =	vadd.f32 v48, v20;
	v24 =	vadd.f32 v24, v26  }
0x136: {  	v18 =	vand.u32 $0x7FFFFFFF, v18;
	v22 =	vmul.f32 v43, v22;
	v28 =	vsub.f32 v51, v39  }
0x137: {  	v21 =	vmax.f32 v21, $9.999999930e-09;
	v20 =	vmax.f32 v20, $9.999999930e-09;
	v24 =	vmax.f32 v24, $9.999999930e-09  }
0x138: {  	v17 =	vsub.f32 v17, v22;
	v49 =	vshrl.u32 v21, $0x1;
	v50 =	vmul.f32 $5.000000000e-01, v21  }
0x139: {  	v53 =	vshrl.u32 v20, $0x1;
	v56 =	vmul.f32 $5.000000000e-01, v20;
	v58 =	vsub.f32 v23, v29  }
0x13a: {  	v59 =	vshrl.u32 v24, $0x1;
	v61 =	vsub.f32 v51, v34;
	v23 =	vsub.f32 v23, v25  }
0x13b: {  	v60 =	vmul.f32 $5.000000000e-01, v24;
	v25 =	vsub.f32 v29, v25;
	v34 =	vsub.f32 v34, v39  }
0x13c: {  	v33 =	vsub.s32 $0x5F3759DF, v49;
	v55 =	vsub.s32 $0x5F3759DF, v53;
	v49 =	vmul.f32 v28, v28  }
0x13d: {  	v38 =	vsub.s32 $0x5F3759DF, v59;
	v52 =	vmul.f32 v33, v50;
	v32 =	vmul.f32 v55, v56  }
0x13e: {  	v28 =	vadd.s32 $0x3FE0, v4;
	v36 =	vmul.f32 v58, v58;
	v40 =	vmul.f32 v38, v60  }
0x13f: {  	v62 =	vmul.f32 v61, v61;
	v23 =	vmul.f32 v23, v23;
	v56 =	vsub.f32 v31, v37  }
0x140: {  	v22 =	vld.idx.msk [tilespmem:v6+s2+$0x0], $0xffff;
	v25 =	vmul.f32 v25, v25;
	v37 =	vadd.s32 $0x3FE0, v1;
	v54 =	vmul.f32 v33, v52  }
0x141: {  	v6 =	vld.idx.msk [tilespmem:v6+s16+$0x0], $0xffff;
	v60 =	vmul.f32 v34, v34;
	v32 =	vmul.f32 v55, v32;
	v35 =	vadd.f32 v36, v35  }
0x142: {  	v61 =	vld.idx.msk [tilespmem:v3+s2+$0x0], $0xffff;
	v44 =	vmul.f32 v38, v40;
	v48 =	vadd.f32 v23, v19;
	v26 =	vsub.f32 $1.500000000e+00, v54  }
0x143: {  	v52 =	vld.idx.msk [tilespmem:v8+s2+$0x0], $0xffff;
	v30 =	vmul.f32 v56, v56;
	v63 =	vsub.f32 $1.500000000e+00, v32;
	v45 =	vadd.f32 v62, v35  }
0x144: {  	v40 =	vadd.s32 $0x3FE0, v5;
	v23 =	vld.idx.msk [tilespmem:v9+s2+$0x0], $0xffff;
	v50 =	vsub.f32 $1.500000000e+00, v44;
	v19 =	vadd.f32 v49, v48  }
0x145: {  	v8 =	vld.idx.msk [tilespmem:v8+s16+$0x0], $0xffff;
	v25 =	vadd.f32 v25, v30;
	v26 =	vmul.f32 v33, v26;
	v33 =	vmax.f32 v45, $9.999999930e-09  }
0x146: {  	v62 =	vld.idx.msk [tilespmem:v2+s2+$0x0], $0xffff;
	v27 =	vmul.f32 v55, v63;
	v54 =	vmul.f32 v38, v50;
	v19 =	vmax.f32 v19, $9.999999930e-09  }
0x147: {  	v29 =	vld.idx.msk [tilespmem:v28+s2+$0x0], $0xffff;
	v25 =	vadd.f32 v60, v25;
	v46 =	vshrl.u32 v33, $0x1;
	v47 =	vmul.f32 $5.000000000e-01, v33  }
0x148: {  	v2 =	vld.idx.msk [tilespmem:v2+s16+$0x0], $0xffff;
	v57 =	vshrl.u32 v19, $0x1;
	v58 =	vmul.f32 $5.000000000e-01, v19;
	v59 =	vsub.f32 v52, v22  }
0x149: {  	v55 =	vld.idx.msk [tilespmem:v40+s2+$0x0], $0xffff;
	v51 =	vsub.s32 $0x5F3759DF, v46;
	v4 =	vmul.f32 v26, v21;
	v5 =	vmul.f32 v27, v20  }
0x14a: {  	v26 =	vld.idx.msk [tilespmem:v7+s2+$0x0], $0xffff;
	v31 =	vsub.s32 $0x5F3759DF, v57;
	v25 =	vmax.f32 v25, $9.999999930e-09;
	v53 =	vmul.f32 v51, v47  }
0x14b: {  	v36 =	vmul.f32 v31, v58;
	v38 =	vmul.f32 v59, v59;
	v47 =	vld.idx.msk [tilespmem:v37+s2+$0x0], $0xffff;
	v35 =	vsub.f32 v52, v62  }
0x14c: {  	v50 =	vshrl.u32 v25, $0x1;
	v22 =	vsub.f32 v22, v62;
	v62 =	vld.idx.msk [tilespmem:v37+s16+$0x0], $0xffff;
	v37 =	vsub.f32 v8, v6  }
0x14d: {  	v9 =	vld.idx.msk [tilespmem:v9+s16+$0x0], $0xffff;
	v8 =	vsub.f32 v8, v2;
	v21 =	vmul.f32 v51, v53;
	v46 =	vmul.f32 v31, v36  }
0x14e: {  	v7 =	vld.idx.msk [tilespmem:v7+s16+$0x0], $0xffff;
	v2 =	vsub.f32 v6, v2;
	v35 =	vmul.f32 v35, v35;
	v22 =	vmul.f32 v22, v22  }
0x14f: {  	v3 =	vld.idx.msk [tilespmem:v3+s16+$0x0], $0xffff;
	v8 =	vmul.f32 v8, v8;
	v63 =	vsub.f32 v55, v29;
	v1 =	vsub.f32 v23, v26  }
0x150: {  	v2 =	vmul.f32 v2, v2;
	v21 =	vsub.f32 $1.500000000e+00, v21;
	v30 =	vsub.f32 $1.500000000e+00, v46  }
0x151: {  	v23 =	vsub.f32 v23, v61;
	v26 =	vsub.f32 v26, v61;
	v49 =	vmul.f32 v63, v63  }
0x152: {  	v27 =	vsub.f32 v55, v47;
	v20 =	vsub.f32 v29, v47;
	v45 =	vmul.f32 v1, v1  }
0x153: {  	v63 =	vsub.f32 v9, v7;
	v1 =	vmul.f32 v54, v24;
	v21 =	vmul.f32 v51, v21  }
0x154: {  	v28 =	vld.idx.msk [tilespmem:v28+s16+$0x0], $0xffff;
	v9 =	vsub.f32 v9, v3;
	v51 =	vmul.f32 $5.000000000e-01, v25;
	v30 =	vmul.f32 v31, v30  }
0x155: {  	v3 =	vsub.f32 v7, v3;
	v23 =	vmul.f32 v23, v23;
	v26 =	vmul.f32 v26, v26  }
0x156: {  	v32 =	vsub.s32 $0x5F3759DF, v50;
	v55 =	vld.idx.msk [tilespmem:v40+s16+$0x0], $0xffff;
	v27 =	vmul.f32 v27, v27;
	v20 =	vmul.f32 v20, v20  }
0x157: {  	v9 =	vmul.f32 v9, v9;
	v3 =	vmul.f32 v3, v3;
	v48 =	vadd.f32 v38, v45  }
0x158: {  	v52 =	vmul.f32 v32, v51;
	v23 =	vadd.f32 v35, v23;
	v22 =	vadd.f32 v22, v26  }
0x159: {  	v21 =	vmul.f32 v21, v33;
	v45 =	vsub.f32 v28, v62;
	v43 =	vadd.f32 v8, v9  }
0x15a: {  	v19 =	vmul.f32 v30, v19;
	v2 =	vadd.f32 v2, v3;
	v24 =	vadd.f32 v49, v48  }
0x15b: {  	v31 =	vmul.f32 v32, v52;
	v23 =	vadd.f32 v27, v23;
	v39 =	vsub.f32 v55, v28  }
0x15c: {  	v20 =	vadd.f32 v20, v22;
	v41 =	vsub.f32 v55, v62;
	v3 =	vmul.f32 v45, v45  }
0x15d: {  	v24 =	vmax.f32 v24, $9.999999930e-09;
	v31 =	vsub.f32 $1.500000000e+00, v31;
	v23 =	vmax.f32 v23, $9.999999930e-09  }
0x15e: {  	v26 =	vmul.f32 v39, v39;
	v20 =	vmax.f32 v20, $9.999999930e-09;
	v44 =	vmul.f32 v41, v41  }
0x15f: {  	v2 =	vadd.f32 v3, v2;
	v53 =	vshrl.u32 v24, $0x1;
	v54 =	vmul.f32 $5.000000000e-01, v24  }
0x160: {  	v60 =	vshrl.u32 v23, $0x1;
	v38 =	vmul.f32 $5.000000000e-01, v23;
	v57 =	vmul.f32 v32, v31  }
0x161: {  	v47 =	vshrl.u32 v20, $0x1;
	v31 =	vmul.f32 v63, v63;
	v32 =	vmul.f32 v37, v37  }
0x162: {  	v49 =	vmul.f32 $5.000000000e-01, v20;
	v35 =	vsub.s32 $0x5F3759DF, v53;
	v61 =	vsub.s32 $0x5F3759DF, v60  }
0x163: {  	v7 =	vadd.f32 v44, v43;
	v48 =	vsub.s32 $0x5F3759DF, v47;
	v40 =	vadd.f32 v32, v31  }
0x164: {  	v2 =	vmax.f32 v2, $9.999999930e-09;
	v56 =	vmul.f32 v35, v54;
	v33 =	vmul.f32 v61, v38  }
0x165: {  	v54 =	vshrl.u32 v2, $0x1;
	v55 =	vmul.f32 $5.000000000e-01, v2;
	v42 =	vadd.f32 v26, v40  }
0x166: {  	v9 =	vmul.f32 v48, v49;
	v25 =	vmul.f32 v57, v25;
	v7 =	vmax.f32 v7, $9.999999930e-09  }
0x167: {  	v58 =	vmul.f32 v35, v56;
	v52 =	vshrl.u32 v7, $0x1;
	v6 =	vmax.f32 v42, $9.999999930e-09  }
0x168: {  	v53 =	vmul.f32 $5.000000000e-01, v7;
	v50 =	vshrl.u32 v6, $0x1;
	v51 =	vmul.f32 $5.000000000e-01, v6  }
0x169: {  	v46 =	vmul.f32 v61, v33;
	v26 =	vsub.s32 $0x5F3759DF, v52;
	v3 =	vsub.s32 $0x5F3759DF, v50  }
0x16a: {  	v31 =	vsub.s32 $0x5F3759DF, v54;
	v30 =	vmul.f32 v26, v53;
	v28 =	vmul.f32 v3, v51  }
0x16b: {  	v32 =	vmul.f32 v31, v55;
	v9 =	vmul.f32 v48, v9;
	v59 =	vsub.f32 $1.500000000e+00, v58  }
0x16c: {  	v22 =	vsub.f32 $1.500000000e+00, v46;
	v30 =	vmul.f32 v26, v30;
	v28 =	vmul.f32 v3, v28  }
0x16d: {  	v57 =	vmul.f32 v31, v32;
	v9 =	vsub.f32 $1.500000000e+00, v9;
	v27 =	vmul.f32 v35, v59  }
0x16e: {  	v22 =	vmul.f32 v61, v22;
	v56 =	vsub.f32 $1.500000000e+00, v30;
	v28 =	vsub.f32 $1.500000000e+00, v28  }
0x16f: {  	v59 =	vsub.f32 $1.500000000e+00, v57;
	v8 =	vmul.f32 v48, v9;
	v24 =	vmul.f32 v27, v24  }
0x170: {  	v17 =	vand.u32 $0x7FFFFFFF, v17;
	v58 =	vmul.f32 v26, v56;
	v3 =	vmul.f32 v3, v28  }
0x171: {  	v4 =	vsub.f32 v4, v21;
	v22 =	vmul.f32 v22, v23;
	v61 =	vmul.f32 v31, v59  }
0x172: {  	v17 =	vadd.f32 v17, v18;
	v7 =	vmul.f32 v58, v7;
	v3 =	vmul.f32 v3, v6  }
0x173: {  	v5 =	vsub.f32 v5, v19;
	v4 =	vand.u32 $0x7FFFFFFF, v4;
	v8 =	vmul.f32 v8, v20  }
0x174: {  	v2 =	vmul.f32 v61, v2;
	v7 =	vsub.f32 v22, v7;
	v3 =	vsub.f32 v24, v3  }
0x175: {  	v5 =	vand.u32 $0x7FFFFFFF, v5;
	v60 =	vsub.f32 v15, v16;
	v1 =	vsub.f32 v1, v25  }
0x176: {  	v2 =	vsub.f32 v8, v2;
	v7 =	vand.u32 $0x7FFFFFFF, v7;
	v3 =	vand.u32 $0x7FFFFFFF, v3  }
0x177: {  	v4 =	vadd.f32 v5, v4;
	v6 =	vand.u32 $0x7FFFFFFF, v60;
	v3 =	vadd.f32 v7, v3  }
0x178: {  	v1 =	vand.u32 $0x7FFFFFFF, v1;
	v2 =	vand.u32 $0x7FFFFFFF, v2;
	v62 =	vadd.f32 v17, v6  }
0x179: {  	v1 =	vadd.f32 v4, v1;
	v2 =	vadd.f32 v3, v2  }
0x17a: {  	v63 =	vadd.f32 v13, v12;
	v5 =	vadd.f32 v62, v14  }
0x17b: {  	v3 =	vadd.f32 v11, v10;
	v1 =	vadd.f32 v2, v1  }
0x17c: {  	p0 =	sne.s32 s24, $0xFFFFFFC0  }
.Ltmp2:
0x17d: {  	v2 =	vadd.f32 v63, v3;
	v1 =	vadd.f32 v1, v5;
	(pc) =	sbr.rel @p0 .LBB2_3-.Ltmp2, $3  }
0x17e: {  	_ = 	snop  }
0x17f: {  	v1 =	vadd.f32 v1, v2;
	_ =	sdelay $0x1  }
0x180: {  	s24 =	sadd.s32 $0x40, s24;
	v0 =	vadd.f32 v1, v0  }
0x181: {  	s24 =	sshll.u32 s23, $0x4;
	p0 =	seq.s32 s23, $0x7  }
0x182: {  	s25 =	sadd.s32 @!p0 s24, s10  }
0x183: {  	s25 =	smul.u32 @!p0 $0x124, s25;
	_ =	sdelay $0x1  }
0x184: {  	s28 =	simm.s32 @!p0 $0x0;
	s26 =	sadd.s32 @!p0 s3, s25  }
0x185: {  	[tilespmem:s28], [sflag:$0x1] =	stream.linear.gather @!p0 [hbm4b:s26+s28], $0x4900, $0x38;
	[tilespmem:$0x12D10] =	vst v63  }
0x186: {  	s25 =	sadd.s32 @!p0 s4, s25;
	s26 =	simm.s32 @!p0 $0x4900  }
0x187: {  	[tilespmem:s26], [sflag:$0x1] =	stream.linear.gather @!p0 [hbm4b:s25+s28], $0x4900, $0x38;
	[tilespmem:$0x12D10] =	vst v63  }
0x188: {  	_ =	swait.ge [sflag:s20], $0x4900  }
0x189: {  	[sflag:s20] =	ssyncset.done $0x0  }
0x18a: {  	[sflag:s20] =	ssyncadd.s32 $0xFFFFB700  }
0x18b: {  	_ =	swait.ge [sflag:s20], $0x4900  }
0x18c: {  	[sflag:s20] =	ssyncset.done $0x0  }
0x18d: {  	s25 =	simm.s32 $0xFFFFFC00;
	[sflag:s20] =	ssyncadd.s32 $0xFFFFB700  }
.LBB2_5:
0x18e: {  	s26 =	sshra.s32 s25, $0x2  }
0x18f: {  	v9 =	vld [tilespmem:s26+$0x12500]  }
0x190: {  	v8 =	vld [tilespmem:s26+$0x12600]  }
0x191: {  	v5 =	vld [tilespmem:s26+$0x12700]  }
0x192: {  	v7 =	vld [tilespmem:s26+$0x12800]  }
0x193: {  	v6 =	vld [tilespmem:s26+$0x12900]  }
0x194: {  	v4 =	vld [tilespmem:s26+$0x12A00]  }
0x195: {  	v3 =	vld [tilespmem:s26+$0x12B00]  }
0x196: {  	v2 =	vld [tilespmem:s26+$0x12C00]  }
0x197: {  	v1 =	vld [tilespmem:s26+$0x12D00]  }
0x198: {  	v10 =	vld.idx.msk [tilespmem:v9+s17+$0x0], $0xffff  }
0x199: {  	v11 =	vld.idx.msk [tilespmem:v8+s17+$0x0], $0xffff  }
0x19a: {  	v12 =	vld.idx.msk [tilespmem:v7+s17+$0x0], $0xffff  }
0x19b: {  	v13 =	vld.idx.msk [tilespmem:v6+s17+$0x0], $0xffff  }
0x19c: {  	v14 =	vld.idx.msk [tilespmem:v5+s17+$0x0], $0xffff  }
0x19d: {  	v15 =	vld.idx.msk [tilespmem:v4+s17+$0x0], $0xffff  }
0x19e: {  	v16 =	vld.idx.msk [tilespmem:v3+s17+$0x0], $0xffff  }
0x19f: {  	v17 =	vld.idx.msk [tilespmem:v2+s17+$0x0], $0xffff  }
0x1a0: {  	v20 =	vld.idx.msk [tilespmem:v1+s17+$0x0], $0xffff  }
0x1a1: {  	v47 =	vld.idx.msk [tilespmem:v9+s18+$0x0], $0xffff  }
0x1a2: {  	v49 =	vld.idx.msk [tilespmem:v8+s18+$0x0], $0xffff  }
0x1a3: {  	v52 =	vld.idx.msk [tilespmem:v7+s18+$0x0], $0xffff  }
0x1a4: {  	v54 =	vld.idx.msk [tilespmem:v6+s18+$0x0], $0xffff  }
0x1a5: {  	v55 =	vld.idx.msk [tilespmem:v5+s18+$0x0], $0xffff;
	v18 =	vsub.f32 v10, v12;
	v19 =	vsub.f32 v11, v13  }
0x1a6: {  	v30 =	vadd.s32 $0x920, v5;
	v57 =	vld.idx.msk [tilespmem:v4+s18+$0x0], $0xffff;
	v21 =	vsub.f32 v14, v15;
	v10 =	vsub.f32 v10, v16  }
0x1a7: {  	v31 =	vadd.s32 $0x920, v3;
	v28 =	vld.idx.msk [tilespmem:v3+s18+$0x0], $0xffff;
	v11 =	vsub.f32 v11, v17;
	v14 =	vsub.f32 v14, v20  }
0x1a8: {  	v33 =	vadd.s32 $0x920, v2;
	v29 =	vld.idx.msk [tilespmem:v2+s18+$0x0], $0xffff;
	v12 =	vsub.f32 v12, v16;
	v13 =	vsub.f32 v13, v17  }
0x1a9: {  	v35 =	vadd.s32 $0x920, v1;
	v60 =	vld.idx.msk [tilespmem:v1+s18+$0x0], $0xffff;
	v46 =	vsub.f32 v15, v20;
	v25 =	vsub.f32 v47, v52  }
0x1aa: {  	v26 =	vsub.f32 v49, v54;
	v18 =	vmul.f32 v18, v18;
	v19 =	vmul.f32 v19, v19  }
0x1ab: {  	v27 =	vsub.f32 v55, v57;
	v43 =	vmul.f32 v21, v21;
	v10 =	vmul.f32 v10, v10  }
0x1ac: {  	v15 =	vsub.f32 v47, v28;
	v11 =	vmul.f32 v11, v11;
	v45 =	vmul.f32 v14, v14  }
0x1ad: {  	v17 =	vsub.f32 v54, v29;
	v12 =	vmul.f32 v12, v12;
	v13 =	vmul.f32 v13, v13  }
0x1ae: {  	v47 =	vsub.f32 v57, v60;
	v25 =	vmul.f32 v25, v25;
	v26 =	vmul.f32 v26, v26  }
0x1af: {  	v51 =	vmul.f32 v46, v46;
	v18 =	vadd.f32 v19, v18;
	v10 =	vadd.f32 v11, v10  }
0x1b0: {  	v58 =	vmul.f32 v27, v27;
	v50 =	vadd.f32 v13, v12;
	v25 =	vadd.f32 v26, v25  }
0x1b1: {  	v15 =	vmul.f32 v15, v15;
	v19 =	vsub.f32 v49, v29;
	v12 =	vsub.f32 v55, v60  }
0x1b2: {  	v17 =	vmul.f32 v17, v17;
	v13 =	vsub.f32 v52, v28;
	v18 =	vadd.f32 v43, v18  }
0x1b3: {  	v29 =	vadd.s32 $0x920, v4;
	v10 =	vadd.f32 v45, v10;
	v11 =	vadd.f32 v51, v50  }
0x1b4: {  	v41 =	vld.idx.msk [tilespmem:v35+s17+$0x0], $0xffff;
	v25 =	vadd.f32 v58, v25;
	v19 =	vmul.f32 v19, v19;
	v12 =	vmul.f32 v12, v12  }
0x1b5: {  	v52 =	vld.idx.msk [tilespmem:v30+s17+$0x0], $0xffff;
	v45 =	vadd.s32 $0x920, v6;
	v13 =	vmul.f32 v13, v13;
	v51 =	vmul.f32 v47, v47  }
0x1b6: {  	v47 =	vld.idx.msk [tilespmem:v30+s18+$0x0], $0xffff;
	v30 =	vadd.s32 $0x1240, v7;
	v44 =	vmax.f32 v18, $9.999999930e-09;
	v10 =	vmax.f32 v10, $9.999999930e-09  }
0x1b7: {  	v11 =	vmax.f32 v11, $9.999999930e-09;
	v63 =	vmax.f32 v25, $9.999999930e-09;
	v25 =	vadd.s32 $0x920, v7  }
0x1b8: {  	v15 =	vadd.f32 v19, v15;
	v13 =	vadd.f32 v17, v13;
	v48 =	vshrl.u32 v44, $0x1  }
0x1b9: {  	v18 =	vmul.f32 $5.000000000e-01, v44;
	v56 =	vshrl.u32 v10, $0x1;
	v22 =	vmul.f32 $5.000000000e-01, v10  }
0x1ba: {  	v23 =	vshrl.u32 v11, $0x1;
	v24 =	vmul.f32 $5.000000000e-01, v11;
	v32 =	vmul.f32 $5.000000000e-01, v63  }
0x1bb: {  	v19 =	vsub.f32 v52, v41;
	v53 =	vsub.s32 $0x5F3759DF, v48;
	v20 =	vsub.s32 $0x5F3759DF, v56  }
0x1bc: {  	v34 =	vld.idx.msk [tilespmem:v29+s17+$0x0], $0xffff;
	v23 =	vsub.s32 $0x5F3759DF, v23;
	v12 =	vadd.f32 v12, v15;
	v18 =	vmul.f32 v53, v18  }
0x1bd: {  	v13 =	vadd.f32 v51, v13;
	v56 =	vld.idx.msk [tilespmem:v33+s17+$0x0], $0xffff;
	v22 =	vmul.f32 v20, v22;
	v24 =	vmul.f32 v23, v24  }
0x1be: {  	v50 =	vld.idx.msk [tilespmem:v45+s17+$0x0], $0xffff;
	v19 =	vmul.f32 v19, v19;
	v12 =	vmax.f32 v12, $9.999999930e-09;
	v18 =	vmul.f32 v53, v18  }
0x1bf: {  	v13 =	vmax.f32 v13, $9.999999930e-09;
	v22 =	vmul.f32 v20, v22;
	v24 =	vmul.f32 v23, v24  }
0x1c0: {  	v55 =	vld.idx.msk [tilespmem:v31+s17+$0x0], $0xffff;
	v38 =	vmul.f32 $5.000000000e-01, v12;
	v39 =	vshrl.u32 v13, $0x1;
	v40 =	vmul.f32 $5.000000000e-01, v13  }
0x1c1: {  	v49 =	vld.idx.msk [tilespmem:v25+s17+$0x0], $0xffff;
	v42 =	vsub.f32 v52, v34;
	v39 =	vsub.s32 $0x5F3759DF, v39;
	v18 =	vsub.f32 $1.500000000e+00, v18  }
0x1c2: {  	v59 =	vsub.f32 $1.500000000e+00, v22;
	v24 =	vsub.f32 $1.500000000e+00, v24;
	v40 =	vmul.f32 v39, v40  }
0x1c3: {  	v57 =	vmul.f32 v42, v42;
	v15 =	vsub.f32 v50, v56;
	v14 =	vmul.f32 v53, v18  }
0x1c4: {  	v61 =	vmul.f32 v20, v59;
	v18 =	vadd.s32 $0x920, v9;
	v62 =	vmul.f32 v23, v24  }
0x1c5: {  	v24 =	vadd.s32 $0x920, v8;
	v53 =	vshrl.u32 v12, $0x1;
	v60 =	vmul.f32 v39, v40  }
0x1c6: {  	v16 =	vsub.s32 $0x5F3759DF, v53;
	v20 =	vsub.f32 v49, v55;
	v15 =	vmul.f32 v15, v15  }
0x1c7: {  	v43 =	vld.idx.msk [tilespmem:v45+s18+$0x0], $0xffff;
	v14 =	vmul.f32 v14, v44;
	v44 =	vshrl.u32 v63, $0x1;
	v38 =	vmul.f32 v16, v38  }
0x1c8: {  	v40 =	vld.idx.msk [tilespmem:v25+s18+$0x0], $0xffff;
	v11 =	vmul.f32 v62, v11;
	v62 =	vsub.f32 $1.500000000e+00, v60;
	v26 =	vsub.s32 $0x5F3759DF, v44  }
0x1c9: {  	v51 =	vsub.f32 v34, v41;
	v32 =	vmul.f32 v26, v32;
	v59 =	vmul.f32 v16, v38;
	v46 =	vld.idx.msk [tilespmem:v18+s17+$0x0], $0xffff  }
0x1ca: {  	v34 =	vadd.s32 $0x1240, v3;
	v20 =	vmul.f32 v20, v20;
	v28 =	vmul.f32 v39, v62;
	v48 =	vld.idx.msk [tilespmem:v24+s17+$0x0], $0xffff  }
0x1cb: {  	v10 =	vmul.f32 v61, v10;
	v18 =	vld.idx.msk [tilespmem:v18+s18+$0x0], $0xffff;
	v54 =	vmul.f32 v26, v32;
	v61 =	vsub.f32 $1.500000000e+00, v59  }
0x1cc: {  	v38 =	vld.idx.msk [tilespmem:v24+s18+$0x0], $0xffff;
	v15 =	vadd.f32 v15, v20;
	v24 =	vadd.s32 $0x1240, v4;
	v13 =	vmul.f32 v28, v13  }
0x1cd: {  	v32 =	vadd.s32 $0x1240, v6;
	v17 =	vsub.f32 $1.500000000e+00, v54;
	v16 =	vmul.f32 v16, v61  }
0x1ce: {  	v54 =	vmul.f32 v51, v51;
	v11 =	vsub.f32 v11, v13;
	v36 =	vsub.f32 v46, v49  }
0x1cf: {  	v37 =	vsub.f32 v48, v50;
	v17 =	vmul.f32 v26, v17;
	v58 =	vsub.f32 v46, v55  }
0x1d0: {  	v21 =	vsub.f32 v48, v56;
	v12 =	vmul.f32 v16, v12;
	v52 =	vsub.f32 v18, v40  }
0x1d1: {  	v53 =	vsub.f32 v38, v43;
	v15 =	vadd.f32 v54, v15;
	v36 =	vmul.f32 v36, v36  }
0x1d2: {  	v48 =	vld.idx.msk [tilespmem:v29+s18+$0x0], $0xffff;
	v11 =	vand.u32 $0x7FFFFFFF, v11;
	v37 =	vmul.f32 v37, v37;
	v26 =	vmul.f32 v58, v58  }
0x1d3: {  	v56 =	vld.idx.msk [tilespmem:v31+s18+$0x0], $0xffff;
	v21 =	vmul.f32 v21, v21;
	v17 =	vmul.f32 v17, v63;
	v10 =	vsub.f32 v10, v12  }
0x1d4: {  	v28 =	vmul.f32 v52, v52;
	v29 =	vmul.f32 v53, v53;
	v15 =	vmax.f32 v15, $9.999999930e-09  }
0x1d5: {  	v58 =	vld.idx.msk [tilespmem:v35+s18+$0x0], $0xffff;
	v35 =	vadd.s32 $0x1240, v1;
	v59 =	vshrl.u32 v15, $0x1;
	v36 =	vadd.f32 v37, v36  }
0x1d6: {  	v60 =	vmul.f32 $5.000000000e-01, v15;
	v21 =	vadd.f32 v21, v26;
	v14 =	vsub.f32 v14, v17  }
0x1d7: {  	v10 =	vand.u32 $0x7FFFFFFF, v10;
	v28 =	vadd.f32 v29, v28;
	v61 =	vsub.s32 $0x5F3759DF, v59  }
0x1d8: {  	v29 =	vadd.s32 $0x1240, v8;
	v55 =	vsub.f32 v47, v48;
	v18 =	vsub.f32 v18, v56  }
0x1d9: {  	v20 =	vsub.f32 v40, v56;
	v36 =	vadd.f32 v57, v36;
	v14 =	vand.u32 $0x7FFFFFFF, v14  }
0x1da: {  	v62 =	vmul.f32 v61, v60;
	v19 =	vadd.f32 v19, v21;
	v10 =	vadd.f32 v10, v14  }
0x1db: {  	v26 =	vmul.f32 v55, v55;
	v27 =	vsub.f32 v47, v58;
	v18 =	vmul.f32 v18, v18  }
0x1dc: {  	v57 =	vld.idx.msk [tilespmem:v33+s18+$0x0], $0xffff;
	v17 =	vmul.f32 v61, v62;
	v22 =	vsub.f32 v48, v58;
	v36 =	vmax.f32 v36, $9.999999930e-09  }
0x1dd: {  	v20 =	vmul.f32 v20, v20;
	v42 =	vmax.f32 v19, $9.999999930e-09;
	v63 =	vshrl.u32 v36, $0x1  }
0x1de: {  	v37 =	vmul.f32 $5.000000000e-01, v36;
	v45 =	vshrl.u32 v42, $0x1;
	v46 =	vmul.f32 $5.000000000e-01, v42  }
0x1df: {  	v26 =	vadd.f32 v26, v28;
	v17 =	vsub.f32 $1.500000000e+00, v17;
	v23 =	vsub.s32 $0x5F3759DF, v63  }
0x1e0: {  	v47 =	vmul.f32 v22, v22;
	v25 =	vsub.s32 $0x5F3759DF, v45;
	v39 =	vmul.f32 v23, v37  }
0x1e1: {  	v50 =	vmul.f32 v25, v46;
	v63 =	vmax.f32 v26, $9.999999930e-09;
	v21 =	vsub.f32 v38, v57  }
0x1e2: {  	v26 =	vadd.s32 $0x1240, v9;
	v46 =	vmul.f32 v27, v27;
	v27 =	vadd.s32 $0x1240, v5  }
0x1e3: {  	v14 =	vsub.f32 v43, v57;
	v44 =	vshrl.u32 v63, $0x1;
	v45 =	vmul.f32 $5.000000000e-01, v63  }
0x1e4: {  	v16 =	vmul.f32 v23, v39;
	v21 =	vmul.f32 v21, v21;
	v28 =	vsub.s32 $0x5F3759DF, v44  }
0x1e5: {  	v33 =	vld.idx.msk [tilespmem:v32+s17+$0x0], $0xffff;
	v10 =	vadd.f32 v10, v11;
	v14 =	vmul.f32 v14, v14;
	v31 =	vmul.f32 v28, v45  }
0x1e6: {  	v37 =	vld.idx.msk [tilespmem:v24+s17+$0x0], $0xffff;
	v49 =	vsub.f32 $1.500000000e+00, v16;
	v16 =	vmul.f32 v25, v50;
	v18 =	vadd.f32 v21, v18  }
0x1e7: {  	v38 =	vadd.s32 $0x1240, v2;
	v13 =	vmul.f32 v61, v17;
	v21 =	vld.idx.msk [tilespmem:v29+s17+$0x0], $0xffff;
	v14 =	vadd.f32 v14, v20  }
0x1e8: {  	v19 =	vld.idx.msk [tilespmem:v26+s17+$0x0], $0xffff;
	v31 =	vmul.f32 v28, v31;
	v16 =	vsub.f32 $1.500000000e+00, v16;
	v18 =	vadd.f32 v46, v18  }
0x1e9: {  	v13 =	vmul.f32 v13, v15;
	v22 =	vld.idx.msk [tilespmem:v27+s17+$0x0], $0xffff;
	v12 =	vmul.f32 v23, v49;
	v14 =	vadd.f32 v47, v14  }
0x1ea: {  	v23 =	vld.idx.msk [tilespmem:v30+s17+$0x0], $0xffff;
	v51 =	vsub.f32 $1.500000000e+00, v31;
	v16 =	vmul.f32 v25, v16;
	v18 =	vmax.f32 v18, $9.999999930e-09  }
0x1eb: {  	v57 =	vld.idx.msk [tilespmem:v34+s17+$0x0], $0xffff;
	v12 =	vmul.f32 v12, v36;
	v14 =	vmax.f32 v14, $9.999999930e-09;
	v48 =	vshrl.u32 v18, $0x1  }
0x1ec: {  	v60 =	vld.idx.msk [tilespmem:v35+s17+$0x0], $0xffff;
	v49 =	vmul.f32 $5.000000000e-01, v18;
	v54 =	vsub.f32 v21, v33;
	v56 =	vmul.f32 $5.000000000e-01, v14  }
0x1ed: {  	v55 =	vshrl.u32 v14, $0x1;
	v20 =	vmul.f32 v28, v51;
	v16 =	vmul.f32 v16, v42  }
0x1ee: {  	v43 =	vld.idx.msk [tilespmem:v38+s17+$0x0], $0xffff;
	v50 =	vsub.s32 $0x5F3759DF, v48;
	v44 =	vsub.f32 v22, v37;
	v59 =	vsub.s32 $0x5F3759DF, v55  }
0x1ef: {  	v52 =	vmul.f32 v50, v49;
	v53 =	vsub.f32 v19, v23;
	v39 =	vmul.f32 v54, v54  }
0x1f0: {  	v24 =	vld.idx.msk [tilespmem:v24+s18+$0x0], $0xffff;
	v40 =	vmul.f32 v59, v56;
	v63 =	vmul.f32 v20, v63;
	v56 =	vsub.f32 v23, v57  }
0x1f1: {  	v47 =	vld.idx.msk [tilespmem:v26+s18+$0x0], $0xffff;
	v61 =	vmul.f32 v44, v44;
	v44 =	vsub.f32 v22, v60;
	v31 =	vmul.f32 v50, v52  }
0x1f2: {  	v55 =	vld.idx.msk [tilespmem:v27+s18+$0x0], $0xffff;
	v60 =	vsub.f32 v37, v60;
	v36 =	vmul.f32 v53, v53;
	v28 =	vmul.f32 v59, v40  }
0x1f3: {  	v40 =	vsub.f32 v21, v43;
	v12 =	vsub.f32 v12, v63;
	v53 =	vld.idx.msk [tilespmem:v32+s18+$0x0], $0xffff;
	v32 =	vadd.s32 $0x1B60, v4  }
0x1f4: {  	v49 =	vld.idx.msk [tilespmem:v29+s18+$0x0], $0xffff;
	v48 =	vmul.f32 v44, v44;
	v58 =	vsub.f32 $1.500000000e+00, v31;
	v36 =	vadd.f32 v39, v36  }
0x1f5: {  	v37 =	vld.idx.msk [tilespmem:v38+s18+$0x0], $0xffff;
	v63 =	vmul.f32 v60, v60;
	v39 =	vsub.f32 v19, v57;
	v20 =	vsub.f32 $1.500000000e+00, v28  }
0x1f6: {  	v52 =	vld.idx.msk [tilespmem:v30+s18+$0x0], $0xffff;
	v19 =	vmul.f32 v40, v40;
	v12 =	vand.u32 $0x7FFFFFFF, v12;
	v57 =	vsub.f32 v33, v43  }
0x1f7: {  	v38 =	vsub.f32 v55, v24;
	v28 =	vadd.s32 $0x1B60, v5;
	v31 =	vadd.s32 $0x1B60, v6  }
0x1f8: {  	v33 =	vadd.s32 $0x1B60, v3;
	v62 =	vmul.f32 v50, v58;
	v50 =	vmul.f32 v59, v20  }
0x1f9: {  	v36 =	vadd.f32 v61, v36;
	v20 =	vmul.f32 v56, v56;
	v23 =	vmul.f32 v57, v57  }
0x1fa: {  	v43 =	vld.idx.msk [tilespmem:v35+s18+$0x0], $0xffff;
	v41 =	vmul.f32 v38, v38;
	v21 =	vsub.f32 v49, v37;
	v38 =	vadd.s32 $0x1B60, v1  }
0x1fb: {  	v61 =	vsub.f32 v47, v52;
	v15 =	vmul.f32 v62, v18;
	v17 =	vmax.f32 v36, $9.999999930e-09  }
0x1fc: {  	v18 =	vmul.f32 v39, v39;
	v11 =	vmul.f32 v50, v14;
	v62 =	vsub.f32 v49, v53  }
0x1fd: {  	v20 =	vadd.f32 v23, v20;
	v36 =	vld.idx.msk [tilespmem:v34+s18+$0x0], $0xffff;
	v21 =	vmul.f32 v21, v21;
	v34 =	vadd.s32 $0x1B60, v2  }
0x1fe: {  	v45 =	vshrl.u32 v17, $0x1;
	v46 =	vmul.f32 $5.000000000e-01, v17;
	v29 =	vmul.f32 v61, v61  }
0x1ff: {  	v24 =	vsub.f32 v24, v43;
	v15 =	vsub.f32 v16, v15;
	v16 =	vsub.s32 $0x5F3759DF, v45  }
0x200: {  	v18 =	vadd.f32 v19, v18;
	v30 =	vmul.f32 v62, v62;
	v20 =	vadd.f32 v63, v20  }
0x201: {  	v11 =	vsub.f32 v13, v11;
	v19 =	vsub.f32 v53, v37;
	v51 =	vmul.f32 v16, v46  }
0x202: {  	v49 =	vmul.f32 v24, v24;
	v15 =	vand.u32 $0x7FFFFFFF, v15;
	v18 =	vadd.f32 v48, v18  }
0x203: {  	v40 =	vadd.f32 v30, v29;
	v30 =	vadd.s32 $0x1B60, v9;
	v29 =	vadd.s32 $0x1B60, v7  }
0x204: {  	v19 =	vmul.f32 v19, v19;
	v11 =	vand.u32 $0x7FFFFFFF, v11;
	v12 =	vadd.f32 v15, v12  }
0x205: {  	v54 =	vmul.f32 v16, v51;
	v44 =	vsub.f32 v47, v36;
	v15 =	vsub.f32 v55, v43  }
0x206: {  	v22 =	vsub.f32 v52, v36;
	v18 =	vmax.f32 v18, $9.999999930e-09;
	v13 =	vadd.f32 v41, v40  }
0x207: {  	v14 =	vsub.f32 $1.500000000e+00, v54;
	v58 =	vshrl.u32 v18, $0x1;
	v59 =	vmul.f32 $5.000000000e-01, v18  }
0x208: {  	v23 =	vmul.f32 v44, v44;
	v15 =	vmul.f32 v15, v15;
	v26 =	vsub.s32 $0x5F3759DF, v58  }
0x209: {  	v22 =	vmul.f32 v22, v22;
	v13 =	vmax.f32 v13, $9.999999930e-09;
	v27 =	vmul.f32 v26, v59  }
0x20a: {  	v14 =	vmul.f32 v16, v14;
	v46 =	vshrl.u32 v13, $0x1;
	v21 =	vadd.f32 v21, v23  }
0x20b: {  	v37 =	vld.idx.msk [tilespmem:v31+s17+$0x0], $0xffff;
	v23 =	vadd.s32 $0x1B60, v8;
	v19 =	vadd.f32 v19, v22;
	v39 =	vmul.f32 v26, v27  }
0x20c: {  	v48 =	vld.idx.msk [tilespmem:v30+s17+$0x0], $0xffff;
	v14 =	vmul.f32 v14, v17;
	v17 =	vmax.f32 v20, $9.999999930e-09;
	v15 =	vadd.f32 v15, v21  }
0x20d: {  	v22 =	vld.idx.msk [tilespmem:v29+s17+$0x0], $0xffff;
	v19 =	vadd.f32 v49, v19;
	v20 =	vshrl.u32 v17, $0x1;
	v42 =	vmul.f32 $5.000000000e-01, v17  }
0x20e: {  	v52 =	vld.idx.msk [tilespmem:v28+s17+$0x0], $0xffff;
	v47 =	vmul.f32 $5.000000000e-01, v13;
	v16 =	vsub.f32 $1.500000000e+00, v39;
	v20 =	vsub.s32 $0x5F3759DF, v20  }
0x20f: {  	v40 =	vld.idx.msk [tilespmem:v34+s17+$0x0], $0xffff;
	v15 =	vmax.f32 v15, $9.999999930e-09;
	v19 =	vmax.f32 v19, $9.999999930e-09;
	v45 =	vmul.f32 v20, v42  }
0x210: {  	v39 =	vld.idx.msk [tilespmem:v32+s17+$0x0], $0xffff;
	v53 =	vshrl.u32 v15, $0x1;
	v54 =	vmul.f32 $5.000000000e-01, v15;
	v55 =	vshrl.u32 v19, $0x1  }
0x211: {  	v50 =	vld.idx.msk [tilespmem:v23+s17+$0x0], $0xffff;
	v56 =	vmul.f32 $5.000000000e-01, v19;
	v16 =	vmul.f32 v26, v16;
	v26 =	vsub.s32 $0x5F3759DF, v46  }
0x212: {  	v42 =	vld.idx.msk [tilespmem:v33+s17+$0x0], $0xffff;
	v58 =	vsub.f32 v48, v22;
	v35 =	vsub.s32 $0x5F3759DF, v53;
	v27 =	vmul.f32 v26, v47  }
0x213: {  	v57 =	vsub.s32 $0x5F3759DF, v55;
	v51 =	vmul.f32 v20, v45;
	v36 =	vmul.f32 v35, v54  }
0x214: {  	v11 =	vadd.f32 v12, v11;
	v41 =	vmul.f32 v57, v56;
	v43 =	vmul.f32 v58, v58  }
0x215: {  	v54 =	vld.idx.msk [tilespmem:v30+s18+$0x0], $0xffff;
	v58 =	vsub.f32 v37, v40;
	v30 =	vadd.s32 $0x2480, v4;
	v16 =	vmul.f32 v16, v18  }
0x216: {  	v27 =	vmul.f32 v26, v27;
	v18 =	vsub.f32 $1.500000000e+00, v51;
	v62 =	vsub.f32 v52, v39  }
0x217: {  	v36 =	vmul.f32 v35, v36;
	v59 =	vsub.f32 v50, v37;
	v21 =	vsub.f32 v48, v42  }
0x218: {  	v23 =	vld.idx.msk [tilespmem:v23+s18+$0x0], $0xffff;
	v61 =	vmul.f32 v57, v41;
	v24 =	vsub.f32 v50, v40;
	v22 =	vsub.f32 v22, v42  }
0x219: {  	v42 =	vld.idx.msk [tilespmem:v34+s18+$0x0], $0xffff;
	v27 =	vsub.f32 $1.500000000e+00, v27;
	v18 =	vmul.f32 v20, v18;
	v41 =	vmul.f32 v62, v62  }
0x21a: {  	v20 =	vld.idx.msk [tilespmem:v38+s17+$0x0], $0xffff;
	v63 =	vsub.f32 $1.500000000e+00, v61;
	v44 =	vmul.f32 v59, v59;
	v21 =	vmul.f32 v21, v21  }
0x21b: {  	v60 =	vsub.f32 $1.500000000e+00, v36;
	v62 =	vld.idx.msk [tilespmem:v28+s18+$0x0], $0xffff;
	v24 =	vmul.f32 v24, v24;
	v22 =	vmul.f32 v22, v22  }
0x21c: {  	v59 =	vld.idx.msk [tilespmem:v31+s18+$0x0], $0xffff;
	v31 =	vadd.s32 $0x2480, v7;
	v26 =	vmul.f32 v26, v27;
	v47 =	vmul.f32 v57, v63  }
0x21d: {  	v17 =	vmul.f32 v18, v17;
	v57 =	vld.idx.msk [tilespmem:v29+s18+$0x0], $0xffff;
	v27 =	vmul.f32 v58, v58;
	v45 =	vadd.f32 v44, v43  }
0x21e: {  	v21 =	vadd.f32 v24, v21;
	v44 =	vld.idx.msk [tilespmem:v38+s18+$0x0], $0xffff;
	v38 =	vadd.s32 $0x2480, v1;
	v13 =	vmul.f32 v26, v13  }
0x21f: {  	v63 =	vld.idx.msk [tilespmem:v32+s18+$0x0], $0xffff;
	v26 =	vmul.f32 v35, v60;
	v37 =	vadd.f32 v27, v22;
	v25 =	vsub.f32 v52, v20  }
0x220: {  	v48 =	vadd.f32 v41, v45;
	v20 =	vsub.f32 v39, v20;
	v41 =	vld.idx.msk [tilespmem:v33+s18+$0x0], $0xffff;
	v33 =	vadd.s32 $0x2480, v6  }
0x221: {  	v46 =	vmul.f32 v26, v15;
	v15 =	vmul.f32 v47, v19;
	v13 =	vsub.f32 v14, v13  }
0x222: {  	v40 =	vsub.f32 v23, v59;
	v23 =	vsub.f32 v23, v42;
	v49 =	vmul.f32 v25, v25  }
0x223: {  	v50 =	vmax.f32 v48, $9.999999930e-09;
	v20 =	vmul.f32 v20, v20;
	v39 =	vsub.f32 v54, v57  }
0x224: {  	v43 =	vsub.f32 v62, v63;
	v12 =	vsub.f32 v16, v46;
	v13 =	vand.u32 $0x7FFFFFFF, v13  }
0x225: {  	v52 =	vshrl.u32 v50, $0x1;
	v53 =	vmul.f32 $5.000000000e-01, v50;
	v15 =	vsub.f32 v17, v15  }
0x226: {  	v27 =	vmul.f32 v40, v40;
	v25 =	vsub.f32 v62, v44;
	v23 =	vmul.f32 v23, v23  }
0x227: {  	v40 =	vadd.s32 $0x2480, v2;
	v51 =	vadd.f32 v49, v21;
	v18 =	vsub.s32 $0x5F3759DF, v52  }
0x228: {  	v22 =	vmul.f32 v39, v39;
	v45 =	vmul.f32 v43, v43;
	v12 =	vand.u32 $0x7FFFFFFF, v12  }
0x229: {  	v19 =	vmul.f32 v18, v53;
	v15 =	vand.u32 $0x7FFFFFFF, v15;
	v21 =	vsub.f32 v54, v41  }
0x22a: {  	v49 =	vmul.f32 v25, v25;
	v25 =	vadd.s32 $0x2480, v5;
	v16 =	vmax.f32 v51, $9.999999930e-09  }
0x22b: {  	v12 =	vadd.f32 v12, v13;
	v22 =	vadd.f32 v27, v22;
	v27 =	vadd.s32 $0x2480, v8  }
0x22c: {  	v55 =	vshrl.u32 v16, $0x1;
	v56 =	vmul.f32 $5.000000000e-01, v16;
	v60 =	vmul.f32 v18, v19  }
0x22d: {  	v19 =	vadd.f32 v20, v37;
	v21 =	vmul.f32 v21, v21;
	v24 =	vsub.s32 $0x5F3759DF, v55  }
0x22e: {  	v20 =	vsub.f32 v57, v41;
	v22 =	vadd.f32 v45, v22;
	v61 =	vmul.f32 v24, v56  }
0x22f: {  	v13 =	vsub.f32 $1.500000000e+00, v60;
	v19 =	vmax.f32 v19, $9.999999930e-09;
	v21 =	vadd.f32 v23, v21  }
0x230: {  	v20 =	vmul.f32 v20, v20;
	v46 =	vshrl.u32 v19, $0x1;
	v47 =	vmul.f32 $5.000000000e-01, v19  }
0x231: {  	v22 =	vmax.f32 v22, $9.999999930e-09;
	v36 =	vmul.f32 v24, v61;
	v13 =	vmul.f32 v18, v13  }
0x232: {  	v48 =	vshrl.u32 v22, $0x1;
	v51 =	vmul.f32 $5.000000000e-01, v22;
	v21 =	vadd.f32 v49, v21  }
0x233: {  	v35 =	vld.idx.msk [tilespmem:v33+s17+$0x0], $0xffff;
	v18 =	vsub.f32 v63, v44;
	v32 =	vsub.s32 $0x5F3759DF, v48;
	v17 =	vsub.f32 $1.500000000e+00, v36  }
0x234: {  	v52 =	vld.idx.msk [tilespmem:v27+s17+$0x0], $0xffff;
	v13 =	vmul.f32 v13, v50;
	v50 =	vsub.f32 v59, v42;
	v34 =	vmul.f32 v32, v51  }
0x235: {  	v21 =	vmax.f32 v21, $9.999999930e-09;
	v18 =	vmul.f32 v18, v18;
	v36 =	vadd.s32 $0x2480, v3  }
0x236: {  	v53 =	vshrl.u32 v21, $0x1;
	v54 =	vmul.f32 $5.000000000e-01, v21;
	v26 =	vmul.f32 v50, v50  }
0x237: {  	v39 =	vld.idx.msk [tilespmem:v30+s17+$0x0], $0xffff;
	v17 =	vmul.f32 v24, v17;
	v24 =	vadd.s32 $0x2480, v9;
	v37 =	vsub.s32 $0x5F3759DF, v53  }
0x238: {  	v55 =	vmul.f32 v32, v34;
	v56 =	vmul.f32 v37, v54;
	v20 =	vadd.f32 v26, v20;
	v26 =	vld.idx.msk [tilespmem:v25+s17+$0x0], $0xffff  }
0x239: {  	v58 =	vsub.f32 v52, v35;
	v14 =	vmul.f32 v17, v16;
	v16 =	vsub.s32 $0x5F3759DF, v46  }
0x23a: {  	v46 =	vld.idx.msk [tilespmem:v40+s17+$0x0], $0xffff;
	v17 =	vmul.f32 v16, v47;
	v34 =	vmul.f32 v37, v56;
	v18 =	vadd.f32 v18, v20  }
0x23b: {  	v12 =	vadd.f32 v12, v15;
	v48 =	vld.idx.msk [tilespmem:v38+s17+$0x0], $0xffff;
	v42 =	vmul.f32 v58, v58;
	v20 =	vsub.f32 $1.500000000e+00, v55  }
0x23c: {  	v28 =	vld.idx.msk [tilespmem:v31+s17+$0x0], $0xffff;
	v17 =	vmul.f32 v16, v17;
	v34 =	vsub.f32 $1.500000000e+00, v34;
	v18 =	vmax.f32 v18, $9.999999930e-09  }
0x23d: {  	v29 =	vld.idx.msk [tilespmem:v24+s17+$0x0], $0xffff;
	v59 =	vshrl.u32 v18, $0x1;
	v60 =	vmul.f32 $5.000000000e-01, v18;
	v47 =	vsub.f32 v26, v39  }
0x23e: {  	v45 =	vld.idx.msk [tilespmem:v36+s17+$0x0], $0xffff;
	v63 =	vmul.f32 v32, v20;
	v17 =	vsub.f32 $1.500000000e+00, v17;
	v43 =	vsub.s32 $0x5F3759DF, v59  }
0x23f: {  	v23 =	vsub.f32 v52, v46;
	v44 =	vmul.f32 v43, v60;
	v61 =	vmul.f32 v47, v47  }
0x240: {  	v26 =	vsub.f32 v26, v48;
	v62 =	vmul.f32 v16, v17;
	v47 =	vmul.f32 v37, v34  }
0x241: {  	v55 =	vld.idx.msk [tilespmem:v27+s18+$0x0], $0xffff;
	v39 =	vsub.f32 v39, v48;
	v16 =	vmul.f32 v63, v22;
	v23 =	vmul.f32 v23, v23  }
0x242: {  	v59 =	vld.idx.msk [tilespmem:v33+s18+$0x0], $0xffff;
	v54 =	vmul.f32 v26, v26;
	v34 =	vadd.s32 $0x2DA0, v4;
	v57 =	vsub.f32 v29, v28  }
0x243: {  	v60 =	vld.idx.msk [tilespmem:v25+s18+$0x0], $0xffff;
	v51 =	vsub.f32 v29, v45;
	v49 =	vmul.f32 v43, v44;
	v17 =	vmul.f32 v47, v21  }
0x244: {  	v63 =	vld.idx.msk [tilespmem:v30+s18+$0x0], $0xffff;
	v13 =	vsub.f32 v13, v16;
	v15 =	vmul.f32 v62, v19;
	v62 =	vsub.f32 v35, v46  }
0x245: {  	v41 =	vmul.f32 v57, v57;
	v22 =	vmul.f32 v51, v51;
	v57 =	vld.idx.msk [tilespmem:v31+s18+$0x0], $0xffff;
	v31 =	vadd.s32 $0x2DA0, v7  }
0x246: {  	v44 =	vld.idx.msk [tilespmem:v40+s18+$0x0], $0xffff;
	v20 =	vsub.f32 $1.500000000e+00, v49;
	v14 =	vsub.f32 v14, v17;
	v13 =	vand.u32 $0x7FFFFFFF, v13  }
0x247: {  	v24 =	vld.idx.msk [tilespmem:v24+s18+$0x0], $0xffff;
	v25 =	vmul.f32 v62, v62;
	v41 =	vadd.f32 v42, v41;
	v22 =	vadd.f32 v23, v22  }
0x248: {  	v33 =	vsub.f32 v55, v59;
	v42 =	vmul.f32 v39, v39;
	v20 =	vmul.f32 v43, v20  }
0x249: {  	v14 =	vand.u32 $0x7FFFFFFF, v14;
	v50 =	vadd.f32 v61, v41;
	v58 =	vadd.f32 v54, v22  }
0x24a: {  	v33 =	vmul.f32 v33, v33;
	v61 =	vsub.f32 v28, v45;
	v45 =	vsub.f32 v60, v63  }
0x24b: {  	v13 =	vadd.f32 v14, v13;
	v26 =	vsub.f32 v55, v44;
	v18 =	vmul.f32 v20, v18  }
0x24c: {  	v43 =	vld.idx.msk [tilespmem:v36+s18+$0x0], $0xffff;
	v41 =	vsub.f32 v24, v57;
	v20 =	vsub.f32 v59, v44;
	v52 =	vmax.f32 v50, $9.999999930e-09  }
0x24d: {  	v19 =	vmax.f32 v58, $9.999999930e-09;
	v23 =	vmul.f32 v61, v61;
	v48 =	vmul.f32 v45, v45  }
0x24e: {  	v26 =	vmul.f32 v26, v26;
	v53 =	vshrl.u32 v52, $0x1;
	v32 =	vmul.f32 $5.000000000e-01, v52  }
0x24f: {  	v35 =	vshrl.u32 v19, $0x1;
	v37 =	vmul.f32 $5.000000000e-01, v19;
	v15 =	vsub.f32 v15, v18  }
0x250: {  	v20 =	vmul.f32 v20, v20;
	v29 =	vsub.s32 $0x5F3759DF, v53;
	v23 =	vadd.f32 v25, v23  }
0x251: {  	v28 =	vsub.s32 $0x5F3759DF, v35;
	v24 =	vsub.f32 v24, v43;
	v17 =	vsub.f32 v57, v43  }
0x252: {  	v35 =	vadd.s32 $0x2DA0, v3;
	v56 =	vmul.f32 v29, v32;
	v30 =	vmul.f32 v28, v37  }
0x253: {  	v32 =	vmul.f32 v41, v41;
	v37 =	vadd.s32 $0x2DA0, v2;
	v41 =	vadd.s32 $0x2DA0, v1  }
0x254: {  	v23 =	vadd.f32 v42, v23;
	v24 =	vmul.f32 v24, v24;
	v16 =	vmul.f32 v29, v56  }
0x255: {  	v46 =	vmul.f32 v28, v30;
	v47 =	vadd.f32 v33, v32;
	v32 =	vadd.s32 $0x2DA0, v6  }
0x256: {  	v30 =	vadd.s32 $0x2DA0, v5;
	v23 =	vmax.f32 v23, $9.999999930e-09;
	v16 =	vsub.f32 $1.500000000e+00, v16  }
0x257: {  	v45 =	vld.idx.msk [tilespmem:v34+s18+$0x0], $0xffff;
	v50 =	vshrl.u32 v23, $0x1;
	v51 =	vmul.f32 $5.000000000e-01, v23;
	v14 =	vadd.f32 v48, v47  }
0x258: {  	v42 =	vld.idx.msk [tilespmem:v34+s17+$0x0], $0xffff;
	v24 =	vadd.f32 v26, v24;
	v26 =	vadd.s32 $0x2DA0, v8;
	v53 =	vsub.s32 $0x5F3759DF, v50  }
0x259: {  	v16 =	vmul.f32 v29, v16;
	v55 =	vmul.f32 v53, v51;
	v14 =	vmax.f32 v14, $9.999999930e-09;
	v51 =	vld.idx.msk [tilespmem:v37+s17+$0x0], $0xffff  }
0x25a: {  	v15 =	vand.u32 $0x7FFFFFFF, v15;
	v49 =	vsub.f32 $1.500000000e+00, v46;
	v57 =	vmul.f32 $5.000000000e-01, v14;
	v40 =	vld.idx.msk [tilespmem:v32+s17+$0x0], $0xffff  }
0x25b: {  	v56 =	vshrl.u32 v14, $0x1;
	v16 =	vmul.f32 v16, v52;
	v52 =	vld.idx.msk [tilespmem:v38+s18+$0x0], $0xffff;
	v21 =	vmul.f32 v53, v55  }
0x25c: {  	v17 =	vmul.f32 v17, v17;
	v48 =	vld.idx.msk [tilespmem:v35+s17+$0x0], $0xffff;
	v54 =	vmul.f32 v28, v49;
	v28 =	vsub.s32 $0x5F3759DF, v56  }
0x25d: {  	v13 =	vadd.f32 v13, v15;
	v59 =	vld.idx.msk [tilespmem:v26+s17+$0x0], $0xffff;
	v33 =	vmul.f32 v28, v57;
	v21 =	vsub.f32 $1.500000000e+00, v21  }
0x25e: {  	v34 =	vadd.s32 $0x36C0, v6;
	v6 =	vadd.s32 $0x3FE0, v6;
	v17 =	vadd.f32 v20, v17;
	v36 =	vld.idx.msk [tilespmem:v30+s17+$0x0], $0xffff  }
0x25f: {  	v29 =	vadd.s32 $0x2DA0, v9;
	v30 =	vld.idx.msk [tilespmem:v30+s18+$0x0], $0xffff;
	v33 =	vmul.f32 v28, v33;
	v49 =	vmul.f32 v53, v21  }
0x260: {  	v35 =	vld.idx.msk [tilespmem:v35+s18+$0x0], $0xffff;
	v18 =	vmul.f32 v54, v19;
	v25 =	vsub.f32 v40, v51;
	v22 =	vsub.f32 v60, v52  }
0x261: {  	v27 =	vsub.f32 v63, v52;
	v33 =	vsub.f32 $1.500000000e+00, v33;
	v52 =	vld.idx.msk [tilespmem:v41+s17+$0x0], $0xffff;
	v19 =	vmul.f32 v49, v23  }
0x262: {  	v54 =	vsub.f32 v59, v40;
	v40 =	vld.idx.msk [tilespmem:v31+s18+$0x0], $0xffff;
	v25 =	vmul.f32 v25, v25;
	v22 =	vmul.f32 v22, v22  }
0x263: {  	v57 =	vsub.f32 v36, v42;
	v58 =	vmul.f32 v27, v27;
	v28 =	vmul.f32 v28, v33  }
0x264: {  	v46 =	vmul.f32 v54, v54;
	v27 =	vsub.f32 v59, v51;
	v51 =	vsub.f32 v30, v45  }
0x265: {  	v20 =	vld.idx.msk [tilespmem:v31+s17+$0x0], $0xffff;
	v22 =	vadd.f32 v22, v24;
	v17 =	vadd.f32 v58, v17;
	v14 =	vmul.f32 v28, v14  }
0x266: {  	v24 =	vld.idx.msk [tilespmem:v29+s17+$0x0], $0xffff;
	v27 =	vmul.f32 v27, v27;
	v54 =	vmul.f32 v51, v51;
	v36 =	vsub.f32 v36, v52  }
0x267: {  	v23 =	vsub.f32 v42, v52;
	v28 =	vsub.f32 v40, v35;
	v22 =	vmax.f32 v22, $9.999999930e-09  }
0x268: {  	v17 =	vmax.f32 v17, $9.999999930e-09;
	v60 =	vshrl.u32 v22, $0x1;
	v61 =	vmul.f32 $5.000000000e-01, v22  }
0x269: {  	v62 =	vshrl.u32 v17, $0x1;
	v63 =	vmul.f32 $5.000000000e-01, v17;
	v38 =	vsub.s32 $0x5F3759DF, v60  }
0x26a: {  	v14 =	vsub.f32 v16, v14;
	v50 =	vsub.s32 $0x5F3759DF, v62;
	v39 =	vmul.f32 v38, v61  }
0x26b: {  	v23 =	vmul.f32 v23, v23;
	v43 =	vmul.f32 v50, v63;
	v53 =	vsub.f32 v24, v20  }
0x26c: {  	v26 =	vld.idx.msk [tilespmem:v26+s18+$0x0], $0xffff;
	v24 =	vsub.f32 v24, v48;
	v61 =	vmul.f32 v36, v36;
	v39 =	vmul.f32 v38, v39  }
0x26d: {  	v36 =	vld.idx.msk [tilespmem:v29+s18+$0x0], $0xffff;
	v20 =	vsub.f32 v20, v48;
	v56 =	vmul.f32 v50, v43;
	v44 =	vmul.f32 v53, v53  }
0x26e: {  	v42 =	vld.idx.msk [tilespmem:v32+s18+$0x0], $0xffff;
	v14 =	vand.u32 $0x7FFFFFFF, v14;
	v43 =	vmul.f32 v57, v57;
	v24 =	vmul.f32 v24, v24  }
0x26f: {  	v20 =	vmul.f32 v20, v20;
	v57 =	vld.idx.msk [tilespmem:v37+s18+$0x0], $0xffff;
	v37 =	vadd.s32 $0x36C0, v3;
	v55 =	vsub.f32 $1.500000000e+00, v39  }
0x270: {  	v3 =	vadd.s32 $0x3FE0, v3;
	v58 =	vsub.f32 $1.500000000e+00, v56;
	v59 =	vadd.f32 v46, v44  }
0x271: {  	v24 =	vadd.f32 v27, v24;
	v20 =	vadd.f32 v25, v20;
	v25 =	vadd.s32 $0x36C0, v2  }
0x272: {  	v2 =	vadd.s32 $0x3FE0, v2;
	v49 =	vsub.f32 v36, v40;
	v33 =	vmul.f32 v38, v55  }
0x273: {  	v21 =	vmul.f32 v50, v58;
	v60 =	vadd.f32 v43, v59;
	v20 =	vadd.f32 v23, v20  }
0x274: {  	v50 =	vsub.f32 v26, v42;
	v23 =	vmul.f32 v49, v49;
	v26 =	vsub.f32 v26, v57  }
0x275: {  	v62 =	vmul.f32 v33, v22;
	v17 =	vmul.f32 v21, v17;
	v63 =	vmax.f32 v60, $9.999999930e-09  }
0x276: {  	v33 =	vadd.f32 v61, v24;
	v20 =	vmax.f32 v20, $9.999999930e-09;
	v31 =	vmul.f32 v50, v50  }
0x277: {  	v22 =	vsub.f32 v36, v35;
	v35 =	vadd.s32 $0x36C0, v5;
	v36 =	vadd.s32 $0x36C0, v4  }
0x278: {  	v38 =	vshrl.u32 v63, $0x1;
	v39 =	vmul.f32 $5.000000000e-01, v63;
	v52 =	vshrl.u32 v20, $0x1  }
0x279: {  	v59 =	vld.idx.msk [tilespmem:v41+s18+$0x0], $0xffff;
	v53 =	vmul.f32 $5.000000000e-01, v20;
	v26 =	vmul.f32 v26, v26;
	v24 =	vsub.s32 $0x5F3759DF, v38  }
0x27a: {  	v21 =	vmax.f32 v33, $9.999999930e-09;
	v15 =	vsub.f32 v18, v62;
	v17 =	vsub.f32 v19, v17  }
0x27b: {  	v33 =	vsub.s32 $0x5F3759DF, v52;
	v23 =	vadd.f32 v31, v23;
	v31 =	vadd.s32 $0x36C0, v7  }
0x27c: {  	v22 =	vmul.f32 v22, v22;
	v7 =	vadd.s32 $0x3FE0, v7;
	v27 =	vmul.f32 v24, v39  }
0x27d: {  	v43 =	vshrl.u32 v21, $0x1;
	v44 =	vmul.f32 $5.000000000e-01, v21;
	v56 =	vmul.f32 v33, v53  }
0x27e: {  	v30 =	vsub.f32 v30, v59;
	v16 =	vsub.f32 v45, v59;
	v39 =	vadd.s32 $0x36C0, v1  }
0x27f: {  	v46 =	vsub.s32 $0x5F3759DF, v43;
	v15 =	vand.u32 $0x7FFFFFFF, v15;
	v17 =	vand.u32 $0x7FFFFFFF, v17  }
0x280: {  	v23 =	vadd.f32 v54, v23;
	v47 =	vmul.f32 v24, v27;
	v48 =	vmul.f32 v46, v44  }
0x281: {  	v22 =	vadd.f32 v26, v22;
	v58 =	vmul.f32 v33, v56;
	v62 =	vmul.f32 v30, v30  }
0x282: {  	v14 =	vadd.f32 v15, v14;
	v19 =	vsub.f32 $1.500000000e+00, v47;
	v27 =	vmul.f32 v46, v48  }
0x283: {  	v16 =	vmul.f32 v16, v16;
	v15 =	vsub.f32 $1.500000000e+00, v58;
	v22 =	vadd.f32 v62, v22  }
0x284: {  	v27 =	vsub.f32 $1.500000000e+00, v27;
	v55 =	vmul.f32 v24, v19;
	v19 =	vadd.s32 $0x36C0, v9  }
0x285: {  	v14 =	vadd.f32 v14, v17;
	v47 =	vmul.f32 v28, v28;
	v24 =	vsub.f32 v42, v57  }
0x286: {  	v15 =	vmul.f32 v33, v15;
	v22 =	vmax.f32 v22, $9.999999930e-09;
	v18 =	vmul.f32 v46, v27  }
0x287: {  	v41 =	vld.idx.msk [tilespmem:v37+s17+$0x0], $0xffff;
	v9 =	vadd.s32 $0x3FE0, v9;
	v48 =	vshrl.u32 v22, $0x1;
	v24 =	vmul.f32 v24, v24  }
0x288: {  	v28 =	vld.idx.msk [tilespmem:v31+s17+$0x0], $0xffff;
	v49 =	vmul.f32 $5.000000000e-01, v22;
	v17 =	vmul.f32 v18, v21;
	v18 =	vmax.f32 v23, $9.999999930e-09  }
0x289: {  	v24 =	vadd.f32 v24, v47;
	v60 =	vshrl.u32 v18, $0x1;
	v61 =	vmul.f32 $5.000000000e-01, v18;
	v29 =	vld.idx.msk [tilespmem:v19+s17+$0x0], $0xffff  }
0x28a: {  	v33 =	vld.idx.msk [tilespmem:v35+s17+$0x0], $0xffff;
	v38 =	vsub.s32 $0x5F3759DF, v48;
	v23 =	vadd.s32 $0x36C0, v8;
	v21 =	vsub.s32 $0x5F3759DF, v60  }
0x28b: {  	v40 =	vmul.f32 v38, v49;
	v16 =	vadd.f32 v16, v24;
	v24 =	vld.idx.msk [tilespmem:v36+s17+$0x0], $0xffff;
	v32 =	vmul.f32 v21, v61  }
0x28c: {  	v27 =	vmul.f32 v55, v63;
	v55 =	vld.idx.msk [tilespmem:v39+s17+$0x0], $0xffff;
	v15 =	vmul.f32 v15, v20;
	v8 =	vadd.s32 $0x3FE0, v8  }
0x28d: {  	v26 =	vld.idx.msk [tilespmem:v34+s17+$0x0], $0xffff;
	v40 =	vmul.f32 v38, v40;
	v16 =	vmax.f32 v16, $9.999999930e-09;
	v32 =	vmul.f32 v21, v32  }
0x28e: {  	v54 =	vld.idx.msk [tilespmem:v25+s17+$0x0], $0xffff;
	v52 =	vshrl.u32 v16, $0x1;
	v53 =	vmul.f32 $5.000000000e-01, v16;
	v50 =	vsub.f32 v29, v28  }
0x28f: {  	v63 =	vld.idx.msk [tilespmem:v23+s17+$0x0], $0xffff;
	v44 =	vsub.s32 $0x5F3759DF, v52;
	v62 =	vsub.f32 v29, v41;
	v28 =	vsub.f32 v28, v41  }
0x290: {  	v31 =	vld.idx.msk [tilespmem:v31+s18+$0x0], $0xffff;
	v32 =	vsub.f32 $1.500000000e+00, v32;
	v45 =	vmul.f32 v44, v53;
	v56 =	vsub.f32 v33, v24  }
0x291: {  	v19 =	vld.idx.msk [tilespmem:v19+s18+$0x0], $0xffff;
	v33 =	vsub.f32 v33, v55;
	v42 =	vmul.f32 v50, v50;
	v20 =	vmul.f32 v62, v62  }
0x292: {  	v37 =	vld.idx.msk [tilespmem:v37+s18+$0x0], $0xffff;
	v24 =	vsub.f32 v24, v55;
	v28 =	vmul.f32 v28, v28;
	v57 =	vmul.f32 v21, v32  }
0x293: {  	v59 =	vsub.f32 $1.500000000e+00, v40;
	v60 =	vmul.f32 v44, v45;
	v61 =	vmul.f32 v56, v56  }
0x294: {  	v48 =	vmul.f32 v33, v33;
	v24 =	vmul.f32 v24, v24;
	v51 =	vsub.f32 v63, v26  }
0x295: {  	v63 =	vsub.f32 v63, v54;
	v26 =	vsub.f32 v26, v54;
	v18 =	vmul.f32 v57, v18  }
0x296: {  	v39 =	vld.idx.msk [tilespmem:v39+s18+$0x0], $0xffff;
	v45 =	vsub.f32 $1.500000000e+00, v60;
	v57 =	vsub.f32 v19, v31;
	v43 =	vmul.f32 v51, v51  }
0x297: {  	v19 =	vsub.f32 v19, v37;
	v29 =	vmul.f32 v63, v63;
	v26 =	vmul.f32 v26, v26;
	v51 =	vld.idx.msk [tilespmem:v35+s18+$0x0], $0xffff  }
0x298: {  	v25 =	vld.idx.msk [tilespmem:v25+s18+$0x0], $0xffff;
	v32 =	vmul.f32 v44, v45;
	v18 =	vsub.f32 v27, v18;
	v58 =	vadd.f32 v43, v42  }
0x299: {  	v23 =	vld.idx.msk [tilespmem:v23+s18+$0x0], $0xffff;
	v35 =	vmul.f32 v57, v57;
	v20 =	vadd.f32 v29, v20;
	v26 =	vadd.f32 v26, v28  }
0x29a: {  	v19 =	vmul.f32 v19, v19;
	v43 =	vmul.f32 v38, v59;
	v29 =	vld.idx.msk [tilespmem:v34+s18+$0x0], $0xffff;
	v21 =	vadd.f32 v61, v58  }
0x29b: {  	v34 =	vld.idx.msk [tilespmem:v36+s18+$0x0], $0xffff;
	v16 =	vmul.f32 v32, v16;
	v20 =	vadd.f32 v48, v20;
	v24 =	vadd.f32 v24, v26  }
0x29c: {  	v18 =	vand.u32 $0x7FFFFFFF, v18;
	v22 =	vmul.f32 v43, v22;
	v28 =	vsub.f32 v51, v39  }
0x29d: {  	v21 =	vmax.f32 v21, $9.999999930e-09;
	v20 =	vmax.f32 v20, $9.999999930e-09;
	v24 =	vmax.f32 v24, $9.999999930e-09  }
0x29e: {  	v17 =	vsub.f32 v17, v22;
	v49 =	vshrl.u32 v21, $0x1;
	v50 =	vmul.f32 $5.000000000e-01, v21  }
0x29f: {  	v53 =	vshrl.u32 v20, $0x1;
	v56 =	vmul.f32 $5.000000000e-01, v20;
	v58 =	vsub.f32 v23, v29  }
0x2a0: {  	v59 =	vshrl.u32 v24, $0x1;
	v61 =	vsub.f32 v51, v34;
	v23 =	vsub.f32 v23, v25  }
0x2a1: {  	v60 =	vmul.f32 $5.000000000e-01, v24;
	v25 =	vsub.f32 v29, v25;
	v34 =	vsub.f32 v34, v39  }
0x2a2: {  	v33 =	vsub.s32 $0x5F3759DF, v49;
	v55 =	vsub.s32 $0x5F3759DF, v53;
	v49 =	vmul.f32 v28, v28  }
0x2a3: {  	v38 =	vsub.s32 $0x5F3759DF, v59;
	v52 =	vmul.f32 v33, v50;
	v32 =	vmul.f32 v55, v56  }
0x2a4: {  	v28 =	vadd.s32 $0x3FE0, v4;
	v36 =	vmul.f32 v58, v58;
	v40 =	vmul.f32 v38, v60  }
0x2a5: {  	v62 =	vmul.f32 v61, v61;
	v23 =	vmul.f32 v23, v23;
	v56 =	vsub.f32 v31, v37  }
0x2a6: {  	v22 =	vld.idx.msk [tilespmem:v6+s17+$0x0], $0xffff;
	v25 =	vmul.f32 v25, v25;
	v37 =	vadd.s32 $0x3FE0, v1;
	v54 =	vmul.f32 v33, v52  }
0x2a7: {  	v6 =	vld.idx.msk [tilespmem:v6+s18+$0x0], $0xffff;
	v60 =	vmul.f32 v34, v34;
	v32 =	vmul.f32 v55, v32;
	v35 =	vadd.f32 v36, v35  }
0x2a8: {  	v61 =	vld.idx.msk [tilespmem:v3+s17+$0x0], $0xffff;
	v44 =	vmul.f32 v38, v40;
	v48 =	vadd.f32 v23, v19;
	v26 =	vsub.f32 $1.500000000e+00, v54  }
0x2a9: {  	v52 =	vld.idx.msk [tilespmem:v8+s17+$0x0], $0xffff;
	v30 =	vmul.f32 v56, v56;
	v63 =	vsub.f32 $1.500000000e+00, v32;
	v45 =	vadd.f32 v62, v35  }
0x2aa: {  	v40 =	vadd.s32 $0x3FE0, v5;
	v23 =	vld.idx.msk [tilespmem:v9+s17+$0x0], $0xffff;
	v50 =	vsub.f32 $1.500000000e+00, v44;
	v19 =	vadd.f32 v49, v48  }
0x2ab: {  	v8 =	vld.idx.msk [tilespmem:v8+s18+$0x0], $0xffff;
	v25 =	vadd.f32 v25, v30;
	v26 =	vmul.f32 v33, v26;
	v33 =	vmax.f32 v45, $9.999999930e-09  }
0x2ac: {  	v62 =	vld.idx.msk [tilespmem:v2+s17+$0x0], $0xffff;
	v27 =	vmul.f32 v55, v63;
	v54 =	vmul.f32 v38, v50;
	v19 =	vmax.f32 v19, $9.999999930e-09  }
0x2ad: {  	v29 =	vld.idx.msk [tilespmem:v28+s17+$0x0], $0xffff;
	v25 =	vadd.f32 v60, v25;
	v46 =	vshrl.u32 v33, $0x1;
	v47 =	vmul.f32 $5.000000000e-01, v33  }
0x2ae: {  	v2 =	vld.idx.msk [tilespmem:v2+s18+$0x0], $0xffff;
	v57 =	vshrl.u32 v19, $0x1;
	v58 =	vmul.f32 $5.000000000e-01, v19;
	v59 =	vsub.f32 v52, v22  }
0x2af: {  	v55 =	vld.idx.msk [tilespmem:v40+s17+$0x0], $0xffff;
	v51 =	vsub.s32 $0x5F3759DF, v46;
	v4 =	vmul.f32 v26, v21;
	v5 =	vmul.f32 v27, v20  }
0x2b0: {  	v26 =	vld.idx.msk [tilespmem:v7+s17+$0x0], $0xffff;
	v31 =	vsub.s32 $0x5F3759DF, v57;
	v25 =	vmax.f32 v25, $9.999999930e-09;
	v53 =	vmul.f32 v51, v47  }
0x2b1: {  	v36 =	vmul.f32 v31, v58;
	v38 =	vmul.f32 v59, v59;
	v47 =	vld.idx.msk [tilespmem:v37+s17+$0x0], $0xffff;
	v35 =	vsub.f32 v52, v62  }
0x2b2: {  	v50 =	vshrl.u32 v25, $0x1;
	v22 =	vsub.f32 v22, v62;
	v62 =	vld.idx.msk [tilespmem:v37+s18+$0x0], $0xffff;
	v37 =	vsub.f32 v8, v6  }
0x2b3: {  	v9 =	vld.idx.msk [tilespmem:v9+s18+$0x0], $0xffff;
	v8 =	vsub.f32 v8, v2;
	v21 =	vmul.f32 v51, v53;
	v46 =	vmul.f32 v31, v36  }
0x2b4: {  	v7 =	vld.idx.msk [tilespmem:v7+s18+$0x0], $0xffff;
	v2 =	vsub.f32 v6, v2;
	v35 =	vmul.f32 v35, v35;
	v22 =	vmul.f32 v22, v22  }
0x2b5: {  	v3 =	vld.idx.msk [tilespmem:v3+s18+$0x0], $0xffff;
	v8 =	vmul.f32 v8, v8;
	v63 =	vsub.f32 v55, v29;
	v1 =	vsub.f32 v23, v26  }
0x2b6: {  	v2 =	vmul.f32 v2, v2;
	v21 =	vsub.f32 $1.500000000e+00, v21;
	v30 =	vsub.f32 $1.500000000e+00, v46  }
0x2b7: {  	v23 =	vsub.f32 v23, v61;
	v26 =	vsub.f32 v26, v61;
	v49 =	vmul.f32 v63, v63  }
0x2b8: {  	v27 =	vsub.f32 v55, v47;
	v20 =	vsub.f32 v29, v47;
	v45 =	vmul.f32 v1, v1  }
0x2b9: {  	v63 =	vsub.f32 v9, v7;
	v1 =	vmul.f32 v54, v24;
	v21 =	vmul.f32 v51, v21  }
0x2ba: {  	v28 =	vld.idx.msk [tilespmem:v28+s18+$0x0], $0xffff;
	v9 =	vsub.f32 v9, v3;
	v51 =	vmul.f32 $5.000000000e-01, v25;
	v30 =	vmul.f32 v31, v30  }
0x2bb: {  	v3 =	vsub.f32 v7, v3;
	v23 =	vmul.f32 v23, v23;
	v26 =	vmul.f32 v26, v26  }
0x2bc: {  	v32 =	vsub.s32 $0x5F3759DF, v50;
	v55 =	vld.idx.msk [tilespmem:v40+s18+$0x0], $0xffff;
	v27 =	vmul.f32 v27, v27;
	v20 =	vmul.f32 v20, v20  }
0x2bd: {  	v9 =	vmul.f32 v9, v9;
	v3 =	vmul.f32 v3, v3;
	v48 =	vadd.f32 v38, v45  }
0x2be: {  	v52 =	vmul.f32 v32, v51;
	v23 =	vadd.f32 v35, v23;
	v22 =	vadd.f32 v22, v26  }
0x2bf: {  	v21 =	vmul.f32 v21, v33;
	v45 =	vsub.f32 v28, v62;
	v43 =	vadd.f32 v8, v9  }
0x2c0: {  	v19 =	vmul.f32 v30, v19;
	v2 =	vadd.f32 v2, v3;
	v24 =	vadd.f32 v49, v48  }
0x2c1: {  	v31 =	vmul.f32 v32, v52;
	v23 =	vadd.f32 v27, v23;
	v39 =	vsub.f32 v55, v28  }
0x2c2: {  	v20 =	vadd.f32 v20, v22;
	v41 =	vsub.f32 v55, v62;
	v3 =	vmul.f32 v45, v45  }
0x2c3: {  	v24 =	vmax.f32 v24, $9.999999930e-09;
	v31 =	vsub.f32 $1.500000000e+00, v31;
	v23 =	vmax.f32 v23, $9.999999930e-09  }
0x2c4: {  	v26 =	vmul.f32 v39, v39;
	v20 =	vmax.f32 v20, $9.999999930e-09;
	v44 =	vmul.f32 v41, v41  }
0x2c5: {  	v2 =	vadd.f32 v3, v2;
	v53 =	vshrl.u32 v24, $0x1;
	v54 =	vmul.f32 $5.000000000e-01, v24  }
0x2c6: {  	v60 =	vshrl.u32 v23, $0x1;
	v38 =	vmul.f32 $5.000000000e-01, v23;
	v57 =	vmul.f32 v32, v31  }
0x2c7: {  	v47 =	vshrl.u32 v20, $0x1;
	v31 =	vmul.f32 v63, v63;
	v32 =	vmul.f32 v37, v37  }
0x2c8: {  	v49 =	vmul.f32 $5.000000000e-01, v20;
	v35 =	vsub.s32 $0x5F3759DF, v53;
	v61 =	vsub.s32 $0x5F3759DF, v60  }
0x2c9: {  	v7 =	vadd.f32 v44, v43;
	v48 =	vsub.s32 $0x5F3759DF, v47;
	v40 =	vadd.f32 v32, v31  }
0x2ca: {  	v2 =	vmax.f32 v2, $9.999999930e-09;
	v56 =	vmul.f32 v35, v54;
	v33 =	vmul.f32 v61, v38  }
0x2cb: {  	v54 =	vshrl.u32 v2, $0x1;
	v55 =	vmul.f32 $5.000000000e-01, v2;
	v42 =	vadd.f32 v26, v40  }
0x2cc: {  	v9 =	vmul.f32 v48, v49;
	v25 =	vmul.f32 v57, v25;
	v7 =	vmax.f32 v7, $9.999999930e-09  }
0x2cd: {  	v58 =	vmul.f32 v35, v56;
	v52 =	vshrl.u32 v7, $0x1;
	v6 =	vmax.f32 v42, $9.999999930e-09  }
0x2ce: {  	v53 =	vmul.f32 $5.000000000e-01, v7;
	v50 =	vshrl.u32 v6, $0x1;
	v51 =	vmul.f32 $5.000000000e-01, v6  }
0x2cf: {  	v46 =	vmul.f32 v61, v33;
	v26 =	vsub.s32 $0x5F3759DF, v52;
	v3 =	vsub.s32 $0x5F3759DF, v50  }
0x2d0: {  	v31 =	vsub.s32 $0x5F3759DF, v54;
	v30 =	vmul.f32 v26, v53;
	v28 =	vmul.f32 v3, v51  }
0x2d1: {  	v32 =	vmul.f32 v31, v55;
	v9 =	vmul.f32 v48, v9;
	v59 =	vsub.f32 $1.500000000e+00, v58  }
0x2d2: {  	v22 =	vsub.f32 $1.500000000e+00, v46;
	v30 =	vmul.f32 v26, v30;
	v28 =	vmul.f32 v3, v28  }
0x2d3: {  	v57 =	vmul.f32 v31, v32;
	v9 =	vsub.f32 $1.500000000e+00, v9;
	v27 =	vmul.f32 v35, v59  }
0x2d4: {  	v22 =	vmul.f32 v61, v22;
	v56 =	vsub.f32 $1.500000000e+00, v30;
	v28 =	vsub.f32 $1.500000000e+00, v28  }
0x2d5: {  	v59 =	vsub.f32 $1.500000000e+00, v57;
	v8 =	vmul.f32 v48, v9;
	v24 =	vmul.f32 v27, v24  }
0x2d6: {  	v17 =	vand.u32 $0x7FFFFFFF, v17;
	v58 =	vmul.f32 v26, v56;
	v3 =	vmul.f32 v3, v28  }
0x2d7: {  	v4 =	vsub.f32 v4, v21;
	v22 =	vmul.f32 v22, v23;
	v61 =	vmul.f32 v31, v59  }
0x2d8: {  	v17 =	vadd.f32 v17, v18;
	v7 =	vmul.f32 v58, v7;
	v3 =	vmul.f32 v3, v6  }
0x2d9: {  	v5 =	vsub.f32 v5, v19;
	v4 =	vand.u32 $0x7FFFFFFF, v4;
	v8 =	vmul.f32 v8, v20  }
0x2da: {  	v2 =	vmul.f32 v61, v2;
	v7 =	vsub.f32 v22, v7;
	v3 =	vsub.f32 v24, v3  }
0x2db: {  	v5 =	vand.u32 $0x7FFFFFFF, v5;
	v60 =	vsub.f32 v15, v16;
	v1 =	vsub.f32 v1, v25  }
0x2dc: {  	v2 =	vsub.f32 v8, v2;
	v7 =	vand.u32 $0x7FFFFFFF, v7;
	v3 =	vand.u32 $0x7FFFFFFF, v3  }
0x2dd: {  	v4 =	vadd.f32 v5, v4;
	v6 =	vand.u32 $0x7FFFFFFF, v60;
	v3 =	vadd.f32 v7, v3  }
0x2de: {  	v1 =	vand.u32 $0x7FFFFFFF, v1;
	v2 =	vand.u32 $0x7FFFFFFF, v2;
	v62 =	vadd.f32 v17, v6  }
0x2df: {  	v1 =	vadd.f32 v4, v1;
	v2 =	vadd.f32 v3, v2  }
0x2e0: {  	v63 =	vadd.f32 v13, v12;
	v5 =	vadd.f32 v62, v14  }
0x2e1: {  	v3 =	vadd.f32 v11, v10;
	v1 =	vadd.f32 v2, v1  }
0x2e2: {  	p1 =	sne.s32 s25, $0xFFFFFFC0  }
.Ltmp3:
0x2e3: {  	v2 =	vadd.f32 v63, v3;
	v1 =	vadd.f32 v1, v5;
	(pc) =	sbr.rel @p1 .LBB2_5-.Ltmp3, $3  }
0x2e4: {  	_ = 	snop  }
0x2e5: {  	v1 =	vadd.f32 v1, v2;
	_ =	sdelay $0x1  }
0x2e6: {  	s25 =	sadd.s32 $0x40, s25;
	v0 =	vadd.f32 v1, v0  }
.Ltmp4:
0x2e7: {  	(pc) =	sbr.rel @p0 .LBB2_8-.Ltmp4, $1  }
0x2e8: {  	_ =	sdelay $0x3  }
0x2e9: {  	s24 =	sadd.s32 s24, s11  }
0x2ea: {  	s24 =	smul.u32 $0x124, s24  }
.Ltmp5:
0x2eb: {  	_ = 	snop;
	(pc) =	sbr.rel .LBB2_2-.Ltmp5, $4  }
0x2ec: {  	s25 =	sadd.s32 s3, s24  }
0x2ed: {  	[tilespmem:s17], [sflag:$0x2] =	stream.linear.gather [hbm4b:s25+s2], $0x4900, $0x38;
	[tilespmem:$0x12D10] =	vst v63  }
0x2ee: {  	s23 =	sadd.s32 $0x1, s23;
	s24 =	sadd.s32 s4, s24  }
0x2ef: {  	[tilespmem:s18], [sflag:$0x2] =	stream.linear.gather [hbm4b:s24+s2], $0x4900, $0x38;
	[tilespmem:$0x12D10] =	vst v63  }
.LBB2_9:
0x2f0: {  	_ =	sfence.sel $0x180000  }
0x2f1: {  	[bflag:$0x0] =	sbarrier.arrive $0xFFFF  }
0x2f2: {  	p0 =	sne.s32 s1, $0x0;
	_ =	strace $0x9000004D  }
0x2f3: {  	s0 =	sadd.s32 @!p0 $0x100000, s0;
	[bflag:$0x2] =	sbarrier.arrive $0xFFFF  }
0x2f4: {  	[sflag:s0] =	ssyncadd.tile.s32 @!p0 $0x1;
	_ =	shalt  }
.Lfunc_end2:
_tile_overlayer_lowered:
.L_overlay_start_2:
0x2f5: {  	(tag) =	ssettag $0x2  }
0x2f6: {  	s0 =	rddreg [dreg:$0x0];
	s2 =	stileid.u32  }
0x2f7: {  	s1 =	rddreg [dreg:$0x1];
	p0 =	sne.s32 s2, $0x0  }
0x2f8: {  	s3 =	rddreg [dreg:$0x2];
	[bflag:$0x3] =	sbarrier.arrive $0xFFFF;
	s2 =	simm.s32 @!p0 $0x1C03  }
0x2f9: {  	[timem:s3], [sflag:s2] =	dma.local @!p0 [hbm:s0], s1  }
0x2fa: {  	s0 =	simm.s32 @!p0 $0x3  }
0x2fb: {  	_ =	swait.ge @!p0 [sflag:s0], s1  }
0x2fc: {  	s1 =	ssub.s32 @!p0 $0x0, s1;
	[sflag:s0] =	ssyncset.done @!p0 $0x0  }
0x2fd: {  	[sflag:s0] =	ssyncadd.s32 @!p0 s1  }
0x2fe: {  	[bflag:$0x3] =	sbarrier.arrive $0xFFFF  }
0x2ff: {  	_ =	shalt  }

// kernel: sparse-core-data-format-call.1.cloned.1.call-start
scs
called_computation.1_lowered:
.L_overlay_start_0:
0x0: {  	s2 =	sld [smem:$0x3FD9]  }
0x1: {  	s3 =	sld [smem:$0x3FFE];
	_ =	sdelay $0x1  }
0x2: {  	s1 =	srdreg.scid  }
0x3: {  	s0 =	sand.u32 $0x1, s1  }
0x4: {  	s18 =	sshll.u32 s0, $0xA;
	s2 =	sadd.s32 s3, s2  }
0x5: {  	s2 =	sadd.s32 s2, s18  }
0x6: {  	[smem:$0x3FC5] =	sst s2  }
0x7: {  	_ = 	snop  }
0x8: {  	(tm) =	ssettm $0x1  }
0x9: {  	s19 =	sld [smem:$0x3FFB];
	_ =	sdelay $0x3  }
0xa: {  	_ =	strace s19  }
0xb: {  	s2 =	sld [smem:$0x3FFC];
	_ =	sdelay $0x3  }
0xc: {  	_ =	strace s2  }
0xd: {  	s2 =	sld [smem:$0x3FFD];
	_ =	sdelay $0x3  }
0xe: {  	_ =	strace s2  }
0xf: {  	_ =	strace $0x8FFFFFFF  }
0x10: {  	s20 =	sld [smem:$0x3FDB];
	_ =	sdelay $0x1  }
0x11: {  	s21 =	simm.s32 $_scs_section_size  }
0x12: {  	s4 =	simm.s32 $_size__tile_overlayer_lowered;
	s5 =	simm.s32 $_tile_overlayer_lowered  }
0x13: {  	s6 =	simm.s32 $0x1BFF;
	s22 =	sshll.u32 s5, $0x1;
	s3 =	sadd.s32 s21, s20  }
0x14: {  	s23 =	simm.s32 $0x0;
	s4 =	sshll.u32 s4, $0x1;
	s5 =	sadd.s32 s22, s3  }
0x15: {  	[timem:s23], [sflag:s6] =	dma.local [hbm:s5], s4  }
0x16: {  	_ =	swait.ge [sflag:s6], s4  }
0x17: {  	s4 =	ssub.s32 $0x0, s4;
	[sflag:s6] =	ssyncset.done $0x0  }
0x18: {  	[sflag:s6] =	ssyncadd.s32 s4;
	_ =	sdelay $0x1  }
0x19: {  	s24 =	simm.s32 $0x1B8B  }
0x1a: {  	_ =	swait.ge [sflag:s24], $0x1  }
0x1b: {  	[sflag:s24] =	ssyncset.done $0x0  }
0x1c: {  	[sflag:s24] =	ssyncadd.s32 $0xFFFFFFFF  }
0x1d: {  	s4 =	sld [smem:$0x0]  }
0x1e: {  	s5 =	sand.u32 $0xFFFFFFFE, s1  }
0x1f: {  	p0 =	sne.s32 s1, s5  }
0x20: {  	s5 =	sshll.u32 @p0 s5, $0xE  }
0x21: {  	s5 =	sadd.s32 @p0 $0x11B8D, s5;
	s6 =	sshll.u32 @p0 s4, $0x11  }
0x22: {  	s5 =	sor.u32 @p0 s6, s5  }
0x23: {  	[sflag:s5] =	ssyncadd.remote.s32 @p0 $0x1;
	_ =	sdelay $0x1  }
0x24: {  	s5 =	simm.s32 @p0 $0x1B8D  }
0x25: {  	_ =	swait.eq @p0 [sflag:s5], $0x1  }
0x26: {  	[sflag:s5] =	ssyncadd.s32 @p0 $0xFFFFFFFF  }
0x27: {  	s6 =	sshll.u32 @!p0 s1, $0xE  }
0x28: {  	s6 =	sor.u32 @!p0 $0x4000, s6;
	s5 =	simm.s32 @!p0 $0x1B8D  }
0x29: {  	s4 =	sshll.u32 @!p0 s4, $0x11;
	s6 =	sadd.s32 @!p0 $0x11B8D, s6;
	_ =	swait.eq @!p0 [sflag:s5], $0x1  }
0x2a: {  	s4 =	sor.u32 @!p0 s4, s6;
	[sflag:s5] =	ssyncadd.s32 @!p0 $0xFFFFFFFF  }
0x2b: {  	s26 =	simm.s32 $0x1B8E;
	s25 =	sld [smem:$0x3FFE];
	[sflag:s4] =	ssyncadd.remote.s32 @!p0 $0x1  }
0x2c: {  	s27 =	simm.s32 $execute0_lowered;
	[smem:$0x3FD2] =	sst s26  }
0x2d: {  	s5 =	sshll.u32 s27, $0x1;
	_ =	strace $0x80000049;
	[dreg:$0x1] =	wrdreg $0xFFFFFFFF  }
0x2e: {  	s28 =	simm.s32 $_size_execute0_lowered;
	s3 =	sadd.s32 s3, s5;
	[dreg:$0x0] =	wrdreg $0x0  }
0x2f: {  	s5 =	sshll.u32 s28, $0x1;
	[dreg:$0x2] =	wrdreg s3  }
0x30: {  	[dreg:$0x3] =	wrdreg s5  }
0x31: {  	[dreg:$0x4] =	wrdreg $0xC0  }
0x32: {  	_ =	task [dreg:s23], $0x5FFFF  }
0x33: {  	[dreg:$0x1] =	wrdreg $0xFFFFFFFF  }
0x34: {  	[dreg:$0x0] =	wrdreg $0x60  }
0x35: {  	[dreg:$0x2] =	wrdreg s25  }
0x36: {  	[dreg:$0x3] =	wrdreg $0xA  }
0x37: {  	_ =	task.clear_ibuf [dreg:s23], $0x4FFFF;
	_ =	strace $0x90000049  }
0x38: {  	s29 =	simm.s32 $0xA;
	_ =	strace $0x8000004B  }
0x39: {  	_ =	swait.ge [sflag:s29], $0x1  }
0x3a: {  	[sflag:s29] =	ssyncadd.s32 $0xFFFFFFFF  }
0x3b: {  	_ =	strace $0x9000004B  }
0x3c: {  	_ =	sfence  }
0x3d: {  	s30 =	sld [smem:$0x0];
	_ =	sdelay $0x2  }
0x3e: {  	s31 =	sshll.u32 s1, $0xD;
	s1 =	sshrl.u32 s1, $0x2  }
0x3f: {  	s4 =	sand.u32 $0x4000, s31;
	s1 =	sadd.s32 s1, s30  }
0x40: {  	s0 =	sor.u32 s4, s0;
	s1 =	sshll.u32 s1, $0x11  }
0x41: {  	s0 =	sor.u32 s1, s0  }
0x42: {  	s0 =	sadd.s32 $0x8F2B, s0  }
0x43: {  	[sflag:s0] =	ssyncadd.remote.s32 $0x1  }
0x44: {  	_ =	sfence.sel $0xFFFF  }
0x45: {  	[dreg:$0x0] =	wrdreg $0xFFFFFFFF;
	(pc) =	sbr.abs _section_cstart, $3  }
0x46: {  	[dreg:$0x1] =	wrdreg $0xFFFFFFFF  }
0x47: {  	_ =	task.clear_ibuf [dreg:s23], $0x2FFFF;
	_ =	strace $0x9FFFFFFF  }
0x48: {  	(tm) =	ssettm $0x7FFFFFFF  }
0x49: {  	_ =	shalt  }
tec
execute0_lowered:
.L_overlay_start_1:
0x0: {  	(tag) =	ssettag $0x1  }
0x1: {  	s0 =	srdreg.scid  }
0x2: {  	s1 =	sshll.u32 s0, $0x4  }
0x3: {  	s0 =	stileid.u32;
	s1 =	sand.u32 $0x10, s1  }
0x4: {  	s4 =	rddreg [dreg:$0x0];
	s7 =	sor.u32 s0, s1  }
0x5: {  	s5 =	simm.s32 $0x1;
	s8 =	simm.s32 $0x2;
	s2 =	sshll.u32 s7, $0x7  }
0x6: {  	s14 =	simm.s32 $0x0;
	s10 =	simm.s32 $0x4C00;
	s3 =	ssub.s32 $0x1000, s2  }
0x7: {  	s13 =	simm.s32 $0x0;
	s11 =	simm.s32 $0x0;
	s31 =	sand.u32 $0xF80, s3  }
0x8: {  	s12 =	simm.s32 $0x0;
	s1 =	rddreg [dreg:$0x1];
	p0 =	sne.s32 s31, $0x0  }
.Ltmp0:
0x9: {  	s6 =	sshrl.u32 s3, $0xC;
	s5 =	simm.s32 @!p0 $0x0;
	(pc) =	sbr.rel .LBB1_1-.Ltmp0, $4  }
0xa: {  	_ =	strace $0x8000004A;
	s7 =	sshll.u32 s7, $0xA;
	s6 =	sadd.s32 s5, s6  }
0xb: {  	s3 =	sadd.s32 $0x42EA00, s4;
	s5 =	simm.s32 $0x1;
	s6 =	smul.u32 $0x13, s6  }
0xc: {  	s4 =	sadd.s32 $0x2A9A00, s4;
	p0 =	por $0x0, $0x0;
	[sflag:s5] =	ssyncpa.u1 $0x0  }
0xd: {  	[sflag:s8] =	ssyncpa.u1 $0x0;
	s8 =	sand.u32 $0xC00, s7;
	s9 =	sadd.s32 $0x1, s6  }
.LBB1_4:
0xe: {  	s14 =	sshrl.u32 s14, $0x3  }
0xf: {  	v5 =	vld [tilespmem:s18+$0xFFFFFFD0];
	[tilespmem:s17+$0x2040 ss:$0x81] =	vst.msk $0xffff, v4;
	s20 =	sshll.u32 s13, $0x3;
	s14 =	smul.u32 $0x4C00, s14  }
0x10: {  	v58 =	vld [tilespmem:s18+$0xFFFFFFE0];
	[tilespmem:s17+$0x2850 ss:$0x81] =	vst.msk $0xffff, v3;
	s20 =	sand.u32 $0xFFFFFC00, s20  }
0x11: {  	s19 =	sshra.s32 s19, $0x2;
	v59 =	vld [tilespmem:s18+$0xFFFFFFF0];
	[tilespmem:s17+$0x3060 ss:$0x81] =	vst.msk $0xffff, v2;
	s14 =	sadd.s32 s20, s14  }
0x12: {  	v60 =	vld [tilespmem:s18+$0x0];
	[tilespmem:s17+$0x0 ss:$0x81] =	vst.msk $0xffff, v0;
	s16 =	sadd.s32 s19, s16;
	s27 =	sshrl.u32 s14, $0x7  }
0x13: {  	v61 =	vld [tilespmem:s18+$0x10];
	[tilespmem:s16+$0x3870 ss:$0x81] =	vst.msk $0xffff, v1;
	s17 =	smulhi.u32 $0xD79435F, s27  }
0x14: {  	v62 =	vld [tilespmem:s18+$0x20];
	[tilespmem:s16+$0x810 ss:$0x81] =	vst.msk $0xffff, v5  }
0x15: {  	v63 =	vld [tilespmem:s18+$0xFFFFFFC0];
	s28 =	sand.u32 $0x7F, s13;
	[tilespmem:s16+$0x1020 ss:$0x81] =	vst.msk $0xffff, v58;
	s29 =	smul.u32 $0x980, s17  }
0x16: {  	s13 =	sor.u32 s28, s14;
	[tilespmem:s16+$0x1830 ss:$0x81] =	vst.msk $0xffff, v59  }
0x17: {  	[tilespmem:s16+$0x2040 ss:$0x81] =	vst.msk $0xffff, v60;
	s30 =	sand.u32 $0xFFF, s17;
	s13 =	ssub.s32 s13, s29  }
0x18: {  	[tilespmem:s16+$0x2850 ss:$0x81] =	vst.msk $0xffff, v61;
	s14 =	smul.u32 $0x130, s30;
	s31 =	sshrl.u32 s13, $0x3;
	s13 =	sand.u32 $0x7, s13  }
0x19: {  	[tilespmem:s16+$0x3060 ss:$0x81] =	vst.msk $0xffff, v62;
	s17 =	sadd.s32 s4, s31;
	s13 =	sshll.u32 s13, $0x12  }
0x1a: {  	[tilespmem:s16+$0x0 ss:$0x81] =	vst.msk $0xffff, v63;
	s14 =	sadd.s32 s14, s17;
	s13 =	sor.u32 $0x400, s13  }
0x1b: {  	[hbm4b:s14+s13] =	stream.strided.scatter [tilespmem:s15], [sflag:$0x2], $0x4000, s10, s13, $0x20;
	[tilespmem:$0x10100] =	vst v63  }
.LBB1_5:
0x1c: {  	s15 =	sadd.s32 $0x80, s11  }
0x1d: {  	p2 =	sgt.s32 s15, $0x91D  }
0x1e: {  	s15 =	simm.s32 @p2 $0x0;
	p2 =	sne.s32 s12, s9  }
.Ltmp1:
0x1f: {  	p1 =	slt.u32 s12, $0x2;
	(pc) =	sbr.rel @!p2 .LBB1_6-.Ltmp1, $4  }
0x20: {  	s14 =	simm.s32 @!p1 $0x2  }
0x21: {  	s16 =	sadd.s32 $0x1, s12;
	s13 =	smov.u32 s11;
	_ =	swait.ge @!p1 [sflag:s14], $0x4000  }
0x22: {  	p0 =	por !p0, !p0;
	s12 =	smov.u32 s16;
	[sflag:s14] =	ssyncset.done @!p1 $0x0  }
0x23: {  	s11 =	smov.u32 s15;
	[sflag:s14] =	ssyncadd.s32 @!p1 $0xFFFFC000;
	s14 =	smov.u32 s2  }
.LBB1_1:
0x24: {  	p1 =	sge.u32 s12, s6  }
0x25: {  	s15 =	sshll.u32 @!p1 s11, $0xC  }
0x26: {  	s17 =	smov.u32 s11;
	p2 =	sgt.s32 @!p1 s11, $0x8A0;
	s15 =	sand.u32 @!p1 $0xFFFF8000, s15  }
0x27: {  	s18 =	sshra.s32 @!p1 s11, $0x1F;
	s19 =	sxor.u32 @!p1 $0xFFFFFFFF, s12;
	s15 =	sor.u32 @!p1 s7, s15  }
0x28: {  	p2 =	por !p2, p1;
	s18 =	sand.u32 @!p1 s18, s11;
	s15 =	sshrl.u32 @!p1 s15, $0xC  }
0x29: {  	s19 =	sshll.u32 @!p1 s19, $0xE;
	s17 =	simm.s32 @p2 $0x8A0;
	s16 =	smulhi.u32 @!p1 $0x1C0E08, s15  }
0x2a: {  	s17 =	ssub.s32 @!p1 s17, s18;
	s18 =	sand.u32 @!p1 $0x4000, s19;
	s19 =	sshll.u32 @!p1 s11, $0x7  }
0x2b: {  	s17 =	sadd.s32 @!p1 $0xFFFFF760, s17;
	s19 =	sand.u32 @!p1 $0x380, s19;
	s16 =	smul.u32 @!p1 $0x920, s16  }
0x2c: {  	s31 =	sadd.s32 $0xFFFFFFFF, s12;
	s19 =	sor.u32 @!p1 s8, s19;
	p2 =	sgt.s32 @!p1 s17, $0x7F  }
0x2d: {  	p2 =	por !p2, p1;
	s15 =	ssub.s32 @!p1 s15, s16;
	s16 =	sshll.u32 @!p1 s17, $0x7  }
0x2e: {  	s17 =	sshrl.u32 @!p1 s19, $0x3;
	s19 =	simm.s32 @!p1 $0x8000;
	s16 =	ssub.s32 @!p1 $0x4000, s16  }
0x2f: {  	s15 =	sshll.u32 @!p1 s15, $0x9;
	s17 =	sadd.s32 @!p1 s3, s17;
	s16 =	sand.u32 @!p1 $0x3FFFFF80, s16  }
0x30: {  	s15 =	sadd.s32 @!p1 s15, s17;
	s17 =	simm.s32 @!p1 $0x400;
	s16 =	simm.s32 @!p2 $0x0  }
0x31: {  	[tilespmem:s18], [sflag:$0x1] =	stream.strided.gather @!p1 [hbm4b:s15+s17], s16, s19, s17, $0x38;
	[tilespmem:$0x10100] =	vst v63  }
0x32: {  	p1 =	sge.u32 s31, s6  }
.Ltmp2:
0x33: {  	_ = 	snop;
	(pc) =	sbr.rel @p1 .LBB1_5-.Ltmp2, $1  }
0x34: {  	_ =	sdelay $0x3  }
0x35: {  	p1 =	sgt.s32 s13, $0x8A0;
	s15 =	smov.u32 s13;
	s16 =	sshra.s32 s13, $0x1F  }
0x36: {  	s15 =	simm.s32 @!p1 $0x8A0;
	s16 =	sand.u32 s16, s13  }
0x37: {  	s15 =	ssub.s32 s15, s16  }
0x38: {  	s15 =	sadd.s32 $0xFFFFF760, s15  }
0x39: {  	s29 =	sshll.u32 s15, $0x7  }
0x3a: {  	s16 =	ssub.s32 $0x4000, s29  }
0x3b: {  	p1 =	sgt.s32 s15, $0x7F;
	s15 =	sand.u32 $0x3FFFFF80, s16  }
0x3c: {  	s16 =	simm.s32 $0x1;
	s15 =	simm.s32 @p1 $0x0  }
0x3d: {  	s16 =	simm.s32 @!p0 $0x0;
	_ =	swait.ge [sflag:s5], s15  }
0x3e: {  	s17 =	sshll.u32 s16, $0xE;
	s15 =	ssub.s32 $0x0, s15;
	[sflag:s5] =	ssyncset.done $0x0  }
0x3f: {  	s18 =	sor.u32 $0x40, s17;
	[sflag:s5] =	ssyncadd.s32 s15  }
0x40: {  	s30 =	smul.u32 $0x10200, s16;
	v0 =	vld [tilespmem:s18+$0x30]  }
0x41: {  	v1 =	vld [tilespmem:s18+$0xFFFFFFD0]  }
0x42: {  	s15 =	sshrl.u32 s30, $0x2;
	v5 =	vld [tilespmem:s18+$0xFFFFFFE0]  }
0x43: {  	s16 =	sor.u32 $0x8000, s15;
	v6 =	vld [tilespmem:s18+$0xFFFFFFF0]  }
0x44: {  	s31 =	sand.u32 $0x1, s12;
	v4 =	vld [tilespmem:s18+$0x0];
	s17 =	sadd.s32 $0x0, s16  }
0x45: {  	s15 =	smul.u32 $0x10200, s31;
	v3 =	vld [tilespmem:s18+$0x10];
	[tilespmem:s17+$0x3870 ss:$0x81] =	vst.msk $0xffff, v0  }
0x46: {  	v2 =	vld [tilespmem:s18+$0x20];
	[tilespmem:s17+$0x810 ss:$0x81] =	vst.msk $0xffff, v1  }
0x47: {  	s15 =	sshrl.u32 s15, $0x2;
	v0 =	vld [tilespmem:s18+$0xFFFFFFC0];
	[tilespmem:s17+$0x1020 ss:$0x81] =	vst.msk $0xffff, v5;
	s18 =	sadd.s32 $0x80, s18  }
0x48: {  	s19 =	simm.s32 $0x4;
	s20 =	simm.s32 $0x8;
	s15 =	sor.u32 $0x8000, s15;
	[tilespmem:s17+$0x1830 ss:$0x81] =	vst.msk $0xffff, v6;
	v1 =	vld [tilespmem:s18+$0x30]  }
.LBB1_3:
0x49: {  	p1 =	sne.s32 s20, $0x1FC;
	v5 =	vld [tilespmem:s18+$0xFFFFFFD0];
	[tilespmem:s17+$0x2040 ss:$0x81] =	vst.msk $0xffff, v4  }
0x4a: {  	v6 =	vld [tilespmem:s18+$0xFFFFFFE0];
	[tilespmem:s17+$0x2850 ss:$0x81] =	vst.msk $0xffff, v3  }
0x4b: {  	s21 =	sshra.s32 s19, $0x2;
	s19 =	smov.u32 s20;
	v7 =	vld [tilespmem:s18+$0xFFFFFFF0];
	[tilespmem:s17+$0x3060 ss:$0x81] =	vst.msk $0xffff, v2  }
.Ltmp3:
0x4c: {  	v4 =	vld [tilespmem:s18+$0x0];
	[tilespmem:s17+$0x0 ss:$0x81] =	vst.msk $0xffff, v0;
	s17 =	sadd.s32 s21, s16;
	(pc) =	sbr.rel @p1 .LBB1_3-.Ltmp3, $4  }
0x4d: {  	v3 =	vld [tilespmem:s18+$0x10];
	[tilespmem:s17+$0x3870 ss:$0x81] =	vst.msk $0xffff, v1  }
0x4e: {  	[tilespmem:s17+$0x810 ss:$0x81] =	vst.msk $0xffff, v5;
	v2 =	vld [tilespmem:s18+$0x20]  }
0x4f: {  	v0 =	vld [tilespmem:s18+$0xFFFFFFC0];
	[tilespmem:s17+$0x1020 ss:$0x81] =	vst.msk $0xffff, v6;
	s18 =	sadd.s32 $0x80, s18  }
0x50: {  	s20 =	sadd.s32 $0x4, s20;
	v1 =	vld [tilespmem:s18+$0x30];
	[tilespmem:s17+$0x1830 ss:$0x81] =	vst.msk $0xffff, v7  }
.Ltmp4:
0x51: {  	_ = 	snop;
	(pc) =	sbr.rel .LBB1_4-.Ltmp4, $1  }
0x52: {  	_ =	sdelay $0x3  }
.LBB1_6:
0x53: {  	_ =	sfence.sel $0x180000  }
0x54: {  	s2 =	simm.s32 $0x1;
	[bflag:$0x0] =	sbarrier.arrive $0xFFFF  }
0x55: {  	s31 =	simm.s32 $0x2;
	[sflag:s2] =	ssyncpa.u1 $0x1  }
0x56: {  	[sflag:s31] =	ssyncpa.u1 $0x1  }
0x57: {  	p0 =	sne.s32 s0, $0x0;
	_ =	strace $0x9000004A  }
0x58: {  	s0 =	sadd.s32 @!p0 $0x100000, s1;
	[bflag:$0x2] =	sbarrier.arrive $0xFFFF  }
0x59: {  	[sflag:s0] =	ssyncadd.tile.s32 @!p0 $0x1;
	_ =	shalt  }
.Lfunc_end1:
_tile_overlayer_lowered:
.L_overlay_start_2:
0x5a: {  	(tag) =	ssettag $0x2  }
0x5b: {  	s0 =	rddreg [dreg:$0x0];
	s2 =	stileid.u32  }
0x5c: {  	s1 =	rddreg [dreg:$0x1];
	p0 =	sne.s32 s2, $0x0  }
0x5d: {  	s3 =	rddreg [dreg:$0x2];
	[bflag:$0x3] =	sbarrier.arrive $0xFFFF;
	s2 =	simm.s32 @!p0 $0x1C01  }
0x5e: {  	[timem:s3], [sflag:s2] =	dma.local @!p0 [hbm:s0], s1  }
0x5f: {  	s0 =	simm.s32 @!p0 $0x1  }
0x60: {  	_ =	swait.ge @!p0 [sflag:s0], s1  }
0x61: {  	s1 =	ssub.s32 @!p0 $0x0, s1;
	[sflag:s0] =	ssyncset.done @!p0 $0x0  }
0x62: {  	[sflag:s0] =	ssyncadd.s32 @!p0 s1  }
0x63: {  	[bflag:$0x3] =	sbarrier.arrive $0xFFFF  }
0x64: {  	_ =	shalt  }

// kernel: sparse-core-data-format-call.cloned.1.call-start
scs
called_computation_lowered:
.L_overlay_start_0:
0x0: {  	s1 =	sld [smem:$0x3FD9]  }
0x1: {  	s2 =	sld [smem:$0x3FFE];
	_ =	sdelay $0x1  }
0x2: {  	s3 =	srdreg.scid  }
0x3: {  	s0 =	sand.u32 $0x1, s3  }
0x4: {  	s17 =	sshll.u32 s0, $0xA;
	s1 =	sadd.s32 s2, s1  }
0x5: {  	s1 =	sadd.s32 s1, s17  }
0x6: {  	[smem:$0x3FC5] =	sst s1  }
0x7: {  	_ = 	snop  }
0x8: {  	(tm) =	ssettm $0x1  }
0x9: {  	s18 =	sld [smem:$0x3FFB];
	_ =	sdelay $0x3  }
0xa: {  	_ =	strace s18  }
0xb: {  	s1 =	sld [smem:$0x3FFC];
	_ =	sdelay $0x3  }
0xc: {  	_ =	strace s1  }
0xd: {  	s1 =	sld [smem:$0x3FFD];
	_ =	sdelay $0x3  }
0xe: {  	_ =	strace s1  }
0xf: {  	_ =	strace $0x8FFFFFFF  }
0x10: {  	s19 =	sld [smem:$0x3FDB];
	_ =	sdelay $0x1  }
0x11: {  	s20 =	simm.s32 $_scs_section_size  }
0x12: {  	s4 =	simm.s32 $_size__tile_overlayer_lowered;
	s5 =	simm.s32 $_tile_overlayer_lowered  }
0x13: {  	s23 =	simm.s32 $0x1BFF;
	s22 =	sshll.u32 s5, $0x1;
	s1 =	sadd.s32 s20, s19  }
0x14: {  	s6 =	simm.s32 $0x0;
	s21 =	sshll.u32 s4, $0x1;
	s4 =	sadd.s32 s22, s1  }
0x15: {  	[timem:s6], [sflag:s23] =	dma.local [hbm:s4], s21  }
0x16: {  	_ =	swait.ge [sflag:s23], s21  }
0x17: {  	s2 =	ssub.s32 $0x0, s21;
	[sflag:s23] =	ssyncset.done $0x0  }
0x18: {  	[sflag:s23] =	ssyncadd.s32 s2;
	_ =	sdelay $0x1  }
0x19: {  	s24 =	simm.s32 $0x1B8B  }
0x1a: {  	_ =	swait.ge [sflag:s24], $0x1  }
0x1b: {  	[sflag:s24] =	ssyncset.done $0x0  }
0x1c: {  	s26 =	simm.s32 $0x1B8E;
	s25 =	sld [smem:$0x3FFE];
	[sflag:s24] =	ssyncadd.s32 $0xFFFFFFFF  }
0x1d: {  	s27 =	simm.s32 $execute0_lowered;
	[smem:$0x3FD2] =	sst s26  }
0x1e: {  	s4 =	sshll.u32 s27, $0x1;
	_ =	strace $0x80000046;
	[dreg:$0x1] =	wrdreg $0xFFFFFFFF  }
0x1f: {  	s28 =	simm.s32 $_size_execute0_lowered;
	s1 =	sadd.s32 s1, s4;
	[dreg:$0x0] =	wrdreg $0x0  }
0x20: {  	s4 =	sshll.u32 s28, $0x1;
	[dreg:$0x2] =	wrdreg s1  }
0x21: {  	[dreg:$0x3] =	wrdreg s4  }
0x22: {  	[dreg:$0x4] =	wrdreg $0xC0  }
0x23: {  	_ =	task [dreg:s6], $0x5FFFF  }
0x24: {  	[dreg:$0x1] =	wrdreg $0xFFFFFFFF  }
0x25: {  	[dreg:$0x0] =	wrdreg $0x60  }
0x26: {  	[dreg:$0x2] =	wrdreg s25  }
0x27: {  	[dreg:$0x3] =	wrdreg $0x9  }
0x28: {  	_ =	task.clear_ibuf [dreg:s6], $0x4FFFF;
	_ =	strace $0x90000046  }
0x29: {  	s29 =	simm.s32 $0x9;
	_ =	strace $0x80000048  }
0x2a: {  	_ =	swait.ge [sflag:s29], $0x1  }
0x2b: {  	[sflag:s29] =	ssyncadd.s32 $0xFFFFFFFF  }
0x2c: {  	_ =	strace $0x90000048  }
0x2d: {  	_ =	sfence  }
0x2e: {  	s30 =	sld [smem:$0x0];
	_ =	sdelay $0x2  }
0x2f: {  	s31 =	sshll.u32 s3, $0xD;
	s3 =	sshrl.u32 s3, $0x2  }
0x30: {  	s2 =	sand.u32 $0x4000, s31;
	s1 =	sadd.s32 s3, s30  }
0x31: {  	s0 =	sor.u32 s2, s0;
	s1 =	sshll.u32 s1, $0x11  }
0x32: {  	s0 =	sor.u32 s1, s0  }
0x33: {  	s0 =	sadd.s32 $0x8F2B, s0  }
0x34: {  	[sflag:s0] =	ssyncadd.remote.s32 $0x1  }
0x35: {  	_ =	sfence.sel $0xFFFF  }
0x36: {  	[dreg:$0x0] =	wrdreg $0xFFFFFFFF;
	(pc) =	sbr.abs _section_cstart, $3  }
0x37: {  	[dreg:$0x1] =	wrdreg $0xFFFFFFFF  }
0x38: {  	_ =	task.clear_ibuf [dreg:s6], $0x2FFFF;
	_ =	strace $0x9FFFFFFF  }
0x39: {  	(tm) =	ssettm $0x7FFFFFFF  }
tec
execute0_lowered:
.L_overlay_start_1:
0x0: {  	(tag) =	ssettag $0x1  }
0x1: {  	s0 =	srdreg.scid  }
0x2: {  	s1 =	sshll.u32 s0, $0x4  }
0x3: {  	s0 =	stileid.u32;
	s1 =	sand.u32 $0x10, s1  }
0x4: {  	s4 =	rddreg [dreg:$0x0];
	s7 =	sor.u32 s0, s1  }
0x5: {  	s5 =	simm.s32 $0x1;
	s8 =	simm.s32 $0x2;
	s2 =	sshll.u32 s7, $0x7  }
0x6: {  	s14 =	simm.s32 $0x0;
	s10 =	simm.s32 $0x4C00;
	s3 =	ssub.s32 $0x1000, s2  }
0x7: {  	s13 =	simm.s32 $0x0;
	s11 =	simm.s32 $0x0;
	s31 =	sand.u32 $0xF80, s3  }
0x8: {  	s12 =	simm.s32 $0x0;
	s1 =	rddreg [dreg:$0x1];
	p0 =	sne.s32 s31, $0x0  }
.Ltmp0:
0x9: {  	s6 =	sshrl.u32 s3, $0xC;
	s5 =	simm.s32 @!p0 $0x0;
	(pc) =	sbr.rel .LBB1_1-.Ltmp0, $4  }
0xa: {  	_ =	strace $0x80000047;
	s7 =	sshll.u32 s7, $0xA;
	s6 =	sadd.s32 s5, s6  }
0xb: {  	s3 =	sadd.s32 $0x185A00, s4;
	s5 =	simm.s32 $0x1;
	s6 =	smul.u32 $0x13, s6  }
0xc: {  	s4 =	sadd.s32 $0xA00, s4;
	p0 =	por $0x0, $0x0;
	[sflag:s5] =	ssyncpa.u1 $0x0  }
0xd: {  	[sflag:s8] =	ssyncpa.u1 $0x0;
	s8 =	sand.u32 $0xC00, s7;
	s9 =	sadd.s32 $0x1, s6  }
.LBB1_4:
0xe: {  	s14 =	sshrl.u32 s14, $0x3  }
0xf: {  	v5 =	vld [tilespmem:s18+$0xFFFFFFD0];
	[tilespmem:s17+$0x2040 ss:$0x81] =	vst.msk $0xffff, v4;
	s20 =	sshll.u32 s13, $0x3;
	s14 =	smul.u32 $0x4C00, s14  }
0x10: {  	v58 =	vld [tilespmem:s18+$0xFFFFFFE0];
	[tilespmem:s17+$0x2850 ss:$0x81] =	vst.msk $0xffff, v3;
	s20 =	sand.u32 $0xFFFFFC00, s20  }
0x11: {  	s19 =	sshra.s32 s19, $0x2;
	v59 =	vld [tilespmem:s18+$0xFFFFFFF0];
	[tilespmem:s17+$0x3060 ss:$0x81] =	vst.msk $0xffff, v2;
	s14 =	sadd.s32 s20, s14  }
0x12: {  	v60 =	vld [tilespmem:s18+$0x0];
	[tilespmem:s17+$0x0 ss:$0x81] =	vst.msk $0xffff, v0;
	s16 =	sadd.s32 s19, s16;
	s27 =	sshrl.u32 s14, $0x7  }
0x13: {  	v61 =	vld [tilespmem:s18+$0x10];
	[tilespmem:s16+$0x3870 ss:$0x81] =	vst.msk $0xffff, v1;
	s17 =	smulhi.u32 $0xD79435F, s27  }
0x14: {  	v62 =	vld [tilespmem:s18+$0x20];
	[tilespmem:s16+$0x810 ss:$0x81] =	vst.msk $0xffff, v5  }
0x15: {  	v63 =	vld [tilespmem:s18+$0xFFFFFFC0];
	s28 =	sand.u32 $0x7F, s13;
	[tilespmem:s16+$0x1020 ss:$0x81] =	vst.msk $0xffff, v58;
	s29 =	smul.u32 $0x980, s17  }
0x16: {  	s13 =	sor.u32 s28, s14;
	[tilespmem:s16+$0x1830 ss:$0x81] =	vst.msk $0xffff, v59  }
0x17: {  	[tilespmem:s16+$0x2040 ss:$0x81] =	vst.msk $0xffff, v60;
	s30 =	sand.u32 $0xFFF, s17;
	s13 =	ssub.s32 s13, s29  }
0x18: {  	[tilespmem:s16+$0x2850 ss:$0x81] =	vst.msk $0xffff, v61;
	s14 =	smul.u32 $0x130, s30;
	s31 =	sshrl.u32 s13, $0x3;
	s13 =	sand.u32 $0x7, s13  }
0x19: {  	[tilespmem:s16+$0x3060 ss:$0x81] =	vst.msk $0xffff, v62;
	s17 =	sadd.s32 s4, s31;
	s13 =	sshll.u32 s13, $0x12  }
0x1a: {  	[tilespmem:s16+$0x0 ss:$0x81] =	vst.msk $0xffff, v63;
	s14 =	sadd.s32 s14, s17;
	s13 =	sor.u32 $0x400, s13  }
0x1b: {  	[hbm4b:s14+s13] =	stream.strided.scatter [tilespmem:s15], [sflag:$0x2], $0x4000, s10, s13, $0x20;
	[tilespmem:$0x10100] =	vst v63  }
.LBB1_5:
0x1c: {  	s15 =	sadd.s32 $0x80, s11  }
0x1d: {  	p2 =	sgt.s32 s15, $0x91D  }
0x1e: {  	s15 =	simm.s32 @p2 $0x0;
	p2 =	sne.s32 s12, s9  }
.Ltmp1:
0x1f: {  	p1 =	slt.u32 s12, $0x2;
	(pc) =	sbr.rel @!p2 .LBB1_6-.Ltmp1, $4  }
0x20: {  	s14 =	simm.s32 @!p1 $0x2  }
0x21: {  	s16 =	sadd.s32 $0x1, s12;
	s13 =	smov.u32 s11;
	_ =	swait.ge @!p1 [sflag:s14], $0x4000  }
0x22: {  	p0 =	por !p0, !p0;
	s12 =	smov.u32 s16;
	[sflag:s14] =	ssyncset.done @!p1 $0x0  }
0x23: {  	s11 =	smov.u32 s15;
	[sflag:s14] =	ssyncadd.s32 @!p1 $0xFFFFC000;
	s14 =	smov.u32 s2  }
.LBB1_1:
0x24: {  	p1 =	sge.u32 s12, s6  }
0x25: {  	s15 =	sshll.u32 @!p1 s11, $0xC  }
0x26: {  	s17 =	smov.u32 s11;
	p2 =	sgt.s32 @!p1 s11, $0x8A0;
	s15 =	sand.u32 @!p1 $0xFFFF8000, s15  }
0x27: {  	s18 =	sshra.s32 @!p1 s11, $0x1F;
	s19 =	sxor.u32 @!p1 $0xFFFFFFFF, s12;
	s15 =	sor.u32 @!p1 s7, s15  }
0x28: {  	p2 =	por !p2, p1;
	s18 =	sand.u32 @!p1 s18, s11;
	s15 =	sshrl.u32 @!p1 s15, $0xC  }
0x29: {  	s19 =	sshll.u32 @!p1 s19, $0xE;
	s17 =	simm.s32 @p2 $0x8A0;
	s16 =	smulhi.u32 @!p1 $0x1C0E08, s15  }
0x2a: {  	s17 =	ssub.s32 @!p1 s17, s18;
	s18 =	sand.u32 @!p1 $0x4000, s19;
	s19 =	sshll.u32 @!p1 s11, $0x7  }
0x2b: {  	s17 =	sadd.s32 @!p1 $0xFFFFF760, s17;
	s19 =	sand.u32 @!p1 $0x380, s19;
	s16 =	smul.u32 @!p1 $0x920, s16  }
0x2c: {  	s31 =	sadd.s32 $0xFFFFFFFF, s12;
	s19 =	sor.u32 @!p1 s8, s19;
	p2 =	sgt.s32 @!p1 s17, $0x7F  }
0x2d: {  	p2 =	por !p2, p1;
	s15 =	ssub.s32 @!p1 s15, s16;
	s16 =	sshll.u32 @!p1 s17, $0x7  }
0x2e: {  	s17 =	sshrl.u32 @!p1 s19, $0x3;
	s19 =	simm.s32 @!p1 $0x8000;
	s16 =	ssub.s32 @!p1 $0x4000, s16  }
0x2f: {  	s15 =	sshll.u32 @!p1 s15, $0x9;
	s17 =	sadd.s32 @!p1 s3, s17;
	s16 =	sand.u32 @!p1 $0x3FFFFF80, s16  }
0x30: {  	s15 =	sadd.s32 @!p1 s15, s17;
	s17 =	simm.s32 @!p1 $0x400;
	s16 =	simm.s32 @!p2 $0x0  }
0x31: {  	[tilespmem:s18], [sflag:$0x1] =	stream.strided.gather @!p1 [hbm4b:s15+s17], s16, s19, s17, $0x38;
	[tilespmem:$0x10100] =	vst v63  }
0x32: {  	p1 =	sge.u32 s31, s6  }
.Ltmp2:
0x33: {  	_ = 	snop;
	(pc) =	sbr.rel @p1 .LBB1_5-.Ltmp2, $1  }
0x34: {  	_ =	sdelay $0x3  }
0x35: {  	p1 =	sgt.s32 s13, $0x8A0;
	s15 =	smov.u32 s13;
	s16 =	sshra.s32 s13, $0x1F  }
0x36: {  	s15 =	simm.s32 @!p1 $0x8A0;
	s16 =	sand.u32 s16, s13  }
0x37: {  	s15 =	ssub.s32 s15, s16  }
0x38: {  	s15 =	sadd.s32 $0xFFFFF760, s15  }
0x39: {  	s29 =	sshll.u32 s15, $0x7  }
0x3a: {  	s16 =	ssub.s32 $0x4000, s29  }
0x3b: {  	p1 =	sgt.s32 s15, $0x7F;
	s15 =	sand.u32 $0x3FFFFF80, s16  }
0x3c: {  	s16 =	simm.s32 $0x1;
	s15 =	simm.s32 @p1 $0x0  }
0x3d: {  	s16 =	simm.s32 @!p0 $0x0;
	_ =	swait.ge [sflag:s5], s15  }
0x3e: {  	s17 =	sshll.u32 s16, $0xE;
	s15 =	ssub.s32 $0x0, s15;
	[sflag:s5] =	ssyncset.done $0x0  }
0x3f: {  	s18 =	sor.u32 $0x40, s17;
	[sflag:s5] =	ssyncadd.s32 s15  }
0x40: {  	s30 =	smul.u32 $0x10200, s16;
	v0 =	vld [tilespmem:s18+$0x30]  }
0x41: {  	v1 =	vld [tilespmem:s18+$0xFFFFFFD0]  }
0x42: {  	s15 =	sshrl.u32 s30, $0x2;
	v5 =	vld [tilespmem:s18+$0xFFFFFFE0]  }
0x43: {  	s16 =	sor.u32 $0x8000, s15;
	v6 =	vld [tilespmem:s18+$0xFFFFFFF0]  }
0x44: {  	s31 =	sand.u32 $0x1, s12;
	v4 =	vld [tilespmem:s18+$0x0];
	s17 =	sadd.s32 $0x0, s16  }
0x45: {  	s15 =	smul.u32 $0x10200, s31;
	v3 =	vld [tilespmem:s18+$0x10];
	[tilespmem:s17+$0x3870 ss:$0x81] =	vst.msk $0xffff, v0  }
0x46: {  	v2 =	vld [tilespmem:s18+$0x20];
	[tilespmem:s17+$0x810 ss:$0x81] =	vst.msk $0xffff, v1  }
0x47: {  	s15 =	sshrl.u32 s15, $0x2;
	v0 =	vld [tilespmem:s18+$0xFFFFFFC0];
	[tilespmem:s17+$0x1020 ss:$0x81] =	vst.msk $0xffff, v5;
	s18 =	sadd.s32 $0x80, s18  }
0x48: {  	s19 =	simm.s32 $0x4;
	s20 =	simm.s32 $0x8;
	s15 =	sor.u32 $0x8000, s15;
	[tilespmem:s17+$0x1830 ss:$0x81] =	vst.msk $0xffff, v6;
	v1 =	vld [tilespmem:s18+$0x30]  }
.LBB1_3:
0x49: {  	p1 =	sne.s32 s20, $0x1FC;
	v5 =	vld [tilespmem:s18+$0xFFFFFFD0];
	[tilespmem:s17+$0x2040 ss:$0x81] =	vst.msk $0xffff, v4  }
0x4a: {  	v6 =	vld [tilespmem:s18+$0xFFFFFFE0];
	[tilespmem:s17+$0x2850 ss:$0x81] =	vst.msk $0xffff, v3  }
0x4b: {  	s21 =	sshra.s32 s19, $0x2;
	s19 =	smov.u32 s20;
	v7 =	vld [tilespmem:s18+$0xFFFFFFF0];
	[tilespmem:s17+$0x3060 ss:$0x81] =	vst.msk $0xffff, v2  }
.Ltmp3:
0x4c: {  	v4 =	vld [tilespmem:s18+$0x0];
	[tilespmem:s17+$0x0 ss:$0x81] =	vst.msk $0xffff, v0;
	s17 =	sadd.s32 s21, s16;
	(pc) =	sbr.rel @p1 .LBB1_3-.Ltmp3, $4  }
0x4d: {  	v3 =	vld [tilespmem:s18+$0x10];
	[tilespmem:s17+$0x3870 ss:$0x81] =	vst.msk $0xffff, v1  }
0x4e: {  	[tilespmem:s17+$0x810 ss:$0x81] =	vst.msk $0xffff, v5;
	v2 =	vld [tilespmem:s18+$0x20]  }
0x4f: {  	v0 =	vld [tilespmem:s18+$0xFFFFFFC0];
	[tilespmem:s17+$0x1020 ss:$0x81] =	vst.msk $0xffff, v6;
	s18 =	sadd.s32 $0x80, s18  }
0x50: {  	s20 =	sadd.s32 $0x4, s20;
	v1 =	vld [tilespmem:s18+$0x30];
	[tilespmem:s17+$0x1830 ss:$0x81] =	vst.msk $0xffff, v7  }
.Ltmp4:
0x51: {  	_ = 	snop;
	(pc) =	sbr.rel .LBB1_4-.Ltmp4, $1  }
0x52: {  	_ =	sdelay $0x3  }
.LBB1_6:
0x53: {  	_ =	sfence.sel $0x180000  }
0x54: {  	s2 =	simm.s32 $0x1;
	[bflag:$0x0] =	sbarrier.arrive $0xFFFF  }
0x55: {  	s31 =	simm.s32 $0x2;
	[sflag:s2] =	ssyncpa.u1 $0x1  }
0x56: {  	[sflag:s31] =	ssyncpa.u1 $0x1  }
0x57: {  	p0 =	sne.s32 s0, $0x0;
	_ =	strace $0x90000047  }
0x58: {  	s0 =	sadd.s32 @!p0 $0x100000, s1;
	[bflag:$0x2] =	sbarrier.arrive $0xFFFF  }
0x59: {  	[sflag:s0] =	ssyncadd.tile.s32 @!p0 $0x1;
	_ =	shalt  }
.Lfunc_end1:
_tile_overlayer_lowered:
.L_overlay_start_2:
0x5a: {  	(tag) =	ssettag $0x2  }
0x5b: {  	s0 =	rddreg [dreg:$0x0];
	s2 =	stileid.u32  }
0x5c: {  	s1 =	rddreg [dreg:$0x1];
	p0 =	sne.s32 s2, $0x0  }
0x5d: {  	s3 =	rddreg [dreg:$0x2];
	[bflag:$0x3] =	sbarrier.arrive $0xFFFF;
	s2 =	simm.s32 @!p0 $0x1C01  }
0x5e: {  	[timem:s3], [sflag:s2] =	dma.local @!p0 [hbm:s0], s1  }
0x5f: {  	s0 =	simm.s32 @!p0 $0x1  }
0x60: {  	_ =	swait.ge @!p0 [sflag:s0], s1  }
0x61: {  	s1 =	ssub.s32 @!p0 $0x0, s1;
	[sflag:s0] =	ssyncset.done @!p0 $0x0  }
0x62: {  	[sflag:s0] =	ssyncadd.s32 @!p0 s1  }
0x63: {  	[bflag:$0x3] =	sbarrier.arrive $0xFFFF  }
0x64: {  	_ =	shalt  }

</sc_bundles>
